<compile_context>
chip_gen: v7x
topology: tpu7x:2x2x1
jax: 0.10.2.dev20260603
libtpu: 0.0.44.dev20260713+nightly
codegen_flags: <defaults>
</compile_context>

<pallas_src>
import functools

import jax
import jax.numpy as jnp
from jax.experimental import pallas as pl
from jax.experimental.pallas import tpu as pltpu
from jax.experimental.pallas import tpu_sc as plsc

N_CODES = 8192
CODE_DIM = 32
COMMIT_W = 0.25

ROW_BLK = 2048
CODE_BLK = 2048
N_ROWS = 8 * 1024
NR = N_ROWS // ROW_BLK
NC = N_CODES // CODE_BLK


def _argmin_body(xsq_ref, x_ref, c_ref, csq_ref, idx_ref, dsum_ref,
                 minv, mini, selv):
    j = pl.program_id(1)
    x2b = (2.0 * x_ref[...]).astype(jnp.bfloat16)
    cb = c_ref[...].astype(jnp.bfloat16)
    conv = jax.lax.dot_general(
        x2b, cb, (((1,), (1,)), ((), ())), preferred_element_type=jnp.float32)
    xsq = xsq_ref[...]
    csq = csq_ref[...].reshape(1, CODE_BLK)
    STRIP = 128
    lane = jax.lax.broadcasted_iota(jnp.int32, (STRIP, 128), 1)
    bmins, bargs = [], []
    for s in range(ROW_BLK // STRIP):
        rs = slice(s * STRIP, (s + 1) * STRIP)
        xq = xsq[rs]
        acc_v = (xq - conv[rs, 0:128]) + csq[:, 0:128]
        acc_k = jnp.zeros((STRIP, 128), jnp.int32)
        for k in range(1, CODE_BLK // 128):
            sl = slice(k * 128, (k + 1) * 128)
            dk = (xq - conv[rs, sl]) + csq[:, sl]
            take = dk < acc_v
            acc_v = jnp.where(take, dk, acc_v)
            acc_k = jnp.where(take, k, acc_k)
        acc_i = acc_k * 128 + lane
        smin = jnp.min(acc_v, axis=1, keepdims=True)
        bmins.append(smin)
        bargs.append(jnp.min(jnp.where(acc_v == smin, acc_i, CODE_BLK),
                             axis=1, keepdims=True))
    bmin = jnp.concatenate(bmins, axis=0)
    barg = jnp.concatenate(bargs, axis=0)
    cand = barg + j * CODE_BLK
    bmin_q = bmin.astype(jnp.bfloat16).astype(jnp.float32)

    @pl.when(j == 0)
    def _():
        minv[...] = bmin_q
        mini[...] = cand
        selv[...] = bmin

    @pl.when(j > 0)
    def _():
        better = bmin < minv[...]
        minv[...] = jnp.where(better, bmin_q, minv[...])
        mini[...] = jnp.where(better, cand, mini[...])
        selv[...] = jnp.where(better, bmin, selv[...])

    @pl.when(j == NC - 1)
    def _():
        idx_ref[...] = mini[...]
        dsum_ref[0, 0, 0] = jnp.sum(selv[...])


def _argmin_call(flat, codebook, xsq, csq3):
    n_rows = flat.shape[0]
    nr = n_rows // ROW_BLK
    return pl.pallas_call(
        _argmin_body,
        grid=(nr, NC),
        in_specs=[
            pl.BlockSpec((ROW_BLK, 1), lambda i, j: (i, 0)),
            pl.BlockSpec((ROW_BLK, CODE_DIM), lambda i, j: (i, 0)),
            pl.BlockSpec((CODE_BLK, CODE_DIM), lambda i, j: (j, 0)),
            pl.BlockSpec((1, 1, CODE_BLK), lambda i, j: (j, 0, 0)),
        ],
        out_specs=[
            pl.BlockSpec((ROW_BLK, 1), lambda i, j: (i, 0)),
            pl.BlockSpec((1, 1, 1), lambda i, j: (i, 0, 0),
                         memory_space=pltpu.SMEM),
        ],
        out_shape=[
            jax.ShapeDtypeStruct((n_rows, 1), jnp.int32),
            jax.ShapeDtypeStruct((nr, 1, 1), jnp.float32),
        ],
        scratch_shapes=[
            pltpu.VMEM((ROW_BLK, 1), jnp.float32),
            pltpu.VMEM((ROW_BLK, 1), jnp.int32),
            pltpu.VMEM((ROW_BLK, 1), jnp.float32),
        ],
    )(xsq, flat, codebook, csq3)


def _sc_gather(codebook_padded, indices_flat):
    n = indices_flat.shape[0]
    n_work = 2 * 16
    b_per_w = n // n_work
    row_w = codebook_padded.shape[1]
    mesh = plsc.VectorSubcoreMesh(core_axis_name="c", subcore_axis_name="s")

    @functools.partial(
        pl.kernel, mesh=mesh,
        out_type=jax.ShapeDtypeStruct((n, row_w), jnp.float32),
        scratch_types=[
            pltpu.VMEM((b_per_w,), jnp.int32),
            pltpu.VMEM((b_per_w, row_w), jnp.float32),
            pltpu.SemaphoreType.DMA,
        ],
    )
    def k(table_hbm, idx_hbm, out_hbm, idx_v, rows_v, sem):
        wid = jax.lax.axis_index("s") * 2 + jax.lax.axis_index("c")
        base = wid * b_per_w
        pltpu.sync_copy(idx_hbm.at[pl.ds(base, b_per_w)], idx_v)
        pltpu.async_copy(table_hbm.at[idx_v], rows_v, sem).wait()
        pltpu.sync_copy(rows_v, out_hbm.at[pl.ds(base, b_per_w)])

    return k(codebook_padded, indices_flat)[:, :CODE_DIM]


def kernel(z_e, codebook):
    z_e_f = z_e.astype(jnp.float32)
    flat = z_e_f.reshape(-1, CODE_DIM)
    xsq = jnp.sum(z_e_f ** 2, axis=2).reshape(-1, 1)
    csq = jnp.sum(codebook ** 2, axis=1)
    csq3 = csq.reshape(NC, 1, CODE_BLK)
    codebook_padded = jnp.pad(codebook, ((0, 0), (0, 128 - CODE_DIM)))
    half = flat.shape[0] // 2
    idx_a, ds_a = _argmin_call(flat[:half], codebook, xsq[:half], csq3)
    g_a = _sc_gather(codebook_padded, idx_a.reshape(-1))
    idx_b, ds_b = _argmin_call(flat[half:], codebook, xsq[half:], csq3)
    g_b = _sc_gather(codebook_padded, idx_b.reshape(-1))
    indices_flat = jnp.concatenate([idx_a, idx_b], axis=0).reshape(-1)
    z_q_flat = jnp.concatenate([g_a, g_b], axis=0)
    commit_loss = (COMMIT_W * (jnp.sum(ds_a) + jnp.sum(ds_b))
                   / z_e_f.size)
    z_q = z_e + jax.lax.stop_gradient(
        z_q_flat.reshape(z_e.shape).astype(z_e.dtype) - z_e)
    indices = indices_flat.reshape(z_e_f.shape[:-1])
    return (z_q, commit_loss, indices)

# --- scband reference (transcript-rebuilt; emitter-appended) ---
"""Pipeline reference for scband-vector-quantizer-ema-61125974557003 (READ-ONLY COPY).

The authoritative reference and input builder live on the scoring server;
editing this copy changes nothing except your own understanding.
"""

import jax, jax.numpy as jnp
import numpy as np

N_CODES = 8192
CODE_DIM = 32
COMMIT_W = 0.25


def setup_inputs(seed: int = 0) -> dict:
    key = jax.random.key(seed)
    k1, k2 = jax.random.split(key)
    z_e = jax.random.normal(k1, (8, 1024, CODE_DIM), dtype=jnp.float32)
    codebook = jax.random.normal(k2, (N_CODES, CODE_DIM), dtype=jnp.float32)
    return {"z_e": z_e, "codebook": codebook}


def reference(z_e, codebook):
    # eval-mode forward of VectorQuantizerEMA (no EMA buffer updates)
    z_e_f = z_e.astype(jnp.float32)
    flat = z_e_f.reshape(-1, CODE_DIM)
    # squared euclidean distances: |x|^2 - 2 x.c + |c|^2
    distances = (jnp.sum(flat ** 2, axis=1, keepdims=True)
                 - 2.0 * flat @ codebook.T
                 + jnp.sum(codebook ** 2, axis=1)[None, :])
    indices_flat = jnp.argmin(distances, axis=1)
    z_q_flat = jnp.take(codebook, indices_flat, axis=0)
    # commitment loss: mse(z_e, stop_grad(z_q))
    commit_loss = COMMIT_W * jnp.mean((z_e_f - jax.lax.stop_gradient(z_q_flat.reshape(z_e_f.shape))) ** 2)
    # straight-through estimator
    z_q = z_e + jax.lax.stop_gradient(z_q_flat.reshape(z_e.shape).astype(z_e.dtype) - z_e)
    indices = indices_flat.reshape(z_e_f.shape[:-1])
    return (z_q, commit_loss, indices)

if __name__ == "__main__":
    import jax
    _d = setup_inputs()
    print(jax.jit(kernel)(*tuple(_d.values())))

</pallas_src>

<mosaic_0001>
#map = affine_map<(d0, d1) -> (0, 0)>
#map1 = affine_map<(d0, d1) -> (0)>
module attributes {stable_mosaic.version = 14 : i64} {
  func.func @k(%arg0: i32, %arg1: i32, %arg2: memref<8192x128xf32, #tpu.memory_space<hbm>>, %arg3: memref<4096xi32, #tpu.memory_space<hbm>>, %arg4: memref<4096x128xf32, #tpu.memory_space<hbm>>, %arg5: memref<128xi32, #tpu.memory_space<vmem>>, %arg6: memref<128x128xf32, #tpu.memory_space<vmem>>, %arg7: memref<!tpu.dma_semaphore, #tpu.memory_space<semaphore_mem>>) attributes {dimension_semantics = [#tpu.dimension_semantics<core_parallel>, #tpu.dimension_semantics<subcore_parallel>], iteration_bounds = array<i64: 2, 16>, scalar_prefetch = 0 : i64, scratch_operands = 3 : i64, tpu.core_type = #tpu.core_type<sc_vector_subcore>, window_params = [{transform_indices = #map}, {transform_indices = #map1}, {transform_indices = #map}]} {
    %mul3A = arith.constant 2 : i32
    %mul3A_0 = arith.muli %arg1, %mul3A : i32
    %add3A = arith.addi %mul3A_0, %arg0 : i32
    %mul3A_1 = arith.constant 128 : i32
    %mul3A_2 = arith.muli %add3A, %mul3A_1 : i32
    "tpu.region"() ({
      %run_scoped3A = tpu.sem_alloc : memref<!tpu.dma_semaphore, #tpu.memory_space<semaphore_mem>>
      %dma_start3A_7 = tpu.memref_slice %arg3[%mul3A_2] : memref<4096xi32, #tpu.memory_space<hbm>> -> memref<128xi32, #tpu.memory_space<hbm>>
      %dma_start3A_8 = tpu.memref_slice %arg3[%mul3A_2] : memref<4096xi32, #tpu.memory_space<hbm>> -> memref<128xi32, #tpu.memory_space<hbm>>
      tpu.enqueue_dma source(%dma_start3A_8 : memref<128xi32, #tpu.memory_space<hbm>>) target(%arg5 : memref<128xi32, #tpu.memory_space<vmem>>) target_semaphore(%run_scoped3A : memref<!tpu.dma_semaphore, #tpu.memory_space<semaphore_mem>>)
      %dma_wait3A_9 = tpu.memref_slice %arg3[%mul3A_2] : memref<4096xi32, #tpu.memory_space<hbm>> -> memref<128xi32, #tpu.memory_space<hbm>>
      %dma_wait3A_10 = tpu.memref_slice %arg3[%mul3A_2] : memref<4096xi32, #tpu.memory_space<hbm>> -> memref<128xi32, #tpu.memory_space<hbm>>
      tpu.wait_dma2 semaphore(%run_scoped3A : memref<!tpu.dma_semaphore, #tpu.memory_space<semaphore_mem>>) src(%dma_wait3A_10 : memref<128xi32, #tpu.memory_space<hbm>>) dst(%arg5 : memref<128xi32, #tpu.memory_space<vmem>>)
      tpu.yield
    }) : () -> ()
    %dma_start3A = arith.constant 0 : i32
    %dma_start3A_3 = arith.constant 0 : i32
    %dma_start3A_4 = tpu.memref_slice %arg2[%dma_start3A, %dma_start3A_3] : memref<8192x128xf32, #tpu.memory_space<hbm>> -> memref<8192x128xf32, #tpu.memory_space<hbm>>
    tpu.enqueue_indirect_dma source(%dma_start3A_4 : memref<8192x128xf32, #tpu.memory_space<hbm>>) target(%arg6 : memref<128x128xf32, #tpu.memory_space<vmem>>) offsets(%arg5 : memref<128xi32, #tpu.memory_space<vmem>>) semaphore(%arg7 : memref<!tpu.dma_semaphore, #tpu.memory_space<semaphore_mem>>)
    %dma_wait3A = arith.constant 0 : i32
    %dma_wait3A_5 = arith.constant 0 : i32
    %dma_wait3A_6 = tpu.memref_slice %arg2[%dma_wait3A, %dma_wait3A_5] : memref<8192x128xf32, #tpu.memory_space<hbm>> -> memref<8192x128xf32, #tpu.memory_space<hbm>>
    tpu.wait_indirect_dma semaphore(%arg7 : memref<!tpu.dma_semaphore, #tpu.memory_space<semaphore_mem>>) src(%dma_wait3A_6 : memref<8192x128xf32, #tpu.memory_space<hbm>>) dst(%arg6 : memref<128x128xf32, #tpu.memory_space<vmem>>)
    "tpu.region"() ({
      %run_scoped3A = tpu.sem_alloc : memref<!tpu.dma_semaphore, #tpu.memory_space<semaphore_mem>>
      %dma_start3A_7 = arith.constant 0 : i32
      %dma_start3A_8 = tpu.memref_slice %arg4[%mul3A_2, %dma_start3A_7] : memref<4096x128xf32, #tpu.memory_space<hbm>> -> memref<128x128xf32, #tpu.memory_space<hbm>>
      %dma_start3A_9 = arith.constant 0 : i32
      %dma_start3A_10 = tpu.memref_slice %arg4[%mul3A_2, %dma_start3A_9] : memref<4096x128xf32, #tpu.memory_space<hbm>> -> memref<128x128xf32, #tpu.memory_space<hbm>>
      tpu.enqueue_dma source(%arg6 : memref<128x128xf32, #tpu.memory_space<vmem>>) target(%dma_start3A_10 : memref<128x128xf32, #tpu.memory_space<hbm>>) target_semaphore(%run_scoped3A : memref<!tpu.dma_semaphore, #tpu.memory_space<semaphore_mem>>)
      %dma_wait3A_11 = arith.constant 0 : i32
      %dma_wait3A_12 = tpu.memref_slice %arg4[%mul3A_2, %dma_wait3A_11] : memref<4096x128xf32, #tpu.memory_space<hbm>> -> memref<128x128xf32, #tpu.memory_space<hbm>>
      %dma_wait3A_13 = arith.constant 0 : i32
      %dma_wait3A_14 = tpu.memref_slice %arg4[%mul3A_2, %dma_wait3A_13] : memref<4096x128xf32, #tpu.memory_space<hbm>> -> memref<128x128xf32, #tpu.memory_space<hbm>>
      tpu.wait_dma2 semaphore(%run_scoped3A : memref<!tpu.dma_semaphore, #tpu.memory_space<semaphore_mem>>) src(%arg6 : memref<128x128xf32, #tpu.memory_space<vmem>>) dst(%dma_wait3A_14 : memref<128x128xf32, #tpu.memory_space<hbm>>)
      tpu.yield
    }) : () -> ()
    return
  }
}

#map = affine_map<(d0, d1) -> (0, 0)>
#map1 = affine_map<(d0, d1) -> (0)>
module attributes {stable_mosaic.version = 14 : i64} {
  func.func @k(%arg0: i32, %arg1: i32, %arg2: memref<8192x128xf32, #tpu.memory_space<hbm>>, %arg3: memref<4096xi32, #tpu.memory_space<hbm>>, %arg4: memref<4096x128xf32, #tpu.memory_space<hbm>>, %arg5: memref<128xi32, #tpu.memory_space<vmem>>, %arg6: memref<128x128xf32, #tpu.memory_space<vmem>>, %arg7: memref<!tpu.dma_semaphore, #tpu.memory_space<semaphore_mem>>) attributes {dimension_semantics = [#tpu.dimension_semantics<core_parallel>, #tpu.dimension_semantics<subcore_parallel>], iteration_bounds = array<i64: 2, 16>, scalar_prefetch = 0 : i64, scratch_operands = 3 : i64, tpu.core_type = #tpu.core_type<sc_vector_subcore>, window_params = [{transform_indices = #map}, {transform_indices = #map1}, {transform_indices = #map}]} {
    %mul3A = arith.constant 2 : i32
    %mul3A_0 = arith.muli %arg1, %mul3A : i32
    %add3A = arith.addi %mul3A_0, %arg0 : i32
    %mul3A_1 = arith.constant 128 : i32
    %mul3A_2 = arith.muli %add3A, %mul3A_1 : i32
    "tpu.region"() ({
      %run_scoped3A = tpu.sem_alloc : memref<!tpu.dma_semaphore, #tpu.memory_space<semaphore_mem>>
      %dma_start3A_7 = tpu.memref_slice %arg3[%mul3A_2] : memref<4096xi32, #tpu.memory_space<hbm>> -> memref<128xi32, #tpu.memory_space<hbm>>
      %dma_start3A_8 = tpu.memref_slice %arg3[%mul3A_2] : memref<4096xi32, #tpu.memory_space<hbm>> -> memref<128xi32, #tpu.memory_space<hbm>>
      tpu.enqueue_dma source(%dma_start3A_8 : memref<128xi32, #tpu.memory_space<hbm>>) target(%arg5 : memref<128xi32, #tpu.memory_space<vmem>>) target_semaphore(%run_scoped3A : memref<!tpu.dma_semaphore, #tpu.memory_space<semaphore_mem>>)
      %dma_wait3A_9 = tpu.memref_slice %arg3[%mul3A_2] : memref<4096xi32, #tpu.memory_space<hbm>> -> memref<128xi32, #tpu.memory_space<hbm>>
      %dma_wait3A_10 = tpu.memref_slice %arg3[%mul3A_2] : memref<4096xi32, #tpu.memory_space<hbm>> -> memref<128xi32, #tpu.memory_space<hbm>>
      tpu.wait_dma2 semaphore(%run_scoped3A : memref<!tpu.dma_semaphore, #tpu.memory_space<semaphore_mem>>) src(%dma_wait3A_10 : memref<128xi32, #tpu.memory_space<hbm>>) dst(%arg5 : memref<128xi32, #tpu.memory_space<vmem>>)
      tpu.yield
    }) : () -> ()
    %dma_start3A = arith.constant 0 : i32
    %dma_start3A_3 = arith.constant 0 : i32
    %dma_start3A_4 = tpu.memref_slice %arg2[%dma_start3A, %dma_start3A_3] : memref<8192x128xf32, #tpu.memory_space<hbm>> -> memref<8192x128xf32, #tpu.memory_space<hbm>>
    tpu.enqueue_indirect_dma source(%dma_start3A_4 : memref<8192x128xf32, #tpu.memory_space<hbm>>) target(%arg6 : memref<128x128xf32, #tpu.memory_space<vmem>>) offsets(%arg5 : memref<128xi32, #tpu.memory_space<vmem>>) semaphore(%arg7 : memref<!tpu.dma_semaphore, #tpu.memory_space<semaphore_mem>>)
    %dma_wait3A = arith.constant 0 : i32
    %dma_wait3A_5 = arith.constant 0 : i32
    %dma_wait3A_6 = tpu.memref_slice %arg2[%dma_wait3A, %dma_wait3A_5] : memref<8192x128xf32, #tpu.memory_space<hbm>> -> memref<8192x128xf32, #tpu.memory_space<hbm>>
    tpu.wait_indirect_dma semaphore(%arg7 : memref<!tpu.dma_semaphore, #tpu.memory_space<semaphore_mem>>) src(%dma_wait3A_6 : memref<8192x128xf32, #tpu.memory_space<hbm>>) dst(%arg6 : memref<128x128xf32, #tpu.memory_space<vmem>>)
    "tpu.region"() ({
      %run_scoped3A = tpu.sem_alloc : memref<!tpu.dma_semaphore, #tpu.memory_space<semaphore_mem>>
      %dma_start3A_7 = arith.constant 0 : i32
      %dma_start3A_8 = tpu.memref_slice %arg4[%mul3A_2, %dma_start3A_7] : memref<4096x128xf32, #tpu.memory_space<hbm>> -> memref<128x128xf32, #tpu.memory_space<hbm>>
      %dma_start3A_9 = arith.constant 0 : i32
      %dma_start3A_10 = tpu.memref_slice %arg4[%mul3A_2, %dma_start3A_9] : memref<4096x128xf32, #tpu.memory_space<hbm>> -> memref<128x128xf32, #tpu.memory_space<hbm>>
      tpu.enqueue_dma source(%arg6 : memref<128x128xf32, #tpu.memory_space<vmem>>) target(%dma_start3A_10 : memref<128x128xf32, #tpu.memory_space<hbm>>) target_semaphore(%run_scoped3A : memref<!tpu.dma_semaphore, #tpu.memory_space<semaphore_mem>>)
      %dma_wait3A_11 = arith.constant 0 : i32
      %dma_wait3A_12 = tpu.memref_slice %arg4[%mul3A_2, %dma_wait3A_11] : memref<4096x128xf32, #tpu.memory_space<hbm>> -> memref<128x128xf32, #tpu.memory_space<hbm>>
      %dma_wait3A_13 = arith.constant 0 : i32
      %dma_wait3A_14 = tpu.memref_slice %arg4[%mul3A_2, %dma_wait3A_13] : memref<4096x128xf32, #tpu.memory_space<hbm>> -> memref<128x128xf32, #tpu.memory_space<hbm>>
      tpu.wait_dma2 semaphore(%run_scoped3A : memref<!tpu.dma_semaphore, #tpu.memory_space<semaphore_mem>>) src(%arg6 : memref<128x128xf32, #tpu.memory_space<vmem>>) dst(%dma_wait3A_14 : memref<128x128xf32, #tpu.memory_space<hbm>>)
      tpu.yield
    }) : () -> ()
    return
  }
}

module attributes {stable_mosaic.version = 14 : i64} {
  func.func @_argmin_body(%arg0: i32, %arg1: i32, %arg2: memref<2048x1xf32, #tpu.memory_space<vmem>>, %arg3: memref<2048x32xf32, #tpu.memory_space<vmem>>, %arg4: memref<2048x32xf32, #tpu.memory_space<vmem>>, %arg5: memref<1x1x2048xf32, #tpu.memory_space<vmem>>, %arg6: memref<2048x1xi32, #tpu.memory_space<vmem>>, %arg7: memref<1x1x1xf32, #tpu.memory_space<smem>>, %arg8: memref<2048x1xf32, #tpu.memory_space<vmem>>, %arg9: memref<2048x1xi32, #tpu.memory_space<vmem>>, %arg10: memref<2048x1xf32, #tpu.memory_space<vmem>>) attributes {dimension_semantics = [#tpu.dimension_semantics<arbitrary>, #tpu.dimension_semantics<arbitrary>], iteration_bounds = array<i64: 2, 4>, scalar_prefetch = 0 : i64, scratch_operands = 3 : i64, tpu.core_type = #tpu.core_type<tc>, window_params = [{transform_indices = @transform_0, window_bounds = array<i64: 2048, 1>}, {transform_indices = @transform_1, window_bounds = array<i64: 2048, 32>}, {transform_indices = @transform_2, window_bounds = array<i64: 2048, 32>}, {transform_indices = @transform_3, window_bounds = array<i64: 1, 1, 2048>}, {transform_indices = @transform_4, window_bounds = array<i64: 2048, 1>}, {transform_indices = @transform_5, window_bounds = array<i64: 1, 1, 1>}]} {
    %get3A = arith.constant 0 : index
    %get3A_0 = arith.constant 0 : index
    %get3A_1 = vector.load %arg3[%get3A, %get3A_0] : memref<2048x32xf32, #tpu.memory_space<vmem>>, vector<2048x32xf32>
    %mul3A = arith.constant 2.000000e+00 : f32
    %mul3A_2 = vector.broadcast %mul3A : f32 to vector<2048x32xf32>
    %mul3A_3 = arith.mulf %mul3A_2, %get3A_1 : vector<2048x32xf32>
    %convert_element_type3A = arith.truncf %mul3A_3 : vector<2048x32xf32> to vector<2048x32xbf16>
    %get3A_4 = arith.constant 0 : index
    %get3A_5 = arith.constant 0 : index
    %get3A_6 = vector.load %arg4[%get3A_4, %get3A_5] : memref<2048x32xf32, #tpu.memory_space<vmem>>, vector<2048x32xf32>
    %convert_element_type3A_7 = arith.truncf %get3A_6 : vector<2048x32xf32> to vector<2048x32xbf16>
    %dot_general3A = arith.constant dense<0.000000e+00> : vector<2048x2048xf32>
    %dot_general3A_8 = tpu.matmul %convert_element_type3A, %convert_element_type3A_7, %dot_general3A {dimension_numbers = #tpu.dot_dimension_numbers<[1], [1], [0], [0], [0, 0, 1, 0], [], []>, transpose_lhs_hint = false} : vector<2048x32xbf16>, vector<2048x32xbf16>, vector<2048x2048xf32> -> vector<2048x2048xf32>
    %get3A_9 = arith.constant 0 : index
    %get3A_10 = arith.constant 0 : index
    %get3A_11 = vector.load %arg2[%get3A_9, %get3A_10] : memref<2048x1xf32, #tpu.memory_space<vmem>>, vector<2048x1xf32>
    %get3A_12 = arith.constant 0 : index
    %get3A_13 = arith.constant 0 : index
    %get3A_14 = arith.constant 0 : index
    %get3A_15 = vector.load %arg5[%get3A_12, %get3A_13, %get3A_14] : memref<1x1x2048xf32, #tpu.memory_space<vmem>>, vector<1x1x2048xf32>
    %reshape3A = vector.shape_cast %get3A_15 : vector<1x1x2048xf32> to vector<1x2048xf32>
    %iota3A = tpu.iota {dimensions = array<i32: 1>} : vector<128x128xi32>
    %slice3A = vector.extract_strided_slice %get3A_11 {offsets = [0, 0], sizes = [128, 1], strides = [1, 1]} : vector<2048x1xf32> to vector<128x1xf32>
    %slice3A_16 = vector.extract_strided_slice %dot_general3A_8 {offsets = [0, 0], sizes = [128, 128], strides = [1, 1]} : vector<2048x2048xf32> to vector<128x128xf32>
    %sub3A = vector.broadcast %slice3A : vector<128x1xf32> to vector<128x128xf32>
    %sub3A_17 = arith.subf %sub3A, %slice3A_16 : vector<128x128xf32>
    %slice3A_18 = vector.extract_strided_slice %reshape3A {offsets = [0, 0], sizes = [1, 128], strides = [1, 1]} : vector<1x2048xf32> to vector<1x128xf32>
    %add3A = vector.broadcast %slice3A_18 : vector<1x128xf32> to vector<128x128xf32>
    %add3A_19 = arith.addf %sub3A_17, %add3A : vector<128x128xf32>
    %broadcast_in_dim3A = arith.constant 0 : i32
    %broadcast_in_dim3A_20 = vector.broadcast %broadcast_in_dim3A : i32 to vector<128x128xi32>
    %slice3A_21 = vector.extract_strided_slice %dot_general3A_8 {offsets = [0, 128], sizes = [128, 128], strides = [1, 1]} : vector<2048x2048xf32> to vector<128x128xf32>
    %sub3A_22 = vector.broadcast %slice3A : vector<128x1xf32> to vector<128x128xf32>
    %sub3A_23 = arith.subf %sub3A_22, %slice3A_21 : vector<128x128xf32>
    %slice3A_24 = vector.extract_strided_slice %reshape3A {offsets = [0, 128], sizes = [1, 128], strides = [1, 1]} : vector<1x2048xf32> to vector<1x128xf32>
    %add3A_25 = vector.broadcast %slice3A_24 : vector<1x128xf32> to vector<128x128xf32>
    %add3A_26 = arith.addf %sub3A_23, %add3A_25 : vector<128x128xf32>
    %lt3A = arith.cmpf olt, %add3A_26, %add3A_19 : vector<128x128xf32>
    %select_n3A = arith.select %lt3A, %add3A_26, %add3A_19 : vector<128x128xi1>, vector<128x128xf32>
    %jit3A = arith.constant 1 : i32
    %broadcast_in_dim3A_27 = vector.broadcast %jit3A : i32 to vector<128x128xi32>
    %select_n3A_28 = arith.select %lt3A, %broadcast_in_dim3A_27, %broadcast_in_dim3A_20 : vector<128x128xi1>, vector<128x128xi32>
    %slice3A_29 = vector.extract_strided_slice %dot_general3A_8 {offsets = [0, 256], sizes = [128, 128], strides = [1, 1]} : vector<2048x2048xf32> to vector<128x128xf32>
    %sub3A_30 = vector.broadcast %slice3A : vector<128x1xf32> to vector<128x128xf32>
    %sub3A_31 = arith.subf %sub3A_30, %slice3A_29 : vector<128x128xf32>
    %slice3A_32 = vector.extract_strided_slice %reshape3A {offsets = [0, 256], sizes = [1, 128], strides = [1, 1]} : vector<1x2048xf32> to vector<1x128xf32>
    %add3A_33 = vector.broadcast %slice3A_32 : vector<1x128xf32> to vector<128x128xf32>
    %add3A_34 = arith.addf %sub3A_31, %add3A_33 : vector<128x128xf32>
    %lt3A_35 = arith.cmpf olt, %add3A_34, %select_n3A : vector<128x128xf32>
    %select_n3A_36 = arith.select %lt3A_35, %add3A_34, %select_n3A : vector<128x128xi1>, vector<128x128xf32>
    %jit3A_37 = arith.constant 2 : i32
    %broadcast_in_dim3A_38 = vector.broadcast %jit3A_37 : i32 to vector<128x128xi32>
    %select_n3A_39 = arith.select %lt3A_35, %broadcast_in_dim3A_38, %select_n3A_28 : vector<128x128xi1>, vector<128x128xi32>
    %slice3A_40 = vector.extract_strided_slice %dot_general3A_8 {offsets = [0, 384], sizes = [128, 128], strides = [1, 1]} : vector<2048x2048xf32> to vector<128x128xf32>
    %sub3A_41 = vector.broadcast %slice3A : vector<128x1xf32> to vector<128x128xf32>
    %sub3A_42 = arith.subf %sub3A_41, %slice3A_40 : vector<128x128xf32>
    %slice3A_43 = vector.extract_strided_slice %reshape3A {offsets = [0, 384], sizes = [1, 128], strides = [1, 1]} : vector<1x2048xf32> to vector<1x128xf32>
    %add3A_44 = vector.broadcast %slice3A_43 : vector<1x128xf32> to vector<128x128xf32>
    %add3A_45 = arith.addf %sub3A_42, %add3A_44 : vector<128x128xf32>
    %lt3A_46 = arith.cmpf olt, %add3A_45, %select_n3A_36 : vector<128x128xf32>
    %select_n3A_47 = arith.select %lt3A_46, %add3A_45, %select_n3A_36 : vector<128x128xi1>, vector<128x128xf32>
    %jit3A_48 = arith.constant 3 : i32
    %broadcast_in_dim3A_49 = vector.broadcast %jit3A_48 : i32 to vector<128x128xi32>
    %select_n3A_50 = arith.select %lt3A_46, %broadcast_in_dim3A_49, %select_n3A_39 : vector<128x128xi1>, vector<128x128xi32>
    %slice3A_51 = vector.extract_strided_slice %dot_general3A_8 {offsets = [0, 512], sizes = [128, 128], strides = [1, 1]} : vector<2048x2048xf32> to vector<128x128xf32>
    %sub3A_52 = vector.broadcast %slice3A : vector<128x1xf32> to vector<128x128xf32>
    %sub3A_53 = arith.subf %sub3A_52, %slice3A_51 : vector<128x128xf32>
    %slice3A_54 = vector.extract_strided_slice %reshape3A {offsets = [0, 512], sizes = [1, 128], strides = [1, 1]} : vector<1x2048xf32> to vector<1x128xf32>
    %add3A_55 = vector.broadcast %slice3A_54 : vector<1x128xf32> to vector<128x128xf32>
    %add3A_56 = arith.addf %sub3A_53, %add3A_55 : vector<128x128xf32>
    %lt3A_57 = arith.cmpf olt, %add3A_56, %select_n3A_47 : vector<128x128xf32>
    %select_n3A_58 = arith.select %lt3A_57, %add3A_56, %select_n3A_47 : vector<128x128xi1>, vector<128x128xf32>
    %jit3A_59 = arith.constant 4 : i32
    %broadcast_in_dim3A_60 = vector.broadcast %jit3A_59 : i32 to vector<128x128xi32>
    %select_n3A_61 = arith.select %lt3A_57, %broadcast_in_dim3A_60, %select_n3A_50 : vector<128x128xi1>, vector<128x128xi32>
    %slice3A_62 = vector.extract_strided_slice %dot_general3A_8 {offsets = [0, 640], sizes = [128, 128], strides = [1, 1]} : vector<2048x2048xf32> to vector<128x128xf32>
    %sub3A_63 = vector.broadcast %slice3A : vector<128x1xf32> to vector<128x128xf32>
    %sub3A_64 = arith.subf %sub3A_63, %slice3A_62 : vector<128x128xf32>
    %slice3A_65 = vector.extract_strided_slice %reshape3A {offsets = [0, 640], sizes = [1, 128], strides = [1, 1]} : vector<1x2048xf32> to vector<1x128xf32>
    %add3A_66 = vector.broadcast %slice3A_65 : vector<1x128xf32> to vector<128x128xf32>
    %add3A_67 = arith.addf %sub3A_64, %add3A_66 : vector<128x128xf32>
    %lt3A_68 = arith.cmpf olt, %add3A_67, %select_n3A_58 : vector<128x128xf32>
    %select_n3A_69 = arith.select %lt3A_68, %add3A_67, %select_n3A_58 : vector<128x128xi1>, vector<128x128xf32>
    %jit3A_70 = arith.constant 5 : i32
    %broadcast_in_dim3A_71 = vector.broadcast %jit3A_70 : i32 to vector<128x128xi32>
    %select_n3A_72 = arith.select %lt3A_68, %broadcast_in_dim3A_71, %select_n3A_61 : vector<128x128xi1>, vector<128x128xi32>
    %slice3A_73 = vector.extract_strided_slice %dot_general3A_8 {offsets = [0, 768], sizes = [128, 128], strides = [1, 1]} : vector<2048x2048xf32> to vector<128x128xf32>
    %sub3A_74 = vector.broadcast %slice3A : vector<128x1xf32> to vector<128x128xf32>
    %sub3A_75 = arith.subf %sub3A_74, %slice3A_73 : vector<128x128xf32>
    %slice3A_76 = vector.extract_strided_slice %reshape3A {offsets = [0, 768], sizes = [1, 128], strides = [1, 1]} : vector<1x2048xf32> to vector<1x128xf32>
    %add3A_77 = vector.broadcast %slice3A_76 : vector<1x128xf32> to vector<128x128xf32>
    %add3A_78 = arith.addf %sub3A_75, %add3A_77 : vector<128x128xf32>
    %lt3A_79 = arith.cmpf olt, %add3A_78, %select_n3A_69 : vector<128x128xf32>
    %select_n3A_80 = arith.select %lt3A_79, %add3A_78, %select_n3A_69 : vector<128x128xi1>, vector<128x128xf32>
    %jit3A_81 = arith.constant 6 : i32
    %broadcast_in_dim3A_82 = vector.broadcast %jit3A_81 : i32 to vector<128x128xi32>
    %select_n3A_83 = arith.select %lt3A_79, %broadcast_in_dim3A_82, %select_n3A_72 : vector<128x128xi1>, vector<128x128xi32>
    %slice3A_84 = vector.extract_strided_slice %dot_general3A_8 {offsets = [0, 896], sizes = [128, 128], strides = [1, 1]} : vector<2048x2048xf32> to vector<128x128xf32>
    %sub3A_85 = vector.broadcast %slice3A : vector<128x1xf32> to vector<128x128xf32>
    %sub3A_86 = arith.subf %sub3A_85, %slice3A_84 : vector<128x128xf32>
    %slice3A_87 = vector.extract_strided_slice %reshape3A {offsets = [0, 896], sizes = [1, 128], strides = [1, 1]} : vector<1x2048xf32> to vector<1x128xf32>
    %add3A_88 = vector.broadcast %slice3A_87 : vector<1x128xf32> to vector<128x128xf32>
    %add3A_89 = arith.addf %sub3A_86, %add3A_88 : vector<128x128xf32>
    %lt3A_90 = arith.cmpf olt, %add3A_89, %select_n3A_80 : vector<128x128xf32>
    %select_n3A_91 = arith.select %lt3A_90, %add3A_89, %select_n3A_80 : vector<128x128xi1>, vector<128x128xf32>
    %jit3A_92 = arith.constant 7 : i32
    %broadcast_in_dim3A_93 = vector.broadcast %jit3A_92 : i32 to vector<128x128xi32>
    %select_n3A_94 = arith.select %lt3A_90, %broadcast_in_dim3A_93, %select_n3A_83 : vector<128x128xi1>, vector<128x128xi32>
    %slice3A_95 = vector.extract_strided_slice %dot_general3A_8 {offsets = [0, 1024], sizes = [128, 128], strides = [1, 1]} : vector<2048x2048xf32> to vector<128x128xf32>
    %sub3A_96 = vector.broadcast %slice3A : vector<128x1xf32> to vector<128x128xf32>
    %sub3A_97 = arith.subf %sub3A_96, %slice3A_95 : vector<128x128xf32>
    %slice3A_98 = vector.extract_strided_slice %reshape3A {offsets = [0, 1024], sizes = [1, 128], strides = [1, 1]} : vector<1x2048xf32> to vector<1x128xf32>
    %add3A_99 = vector.broadcast %slice3A_98 : vector<1x128xf32> to vector<128x128xf32>
    %add3A_100 = arith.addf %sub3A_97, %add3A_99 : vector<128x128xf32>
    %lt3A_101 = arith.cmpf olt, %add3A_100, %select_n3A_91 : vector<128x128xf32>
    %select_n3A_102 = arith.select %lt3A_101, %add3A_100, %select_n3A_91 : vector<128x128xi1>, vector<128x128xf32>
    %jit3A_103 = arith.constant 8 : i32
    %broadcast_in_dim3A_104 = vector.broadcast %jit3A_103 : i32 to vector<128x128xi32>
    %select_n3A_105 = arith.select %lt3A_101, %broadcast_in_dim3A_104, %select_n3A_94 : vector<128x128xi1>, vector<128x128xi32>
    %slice3A_106 = vector.extract_strided_slice %dot_general3A_8 {offsets = [0, 1152], sizes = [128, 128], strides = [1, 1]} : vector<2048x2048xf32> to vector<128x128xf32>
    %sub3A_107 = vector.broadcast %slice3A : vector<128x1xf32> to vector<128x128xf32>
    %sub3A_108 = arith.subf %sub3A_107, %slice3A_106 : vector<128x128xf32>
    %slice3A_109 = vector.extract_strided_slice %reshape3A {offsets = [0, 1152], sizes = [1, 128], strides = [1, 1]} : vector<1x2048xf32> to vector<1x128xf32>
    %add3A_110 = vector.broadcast %slice3A_109 : vector<1x128xf32> to vector<128x128xf32>
    %add3A_111 = arith.addf %sub3A_108, %add3A_110 : vector<128x128xf32>
    %lt3A_112 = arith.cmpf olt, %add3A_111, %select_n3A_102 : vector<128x128xf32>
    %select_n3A_113 = arith.select %lt3A_112, %add3A_111, %select_n3A_102 : vector<128x128xi1>, vector<128x128xf32>
    %jit3A_114 = arith.constant 9 : i32
    %broadcast_in_dim3A_115 = vector.broadcast %jit3A_114 : i32 to vector<128x128xi32>
    %select_n3A_116 = arith.select %lt3A_112, %broadcast_in_dim3A_115, %select_n3A_105 : vector<128x128xi1>, vector<128x128xi32>
    %slice3A_117 = vector.extract_strided_slice %dot_general3A_8 {offsets = [0, 1280], sizes = [128, 128], strides = [1, 1]} : vector<2048x2048xf32> to vector<128x128xf32>
    %sub3A_118 = vector.broadcast %slice3A : vector<128x1xf32> to vector<128x128xf32>
    %sub3A_119 = arith.subf %sub3A_118, %slice3A_117 : vector<128x128xf32>
    %slice3A_120 = vector.extract_strided_slice %reshape3A {offsets = [0, 1280], sizes = [1, 128], strides = [1, 1]} : vector<1x2048xf32> to vector<1x128xf32>
    %add3A_121 = vector.broadcast %slice3A_120 : vector<1x128xf32> to vector<128x128xf32>
    %add3A_122 = arith.addf %sub3A_119, %add3A_121 : vector<128x128xf32>
    %lt3A_123 = arith.cmpf olt, %add3A_122, %select_n3A_113 : vector<128x128xf32>
    %select_n3A_124 = arith.select %lt3A_123, %add3A_122, %select_n3A_113 : vector<128x128xi1>, vector<128x128xf32>
    %jit3A_125 = arith.constant 10 : i32
    %broadcast_in_dim3A_126 = vector.broadcast %jit3A_125 : i32 to vector<128x128xi32>
    %select_n3A_127 = arith.select %lt3A_123, %broadcast_in_dim3A_126, %select_n3A_116 : vector<128x128xi1>, vector<128x128xi32>
    %slice3A_128 = vector.extract_strided_slice %dot_general3A_8 {offsets = [0, 1408], sizes = [128, 128], strides = [1, 1]} : vector<2048x2048xf32> to vector<128x128xf32>
    %sub3A_129 = vector.broadcast %slice3A : vector<128x1xf32> to vector<128x128xf32>
    %sub3A_130 = arith.subf %sub3A_129, %slice3A_128 : vector<128x128xf32>
    %slice3A_131 = vector.extract_strided_slice %reshape3A {offsets = [0, 1408], sizes = [1, 128], strides = [1, 1]} : vector<1x2048xf32> to vector<1x128xf32>
    %add3A_132 = vector.broadcast %slice3A_131 : vector<1x128xf32> to vector<128x128xf32>
    %add3A_133 = arith.addf %sub3A_130, %add3A_132 : vector<128x128xf32>
    %lt3A_134 = arith.cmpf olt, %add3A_133, %select_n3A_124 : vector<128x128xf32>
    %select_n3A_135 = arith.select %lt3A_134, %add3A_133, %select_n3A_124 : vector<128x128xi1>, vector<128x128xf32>
    %jit3A_136 = arith.constant 11 : i32
    %broadcast_in_dim3A_137 = vector.broadcast %jit3A_136 : i32 to vector<128x128xi32>
    %select_n3A_138 = arith.select %lt3A_134, %broadcast_in_dim3A_137, %select_n3A_127 : vector<128x128xi1>, vector<128x128xi32>
    %slice3A_139 = vector.extract_strided_slice %dot_general3A_8 {offsets = [0, 1536], sizes = [128, 128], strides = [1, 1]} : vector<2048x2048xf32> to vector<128x128xf32>
    %sub3A_140 = vector.broadcast %slice3A : vector<128x1xf32> to vector<128x128xf32>
    %sub3A_141 = arith.subf %sub3A_140, %slice3A_139 : vector<128x128xf32>
    %slice3A_142 = vector.extract_strided_slice %reshape3A {offsets = [0, 1536], sizes = [1, 128], strides = [1, 1]} : vector<1x2048xf32> to vector<1x128xf32>
    %add3A_143 = vector.broadcast %slice3A_142 : vector<1x128xf32> to vector<128x128xf32>
    %add3A_144 = arith.addf %sub3A_141, %add3A_143 : vector<128x128xf32>
    %lt3A_145 = arith.cmpf olt, %add3A_144, %select_n3A_135 : vector<128x128xf32>
    %select_n3A_146 = arith.select %lt3A_145, %add3A_144, %select_n3A_135 : vector<128x128xi1>, vector<128x128xf32>
    %jit3A_147 = arith.constant 12 : i32
    %broadcast_in_dim3A_148 = vector.broadcast %jit3A_147 : i32 to vector<128x128xi32>
    %select_n3A_149 = arith.select %lt3A_145, %broadcast_in_dim3A_148, %select_n3A_138 : vector<128x128xi1>, vector<128x128xi32>
    %slice3A_150 = vector.extract_strided_slice %dot_general3A_8 {offsets = [0, 1664], sizes = [128, 128], strides = [1, 1]} : vector<2048x2048xf32> to vector<128x128xf32>
    %sub3A_151 = vector.broadcast %slice3A : vector<128x1xf32> to vector<128x128xf32>
    %sub3A_152 = arith.subf %sub3A_151, %slice3A_150 : vector<128x128xf32>
    %slice3A_153 = vector.extract_strided_slice %reshape3A {offsets = [0, 1664], sizes = [1, 128], strides = [1, 1]} : vector<1x2048xf32> to vector<1x128xf32>
    %add3A_154 = vector.broadcast %slice3A_153 : vector<1x128xf32> to vector<128x128xf32>
    %add3A_155 = arith.addf %sub3A_152, %add3A_154 : vector<128x128xf32>
    %lt3A_156 = arith.cmpf olt, %add3A_155, %select_n3A_146 : vector<128x128xf32>
    %select_n3A_157 = arith.select %lt3A_156, %add3A_155, %select_n3A_146 : vector<128x128xi1>, vector<128x128xf32>
    %jit3A_158 = arith.constant 13 : i32
    %broadcast_in_dim3A_159 = vector.broadcast %jit3A_158 : i32 to vector<128x128xi32>
    %select_n3A_160 = arith.select %lt3A_156, %broadcast_in_dim3A_159, %select_n3A_149 : vector<128x128xi1>, vector<128x128xi32>
    %slice3A_161 = vector.extract_strided_slice %dot_general3A_8 {offsets = [0, 1792], sizes = [128, 128], strides = [1, 1]} : vector<2048x2048xf32> to vector<128x128xf32>
    %sub3A_162 = vector.broadcast %slice3A : vector<128x1xf32> to vector<128x128xf32>
    %sub3A_163 = arith.subf %sub3A_162, %slice3A_161 : vector<128x128xf32>
    %slice3A_164 = vector.extract_strided_slice %reshape3A {offsets = [0, 1792], sizes = [1, 128], strides = [1, 1]} : vector<1x2048xf32> to vector<1x128xf32>
    %add3A_165 = vector.broadcast %slice3A_164 : vector<1x128xf32> to vector<128x128xf32>
    %add3A_166 = arith.addf %sub3A_163, %add3A_165 : vector<128x128xf32>
    %lt3A_167 = arith.cmpf olt, %add3A_166, %select_n3A_157 : vector<128x128xf32>
    %select_n3A_168 = arith.select %lt3A_167, %add3A_166, %select_n3A_157 : vector<128x128xi1>, vector<128x128xf32>
    %jit3A_169 = arith.constant 14 : i32
    %broadcast_in_dim3A_170 = vector.broadcast %jit3A_169 : i32 to vector<128x128xi32>
    %select_n3A_171 = arith.select %lt3A_167, %broadcast_in_dim3A_170, %select_n3A_160 : vector<128x128xi1>, vector<128x128xi32>
    %slice3A_172 = vector.extract_strided_slice %dot_general3A_8 {offsets = [0, 1920], sizes = [128, 128], strides = [1, 1]} : vector<2048x2048xf32> to vector<128x128xf32>
    %sub3A_173 = vector.broadcast %slice3A : vector<128x1xf32> to vector<128x128xf32>
    %sub3A_174 = arith.subf %sub3A_173, %slice3A_172 : vector<128x128xf32>
    %slice3A_175 = vector.extract_strided_slice %reshape3A {offsets = [0, 1920], sizes = [1, 128], strides = [1, 1]} : vector<1x2048xf32> to vector<1x128xf32>
    %add3A_176 = vector.broadcast %slice3A_175 : vector<1x128xf32> to vector<128x128xf32>
    %add3A_177 = arith.addf %sub3A_174, %add3A_176 : vector<128x128xf32>
    %lt3A_178 = arith.cmpf olt, %add3A_177, %select_n3A_168 : vector<128x128xf32>
    %select_n3A_179 = arith.select %lt3A_178, %add3A_177, %select_n3A_168 : vector<128x128xi1>, vector<128x128xf32>
    %jit3A_180 = arith.constant 15 : i32
    %broadcast_in_dim3A_181 = vector.broadcast %jit3A_180 : i32 to vector<128x128xi32>
    %select_n3A_182 = arith.select %lt3A_178, %broadcast_in_dim3A_181, %select_n3A_171 : vector<128x128xi1>, vector<128x128xi32>
    %mul3A_183 = arith.constant 128 : i32
    %mul3A_184 = vector.broadcast %mul3A_183 : i32 to vector<128x128xi32>
    %mul3A_185 = arith.muli %select_n3A_182, %mul3A_184 : vector<128x128xi32>
    %add3A_186 = arith.addi %mul3A_185, %iota3A : vector<128x128xi32>
    %reduce_min3A = arith.constant dense<0x7F800000> : vector<128xf32>
    %reduce_min3A_187 = vector.multi_reduction <minimumf>, %select_n3A_179, %reduce_min3A [1] : vector<128x128xf32> to vector<128xf32>
    %broadcast_in_dim3A_188 = vector.shape_cast %reduce_min3A_187 : vector<128xf32> to vector<128x1xf32>
    %eq3A = vector.broadcast %broadcast_in_dim3A_188 : vector<128x1xf32> to vector<128x128xf32>
    %eq3A_189 = arith.cmpf oeq, %select_n3A_179, %eq3A : vector<128x128xf32>
    %jit3A_190 = arith.constant 2048 : i32
    %broadcast_in_dim3A_191 = vector.broadcast %jit3A_190 : i32 to vector<128x128xi32>
    %select_n3A_192 = arith.select %eq3A_189, %add3A_186, %broadcast_in_dim3A_191 : vector<128x128xi1>, vector<128x128xi32>
    %reduce_min3A_193 = arith.constant dense<2147483647> : vector<128xi32>
    %reduce_min3A_194 = vector.multi_reduction <minsi>, %select_n3A_192, %reduce_min3A_193 [1] : vector<128x128xi32> to vector<128xi32>
    %broadcast_in_dim3A_195 = vector.shape_cast %reduce_min3A_194 : vector<128xi32> to vector<128x1xi32>
    %slice3A_196 = vector.extract_strided_slice %get3A_11 {offsets = [128, 0], sizes = [128, 1], strides = [1, 1]} : vector<2048x1xf32> to vector<128x1xf32>
    %slice3A_197 = vector.extract_strided_slice %dot_general3A_8 {offsets = [128, 0], sizes = [128, 128], strides = [1, 1]} : vector<2048x2048xf32> to vector<128x128xf32>
    %sub3A_198 = vector.broadcast %slice3A_196 : vector<128x1xf32> to vector<128x128xf32>
    %sub3A_199 = arith.subf %sub3A_198, %slice3A_197 : vector<128x128xf32>
    %slice3A_200 = vector.extract_strided_slice %reshape3A {offsets = [0, 0], sizes = [1, 128], strides = [1, 1]} : vector<1x2048xf32> to vector<1x128xf32>
    %add3A_201 = vector.broadcast %slice3A_200 : vector<1x128xf32> to vector<128x128xf32>
    %add3A_202 = arith.addf %sub3A_199, %add3A_201 : vector<128x128xf32>
    %broadcast_in_dim3A_203 = arith.constant 0 : i32
    %broadcast_in_dim3A_204 = vector.broadcast %broadcast_in_dim3A_203 : i32 to vector<128x128xi32>
    %slice3A_205 = vector.extract_strided_slice %dot_general3A_8 {offsets = [128, 128], sizes = [128, 128], strides = [1, 1]} : vector<2048x2048xf32> to vector<128x128xf32>
    %sub3A_206 = vector.broadcast %slice3A_196 : vector<128x1xf32> to vector<128x128xf32>
    %sub3A_207 = arith.subf %sub3A_206, %slice3A_205 : vector<128x128xf32>
    %slice3A_208 = vector.extract_strided_slice %reshape3A {offsets = [0, 128], sizes = [1, 128], strides = [1, 1]} : vector<1x2048xf32> to vector<1x128xf32>
    %add3A_209 = vector.broadcast %slice3A_208 : vector<1x128xf32> to vector<128x128xf32>
    %add3A_210 = arith.addf %sub3A_207, %add3A_209 : vector<128x128xf32>
    %lt3A_211 = arith.cmpf olt, %add3A_210, %add3A_202 : vector<128x128xf32>
    %select_n3A_212 = arith.select %lt3A_211, %add3A_210, %add3A_202 : vector<128x128xi1>, vector<128x128xf32>
    %jit3A_213 = arith.constant 1 : i32
    %broadcast_in_dim3A_214 = vector.broadcast %jit3A_213 : i32 to vector<128x128xi32>
    %select_n3A_215 = arith.select %lt3A_211, %broadcast_in_dim3A_214, %broadcast_in_dim3A_204 : vector<128x128xi1>, vector<128x128xi32>
    %slice3A_216 = vector.extract_strided_slice %dot_general3A_8 {offsets = [128, 256], sizes = [128, 128], strides = [1, 1]} : vector<2048x2048xf32> to vector<128x128xf32>
    %sub3A_217 = vector.broadcast %slice3A_196 : vector<128x1xf32> to vector<128x128xf32>
    %sub3A_218 = arith.subf %sub3A_217, %slice3A_216 : vector<128x128xf32>
    %slice3A_219 = vector.extract_strided_slice %reshape3A {offsets = [0, 256], sizes = [1, 128], strides = [1, 1]} : vector<1x2048xf32> to vector<1x128xf32>
    %add3A_220 = vector.broadcast %slice3A_219 : vector<1x128xf32> to vector<128x128xf32>
    %add3A_221 = arith.addf %sub3A_218, %add3A_220 : vector<128x128xf32>
    %lt3A_222 = arith.cmpf olt, %add3A_221, %select_n3A_212 : vector<128x128xf32>
    %select_n3A_223 = arith.select %lt3A_222, %add3A_221, %select_n3A_212 : vector<128x128xi1>, vector<128x128xf32>
    %jit3A_224 = arith.constant 2 : i32
    %broadcast_in_dim3A_225 = vector.broadcast %jit3A_224 : i32 to vector<128x128xi32>
    %select_n3A_226 = arith.select %lt3A_222, %broadcast_in_dim3A_225, %select_n3A_215 : vector<128x128xi1>, vector<128x128xi32>
    %slice3A_227 = vector.extract_strided_slice %dot_general3A_8 {offsets = [128, 384], sizes = [128, 128], strides = [1, 1]} : vector<2048x2048xf32> to vector<128x128xf32>
    %sub3A_228 = vector.broadcast %slice3A_196 : vector<128x1xf32> to vector<128x128xf32>
    %sub3A_229 = arith.subf %sub3A_228, %slice3A_227 : vector<128x128xf32>
    %slice3A_230 = vector.extract_strided_slice %reshape3A {offsets = [0, 384], sizes = [1, 128], strides = [1, 1]} : vector<1x2048xf32> to vector<1x128xf32>
    %add3A_231 = vector.broadcast %slice3A_230 : vector<1x128xf32> to vector<128x128xf32>
    %add3A_232 = arith.addf %sub3A_229, %add3A_231 : vector<128x128xf32>
    %lt3A_233 = arith.cmpf olt, %add3A_232, %select_n3A_223 : vector<128x128xf32>
    %select_n3A_234 = arith.select %lt3A_233, %add3A_232, %select_n3A_223 : vector<128x128xi1>, vector<128x128xf32>
    %jit3A_235 = arith.constant 3 : i32
    %broadcast_in_dim3A_236 = vector.broadcast %jit3A_235 : i32 to vector<128x128xi32>
    %select_n3A_237 = arith.select %lt3A_233, %broadcast_in_dim3A_236, %select_n3A_226 : vector<128x128xi1>, vector<128x128xi32>
    %slice3A_238 = vector.extract_strided_slice %dot_general3A_8 {offsets = [128, 512], sizes = [128, 128], strides = [1, 1]} : vector<2048x2048xf32> to vector<128x128xf32>
    %sub3A_239 = vector.broadcast %slice3A_196 : vector<128x1xf32> to vector<128x128xf32>
    %sub3A_240 = arith.subf %sub3A_239, %slice3A_238 : vector<128x128xf32>
    %slice3A_241 = vector.extract_strided_slice %reshape3A {offsets = [0, 512], sizes = [1, 128], strides = [1, 1]} : vector<1x2048xf32> to vector<1x128xf32>
    %add3A_242 = vector.broadcast %slice3A_241 : vector<1x128xf32> to vector<128x128xf32>
    %add3A_243 = arith.addf %sub3A_240, %add3A_242 : vector<128x128xf32>
    %lt3A_244 = arith.cmpf olt, %add3A_243, %select_n3A_234 : vector<128x128xf32>
    %select_n3A_245 = arith.select %lt3A_244, %add3A_243, %select_n3A_234 : vector<128x128xi1>, vector<128x128xf32>
    %jit3A_246 = arith.constant 4 : i32
    %broadcast_in_dim3A_247 = vector.broadcast %jit3A_246 : i32 to vector<128x128xi32>
    %select_n3A_248 = arith.select %lt3A_244, %broadcast_in_dim3A_247, %select_n3A_237 : vector<128x128xi1>, vector<128x128xi32>
    %slice3A_249 = vector.extract_strided_slice %dot_general3A_8 {offsets = [128, 640], sizes = [128, 128], strides = [1, 1]} : vector<2048x2048xf32> to vector<128x128xf32>
    %sub3A_250 = vector.broadcast %slice3A_196 : vector<128x1xf32> to vector<128x128xf32>
    %sub3A_251 = arith.subf %sub3A_250, %slice3A_249 : vector<128x128xf32>
    %slice3A_252 = vector.extract_strided_slice %reshape3A {offsets = [0, 640], sizes = [1, 128], strides = [1, 1]} : vector<1x2048xf32> to vector<1x128xf32>
    %add3A_253 = vector.broadcast %slice3A_252 : vector<1x128xf32> to vector<128x128xf32>
    %add3A_254 = arith.addf %sub3A_251, %add3A_253 : vector<128x128xf32>
    %lt3A_255 = arith.cmpf olt, %add3A_254, %select_n3A_245 : vector<128x128xf32>
    %select_n3A_256 = arith.select %lt3A_255, %add3A_254, %select_n3A_245 : vector<128x128xi1>, vector<128x128xf32>
    %jit3A_257 = arith.constant 5 : i32
    %broadcast_in_dim3A_258 = vector.broadcast %jit3A_257 : i32 to vector<128x128xi32>
    %select_n3A_259 = arith.select %lt3A_255, %broadcast_in_dim3A_258, %select_n3A_248 : vector<128x128xi1>, vector<128x128xi32>
    %slice3A_260 = vector.extract_strided_slice %dot_general3A_8 {offsets = [128, 768], sizes = [128, 128], strides = [1, 1]} : vector<2048x2048xf32> to vector<128x128xf32>
    %sub3A_261 = vector.broadcast %slice3A_196 : vector<128x1xf32> to vector<128x128xf32>
    %sub3A_262 = arith.subf %sub3A_261, %slice3A_260 : vector<128x128xf32>
    %slice3A_263 = vector.extract_strided_slice %reshape3A {offsets = [0, 768], sizes = [1, 128], strides = [1, 1]} : vector<1x2048xf32> to vector<1x128xf32>
    %add3A_264 = vector.broadcast %slice3A_263 : vector<1x128xf32> to vector<128x128xf32>
    %add3A_265 = arith.addf %sub3A_262, %add3A_264 : vector<128x128xf32>
    %lt3A_266 = arith.cmpf olt, %add3A_265, %select_n3A_256 : vector<128x128xf32>
    %select_n3A_267 = arith.select %lt3A_266, %add3A_265, %select_n3A_256 : vector<128x128xi1>, vector<128x128xf32>
    %jit3A_268 = arith.constant 6 : i32
    %broadcast_in_dim3A_269 = vector.broadcast %jit3A_268 : i32 to vector<128x128xi32>
    %select_n3A_270 = arith.select %lt3A_266, %broadcast_in_dim3A_269, %select_n3A_259 : vector<128x128xi1>, vector<128x128xi32>
    %slice3A_271 = vector.extract_strided_slice %dot_general3A_8 {offsets = [128, 896], sizes = [128, 128], strides = [1, 1]} : vector<2048x2048xf32> to vector<128x128xf32>
    %sub3A_272 = vector.broadcast %slice3A_196 : vector<128x1xf32> to vector<128x128xf32>
    %sub3A_273 = arith.subf %sub3A_272, %slice3A_271 : vector<128x128xf32>
    %slice3A_274 = vector.extract_strided_slice %reshape3A {offsets = [0, 896], sizes = [1, 128], strides = [1, 1]} : vector<1x2048xf32> to vector<1x128xf32>
    %add3A_275 = vector.broadcast %slice3A_274 : vector<1x128xf32> to vector<128x128xf32>
    %add3A_276 = arith.addf %sub3A_273, %add3A_275 : vector<128x128xf32>
    %lt3A_277 = arith.cmpf olt, %add3A_276, %select_n3A_267 : vector<128x128xf32>
    %select_n3A_278 = arith.select %lt3A_277, %add3A_276, %select_n3A_267 : vector<128x128xi1>, vector<128x128xf32>
    %jit3A_279 = arith.constant 7 : i32
    %broadcast_in_dim3A_280 = vector.broadcast %jit3A_279 : i32 to vector<128x128xi32>
    %select_n3A_281 = arith.select %lt3A_277, %broadcast_in_dim3A_280, %select_n3A_270 : vector<128x128xi1>, vector<128x128xi32>
    %slice3A_282 = vector.extract_strided_slice %dot_general3A_8 {offsets = [128, 1024], sizes = [128, 128], strides = [1, 1]} : vector<2048x2048xf32> to vector<128x128xf32>
    %sub3A_283 = vector.broadcast %slice3A_196 : vector<128x1xf32> to vector<128x128xf32>
    %sub3A_284 = arith.subf %sub3A_283, %slice3A_282 : vector<128x128xf32>
    %slice3A_285 = vector.extract_strided_slice %reshape3A {offsets = [0, 1024], sizes = [1, 128], strides = [1, 1]} : vector<1x2048xf32> to vector<1x128xf32>
    %add3A_286 = vector.broadcast %slice3A_285 : vector<1x128xf32> to vector<128x128xf32>
    %add3A_287 = arith.addf %sub3A_284, %add3A_286 : vector<128x128xf32>
    %lt3A_288 = arith.cmpf olt, %add3A_287, %select_n3A_278 : vector<128x128xf32>
    %select_n3A_289 = arith.select %lt3A_288, %add3A_287, %select_n3A_278 : vector<128x128xi1>, vector<128x128xf32>
    %jit3A_290 = arith.constant 8 : i32
    %broadcast_in_dim3A_291 = vector.broadcast %jit3A_290 : i32 to vector<128x128xi32>
    %select_n3A_292 = arith.select %lt3A_288, %broadcast_in_dim3A_291, %select_n3A_281 : vector<128x128xi1>, vector<128x128xi32>
    %slice3A_293 = vector.extract_strided_slice %dot_general3A_8 {offsets = [128, 1152], sizes = [128, 128], strides = [1, 1]} : vector<2048x2048xf32> to vector<128x128xf32>
    %sub3A_294 = vector.broadcast %slice3A_196 : vector<128x1xf32> to vector<128x128xf32>
    %sub3A_295 = arith.subf %sub3A_294, %slice3A_293 : vector<128x128xf32>
    %slice3A_296 = vector.extract_strided_slice %reshape3A {offsets = [0, 1152], sizes = [1, 128], strides = [1, 1]} : vector<1x2048xf32> to vector<1x128xf32>
    %add3A_297 = vector.broadcast %slice3A_296 : vector<1x128xf32> to vector<128x128xf32>
    %add3A_298 = arith.addf %sub3A_295, %add3A_297 : vector<128x128xf32>
    %lt3A_299 = arith.cmpf olt, %add3A_298, %select_n3A_289 : vector<128x128xf32>
    %select_n3A_300 = arith.select %lt3A_299, %add3A_298, %select_n3A_289 : vector<128x128xi1>, vector<128x128xf32>
    %jit3A_301 = arith.constant 9 : i32
    %broadcast_in_dim3A_302 = vector.broadcast %jit3A_301 : i32 to vector<128x128xi32>
    %select_n3A_303 = arith.select %lt3A_299, %broadcast_in_dim3A_302, %select_n3A_292 : vector<128x128xi1>, vector<128x128xi32>
    %slice3A_304 = vector.extract_strided_slice %dot_general3A_8 {offsets = [128, 1280], sizes = [128, 128], strides = [1, 1]} : vector<2048x2048xf32> to vector<128x128xf32>
    %sub3A_305 = vector.broadcast %slice3A_196 : vector<128x1xf32> to vector<128x128xf32>
    %sub3A_306 = arith.subf %sub3A_305, %slice3A_304 : vector<128x128xf32>
    %slice3A_307 = vector.extract_strided_slice %reshape3A {offsets = [0, 1280], sizes = [1, 128], strides = [1, 1]} : vector<1x2048xf32> to vector<1x128xf32>
    %add3A_308 = vector.broadcast %slice3A_307 : vector<1x128xf32> to vector<128x128xf32>
    %add3A_309 = arith.addf %sub3A_306, %add3A_308 : vector<128x128xf32>
    %lt3A_310 = arith.cmpf olt, %add3A_309, %select_n3A_300 : vector<128x128xf32>
    %select_n3A_311 = arith.select %lt3A_310, %add3A_309, %select_n3A_300 : vector<128x128xi1>, vector<128x128xf32>
    %jit3A_312 = arith.constant 10 : i32
    %broadcast_in_dim3A_313 = vector.broadcast %jit3A_312 : i32 to vector<128x128xi32>
    %select_n3A_314 = arith.select %lt3A_310, %broadcast_in_dim3A_313, %select_n3A_303 : vector<128x128xi1>, vector<128x128xi32>
    %slice3A_315 = vector.extract_strided_slice %dot_general3A_8 {offsets = [128, 1408], sizes = [128, 128], strides = [1, 1]} : vector<2048x2048xf32> to vector<128x128xf32>
    %sub3A_316 = vector.broadcast %slice3A_196 : vector<128x1xf32> to vector<128x128xf32>
    %sub3A_317 = arith.subf %sub3A_316, %slice3A_315 : vector<128x128xf32>
    %slice3A_318 = vector.extract_strided_slice %reshape3A {offsets = [0, 1408], sizes = [1, 128], strides = [1, 1]} : vector<1x2048xf32> to vector<1x128xf32>
    %add3A_319 = vector.broadcast %slice3A_318 : vector<1x128xf32> to vector<128x128xf32>
    %add3A_320 = arith.addf %sub3A_317, %add3A_319 : vector<128x128xf32>
    %lt3A_321 = arith.cmpf olt, %add3A_320, %select_n3A_311 : vector<128x128xf32>
    %select_n3A_322 = arith.select %lt3A_321, %add3A_320, %select_n3A_311 : vector<128x128xi1>, vector<128x128xf32>
    %jit3A_323 = arith.constant 11 : i32
    %broadcast_in_dim3A_324 = vector.broadcast %jit3A_323 : i32 to vector<128x128xi32>
    %select_n3A_325 = arith.select %lt3A_321, %broadcast_in_dim3A_324, %select_n3A_314 : vector<128x128xi1>, vector<128x128xi32>
    %slice3A_326 = vector.extract_strided_slice %dot_general3A_8 {offsets = [128, 1536], sizes = [128, 128], strides = [1, 1]} : vector<2048x2048xf32> to vector<128x128xf32>
    %sub3A_327 = vector.broadcast %slice3A_196 : vector<128x1xf32> to vector<128x128xf32>
    %sub3A_328 = arith.subf %sub3A_327, %slice3A_326 : vector<128x128xf32>
    %slice3A_329 = vector.extract_strided_slice %reshape3A {offsets = [0, 1536], sizes = [1, 128], strides = [1, 1]} : vector<1x2048xf32> to vector<1x128xf32>
    %add3A_330 = vector.broadcast %slice3A_329 : vector<1x128xf32> to vector<128x128xf32>
    %add3A_331 = arith.addf %sub3A_328, %add3A_330 : vector<128x128xf32>
    %lt3A_332 = arith.cmpf olt, %add3A_331, %select_n3A_322 : vector<128x128xf32>
    %select_n3A_333 = arith.select %lt3A_332, %add3A_331, %select_n3A_322 : vector<128x128xi1>, vector<128x128xf32>
    %jit3A_334 = arith.constant 12 : i32
    %broadcast_in_dim3A_335 = vector.broadcast %jit3A_334 : i32 to vector<128x128xi32>
    %select_n3A_336 = arith.select %lt3A_332, %broadcast_in_dim3A_335, %select_n3A_325 : vector<128x128xi1>, vector<128x128xi32>
    %slice3A_337 = vector.extract_strided_slice %dot_general3A_8 {offsets = [128, 1664], sizes = [128, 128], strides = [1, 1]} : vector<2048x2048xf32> to vector<128x128xf32>
    %sub3A_338 = vector.broadcast %slice3A_196 : vector<128x1xf32> to vector<128x128xf32>
    %sub3A_339 = arith.subf %sub3A_338, %slice3A_337 : vector<128x128xf32>
    %slice3A_340 = vector.extract_strided_slice %reshape3A {offsets = [0, 1664], sizes = [1, 128], strides = [1, 1]} : vector<1x2048xf32> to vector<1x128xf32>
    %add3A_341 = vector.broadcast %slice3A_340 : vector<1x128xf32> to vector<128x128xf32>
    %add3A_342 = arith.addf %sub3A_339, %add3A_341 : vector<128x128xf32>
    %lt3A_343 = arith.cmpf olt, %add3A_342, %select_n3A_333 : vector<128x128xf32>
    %select_n3A_344 = arith.select %lt3A_343, %add3A_342, %select_n3A_333 : vector<128x128xi1>, vector<128x128xf32>
    %jit3A_345 = arith.constant 13 : i32
    %broadcast_in_dim3A_346 = vector.broadcast %jit3A_345 : i32 to vector<128x128xi32>
    %select_n3A_347 = arith.select %lt3A_343, %broadcast_in_dim3A_346, %select_n3A_336 : vector<128x128xi1>, vector<128x128xi32>
    %slice3A_348 = vector.extract_strided_slice %dot_general3A_8 {offsets = [128, 1792], sizes = [128, 128], strides = [1, 1]} : vector<2048x2048xf32> to vector<128x128xf32>
    %sub3A_349 = vector.broadcast %slice3A_196 : vector<128x1xf32> to vector<128x128xf32>
    %sub3A_350 = arith.subf %sub3A_349, %slice3A_348 : vector<128x128xf32>
    %slice3A_351 = vector.extract_strided_slice %reshape3A {offsets = [0, 1792], sizes = [1, 128], strides = [1, 1]} : vector<1x2048xf32> to vector<1x128xf32>
    %add3A_352 = vector.broadcast %slice3A_351 : vector<1x128xf32> to vector<128x128xf32>
    %add3A_353 = arith.addf %sub3A_350, %add3A_352 : vector<128x128xf32>
    %lt3A_354 = arith.cmpf olt, %add3A_353, %select_n3A_344 : vector<128x128xf32>
    %select_n3A_355 = arith.select %lt3A_354, %add3A_353, %select_n3A_344 : vector<128x128xi1>, vector<128x128xf32>
    %jit3A_356 = arith.constant 14 : i32
    %broadcast_in_dim3A_357 = vector.broadcast %jit3A_356 : i32 to vector<128x128xi32>
    %select_n3A_358 = arith.select %lt3A_354, %broadcast_in_dim3A_357, %select_n3A_347 : vector<128x128xi1>, vector<128x128xi32>
    %slice3A_359 = vector.extract_strided_slice %dot_general3A_8 {offsets = [128, 1920], sizes = [128, 128], strides = [1, 1]} : vector<2048x2048xf32> to vector<128x128xf32>
    %sub3A_360 = vector.broadcast %slice3A_196 : vector<128x1xf32> to vector<128x128xf32>
    %sub3A_361 = arith.subf %sub3A_360, %slice3A_359 : vector<128x128xf32>
    %slice3A_362 = vector.extract_strided_slice %reshape3A {offsets = [0, 1920], sizes = [1, 128], strides = [1, 1]} : vector<1x2048xf32> to vector<1x128xf32>
    %add3A_363 = vector.broadcast %slice3A_362 : vector<1x128xf32> to vector<128x128xf32>
    %add3A_364 = arith.addf %sub3A_361, %add3A_363 : vector<128x128xf32>
    %lt3A_365 = arith.cmpf olt, %add3A_364, %select_n3A_355 : vector<128x128xf32>
    %select_n3A_366 = arith.select %lt3A_365, %add3A_364, %select_n3A_355 : vector<128x128xi1>, vector<128x128xf32>
    %jit3A_367 = arith.constant 15 : i32
    %broadcast_in_dim3A_368 = vector.broadcast %jit3A_367 : i32 to vector<128x128xi32>
    %select_n3A_369 = arith.select %lt3A_365, %broadcast_in_dim3A_368, %select_n3A_358 : vector<128x128xi1>, vector<128x128xi32>
    %mul3A_370 = arith.constant 128 : i32
    %mul3A_371 = vector.broadcast %mul3A_370 : i32 to vector<128x128xi32>
    %mul3A_372 = arith.muli %select_n3A_369, %mul3A_371 : vector<128x128xi32>
    %add3A_373 = arith.addi %mul3A_372, %iota3A : vector<128x128xi32>
    %reduce_min3A_374 = arith.constant dense<0x7F800000> : vector<128xf32>
    %reduce_min3A_375 = vector.multi_reduction <minimumf>, %select_n3A_366, %reduce_min3A_374 [1] : vector<128x128xf32> to vector<128xf32>
    %broadcast_in_dim3A_376 = vector.shape_cast %reduce_min3A_375 : vector<128xf32> to vector<128x1xf32>
    %eq3A_377 = vector.broadcast %broadcast_in_dim3A_376 : vector<128x1xf32> to vector<128x128xf32>
    %eq3A_378 = arith.cmpf oeq, %select_n3A_366, %eq3A_377 : vector<128x128xf32>
    %jit3A_379 = arith.constant 2048 : i32
    %broadcast_in_dim3A_380 = vector.broadcast %jit3A_379 : i32 to vector<128x128xi32>
    %select_n3A_381 = arith.select %eq3A_378, %add3A_373, %broadcast_in_dim3A_380 : vector<128x128xi1>, vector<128x128xi32>
    %reduce_min3A_382 = arith.constant dense<2147483647> : vector<128xi32>
    %reduce_min3A_383 = vector.multi_reduction <minsi>, %select_n3A_381, %reduce_min3A_382 [1] : vector<128x128xi32> to vector<128xi32>
    %broadcast_in_dim3A_384 = vector.shape_cast %reduce_min3A_383 : vector<128xi32> to vector<128x1xi32>
    %slice3A_385 = vector.extract_strided_slice %get3A_11 {offsets = [256, 0], sizes = [128, 1], strides = [1, 1]} : vector<2048x1xf32> to vector<128x1xf32>
    %slice3A_386 = vector.extract_strided_slice %dot_general3A_8 {offsets = [256, 0], sizes = [128, 128], strides = [1, 1]} : vector<2048x2048xf32> to vector<128x128xf32>
    %sub3A_387 = vector.broadcast %slice3A_385 : vector<128x1xf32> to vector<128x128xf32>
    %sub3A_388 = arith.subf %sub3A_387, %slice3A_386 : vector<128x128xf32>
    %slice3A_389 = vector.extract_strided_slice %reshape3A {offsets = [0, 0], sizes = [1, 128], strides = [1, 1]} : vector<1x2048xf32> to vector<1x128xf32>
    %add3A_390 = vector.broadcast %slice3A_389 : vector<1x128xf32> to vector<128x128xf32>
    %add3A_391 = arith.addf %sub3A_388, %add3A_390 : vector<128x128xf32>
    %broadcast_in_dim3A_392 = arith.constant 0 : i32
    %broadcast_in_dim3A_393 = vector.broadcast %broadcast_in_dim3A_392 : i32 to vector<128x128xi32>
    %slice3A_394 = vector.extract_strided_slice %dot_general3A_8 {offsets = [256, 128], sizes = [128, 128], strides = [1, 1]} : vector<2048x2048xf32> to vector<128x128xf32>
    %sub3A_395 = vector.broadcast %slice3A_385 : vector<128x1xf32> to vector<128x128xf32>
    %sub3A_396 = arith.subf %sub3A_395, %slice3A_394 : vector<128x128xf32>
    %slice3A_397 = vector.extract_strided_slice %reshape3A {offsets = [0, 128], sizes = [1, 128], strides = [1, 1]} : vector<1x2048xf32> to vector<1x128xf32>
    %add3A_398 = vector.broadcast %slice3A_397 : vector<1x128xf32> to vector<128x128xf32>
    %add3A_399 = arith.addf %sub3A_396, %add3A_398 : vector<128x128xf32>
    %lt3A_400 = arith.cmpf olt, %add3A_399, %add3A_391 : vector<128x128xf32>
    %select_n3A_401 = arith.select %lt3A_400, %add3A_399, %add3A_391 : vector<128x128xi1>, vector<128x128xf32>
    %jit3A_402 = arith.constant 1 : i32
    %broadcast_in_dim3A_403 = vector.broadcast %jit3A_402 : i32 to vector<128x128xi32>
    %select_n3A_404 = arith.select %lt3A_400, %broadcast_in_dim3A_403, %broadcast_in_dim3A_393 : vector<128x128xi1>, vector<128x128xi32>
    %slice3A_405 = vector.extract_strided_slice %dot_general3A_8 {offsets = [256, 256], sizes = [128, 128], strides = [1, 1]} : vector<2048x2048xf32> to vector<128x128xf32>
    %sub3A_406 = vector.broadcast %slice3A_385 : vector<128x1xf32> to vector<128x128xf32>
    %sub3A_407 = arith.subf %sub3A_406, %slice3A_405 : vector<128x128xf32>
    %slice3A_408 = vector.extract_strided_slice %reshape3A {offsets = [0, 256], sizes = [1, 128], strides = [1, 1]} : vector<1x2048xf32> to vector<1x128xf32>
    %add3A_409 = vector.broadcast %slice3A_408 : vector<1x128xf32> to vector<128x128xf32>
    %add3A_410 = arith.addf %sub3A_407, %add3A_409 : vector<128x128xf32>
    %lt3A_411 = arith.cmpf olt, %add3A_410, %select_n3A_401 : vector<128x128xf32>
    %select_n3A_412 = arith.select %lt3A_411, %add3A_410, %select_n3A_401 : vector<128x128xi1>, vector<128x128xf32>
    %jit3A_413 = arith.constant 2 : i32
    %broadcast_in_dim3A_414 = vector.broadcast %jit3A_413 : i32 to vector<128x128xi32>
    %select_n3A_415 = arith.select %lt3A_411, %broadcast_in_dim3A_414, %select_n3A_404 : vector<128x128xi1>, vector<128x128xi32>
    %slice3A_416 = vector.extract_strided_slice %dot_general3A_8 {offsets = [256, 384], sizes = [128, 128], strides = [1, 1]} : vector<2048x2048xf32> to vector<128x128xf32>
    %sub3A_417 = vector.broadcast %slice3A_385 : vector<128x1xf32> to vector<128x128xf32>
    %sub3A_418 = arith.subf %sub3A_417, %slice3A_416 : vector<128x128xf32>
    %slice3A_419 = vector.extract_strided_slice %reshape3A {offsets = [0, 384], sizes = [1, 128], strides = [1, 1]} : vector<1x2048xf32> to vector<1x128xf32>
    %add3A_420 = vector.broadcast %slice3A_419 : vector<1x128xf32> to vector<128x128xf32>
    %add3A_421 = arith.addf %sub3A_418, %add3A_420 : vector<128x128xf32>
    %lt3A_422 = arith.cmpf olt, %add3A_421, %select_n3A_412 : vector<128x128xf32>
    %select_n3A_423 = arith.select %lt3A_422, %add3A_421, %select_n3A_412 : vector<128x128xi1>, vector<128x128xf32>
    %jit3A_424 = arith.constant 3 : i32
    %broadcast_in_dim3A_425 = vector.broadcast %jit3A_424 : i32 to vector<128x128xi32>
    %select_n3A_426 = arith.select %lt3A_422, %broadcast_in_dim3A_425, %select_n3A_415 : vector<128x128xi1>, vector<128x128xi32>
    %slice3A_427 = vector.extract_strided_slice %dot_general3A_8 {offsets = [256, 512], sizes = [128, 128], strides = [1, 1]} : vector<2048x2048xf32> to vector<128x128xf32>
    %sub3A_428 = vector.broadcast %slice3A_385 : vector<128x1xf32> to vector<128x128xf32>
    %sub3A_429 = arith.subf %sub3A_428, %slice3A_427 : vector<128x128xf32>
    %slice3A_430 = vector.extract_strided_slice %reshape3A {offsets = [0, 512], sizes = [1, 128], strides = [1, 1]} : vector<1x2048xf32> to vector<1x128xf32>
    %add3A_431 = vector.broadcast %slice3A_430 : vector<1x128xf32> to vector<128x128xf32>
    %add3A_432 = arith.addf %sub3A_429, %add3A_431 : vector<128x128xf32>
    %lt3A_433 = arith.cmpf olt, %add3A_432, %select_n3A_423 : vector<128x128xf32>
    %select_n3A_434 = arith.select %lt3A_433, %add3A_432, %select_n3A_423 : vector<128x128xi1>, vector<128x128xf32>
    %jit3A_435 = arith.constant 4 : i32
    %broadcast_in_dim3A_436 = vector.broadcast %jit3A_435 : i32 to vector<128x128xi32>
    %select_n3A_437 = arith.select %lt3A_433, %broadcast_in_dim3A_436, %select_n3A_426 : vector<128x128xi1>, vector<128x128xi32>
    %slice3A_438 = vector.extract_strided_slice %dot_general3A_8 {offsets = [256, 640], sizes = [128, 128], strides = [1, 1]} : vector<2048x2048xf32> to vector<128x128xf32>
    %sub3A_439 = vector.broadcast %slice3A_385 : vector<128x1xf32> to vector<128x128xf32>
    %sub3A_440 = arith.subf %sub3A_439, %slice3A_438 : vector<128x128xf32>
    %slice3A_441 = vector.extract_strided_slice %reshape3A {offsets = [0, 640], sizes = [1, 128], strides = [1, 1]} : vector<1x2048xf32> to vector<1x128xf32>
    %add3A_442 = vector.broadcast %slice3A_441 : vector<1x128xf32> to vector<128x128xf32>
    %add3A_443 = arith.addf %sub3A_440, %add3A_442 : vector<128x128xf32>
    %lt3A_444 = arith.cmpf olt, %add3A_443, %select_n3A_434 : vector<128x128xf32>
    %select_n3A_445 = arith.select %lt3A_444, %add3A_443, %select_n3A_434 : vector<128x128xi1>, vector<128x128xf32>
    %jit3A_446 = arith.constant 5 : i32
    %broadcast_in_dim3A_447 = vector.broadcast %jit3A_446 : i32 to vector<128x128xi32>
    %select_n3A_448 = arith.select %lt3A_444, %broadcast_in_dim3A_447, %select_n3A_437 : vector<128x128xi1>, vector<128x128xi32>
    %slice3A_449 = vector.extract_strided_slice %dot_general3A_8 {offsets = [256, 768], sizes = [128, 128], strides = [1, 1]} : vector<2048x2048xf32> to vector<128x128xf32>
    %sub3A_450 = vector.broadcast %slice3A_385 : vector<128x1xf32> to vector<128x128xf32>
    %sub3A_451 = arith.subf %sub3A_450, %slice3A_449 : vector<128x128xf32>
    %slice3A_452 = vector.extract_strided_slice %reshape3A {offsets = [0, 768], sizes = [1, 128], strides = [1, 1]} : vector<1x2048xf32> to vector<1x128xf32>
    %add3A_453 = vector.broadcast %slice3A_452 : vector<1x128xf32> to vector<128x128xf32>
    %add3A_454 = arith.addf %sub3A_451, %add3A_453 : vector<128x128xf32>
    %lt3A_455 = arith.cmpf olt, %add3A_454, %select_n3A_445 : vector<128x128xf32>
    %select_n3A_456 = arith.select %lt3A_455, %add3A_454, %select_n3A_445 : vector<128x128xi1>, vector<128x128xf32>
    %jit3A_457 = arith.constant 6 : i32
    %broadcast_in_dim3A_458 = vector.broadcast %jit3A_457 : i32 to vector<128x128xi32>
    %select_n3A_459 = arith.select %lt3A_455, %broadcast_in_dim3A_458, %select_n3A_448 : vector<128x128xi1>, vector<128x128xi32>
    %slice3A_460 = vector.extract_strided_slice %dot_general3A_8 {offsets = [256, 896], sizes = [128, 128], strides = [1, 1]} : vector<2048x2048xf32> to vector<128x128xf32>
    %sub3A_461 = vector.broadcast %slice3A_385 : vector<128x1xf32> to vector<128x128xf32>
    %sub3A_462 = arith.subf %sub3A_461, %slice3A_460 : vector<128x128xf32>
    %slice3A_463 = vector.extract_strided_slice %reshape3A {offsets = [0, 896], sizes = [1, 128], strides = [1, 1]} : vector<1x2048xf32> to vector<1x128xf32>
    %add3A_464 = vector.broadcast %slice3A_463 : vector<1x128xf32> to vector<128x128xf32>
    %add3A_465 = arith.addf %sub3A_462, %add3A_464 : vector<128x128xf32>
    %lt3A_466 = arith.cmpf olt, %add3A_465, %select_n3A_456 : vector<128x128xf32>
    %select_n3A_467 = arith.select %lt3A_466, %add3A_465, %select_n3A_456 : vector<128x128xi1>, vector<128x128xf32>
    %jit3A_468 = arith.constant 7 : i32
    %broadcast_in_dim3A_469 = vector.broadcast %jit3A_468 : i32 to vector<128x128xi32>
    %select_n3A_470 = arith.select %lt3A_466, %broadcast_in_dim3A_469, %select_n3A_459 : vector<128x128xi1>, vector<128x128xi32>
    %slice3A_471 = vector.extract_strided_slice %dot_general3A_8 {offsets = [256, 1024], sizes = [128, 128], strides = [1, 1]} : vector<2048x2048xf32> to vector<128x128xf32>
    %sub3A_472 = vector.broadcast %slice3A_385 : vector<128x1xf32> to vector<128x128xf32>
    %sub3A_473 = arith.subf %sub3A_472, %slice3A_471 : vector<128x128xf32>
    %slice3A_474 = vector.extract_strided_slice %reshape3A {offsets = [0, 1024], sizes = [1, 128], strides = [1, 1]} : vector<1x2048xf32> to vector<1x128xf32>
    %add3A_475 = vector.broadcast %slice3A_474 : vector<1x128xf32> to vector<128x128xf32>
    %add3A_476 = arith.addf %sub3A_473, %add3A_475 : vector<128x128xf32>
    %lt3A_477 = arith.cmpf olt, %add3A_476, %select_n3A_467 : vector<128x128xf32>
    %select_n3A_478 = arith.select %lt3A_477, %add3A_476, %select_n3A_467 : vector<128x128xi1>, vector<128x128xf32>
    %jit3A_479 = arith.constant 8 : i32
    %broadcast_in_dim3A_480 = vector.broadcast %jit3A_479 : i32 to vector<128x128xi32>
    %select_n3A_481 = arith.select %lt3A_477, %broadcast_in_dim3A_480, %select_n3A_470 : vector<128x128xi1>, vector<128x128xi32>
    %slice3A_482 = vector.extract_strided_slice %dot_general3A_8 {offsets = [256, 1152], sizes = [128, 128], strides = [1, 1]} : vector<2048x2048xf32> to vector<128x128xf32>
    %sub3A_483 = vector.broadcast %slice3A_385 : vector<128x1xf32> to vector<128x128xf32>
    %sub3A_484 = arith.subf %sub3A_483, %slice3A_482 : vector<128x128xf32>
    %slice3A_485 = vector.extract_strided_slice %reshape3A {offsets = [0, 1152], sizes = [1, 128], strides = [1, 1]} : vector<1x2048xf32> to vector<1x128xf32>
    %add3A_486 = vector.broadcast %slice3A_485 : vector<1x128xf32> to vector<128x128xf32>
    %add3A_487 = arith.addf %sub3A_484, %add3A_486 : vector<128x128xf32>
    %lt3A_488 = arith.cmpf olt, %add3A_487, %select_n3A_478 : vector<128x128xf32>
    %select_n3A_489 = arith.select %lt3A_488, %add3A_487, %select_n3A_478 : vector<128x128xi1>, vector<128x128xf32>
    %jit3A_490 = arith.constant 9 : i32
    %broadcast_in_dim3A_491 = vector.broadcast %jit3A_490 : i32 to vector<128x128xi32>
    %select_n3A_492 = arith.select %lt3A_488, %broadcast_in_dim3A_491, %select_n3A_481 : vector<128x128xi1>, vector<128x128xi32>
    %slice3A_493 = vector.extract_strided_slice %dot_general3A_8 {offsets = [256, 1280], sizes = [128, 128], strides = [1, 1]} : vector<2048x2048xf32> to vector<128x128xf32>
    %sub3A_494 = vector.broadcast %slice3A_385 : vector<128x1xf32> to vector<128x128xf32>
    %sub3A_495 = arith.subf %sub3A_494, %slice3A_493 : vector<128x128xf32>
    %slice3A_496 = vector.extract_strided_slice %reshape3A {offsets = [0, 1280], sizes = [1, 128], strides = [1, 1]} : vector<1x2048xf32> to vector<1x128xf32>
    %add3A_497 = vector.broadcast %slice3A_496 : vector<1x128xf32> to vector<128x128xf32>
    %add3A_498 = arith.addf %sub3A_495, %add3A_497 : vector<128x128xf32>
    %lt3A_499 = arith.cmpf olt, %add3A_498, %select_n3A_489 : vector<128x128xf32>
    %select_n3A_500 = arith.select %lt3A_499, %add3A_498, %select_n3A_489 : vector<128x128xi1>, vector<128x128xf32>
    %jit3A_501 = arith.constant 10 : i32
    %broadcast_in_dim3A_502 = vector.broadcast %jit3A_501 : i32 to vector<128x128xi32>
    %select_n3A_503 = arith.select %lt3A_499, %broadcast_in_dim3A_502, %select_n3A_492 : vector<128x128xi1>, vector<128x128xi32>
    %slice3A_504 = vector.extract_strided_slice %dot_general3A_8 {offsets = [256, 1408], sizes = [128, 128], strides = [1, 1]} : vector<2048x2048xf32> to vector<128x128xf32>
    %sub3A_505 = vector.broadcast %slice3A_385 : vector<128x1xf32> to vector<128x128xf32>
    %sub3A_506 = arith.subf %sub3A_505, %slice3A_504 : vector<128x128xf32>
    %slice3A_507 = vector.extract_strided_slice %reshape3A {offsets = [0, 1408], sizes = [1, 128], strides = [1, 1]} : vector<1x2048xf32> to vector<1x128xf32>
    %add3A_508 = vector.broadcast %slice3A_507 : vector<1x128xf32> to vector<128x128xf32>
    %add3A_509 = arith.addf %sub3A_506, %add3A_508 : vector<128x128xf32>
    %lt3A_510 = arith.cmpf olt, %add3A_509, %select_n3A_500 : vector<128x128xf32>
    %select_n3A_511 = arith.select %lt3A_510, %add3A_509, %select_n3A_500 : vector<128x128xi1>, vector<128x128xf32>
    %jit3A_512 = arith.constant 11 : i32
    %broadcast_in_dim3A_513 = vector.broadcast %jit3A_512 : i32 to vector<128x128xi32>
    %select_n3A_514 = arith.select %lt3A_510, %broadcast_in_dim3A_513, %select_n3A_503 : vector<128x128xi1>, vector<128x128xi32>
    %slice3A_515 = vector.extract_strided_slice %dot_general3A_8 {offsets = [256, 1536], sizes = [128, 128], strides = [1, 1]} : vector<2048x2048xf32> to vector<128x128xf32>
    %sub3A_516 = vector.broadcast %slice3A_385 : vector<128x1xf32> to vector<128x128xf32>
    %sub3A_517 = arith.subf %sub3A_516, %slice3A_515 : vector<128x128xf32>
    %slice3A_518 = vector.extract_strided_slice %reshape3A {offsets = [0, 1536], sizes = [1, 128], strides = [1, 1]} : vector<1x2048xf32> to vector<1x128xf32>
    %add3A_519 = vector.broadcast %slice3A_518 : vector<1x128xf32> to vector<128x128xf32>
    %add3A_520 = arith.addf %sub3A_517, %add3A_519 : vector<128x128xf32>
    %lt3A_521 = arith.cmpf olt, %add3A_520, %select_n3A_511 : vector<128x128xf32>
    %select_n3A_522 = arith.select %lt3A_521, %add3A_520, %select_n3A_511 : vector<128x128xi1>, vector<128x128xf32>
    %jit3A_523 = arith.constant 12 : i32
    %broadcast_in_dim3A_524 = vector.broadcast %jit3A_523 : i32 to vector<128x128xi32>
    %select_n3A_525 = arith.select %lt3A_521, %broadcast_in_dim3A_524, %select_n3A_514 : vector<128x128xi1>, vector<128x128xi32>
    %slice3A_526 = vector.extract_strided_slice %dot_general3A_8 {offsets = [256, 1664], sizes = [128, 128], strides = [1, 1]} : vector<2048x2048xf32> to vector<128x128xf32>
    %sub3A_527 = vector.broadcast %slice3A_385 : vector<128x1xf32> to vector<128x128xf32>
    %sub3A_528 = arith.subf %sub3A_527, %slice3A_526 : vector<128x128xf32>
    %slice3A_529 = vector.extract_strided_slice %reshape3A {offsets = [0, 1664], sizes = [1, 128], strides = [1, 1]} : vector<1x2048xf32> to vector<1x128xf32>
    %add3A_530 = vector.broadcast %slice3A_529 : vector<1x128xf32> to vector<128x128xf32>
    %add3A_531 = arith.addf %sub3A_528, %add3A_530 : vector<128x128xf32>
    %lt3A_532 = arith.cmpf olt, %add3A_531, %select_n3A_522 : vector<128x128xf32>
    %select_n3A_533 = arith.select %lt3A_532, %add3A_531, %select_n3A_522 : vector<128x128xi1>, vector<128x128xf32>
    %jit3A_534 = arith.constant 13 : i32
    %broadcast_in_dim3A_535 = vector.broadcast %jit3A_534 : i32 to vector<128x128xi32>
    %select_n3A_536 = arith.select %lt3A_532, %broadcast_in_dim3A_535, %select_n3A_525 : vector<128x128xi1>, vector<128x128xi32>
    %slice3A_537 = vector.extract_strided_slice %dot_general3A_8 {offsets = [256, 1792], sizes = [128, 128], strides = [1, 1]} : vector<2048x2048xf32> to vector<128x128xf32>
    %sub3A_538 = vector.broadcast %slice3A_385 : vector<128x1xf32> to vector<128x128xf32>
    %sub3A_539 = arith.subf %sub3A_538, %slice3A_537 : vector<128x128xf32>
    %slice3A_540 = vector.extract_strided_slice %reshape3A {offsets = [0, 1792], sizes = [1, 128], strides = [1, 1]} : vector<1x2048xf32> to vector<1x128xf32>
    %add3A_541 = vector.broadcast %slice3A_540 : vector<1x128xf32> to vector<128x128xf32>
    %add3A_542 = arith.addf %sub3A_539, %add3A_541 : vector<128x128xf32>
    %lt3A_543 = arith.cmpf olt, %add3A_542, %select_n3A_533 : vector<128x128xf32>
    %select_n3A_544 = arith.select %lt3A_543, %add3A_542, %select_n3A_533 : vector<128x128xi1>, vector<128x128xf32>
    %jit3A_545 = arith.constant 14 : i32
    %broadcast_in_dim3A_546 = vector.broadcast %jit3A_545 : i32 to vector<128x128xi32>
    %select_n3A_547 = arith.select %lt3A_543, %broadcast_in_dim3A_546, %select_n3A_536 : vector<128x128xi1>, vector<128x128xi32>
    %slice3A_548 = vector.extract_strided_slice %dot_general3A_8 {offsets = [256, 1920], sizes = [128, 128], strides = [1, 1]} : vector<2048x2048xf32> to vector<128x128xf32>
    %sub3A_549 = vector.broadcast %slice3A_385 : vector<128x1xf32> to vector<128x128xf32>
    %sub3A_550 = arith.subf %sub3A_549, %slice3A_548 : vector<128x128xf32>
    %slice3A_551 = vector.extract_strided_slice %reshape3A {offsets = [0, 1920], sizes = [1, 128], strides = [1, 1]} : vector<1x2048xf32> to vector<1x128xf32>
    %add3A_552 = vector.broadcast %slice3A_551 : vector<1x128xf32> to vector<128x128xf32>
    %add3A_553 = arith.addf %sub3A_550, %add3A_552 : vector<128x128xf32>
    %lt3A_554 = arith.cmpf olt, %add3A_553, %select_n3A_544 : vector<128x128xf32>
    %select_n3A_555 = arith.select %lt3A_554, %add3A_553, %select_n3A_544 : vector<128x128xi1>, vector<128x128xf32>
    %jit3A_556 = arith.constant 15 : i32
    %broadcast_in_dim3A_557 = vector.broadcast %jit3A_556 : i32 to vector<128x128xi32>
    %select_n3A_558 = arith.select %lt3A_554, %broadcast_in_dim3A_557, %select_n3A_547 : vector<128x128xi1>, vector<128x128xi32>
    %mul3A_559 = arith.constant 128 : i32
    %mul3A_560 = vector.broadcast %mul3A_559 : i32 to vector<128x128xi32>
    %mul3A_561 = arith.muli %select_n3A_558, %mul3A_560 : vector<128x128xi32>
    %add3A_562 = arith.addi %mul3A_561, %iota3A : vector<128x128xi32>
    %reduce_min3A_563 = arith.constant dense<0x7F800000> : vector<128xf32>
    %reduce_min3A_564 = vector.multi_reduction <minimumf>, %select_n3A_555, %reduce_min3A_563 [1] : vector<128x128xf32> to vector<128xf32>
    %broadcast_in_dim3A_565 = vector.shape_cast %reduce_min3A_564 : vector<128xf32> to vector<128x1xf32>
    %eq3A_566 = vector.broadcast %broadcast_in_dim3A_565 : vector<128x1xf32> to vector<128x128xf32>
    %eq3A_567 = arith.cmpf oeq, %select_n3A_555, %eq3A_566 : vector<128x128xf32>
    %jit3A_568 = arith.constant 2048 : i32
    %broadcast_in_dim3A_569 = vector.broadcast %jit3A_568 : i32 to vector<128x128xi32>
    %select_n3A_570 = arith.select %eq3A_567, %add3A_562, %broadcast_in_dim3A_569 : vector<128x128xi1>, vector<128x128xi32>
    %reduce_min3A_571 = arith.constant dense<2147483647> : vector<128xi32>
    %reduce_min3A_572 = vector.multi_reduction <minsi>, %select_n3A_570, %reduce_min3A_571 [1] : vector<128x128xi32> to vector<128xi32>
    %broadcast_in_dim3A_573 = vector.shape_cast %reduce_min3A_572 : vector<128xi32> to vector<128x1xi32>
    %slice3A_574 = vector.extract_strided_slice %get3A_11 {offsets = [384, 0], sizes = [128, 1], strides = [1, 1]} : vector<2048x1xf32> to vector<128x1xf32>
    %slice3A_575 = vector.extract_strided_slice %dot_general3A_8 {offsets = [384, 0], sizes = [128, 128], strides = [1, 1]} : vector<2048x2048xf32> to vector<128x128xf32>
    %sub3A_576 = vector.broadcast %slice3A_574 : vector<128x1xf32> to vector<128x128xf32>
    %sub3A_577 = arith.subf %sub3A_576, %slice3A_575 : vector<128x128xf32>
    %slice3A_578 = vector.extract_strided_slice %reshape3A {offsets = [0, 0], sizes = [1, 128], strides = [1, 1]} : vector<1x2048xf32> to vector<1x128xf32>
    %add3A_579 = vector.broadcast %slice3A_578 : vector<1x128xf32> to vector<128x128xf32>
    %add3A_580 = arith.addf %sub3A_577, %add3A_579 : vector<128x128xf32>
    %broadcast_in_dim3A_581 = arith.constant 0 : i32
    %broadcast_in_dim3A_582 = vector.broadcast %broadcast_in_dim3A_581 : i32 to vector<128x128xi32>
    %slice3A_583 = vector.extract_strided_slice %dot_general3A_8 {offsets = [384, 128], sizes = [128, 128], strides = [1, 1]} : vector<2048x2048xf32> to vector<128x128xf32>
    %sub3A_584 = vector.broadcast %slice3A_574 : vector<128x1xf32> to vector<128x128xf32>
    %sub3A_585 = arith.subf %sub3A_584, %slice3A_583 : vector<128x128xf32>
    %slice3A_586 = vector.extract_strided_slice %reshape3A {offsets = [0, 128], sizes = [1, 128], strides = [1, 1]} : vector<1x2048xf32> to vector<1x128xf32>
    %add3A_587 = vector.broadcast %slice3A_586 : vector<1x128xf32> to vector<128x128xf32>
    %add3A_588 = arith.addf %sub3A_585, %add3A_587 : vector<128x128xf32>
    %lt3A_589 = arith.cmpf olt, %add3A_588, %add3A_580 : vector<128x128xf32>
    %select_n3A_590 = arith.select %lt3A_589, %add3A_588, %add3A_580 : vector<128x128xi1>, vector<128x128xf32>
    %jit3A_591 = arith.constant 1 : i32
    %broadcast_in_dim3A_592 = vector.broadcast %jit3A_591 : i32 to vector<128x128xi32>
    %select_n3A_593 = arith.select %lt3A_589, %broadcast_in_dim3A_592, %broadcast_in_dim3A_582 : vector<128x128xi1>, vector<128x128xi32>
    %slice3A_594 = vector.extract_strided_slice %dot_general3A_8 {offsets = [384, 256], sizes = [128, 128], strides = [1, 1]} : vector<2048x2048xf32> to vector<128x128xf32>
    %sub3A_595 = vector.broadcast %slice3A_574 : vector<128x1xf32> to vector<128x128xf32>
    %sub3A_596 = arith.subf %sub3A_595, %slice3A_594 : vector<128x128xf32>
    %slice3A_597 = vector.extract_strided_slice %reshape3A {offsets = [0, 256], sizes = [1, 128], strides = [1, 1]} : vector<1x2048xf32> to vector<1x128xf32>
    %add3A_598 = vector.broadcast %slice3A_597 : vector<1x128xf32> to vector<128x128xf32>
    %add3A_599 = arith.addf %sub3A_596, %add3A_598 : vector<128x128xf32>
    %lt3A_600 = arith.cmpf olt, %add3A_599, %select_n3A_590 : vector<128x128xf32>
    %select_n3A_601 = arith.select %lt3A_600, %add3A_599, %select_n3A_590 : vector<128x128xi1>, vector<128x128xf32>
    %jit3A_602 = arith.constant 2 : i32
    %broadcast_in_dim3A_603 = vector.broadcast %jit3A_602 : i32 to vector<128x128xi32>
    %select_n3A_604 = arith.select %lt3A_600, %broadcast_in_dim3A_603, %select_n3A_593 : vector<128x128xi1>, vector<128x128xi32>
    %slice3A_605 = vector.extract_strided_slice %dot_general3A_8 {offsets = [384, 384], sizes = [128, 128], strides = [1, 1]} : vector<2048x2048xf32> to vector<128x128xf32>
    %sub3A_606 = vector.broadcast %slice3A_574 : vector<128x1xf32> to vector<128x128xf32>
    %sub3A_607 = arith.subf %sub3A_606, %slice3A_605 : vector<128x128xf32>
    %slice3A_608 = vector.extract_strided_slice %reshape3A {offsets = [0, 384], sizes = [1, 128], strides = [1, 1]} : vector<1x2048xf32> to vector<1x128xf32>
    %add3A_609 = vector.broadcast %slice3A_608 : vector<1x128xf32> to vector<128x128xf32>
    %add3A_610 = arith.addf %sub3A_607, %add3A_609 : vector<128x128xf32>
    %lt3A_611 = arith.cmpf olt, %add3A_610, %select_n3A_601 : vector<128x128xf32>
    %select_n3A_612 = arith.select %lt3A_611, %add3A_610, %select_n3A_601 : vector<128x128xi1>, vector<128x128xf32>
    %jit3A_613 = arith.constant 3 : i32
    %broadcast_in_dim3A_614 = vector.broadcast %jit3A_613 : i32 to vector<128x128xi32>
    %select_n3A_615 = arith.select %lt3A_611, %broadcast_in_dim3A_614, %select_n3A_604 : vector<128x128xi1>, vector<128x128xi32>
    %slice3A_616 = vector.extract_strided_slice %dot_general3A_8 {offsets = [384, 512], sizes = [128, 128], strides = [1, 1]} : vector<2048x2048xf32> to vector<128x128xf32>
    %sub3A_617 = vector.broadcast %slice3A_574 : vector<128x1xf32> to vector<128x128xf32>
    %sub3A_618 = arith.subf %sub3A_617, %slice3A_616 : vector<128x128xf32>
    %slice3A_619 = vector.extract_strided_slice %reshape3A {offsets = [0, 512], sizes = [1, 128], strides = [1, 1]} : vector<1x2048xf32> to vector<1x128xf32>
    %add3A_620 = vector.broadcast %slice3A_619 : vector<1x128xf32> to vector<128x128xf32>
    %add3A_621 = arith.addf %sub3A_618, %add3A_620 : vector<128x128xf32>
    %lt3A_622 = arith.cmpf olt, %add3A_621, %select_n3A_612 : vector<128x128xf32>
    %select_n3A_623 = arith.select %lt3A_622, %add3A_621, %select_n3A_612 : vector<128x128xi1>, vector<128x128xf32>
    %jit3A_624 = arith.constant 4 : i32
    %broadcast_in_dim3A_625 = vector.broadcast %jit3A_624 : i32 to vector<128x128xi32>
    %select_n3A_626 = arith.select %lt3A_622, %broadcast_in_dim3A_625, %select_n3A_615 : vector<128x128xi1>, vector<128x128xi32>
    %slice3A_627 = vector.extract_strided_slice %dot_general3A_8 {offsets = [384, 640], sizes = [128, 128], strides = [1, 1]} : vector<2048x2048xf32> to vector<128x128xf32>
    %sub3A_628 = vector.broadcast %slice3A_574 : vector<128x1xf32> to vector<128x128xf32>
    %sub3A_629 = arith.subf %sub3A_628, %slice3A_627 : vector<128x128xf32>
    %slice3A_630 = vector.extract_strided_slice %reshape3A {offsets = [0, 640], sizes = [1, 128], strides = [1, 1]} : vector<1x2048xf32> to vector<1x128xf32>
    %add3A_631 = vector.broadcast %slice3A_630 : vector<1x128xf32> to vector<128x128xf32>
    %add3A_632 = arith.addf %sub3A_629, %add3A_631 : vector<128x128xf32>
    %lt3A_633 = arith.cmpf olt, %add3A_632, %select_n3A_623 : vector<128x128xf32>
    %select_n3A_634 = arith.select %lt3A_633, %add3A_632, %select_n3A_623 : vector<128x128xi1>, vector<128x128xf32>
    %jit3A_635 = arith.constant 5 : i32
    %broadcast_in_dim3A_636 = vector.broadcast %jit3A_635 : i32 to vector<128x128xi32>
    %select_n3A_637 = arith.select %lt3A_633, %broadcast_in_dim3A_636, %select_n3A_626 : vector<128x128xi1>, vector<128x128xi32>
    %slice3A_638 = vector.extract_strided_slice %dot_general3A_8 {offsets = [384, 768], sizes = [128, 128], strides = [1, 1]} : vector<2048x2048xf32> to vector<128x128xf32>
    %sub3A_639 = vector.broadcast %slice3A_574 : vector<128x1xf32> to vector<128x128xf32>
    %sub3A_640 = arith.subf %sub3A_639, %slice3A_638 : vector<128x128xf32>
    %slice3A_641 = vector.extract_strided_slice %reshape3A {offsets = [0, 768], sizes = [1, 128], strides = [1, 1]} : vector<1x2048xf32> to vector<1x128xf32>
    %add3A_642 = vector.broadcast %slice3A_641 : vector<1x128xf32> to vector<128x128xf32>
    %add3A_643 = arith.addf %sub3A_640, %add3A_642 : vector<128x128xf32>
    %lt3A_644 = arith.cmpf olt, %add3A_643, %select_n3A_634 : vector<128x128xf32>
    %select_n3A_645 = arith.select %lt3A_644, %add3A_643, %select_n3A_634 : vector<128x128xi1>, vector<128x128xf32>
    %jit3A_646 = arith.constant 6 : i32
    %broadcast_in_dim3A_647 = vector.broadcast %jit3A_646 : i32 to vector<128x128xi32>
    %select_n3A_648 = arith.select %lt3A_644, %broadcast_in_dim3A_647, %select_n3A_637 : vector<128x128xi1>, vector<128x128xi32>
    %slice3A_649 = vector.extract_strided_slice %dot_general3A_8 {offsets = [384, 896], sizes = [128, 128], strides = [1, 1]} : vector<2048x2048xf32> to vector<128x128xf32>
    %sub3A_650 = vector.broadcast %slice3A_574 : vector<128x1xf32> to vector<128x128xf32>
    %sub3A_651 = arith.subf %sub3A_650, %slice3A_649 : vector<128x128xf32>
    %slice3A_652 = vector.extract_strided_slice %reshape3A {offsets = [0, 896], sizes = [1, 128], strides = [1, 1]} : vector<1x2048xf32> to vector<1x128xf32>
    %add3A_653 = vector.broadcast %slice3A_652 : vector<1x128xf32> to vector<128x128xf32>
    %add3A_654 = arith.addf %sub3A_651, %add3A_653 : vector<128x128xf32>
    %lt3A_655 = arith.cmpf olt, %add3A_654, %select_n3A_645 : vector<128x128xf32>
    %select_n3A_656 = arith.select %lt3A_655, %add3A_654, %select_n3A_645 : vector<128x128xi1>, vector<128x128xf32>
    %jit3A_657 = arith.constant 7 : i32
    %broadcast_in_dim3A_658 = vector.broadcast %jit3A_657 : i32 to vector<128x128xi32>
    %select_n3A_659 = arith.select %lt3A_655, %broadcast_in_dim3A_658, %select_n3A_648 : vector<128x128xi1>, vector<128x128xi32>
    %slice3A_660 = vector.extract_strided_slice %dot_general3A_8 {offsets = [384, 1024], sizes = [128, 128], strides = [1, 1]} : vector<2048x2048xf32> to vector<128x128xf32>
    %sub3A_661 = vector.broadcast %slice3A_574 : vector<128x1xf32> to vector<128x128xf32>
    %sub3A_662 = arith.subf %sub3A_661, %slice3A_660 : vector<128x128xf32>
    %slice3A_663 = vector.extract_strided_slice %reshape3A {offsets = [0, 1024], sizes = [1, 128], strides = [1, 1]} : vector<1x2048xf32> to vector<1x128xf32>
    %add3A_664 = vector.broadcast %slice3A_663 : vector<1x128xf32> to vector<128x128xf32>
    %add3A_665 = arith.addf %sub3A_662, %add3A_664 : vector<128x128xf32>
    %lt3A_666 = arith.cmpf olt, %add3A_665, %select_n3A_656 : vector<128x128xf32>
    %select_n3A_667 = arith.select %lt3A_666, %add3A_665, %select_n3A_656 : vector<128x128xi1>, vector<128x128xf32>
    %jit3A_668 = arith.constant 8 : i32
    %broadcast_in_dim3A_669 = vector.broadcast %jit3A_668 : i32 to vector<128x128xi32>
    %select_n3A_670 = arith.select %lt3A_666, %broadcast_in_dim3A_669, %select_n3A_659 : vector<128x128xi1>, vector<128x128xi32>
    %slice3A_671 = vector.extract_strided_slice %dot_general3A_8 {offsets = [384, 1152], sizes = [128, 128], strides = [1, 1]} : vector<2048x2048xf32> to vector<128x128xf32>
    %sub3A_672 = vector.broadcast %slice3A_574 : vector<128x1xf32> to vector<128x128xf32>
    %sub3A_673 = arith.subf %sub3A_672, %slice3A_671 : vector<128x128xf32>
    %slice3A_674 = vector.extract_strided_slice %reshape3A {offsets = [0, 1152], sizes = [1, 128], strides = [1, 1]} : vector<1x2048xf32> to vector<1x128xf32>
    %add3A_675 = vector.broadcast %slice3A_674 : vector<1x128xf32> to vector<128x128xf32>
    %add3A_676 = arith.addf %sub3A_673, %add3A_675 : vector<128x128xf32>
    %lt3A_677 = arith.cmpf olt, %add3A_676, %select_n3A_667 : vector<128x128xf32>
    %select_n3A_678 = arith.select %lt3A_677, %add3A_676, %select_n3A_667 : vector<128x128xi1>, vector<128x128xf32>
    %jit3A_679 = arith.constant 9 : i32
    %broadcast_in_dim3A_680 = vector.broadcast %jit3A_679 : i32 to vector<128x128xi32>
    %select_n3A_681 = arith.select %lt3A_677, %broadcast_in_dim3A_680, %select_n3A_670 : vector<128x128xi1>, vector<128x128xi32>
    %slice3A_682 = vector.extract_strided_slice %dot_general3A_8 {offsets = [384, 1280], sizes = [128, 128], strides = [1, 1]} : vector<2048x2048xf32> to vector<128x128xf32>
    %sub3A_683 = vector.broadcast %slice3A_574 : vector<128x1xf32> to vector<128x128xf32>
    %sub3A_684 = arith.subf %sub3A_683, %slice3A_682 : vector<128x128xf32>
    %slice3A_685 = vector.extract_strided_slice %reshape3A {offsets = [0, 1280], sizes = [1, 128], strides = [1, 1]} : vector<1x2048xf32> to vector<1x128xf32>
    %add3A_686 = vector.broadcast %slice3A_685 : vector<1x128xf32> to vector<128x128xf32>
    %add3A_687 = arith.addf %sub3A_684, %add3A_686 : vector<128x128xf32>
    %lt3A_688 = arith.cmpf olt, %add3A_687, %select_n3A_678 : vector<128x128xf32>
    %select_n3A_689 = arith.select %lt3A_688, %add3A_687, %select_n3A_678 : vector<128x128xi1>, vector<128x128xf32>
    %jit3A_690 = arith.constant 10 : i32
    %broadcast_in_dim3A_691 = vector.broadcast %jit3A_690 : i32 to vector<128x128xi32>
    %select_n3A_692 = arith.select %lt3A_688, %broadcast_in_dim3A_691, %select_n3A_681 : vector<128x128xi1>, vector<128x128xi32>
    %slice3A_693 = vector.extract_strided_slice %dot_general3A_8 {offsets = [384, 1408], sizes = [128, 128], strides = [1, 1]} : vector<2048x2048xf32> to vector<128x128xf32>
    %sub3A_694 = vector.broadcast %slice3A_574 : vector<128x1xf32> to vector<128x128xf32>
    %sub3A_695 = arith.subf %sub3A_694, %slice3A_693 : vector<128x128xf32>
    %slice3A_696 = vector.extract_strided_slice %reshape3A {offsets = [0, 1408], sizes = [1, 128], strides = [1, 1]} : vector<1x2048xf32> to vector<1x128xf32>
    %add3A_697 = vector.broadcast %slice3A_696 : vector<1x128xf32> to vector<128x128xf32>
    %add3A_698 = arith.addf %sub3A_695, %add3A_697 : vector<128x128xf32>
    %lt3A_699 = arith.cmpf olt, %add3A_698, %select_n3A_689 : vector<128x128xf32>
    %select_n3A_700 = arith.select %lt3A_699, %add3A_698, %select_n3A_689 : vector<128x128xi1>, vector<128x128xf32>
    %jit3A_701 = arith.constant 11 : i32
    %broadcast_in_dim3A_702 = vector.broadcast %jit3A_701 : i32 to vector<128x128xi32>
    %select_n3A_703 = arith.select %lt3A_699, %broadcast_in_dim3A_702, %select_n3A_692 : vector<128x128xi1>, vector<128x128xi32>
    %slice3A_704 = vector.extract_strided_slice %dot_general3A_8 {offsets = [384, 1536], sizes = [128, 128], strides = [1, 1]} : vector<2048x2048xf32> to vector<128x128xf32>
    %sub3A_705 = vector.broadcast %slice3A_574 : vector<128x1xf32> to vector<128x128xf32>
    %sub3A_706 = arith.subf %sub3A_705, %slice3A_704 : vector<128x128xf32>
    %slice3A_707 = vector.extract_strided_slice %reshape3A {offsets = [0, 1536], sizes = [1, 128], strides = [1, 1]} : vector<1x2048xf32> to vector<1x128xf32>
    %add3A_708 = vector.broadcast %slice3A_707 : vector<1x128xf32> to vector<128x128xf32>
    %add3A_709 = arith.addf %sub3A_706, %add3A_708 : vector<128x128xf32>
    %lt3A_710 = arith.cmpf olt, %add3A_709, %select_n3A_700 : vector<128x128xf32>
    %select_n3A_711 = arith.select %lt3A_710, %add3A_709, %select_n3A_700 : vector<128x128xi1>, vector<128x128xf32>
    %jit3A_712 = arith.constant 12 : i32
    %broadcast_in_dim3A_713 = vector.broadcast %jit3A_712 : i32 to vector<128x128xi32>
    %select_n3A_714 = arith.select %lt3A_710, %broadcast_in_dim3A_713, %select_n3A_703 : vector<128x128xi1>, vector<128x128xi32>
    %slice3A_715 = vector.extract_strided_slice %dot_general3A_8 {offsets = [384, 1664], sizes = [128, 128], strides = [1, 1]} : vector<2048x2048xf32> to vector<128x128xf32>
    %sub3A_716 = vector.broadcast %slice3A_574 : vector<128x1xf32> to vector<128x128xf32>
    %sub3A_717 = arith.subf %sub3A_716, %slice3A_715 : vector<128x128xf32>
    %slice3A_718 = vector.extract_strided_slice %reshape3A {offsets = [0, 1664], sizes = [1, 128], strides = [1, 1]} : vector<1x2048xf32> to vector<1x128xf32>
    %add3A_719 = vector.broadcast %slice3A_718 : vector<1x128xf32> to vector<128x128xf32>
    %add3A_720 = arith.addf %sub3A_717, %add3A_719 : vector<128x128xf32>
    %lt3A_721 = arith.cmpf olt, %add3A_720, %select_n3A_711 : vector<128x128xf32>
    %select_n3A_722 = arith.select %lt3A_721, %add3A_720, %select_n3A_711 : vector<128x128xi1>, vector<128x128xf32>
    %jit3A_723 = arith.constant 13 : i32
    %broadcast_in_dim3A_724 = vector.broadcast %jit3A_723 : i32 to vector<128x128xi32>
    %select_n3A_725 = arith.select %lt3A_721, %broadcast_in_dim3A_724, %select_n3A_714 : vector<128x128xi1>, vector<128x128xi32>
    %slice3A_726 = vector.extract_strided_slice %dot_general3A_8 {offsets = [384, 1792], sizes = [128, 128], strides = [1, 1]} : vector<2048x2048xf32> to vector<128x128xf32>
    %sub3A_727 = vector.broadcast %slice3A_574 : vector<128x1xf32> to vector<128x128xf32>
    %sub3A_728 = arith.subf %sub3A_727, %slice3A_726 : vector<128x128xf32>
    %slice3A_729 = vector.extract_strided_slice %reshape3A {offsets = [0, 1792], sizes = [1, 128], strides = [1, 1]} : vector<1x2048xf32> to vector<1x128xf32>
    %add3A_730 = vector.broadcast %slice3A_729 : vector<1x128xf32> to vector<128x128xf32>
    %add3A_731 = arith.addf %sub3A_728, %add3A_730 : vector<128x128xf32>
    %lt3A_732 = arith.cmpf olt, %add3A_731, %select_n3A_722 : vector<128x128xf32>
    %select_n3A_733 = arith.select %lt3A_732, %add3A_731, %select_n3A_722 : vector<128x128xi1>, vector<128x128xf32>
    %jit3A_734 = arith.constant 14 : i32
    %broadcast_in_dim3A_735 = vector.broadcast %jit3A_734 : i32 to vector<128x128xi32>
    %select_n3A_736 = arith.select %lt3A_732, %broadcast_in_dim3A_735, %select_n3A_725 : vector<128x128xi1>, vector<128x128xi32>
    %slice3A_737 = vector.extract_strided_slice %dot_general3A_8 {offsets = [384, 1920], sizes = [128, 128], strides = [1, 1]} : vector<2048x2048xf32> to vector<128x128xf32>
    %sub3A_738 = vector.broadcast %slice3A_574 : vector<128x1xf32> to vector<128x128xf32>
    %sub3A_739 = arith.subf %sub3A_738, %slice3A_737 : vector<128x128xf32>
    %slice3A_740 = vector.extract_strided_slice %reshape3A {offsets = [0, 1920], sizes = [1, 128], strides = [1, 1]} : vector<1x2048xf32> to vector<1x128xf32>
    %add3A_741 = vector.broadcast %slice3A_740 : vector<1x128xf32> to vector<128x128xf32>
    %add3A_742 = arith.addf %sub3A_739, %add3A_741 : vector<128x128xf32>
    %lt3A_743 = arith.cmpf olt, %add3A_742, %select_n3A_733 : vector<128x128xf32>
    %select_n3A_744 = arith.select %lt3A_743, %add3A_742, %select_n3A_733 : vector<128x128xi1>, vector<128x128xf32>
    %jit3A_745 = arith.constant 15 : i32
    %broadcast_in_dim3A_746 = vector.broadcast %jit3A_745 : i32 to vector<128x128xi32>
    %select_n3A_747 = arith.select %lt3A_743, %broadcast_in_dim3A_746, %select_n3A_736 : vector<128x128xi1>, vector<128x128xi32>
    %mul3A_748 = arith.constant 128 : i32
    %mul3A_749 = vector.broadcast %mul3A_748 : i32 to vector<128x128xi32>
    %mul3A_750 = arith.muli %select_n3A_747, %mul3A_749 : vector<128x128xi32>
    %add3A_751 = arith.addi %mul3A_750, %iota3A : vector<128x128xi32>
    %reduce_min3A_752 = arith.constant dense<0x7F800000> : vector<128xf32>
    %reduce_min3A_753 = vector.multi_reduction <minimumf>, %select_n3A_744, %reduce_min3A_752 [1] : vector<128x128xf32> to vector<128xf32>
    %broadcast_in_dim3A_754 = vector.shape_cast %reduce_min3A_753 : vector<128xf32> to vector<128x1xf32>
    %eq3A_755 = vector.broadcast %broadcast_in_dim3A_754 : vector<128x1xf32> to vector<128x128xf32>
    %eq3A_756 = arith.cmpf oeq, %select_n3A_744, %eq3A_755 : vector<128x128xf32>
    %jit3A_757 = arith.constant 2048 : i32
    %broadcast_in_dim3A_758 = vector.broadcast %jit3A_757 : i32 to vector<128x128xi32>
    %select_n3A_759 = arith.select %eq3A_756, %add3A_751, %broadcast_in_dim3A_758 : vector<128x128xi1>, vector<128x128xi32>
    %reduce_min3A_760 = arith.constant dense<2147483647> : vector<128xi32>
    %reduce_min3A_761 = vector.multi_reduction <minsi>, %select_n3A_759, %reduce_min3A_760 [1] : vector<128x128xi32> to vector<128xi32>
    %broadcast_in_dim3A_762 = vector.shape_cast %reduce_min3A_761 : vector<128xi32> to vector<128x1xi32>
    %slice3A_763 = vector.extract_strided_slice %get3A_11 {offsets = [512, 0], sizes = [128, 1], strides = [1, 1]} : vector<2048x1xf32> to vector<128x1xf32>
    %slice3A_764 = vector.extract_strided_slice %dot_general3A_8 {offsets = [512, 0], sizes = [128, 128], strides = [1, 1]} : vector<2048x2048xf32> to vector<128x128xf32>
    %sub3A_765 = vector.broadcast %slice3A_763 : vector<128x1xf32> to vector<128x128xf32>
    %sub3A_766 = arith.subf %sub3A_765, %slice3A_764 : vector<128x128xf32>
    %slice3A_767 = vector.extract_strided_slice %reshape3A {offsets = [0, 0], sizes = [1, 128], strides = [1, 1]} : vector<1x2048xf32> to vector<1x128xf32>
    %add3A_768 = vector.broadcast %slice3A_767 : vector<1x128xf32> to vector<128x128xf32>
    %add3A_769 = arith.addf %sub3A_766, %add3A_768 : vector<128x128xf32>
    %broadcast_in_dim3A_770 = arith.constant 0 : i32
    %broadcast_in_dim3A_771 = vector.broadcast %broadcast_in_dim3A_770 : i32 to vector<128x128xi32>
    %slice3A_772 = vector.extract_strided_slice %dot_general3A_8 {offsets = [512, 128], sizes = [128, 128], strides = [1, 1]} : vector<2048x2048xf32> to vector<128x128xf32>
    %sub3A_773 = vector.broadcast %slice3A_763 : vector<128x1xf32> to vector<128x128xf32>
    %sub3A_774 = arith.subf %sub3A_773, %slice3A_772 : vector<128x128xf32>
    %slice3A_775 = vector.extract_strided_slice %reshape3A {offsets = [0, 128], sizes = [1, 128], strides = [1, 1]} : vector<1x2048xf32> to vector<1x128xf32>
    %add3A_776 = vector.broadcast %slice3A_775 : vector<1x128xf32> to vector<128x128xf32>
    %add3A_777 = arith.addf %sub3A_774, %add3A_776 : vector<128x128xf32>
    %lt3A_778 = arith.cmpf olt, %add3A_777, %add3A_769 : vector<128x128xf32>
    %select_n3A_779 = arith.select %lt3A_778, %add3A_777, %add3A_769 : vector<128x128xi1>, vector<128x128xf32>
    %jit3A_780 = arith.constant 1 : i32
    %broadcast_in_dim3A_781 = vector.broadcast %jit3A_780 : i32 to vector<128x128xi32>
    %select_n3A_782 = arith.select %lt3A_778, %broadcast_in_dim3A_781, %broadcast_in_dim3A_771 : vector<128x128xi1>, vector<128x128xi32>
    %slice3A_783 = vector.extract_strided_slice %dot_general3A_8 {offsets = [512, 256], sizes = [128, 128], strides = [1, 1]} : vector<2048x2048xf32> to vector<128x128xf32>
    %sub3A_784 = vector.broadcast %slice3A_763 : vector<128x1xf32> to vector<128x128xf32>
    %sub3A_785 = arith.subf %sub3A_784, %slice3A_783 : vector<128x128xf32>
    %slice3A_786 = vector.extract_strided_slice %reshape3A {offsets = [0, 256], sizes = [1, 128], strides = [1, 1]} : vector<1x2048xf32> to vector<1x128xf32>
    %add3A_787 = vector.broadcast %slice3A_786 : vector<1x128xf32> to vector<128x128xf32>
    %add3A_788 = arith.addf %sub3A_785, %add3A_787 : vector<128x128xf32>
    %lt3A_789 = arith.cmpf olt, %add3A_788, %select_n3A_779 : vector<128x128xf32>
    %select_n3A_790 = arith.select %lt3A_789, %add3A_788, %select_n3A_779 : vector<128x128xi1>, vector<128x128xf32>
    %jit3A_791 = arith.constant 2 : i32
    %broadcast_in_dim3A_792 = vector.broadcast %jit3A_791 : i32 to vector<128x128xi32>
    %select_n3A_793 = arith.select %lt3A_789, %broadcast_in_dim3A_792, %select_n3A_782 : vector<128x128xi1>, vector<128x128xi32>
    %slice3A_794 = vector.extract_strided_slice %dot_general3A_8 {offsets = [512, 384], sizes = [128, 128], strides = [1, 1]} : vector<2048x2048xf32> to vector<128x128xf32>
    %sub3A_795 = vector.broadcast %slice3A_763 : vector<128x1xf32> to vector<128x128xf32>
    %sub3A_796 = arith.subf %sub3A_795, %slice3A_794 : vector<128x128xf32>
    %slice3A_797 = vector.extract_strided_slice %reshape3A {offsets = [0, 384], sizes = [1, 128], strides = [1, 1]} : vector<1x2048xf32> to vector<1x128xf32>
    %add3A_798 = vector.broadcast %slice3A_797 : vector<1x128xf32> to vector<128x128xf32>
    %add3A_799 = arith.addf %sub3A_796, %add3A_798 : vector<128x128xf32>
    %lt3A_800 = arith.cmpf olt, %add3A_799, %select_n3A_790 : vector<128x128xf32>
    %select_n3A_801 = arith.select %lt3A_800, %add3A_799, %select_n3A_790 : vector<128x128xi1>, vector<128x128xf32>
    %jit3A_802 = arith.constant 3 : i32
    %broadcast_in_dim3A_803 = vector.broadcast %jit3A_802 : i32 to vector<128x128xi32>
    %select_n3A_804 = arith.select %lt3A_800, %broadcast_in_dim3A_803, %select_n3A_793 : vector<128x128xi1>, vector<128x128xi32>
    %slice3A_805 = vector.extract_strided_slice %dot_general3A_8 {offsets = [512, 512], sizes = [128, 128], strides = [1, 1]} : vector<2048x2048xf32> to vector<128x128xf32>
    %sub3A_806 = vector.broadcast %slice3A_763 : vector<128x1xf32> to vector<128x128xf32>
    %sub3A_807 = arith.subf %sub3A_806, %slice3A_805 : vector<128x128xf32>
    %slice3A_808 = vector.extract_strided_slice %reshape3A {offsets = [0, 512], sizes = [1, 128], strides = [1, 1]} : vector<1x2048xf32> to vector<1x128xf32>
    %add3A_809 = vector.broadcast %slice3A_808 : vector<1x128xf32> to vector<128x128xf32>
    %add3A_810 = arith.addf %sub3A_807, %add3A_809 : vector<128x128xf32>
    %lt3A_811 = arith.cmpf olt, %add3A_810, %select_n3A_801 : vector<128x128xf32>
    %select_n3A_812 = arith.select %lt3A_811, %add3A_810, %select_n3A_801 : vector<128x128xi1>, vector<128x128xf32>
    %jit3A_813 = arith.constant 4 : i32
    %broadcast_in_dim3A_814 = vector.broadcast %jit3A_813 : i32 to vector<128x128xi32>
    %select_n3A_815 = arith.select %lt3A_811, %broadcast_in_dim3A_814, %select_n3A_804 : vector<128x128xi1>, vector<128x128xi32>
    %slice3A_816 = vector.extract_strided_slice %dot_general3A_8 {offsets = [512, 640], sizes = [128, 128], strides = [1, 1]} : vector<2048x2048xf32> to vector<128x128xf32>
    %sub3A_817 = vector.broadcast %slice3A_763 : vector<128x1xf32> to vector<128x128xf32>
    %sub3A_818 = arith.subf %sub3A_817, %slice3A_816 : vector<128x128xf32>
    %slice3A_819 = vector.extract_strided_slice %reshape3A {offsets = [0, 640], sizes = [1, 128], strides = [1, 1]} : vector<1x2048xf32> to vector<1x128xf32>
    %add3A_820 = vector.broadcast %slice3A_819 : vector<1x128xf32> to vector<128x128xf32>
    %add3A_821 = arith.addf %sub3A_818, %add3A_820 : vector<128x128xf32>
    %lt3A_822 = arith.cmpf olt, %add3A_821, %select_n3A_812 : vector<128x128xf32>
    %select_n3A_823 = arith.select %lt3A_822, %add3A_821, %select_n3A_812 : vector<128x128xi1>, vector<128x128xf32>
    %jit3A_824 = arith.constant 5 : i32
    %broadcast_in_dim3A_825 = vector.broadcast %jit3A_824 : i32 to vector<128x128xi32>
    %select_n3A_826 = arith.select %lt3A_822, %broadcast_in_dim3A_825, %select_n3A_815 : vector<128x128xi1>, vector<128x128xi32>
    %slice3A_827 = vector.extract_strided_slice %dot_general3A_8 {offsets = [512, 768], sizes = [128, 128], strides = [1, 1]} : vector<2048x2048xf32> to vector<128x128xf32>
    %sub3A_828 = vector.broadcast %slice3A_763 : vector<128x1xf32> to vector<128x128xf32>
    %sub3A_829 = arith.subf %sub3A_828, %slice3A_827 : vector<128x128xf32>
    %slice3A_830 = vector.extract_strided_slice %reshape3A {offsets = [0, 768], sizes = [1, 128], strides = [1, 1]} : vector<1x2048xf32> to vector<1x128xf32>
    %add3A_831 = vector.broadcast %slice3A_830 : vector<1x128xf32> to vector<128x128xf32>
    %add3A_832 = arith.addf %sub3A_829, %add3A_831 : vector<128x128xf32>
    %lt3A_833 = arith.cmpf olt, %add3A_832, %select_n3A_823 : vector<128x128xf32>
    %select_n3A_834 = arith.select %lt3A_833, %add3A_832, %select_n3A_823 : vector<128x128xi1>, vector<128x128xf32>
    %jit3A_835 = arith.constant 6 : i32
    %broadcast_in_dim3A_836 = vector.broadcast %jit3A_835 : i32 to vector<128x128xi32>
    %select_n3A_837 = arith.select %lt3A_833, %broadcast_in_dim3A_836, %select_n3A_826 : vector<128x128xi1>, vector<128x128xi32>
    %slice3A_838 = vector.extract_strided_slice %dot_general3A_8 {offsets = [512, 896], sizes = [128, 128], strides = [1, 1]} : vector<2048x2048xf32> to vector<128x128xf32>
    %sub3A_839 = vector.broadcast %slice3A_763 : vector<128x1xf32> to vector<128x128xf32>
    %sub3A_840 = arith.subf %sub3A_839, %slice3A_838 : vector<128x128xf32>
    %slice3A_841 = vector.extract_strided_slice %reshape3A {offsets = [0, 896], sizes = [1, 128], strides = [1, 1]} : vector<1x2048xf32> to vector<1x128xf32>
    %add3A_842 = vector.broadcast %slice3A_841 : vector<1x128xf32> to vector<128x128xf32>
    %add3A_843 = arith.addf %sub3A_840, %add3A_842 : vector<128x128xf32>
    %lt3A_844 = arith.cmpf olt, %add3A_843, %select_n3A_834 : vector<128x128xf32>
    %select_n3A_845 = arith.select %lt3A_844, %add3A_843, %select_n3A_834 : vector<128x128xi1>, vector<128x128xf32>
    %jit3A_846 = arith.constant 7 : i32
    %broadcast_in_dim3A_847 = vector.broadcast %jit3A_846 : i32 to vector<128x128xi32>
    %select_n3A_848 = arith.select %lt3A_844, %broadcast_in_dim3A_847, %select_n3A_837 : vector<128x128xi1>, vector<128x128xi32>
    %slice3A_849 = vector.extract_strided_slice %dot_general3A_8 {offsets = [512, 1024], sizes = [128, 128], strides = [1, 1]} : vector<2048x2048xf32> to vector<128x128xf32>
    %sub3A_850 = vector.broadcast %slice3A_763 : vector<128x1xf32> to vector<128x128xf32>
    %sub3A_851 = arith.subf %sub3A_850, %slice3A_849 : vector<128x128xf32>
    %slice3A_852 = vector.extract_strided_slice %reshape3A {offsets = [0, 1024], sizes = [1, 128], strides = [1, 1]} : vector<1x2048xf32> to vector<1x128xf32>
    %add3A_853 = vector.broadcast %slice3A_852 : vector<1x128xf32> to vector<128x128xf32>
    %add3A_854 = arith.addf %sub3A_851, %add3A_853 : vector<128x128xf32>
    %lt3A_855 = arith.cmpf olt, %add3A_854, %select_n3A_845 : vector<128x128xf32>
    %select_n3A_856 = arith.select %lt3A_855, %add3A_854, %select_n3A_845 : vector<128x128xi1>, vector<128x128xf32>
    %jit3A_857 = arith.constant 8 : i32
    %broadcast_in_dim3A_858 = vector.broadcast %jit3A_857 : i32 to vector<128x128xi32>
    %select_n3A_859 = arith.select %lt3A_855, %broadcast_in_dim3A_858, %select_n3A_848 : vector<128x128xi1>, vector<128x128xi32>
    %slice3A_860 = vector.extract_strided_slice %dot_general3A_8 {offsets = [512, 1152], sizes = [128, 128], strides = [1, 1]} : vector<2048x2048xf32> to vector<128x128xf32>
    %sub3A_861 = vector.broadcast %slice3A_763 : vector<128x1xf32> to vector<128x128xf32>
    %sub3A_862 = arith.subf %sub3A_861, %slice3A_860 : vector<128x128xf32>
    %slice3A_863 = vector.extract_strided_slice %reshape3A {offsets = [0, 1152], sizes = [1, 128], strides = [1, 1]} : vector<1x2048xf32> to vector<1x128xf32>
    %add3A_864 = vector.broadcast %slice3A_863 : vector<1x128xf32> to vector<128x128xf32>
    %add3A_865 = arith.addf %sub3A_862, %add3A_864 : vector<128x128xf32>
    %lt3A_866 = arith.cmpf olt, %add3A_865, %select_n3A_856 : vector<128x128xf32>
    %select_n3A_867 = arith.select %lt3A_866, %add3A_865, %select_n3A_856 : vector<128x128xi1>, vector<128x128xf32>
    %jit3A_868 = arith.constant 9 : i32
    %broadcast_in_dim3A_869 = vector.broadcast %jit3A_868 : i32 to vector<128x128xi32>
    %select_n3A_870 = arith.select %lt3A_866, %broadcast_in_dim3A_869, %select_n3A_859 : vector<128x128xi1>, vector<128x128xi32>
    %slice3A_871 = vector.extract_strided_slice %dot_general3A_8 {offsets = [512, 1280], sizes = [128, 128], strides = [1, 1]} : vector<2048x2048xf32> to vector<128x128xf32>
    %sub3A_872 = vector.broadcast %slice3A_763 : vector<128x1xf32> to vector<128x128xf32>
    %sub3A_873 = arith.subf %sub3A_872, %slice3A_871 : vector<128x128xf32>
    %slice3A_874 = vector.extract_strided_slice %reshape3A {offsets = [0, 1280], sizes = [1, 128], strides = [1, 1]} : vector<1x2048xf32> to vector<1x128xf32>
    %add3A_875 = vector.broadcast %slice3A_874 : vector<1x128xf32> to vector<128x128xf32>
    %add3A_876 = arith.addf %sub3A_873, %add3A_875 : vector<128x128xf32>
    %lt3A_877 = arith.cmpf olt, %add3A_876, %select_n3A_867 : vector<128x128xf32>
    %select_n3A_878 = arith.select %lt3A_877, %add3A_876, %select_n3A_867 : vector<128x128xi1>, vector<128x128xf32>
    %jit3A_879 = arith.constant 10 : i32
    %broadcast_in_dim3A_880 = vector.broadcast %jit3A_879 : i32 to vector<128x128xi32>
    %select_n3A_881 = arith.select %lt3A_877, %broadcast_in_dim3A_880, %select_n3A_870 : vector<128x128xi1>, vector<128x128xi32>
    %slice3A_882 = vector.extract_strided_slice %dot_general3A_8 {offsets = [512, 1408], sizes = [128, 128], strides = [1, 1]} : vector<2048x2048xf32> to vector<128x128xf32>
    %sub3A_883 = vector.broadcast %slice3A_763 : vector<128x1xf32> to vector<128x128xf32>
    %sub3A_884 = arith.subf %sub3A_883, %slice3A_882 : vector<128x128xf32>
    %slice3A_885 = vector.extract_strided_slice %reshape3A {offsets = [0, 1408], sizes = [1, 128], strides = [1, 1]} : vector<1x2048xf32> to vector<1x128xf32>
    %add3A_886 = vector.broadcast %slice3A_885 : vector<1x128xf32> to vector<128x128xf32>
    %add3A_887 = arith.addf %sub3A_884, %add3A_886 : vector<128x128xf32>
    %lt3A_888 = arith.cmpf olt, %add3A_887, %select_n3A_878 : vector<128x128xf32>
    %select_n3A_889 = arith.select %lt3A_888, %add3A_887, %select_n3A_878 : vector<128x128xi1>, vector<128x128xf32>
    %jit3A_890 = arith.constant 11 : i32
    %broadcast_in_dim3A_891 = vector.broadcast %jit3A_890 : i32 to vector<128x128xi32>
    %select_n3A_892 = arith.select %lt3A_888, %broadcast_in_dim3A_891, %select_n3A_881 : vector<128x128xi1>, vector<128x128xi32>
    %slice3A_893 = vector.extract_strided_slice %dot_general3A_8 {offsets = [512, 1536], sizes = [128, 128], strides = [1, 1]} : vector<2048x2048xf32> to vector<128x128xf32>
    %sub3A_894 = vector.broadcast %slice3A_763 : vector<128x1xf32> to vector<128x128xf32>
    %sub3A_895 = arith.subf %sub3A_894, %slice3A_893 : vector<128x128xf32>
    %slice3A_896 = vector.extract_strided_slice %reshape3A {offsets = [0, 1536], sizes = [1, 128], strides = [1, 1]} : vector<1x2048xf32> to vector<1x128xf32>
    %add3A_897 = vector.broadcast %slice3A_896 : vector<1x128xf32> to vector<128x128xf32>
    %add3A_898 = arith.addf %sub3A_895, %add3A_897 : vector<128x128xf32>
    %lt3A_899 = arith.cmpf olt, %add3A_898, %select_n3A_889 : vector<128x128xf32>
    %select_n3A_900 = arith.select %lt3A_899, %add3A_898, %select_n3A_889 : vector<128x128xi1>, vector<128x128xf32>
    %jit3A_901 = arith.constant 12 : i32
    %broadcast_in_dim3A_902 = vector.broadcast %jit3A_901 : i32 to vector<128x128xi32>
    %select_n3A_903 = arith.select %lt3A_899, %broadcast_in_dim3A_902, %select_n3A_892 : vector<128x128xi1>, vector<128x128xi32>
    %slice3A_904 = vector.extract_strided_slice %dot_general3A_8 {offsets = [512, 1664], sizes = [128, 128], strides = [1, 1]} : vector<2048x2048xf32> to vector<128x128xf32>
    %sub3A_905 = vector.broadcast %slice3A_763 : vector<128x1xf32> to vector<128x128xf32>
    %sub3A_906 = arith.subf %sub3A_905, %slice3A_904 : vector<128x128xf32>
    %slice3A_907 = vector.extract_strided_slice %reshape3A {offsets = [0, 1664], sizes = [1, 128], strides = [1, 1]} : vector<1x2048xf32> to vector<1x128xf32>
    %add3A_908 = vector.broadcast %slice3A_907 : vector<1x128xf32> to vector<128x128xf32>
    %add3A_909 = arith.addf %sub3A_906, %add3A_908 : vector<128x128xf32>
    %lt3A_910 = arith.cmpf olt, %add3A_909, %select_n3A_900 : vector<128x128xf32>
    %select_n3A_911 = arith.select %lt3A_910, %add3A_909, %select_n3A_900 : vector<128x128xi1>, vector<128x128xf32>
    %jit3A_912 = arith.constant 13 : i32
    %broadcast_in_dim3A_913 = vector.broadcast %jit3A_912 : i32 to vector<128x128xi32>
    %select_n3A_914 = arith.select %lt3A_910, %broadcast_in_dim3A_913, %select_n3A_903 : vector<128x128xi1>, vector<128x128xi32>
    %slice3A_915 = vector.extract_strided_slice %dot_general3A_8 {offsets = [512, 1792], sizes = [128, 128], strides = [1, 1]} : vector<2048x2048xf32> to vector<128x128xf32>
    %sub3A_916 = vector.broadcast %slice3A_763 : vector<128x1xf32> to vector<128x128xf32>
    %sub3A_917 = arith.subf %sub3A_916, %slice3A_915 : vector<128x128xf32>
    %slice3A_918 = vector.extract_strided_slice %reshape3A {offsets = [0, 1792], sizes = [1, 128], strides = [1, 1]} : vector<1x2048xf32> to vector<1x128xf32>
    %add3A_919 = vector.broadcast %slice3A_918 : vector<1x128xf32> to vector<128x128xf32>
    %add3A_920 = arith.addf %sub3A_917, %add3A_919 : vector<128x128xf32>
    %lt3A_921 = arith.cmpf olt, %add3A_920, %select_n3A_911 : vector<128x128xf32>
    %select_n3A_922 = arith.select %lt3A_921, %add3A_920, %select_n3A_911 : vector<128x128xi1>, vector<128x128xf32>
    %jit3A_923 = arith.constant 14 : i32
    %broadcast_in_dim3A_924 = vector.broadcast %jit3A_923 : i32 to vector<128x128xi32>
    %select_n3A_925 = arith.select %lt3A_921, %broadcast_in_dim3A_924, %select_n3A_914 : vector<128x128xi1>, vector<128x128xi32>
    %slice3A_926 = vector.extract_strided_slice %dot_general3A_8 {offsets = [512, 1920], sizes = [128, 128], strides = [1, 1]} : vector<2048x2048xf32> to vector<128x128xf32>
    %sub3A_927 = vector.broadcast %slice3A_763 : vector<128x1xf32> to vector<128x128xf32>
    %sub3A_928 = arith.subf %sub3A_927, %slice3A_926 : vector<128x128xf32>
    %slice3A_929 = vector.extract_strided_slice %reshape3A {offsets = [0, 1920], sizes = [1, 128], strides = [1, 1]} : vector<1x2048xf32> to vector<1x128xf32>
    %add3A_930 = vector.broadcast %slice3A_929 : vector<1x128xf32> to vector<128x128xf32>
    %add3A_931 = arith.addf %sub3A_928, %add3A_930 : vector<128x128xf32>
    %lt3A_932 = arith.cmpf olt, %add3A_931, %select_n3A_922 : vector<128x128xf32>
    %select_n3A_933 = arith.select %lt3A_932, %add3A_931, %select_n3A_922 : vector<128x128xi1>, vector<128x128xf32>
    %jit3A_934 = arith.constant 15 : i32
    %broadcast_in_dim3A_935 = vector.broadcast %jit3A_934 : i32 to vector<128x128xi32>
    %select_n3A_936 = arith.select %lt3A_932, %broadcast_in_dim3A_935, %select_n3A_925 : vector<128x128xi1>, vector<128x128xi32>
    %mul3A_937 = arith.constant 128 : i32
    %mul3A_938 = vector.broadcast %mul3A_937 : i32 to vector<128x128xi32>
    %mul3A_939 = arith.muli %select_n3A_936, %mul3A_938 : vector<128x128xi32>
    %add3A_940 = arith.addi %mul3A_939, %iota3A : vector<128x128xi32>
    %reduce_min3A_941 = arith.constant dense<0x7F800000> : vector<128xf32>
    %reduce_min3A_942 = vector.multi_reduction <minimumf>, %select_n3A_933, %reduce_min3A_941 [1] : vector<128x128xf32> to vector<128xf32>
    %broadcast_in_dim3A_943 = vector.shape_cast %reduce_min3A_942 : vector<128xf32> to vector<128x1xf32>
    %eq3A_944 = vector.broadcast %broadcast_in_dim3A_943 : vector<128x1xf32> to vector<128x128xf32>
    %eq3A_945 = arith.cmpf oeq, %select_n3A_933, %eq3A_944 : vector<128x128xf32>
    %jit3A_946 = arith.constant 2048 : i32
    %broadcast_in_dim3A_947 = vector.broadcast %jit3A_946 : i32 to vector<128x128xi32>
    %select_n3A_948 = arith.select %eq3A_945, %add3A_940, %broadcast_in_dim3A_947 : vector<128x128xi1>, vector<128x128xi32>
    %reduce_min3A_949 = arith.constant dense<2147483647> : vector<128xi32>
    %reduce_min3A_950 = vector.multi_reduction <minsi>, %select_n3A_948, %reduce_min3A_949 [1] : vector<128x128xi32> to vector<128xi32>
    %broadcast_in_dim3A_951 = vector.shape_cast %reduce_min3A_950 : vector<128xi32> to vector<128x1xi32>
    %slice3A_952 = vector.extract_strided_slice %get3A_11 {offsets = [640, 0], sizes = [128, 1], strides = [1, 1]} : vector<2048x1xf32> to vector<128x1xf32>
    %slice3A_953 = vector.extract_strided_slice %dot_general3A_8 {offsets = [640, 0], sizes = [128, 128], strides = [1, 1]} : vector<2048x2048xf32> to vector<128x128xf32>
    %sub3A_954 = vector.broadcast %slice3A_952 : vector<128x1xf32> to vector<128x128xf32>
    %sub3A_955 = arith.subf %sub3A_954, %slice3A_953 : vector<128x128xf32>
    %slice3A_956 = vector.extract_strided_slice %reshape3A {offsets = [0, 0], sizes = [1, 128], strides = [1, 1]} : vector<1x2048xf32> to vector<1x128xf32>
    %add3A_957 = vector.broadcast %slice3A_956 : vector<1x128xf32> to vector<128x128xf32>
    %add3A_958 = arith.addf %sub3A_955, %add3A_957 : vector<128x128xf32>
    %broadcast_in_dim3A_959 = arith.constant 0 : i32
    %broadcast_in_dim3A_960 = vector.broadcast %broadcast_in_dim3A_959 : i32 to vector<128x128xi32>
    %slice3A_961 = vector.extract_strided_slice %dot_general3A_8 {offsets = [640, 128], sizes = [128, 128], strides = [1, 1]} : vector<2048x2048xf32> to vector<128x128xf32>
    %sub3A_962 = vector.broadcast %slice3A_952 : vector<128x1xf32> to vector<128x128xf32>
    %sub3A_963 = arith.subf %sub3A_962, %slice3A_961 : vector<128x128xf32>
    %slice3A_964 = vector.extract_strided_slice %reshape3A {offsets = [0, 128], sizes = [1, 128], strides = [1, 1]} : vector<1x2048xf32> to vector<1x128xf32>
    %add3A_965 = vector.broadcast %slice3A_964 : vector<1x128xf32> to vector<128x128xf32>
    %add3A_966 = arith.addf %sub3A_963, %add3A_965 : vector<128x128xf32>
    %lt3A_967 = arith.cmpf olt, %add3A_966, %add3A_958 : vector<128x128xf32>
    %select_n3A_968 = arith.select %lt3A_967, %add3A_966, %add3A_958 : vector<128x128xi1>, vector<128x128xf32>
    %jit3A_969 = arith.constant 1 : i32
    %broadcast_in_dim3A_970 = vector.broadcast %jit3A_969 : i32 to vector<128x128xi32>
    %select_n3A_971 = arith.select %lt3A_967, %broadcast_in_dim3A_970, %broadcast_in_dim3A_960 : vector<128x128xi1>, vector<128x128xi32>
    %slice3A_972 = vector.extract_strided_slice %dot_general3A_8 {offsets = [640, 256], sizes = [128, 128], strides = [1, 1]} : vector<2048x2048xf32> to vector<128x128xf32>
    %sub3A_973 = vector.broadcast %slice3A_952 : vector<128x1xf32> to vector<128x128xf32>
    %sub3A_974 = arith.subf %sub3A_973, %slice3A_972 : vector<128x128xf32>
    %slice3A_975 = vector.extract_strided_slice %reshape3A {offsets = [0, 256], sizes = [1, 128], strides = [1, 1]} : vector<1x2048xf32> to vector<1x128xf32>
    %add3A_976 = vector.broadcast %slice3A_975 : vector<1x128xf32> to vector<128x128xf32>
    %add3A_977 = arith.addf %sub3A_974, %add3A_976 : vector<128x128xf32>
    %lt3A_978 = arith.cmpf olt, %add3A_977, %select_n3A_968 : vector<128x128xf32>
    %select_n3A_979 = arith.select %lt3A_978, %add3A_977, %select_n3A_968 : vector<128x128xi1>, vector<128x128xf32>
    %jit3A_980 = arith.constant 2 : i32
    %broadcast_in_dim3A_981 = vector.broadcast %jit3A_980 : i32 to vector<128x128xi32>
    %select_n3A_982 = arith.select %lt3A_978, %broadcast_in_dim3A_981, %select_n3A_971 : vector<128x128xi1>, vector<128x128xi32>
    %slice3A_983 = vector.extract_strided_slice %dot_general3A_8 {offsets = [640, 384], sizes = [128, 128], strides = [1, 1]} : vector<2048x2048xf32> to vector<128x128xf32>
    %sub3A_984 = vector.broadcast %slice3A_952 : vector<128x1xf32> to vector<128x128xf32>
    %sub3A_985 = arith.subf %sub3A_984, %slice3A_983 : vector<128x128xf32>
    %slice3A_986 = vector.extract_strided_slice %reshape3A {offsets = [0, 384], sizes = [1, 128], strides = [1, 1]} : vector<1x2048xf32> to vector<1x128xf32>
    %add3A_987 = vector.broadcast %slice3A_986 : vector<1x128xf32> to vector<128x128xf32>
    %add3A_988 = arith.addf %sub3A_985, %add3A_987 : vector<128x128xf32>
    %lt3A_989 = arith.cmpf olt, %add3A_988, %select_n3A_979 : vector<128x128xf32>
    %select_n3A_990 = arith.select %lt3A_989, %add3A_988, %select_n3A_979 : vector<128x128xi1>, vector<128x128xf32>
    %jit3A_991 = arith.constant 3 : i32
    %broadcast_in_dim3A_992 = vector.broadcast %jit3A_991 : i32 to vector<128x128xi32>
    %select_n3A_993 = arith.select %lt3A_989, %broadcast_in_dim3A_992, %select_n3A_982 : vector<128x128xi1>, vector<128x128xi32>
    %slice3A_994 = vector.extract_strided_slice %dot_general3A_8 {offsets = [640, 512], sizes = [128, 128], strides = [1, 1]} : vector<2048x2048xf32> to vector<128x128xf32>
    %sub3A_995 = vector.broadcast %slice3A_952 : vector<128x1xf32> to vector<128x128xf32>
    %sub3A_996 = arith.subf %sub3A_995, %slice3A_994 : vector<128x128xf32>
    %slice3A_997 = vector.extract_strided_slice %reshape3A {offsets = [0, 512], sizes = [1, 128], strides = [1, 1]} : vector<1x2048xf32> to vector<1x128xf32>
    %add3A_998 = vector.broadcast %slice3A_997 : vector<1x128xf32> to vector<128x128xf32>
    %add3A_999 = arith.addf %sub3A_996, %add3A_998 : vector<128x128xf32>
    %lt3A_1000 = arith.cmpf olt, %add3A_999, %select_n3A_990 : vector<128x128xf32>
    %select_n3A_1001 = arith.select %lt3A_1000, %add3A_999, %select_n3A_990 : vector<128x128xi1>, vector<128x128xf32>
    %jit3A_1002 = arith.constant 4 : i32
    %broadcast_in_dim3A_1003 = vector.broadcast %jit3A_1002 : i32 to vector<128x128xi32>
    %select_n3A_1004 = arith.select %lt3A_1000, %broadcast_in_dim3A_1003, %select_n3A_993 : vector<128x128xi1>, vector<128x128xi32>
    %slice3A_1005 = vector.extract_strided_slice %dot_general3A_8 {offsets = [640, 640], sizes = [128, 128], strides = [1, 1]} : vector<2048x2048xf32> to vector<128x128xf32>
    %sub3A_1006 = vector.broadcast %slice3A_952 : vector<128x1xf32> to vector<128x128xf32>
    %sub3A_1007 = arith.subf %sub3A_1006, %slice3A_1005 : vector<128x128xf32>
    %slice3A_1008 = vector.extract_strided_slice %reshape3A {offsets = [0, 640], sizes = [1, 128], strides = [1, 1]} : vector<1x2048xf32> to vector<1x128xf32>
    %add3A_1009 = vector.broadcast %slice3A_1008 : vector<1x128xf32> to vector<128x128xf32>
    %add3A_1010 = arith.addf %sub3A_1007, %add3A_1009 : vector<128x128xf32>
    %lt3A_1011 = arith.cmpf olt, %add3A_1010, %select_n3A_1001 : vector<128x128xf32>
    %select_n3A_1012 = arith.select %lt3A_1011, %add3A_1010, %select_n3A_1001 : vector<128x128xi1>, vector<128x128xf32>
    %jit3A_1013 = arith.constant 5 : i32
    %broadcast_in_dim3A_1014 = vector.broadcast %jit3A_1013 : i32 to vector<128x128xi32>
    %select_n3A_1015 = arith.select %lt3A_1011, %broadcast_in_dim3A_1014, %select_n3A_1004 : vector<128x128xi1>, vector<128x128xi32>
    %slice3A_1016 = vector.extract_strided_slice %dot_general3A_8 {offsets = [640, 768], sizes = [128, 128], strides = [1, 1]} : vector<2048x2048xf32> to vector<128x128xf32>
    %sub3A_1017 = vector.broadcast %slice3A_952 : vector<128x1xf32> to vector<128x128xf32>
    %sub3A_1018 = arith.subf %sub3A_1017, %slice3A_1016 : vector<128x128xf32>
    %slice3A_1019 = vector.extract_strided_slice %reshape3A {offsets = [0, 768], sizes = [1, 128], strides = [1, 1]} : vector<1x2048xf32> to vector<1x128xf32>
    %add3A_1020 = vector.broadcast %slice3A_1019 : vector<1x128xf32> to vector<128x128xf32>
    %add3A_1021 = arith.addf %sub3A_1018, %add3A_1020 : vector<128x128xf32>
    %lt3A_1022 = arith.cmpf olt, %add3A_1021, %select_n3A_1012 : vector<128x128xf32>
    %select_n3A_1023 = arith.select %lt3A_1022, %add3A_1021, %select_n3A_1012 : vector<128x128xi1>, vector<128x128xf32>
    %jit3A_1024 = arith.constant 6 : i32
    %broadcast_in_dim3A_1025 = vector.broadcast %jit3A_1024 : i32 to vector<128x128xi32>
    %select_n3A_1026 = arith.select %lt3A_1022, %broadcast_in_dim3A_1025, %select_n3A_1015 : vector<128x128xi1>, vector<128x128xi32>
    %slice3A_1027 = vector.extract_strided_slice %dot_general3A_8 {offsets = [640, 896], sizes = [128, 128], strides = [1, 1]} : vector<2048x2048xf32> to vector<128x128xf32>
    %sub3A_1028 = vector.broadcast %slice3A_952 : vector<128x1xf32> to vector<128x128xf32>
    %sub3A_1029 = arith.subf %sub3A_1028, %slice3A_1027 : vector<128x128xf32>
    %slice3A_1030 = vector.extract_strided_slice %reshape3A {offsets = [0, 896], sizes = [1, 128], strides = [1, 1]} : vector<1x2048xf32> to vector<1x128xf32>
    %add3A_1031 = vector.broadcast %slice3A_1030 : vector<1x128xf32> to vector<128x128xf32>
    %add3A_1032 = arith.addf %sub3A_1029, %add3A_1031 : vector<128x128xf32>
    %lt3A_1033 = arith.cmpf olt, %add3A_1032, %select_n3A_1023 : vector<128x128xf32>
    %select_n3A_1034 = arith.select %lt3A_1033, %add3A_1032, %select_n3A_1023 : vector<128x128xi1>, vector<128x128xf32>
    %jit3A_1035 = arith.constant 7 : i32
    %broadcast_in_dim3A_1036 = vector.broadcast %jit3A_1035 : i32 to vector<128x128xi32>
    %select_n3A_1037 = arith.select %lt3A_1033, %broadcast_in_dim3A_1036, %select_n3A_1026 : vector<128x128xi1>, vector<128x128xi32>
    %slice3A_1038 = vector.extract_strided_slice %dot_general3A_8 {offsets = [640, 1024], sizes = [128, 128], strides = [1, 1]} : vector<2048x2048xf32> to vector<128x128xf32>
    %sub3A_1039 = vector.broadcast %slice3A_952 : vector<128x1xf32> to vector<128x128xf32>
    %sub3A_1040 = arith.subf %sub3A_1039, %slice3A_1038 : vector<128x128xf32>
    %slice3A_1041 = vector.extract_strided_slice %reshape3A {offsets = [0, 1024], sizes = [1, 128], strides = [1, 1]} : vector<1x2048xf32> to vector<1x128xf32>
    %add3A_1042 = vector.broadcast %slice3A_1041 : vector<1x128xf32> to vector<128x128xf32>
    %add3A_1043 = arith.addf %sub3A_1040, %add3A_1042 : vector<128x128xf32>
    %lt3A_1044 = arith.cmpf olt, %add3A_1043, %select_n3A_1034 : vector<128x128xf32>
    %select_n3A_1045 = arith.select %lt3A_1044, %add3A_1043, %select_n3A_1034 : vector<128x128xi1>, vector<128x128xf32>
    %jit3A_1046 = arith.constant 8 : i32
    %broadcast_in_dim3A_1047 = vector.broadcast %jit3A_1046 : i32 to vector<128x128xi32>
    %select_n3A_1048 = arith.select %lt3A_1044, %broadcast_in_dim3A_1047, %select_n3A_1037 : vector<128x128xi1>, vector<128x128xi32>
    %slice3A_1049 = vector.extract_strided_slice %dot_general3A_8 {offsets = [640, 1152], sizes = [128, 128], strides = [1, 1]} : vector<2048x2048xf32> to vector<128x128xf32>
    %sub3A_1050 = vector.broadcast %slice3A_952 : vector<128x1xf32> to vector<128x128xf32>
    %sub3A_1051 = arith.subf %sub3A_1050, %slice3A_1049 : vector<128x128xf32>
    %slice3A_1052 = vector.extract_strided_slice %reshape3A {offsets = [0, 1152], sizes = [1, 128], strides = [1, 1]} : vector<1x2048xf32> to vector<1x128xf32>
    %add3A_1053 = vector.broadcast %slice3A_1052 : vector<1x128xf32> to vector<128x128xf32>
    %add3A_1054 = arith.addf %sub3A_1051, %add3A_1053 : vector<128x128xf32>
    %lt3A_1055 = arith.cmpf olt, %add3A_1054, %select_n3A_1045 : vector<128x128xf32>
    %select_n3A_1056 = arith.select %lt3A_1055, %add3A_1054, %select_n3A_1045 : vector<128x128xi1>, vector<128x128xf32>
    %jit3A_1057 = arith.constant 9 : i32
    %broadcast_in_dim3A_1058 = vector.broadcast %jit3A_1057 : i32 to vector<128x128xi32>
    %select_n3A_1059 = arith.select %lt3A_1055, %broadcast_in_dim3A_1058, %select_n3A_1048 : vector<128x128xi1>, vector<128x128xi32>
    %slice3A_1060 = vector.extract_strided_slice %dot_general3A_8 {offsets = [640, 1280], sizes = [128, 128], strides = [1, 1]} : vector<2048x2048xf32> to vector<128x128xf32>
    %sub3A_1061 = vector.broadcast %slice3A_952 : vector<128x1xf32> to vector<128x128xf32>
    %sub3A_1062 = arith.subf %sub3A_1061, %slice3A_1060 : vector<128x128xf32>
    %slice3A_1063 = vector.extract_strided_slice %reshape3A {offsets = [0, 1280], sizes = [1, 128], strides = [1, 1]} : vector<1x2048xf32> to vector<1x128xf32>
    %add3A_1064 = vector.broadcast %slice3A_1063 : vector<1x128xf32> to vector<128x128xf32>
    %add3A_1065 = arith.addf %sub3A_1062, %add3A_1064 : vector<128x128xf32>
    %lt3A_1066 = arith.cmpf olt, %add3A_1065, %select_n3A_1056 : vector<128x128xf32>
    %select_n3A_1067 = arith.select %lt3A_1066, %add3A_1065, %select_n3A_1056 : vector<128x128xi1>, vector<128x128xf32>
    %jit3A_1068 = arith.constant 10 : i32
    %broadcast_in_dim3A_1069 = vector.broadcast %jit3A_1068 : i32 to vector<128x128xi32>
    %select_n3A_1070 = arith.select %lt3A_1066, %broadcast_in_dim3A_1069, %select_n3A_1059 : vector<128x128xi1>, vector<128x128xi32>
    %slice3A_1071 = vector.extract_strided_slice %dot_general3A_8 {offsets = [640, 1408], sizes = [128, 128], strides = [1, 1]} : vector<2048x2048xf32> to vector<128x128xf32>
    %sub3A_1072 = vector.broadcast %slice3A_952 : vector<128x1xf32> to vector<128x128xf32>
    %sub3A_1073 = arith.subf %sub3A_1072, %slice3A_1071 : vector<128x128xf32>
    %slice3A_1074 = vector.extract_strided_slice %reshape3A {offsets = [0, 1408], sizes = [1, 128], strides = [1, 1]} : vector<1x2048xf32> to vector<1x128xf32>
    %add3A_1075 = vector.broadcast %slice3A_1074 : vector<1x128xf32> to vector<128x128xf32>
    %add3A_1076 = arith.addf %sub3A_1073, %add3A_1075 : vector<128x128xf32>
    %lt3A_1077 = arith.cmpf olt, %add3A_1076, %select_n3A_1067 : vector<128x128xf32>
    %select_n3A_1078 = arith.select %lt3A_1077, %add3A_1076, %select_n3A_1067 : vector<128x128xi1>, vector<128x128xf32>
    %jit3A_1079 = arith.constant 11 : i32
    %broadcast_in_dim3A_1080 = vector.broadcast %jit3A_1079 : i32 to vector<128x128xi32>
    %select_n3A_1081 = arith.select %lt3A_1077, %broadcast_in_dim3A_1080, %select_n3A_1070 : vector<128x128xi1>, vector<128x128xi32>
    %slice3A_1082 = vector.extract_strided_slice %dot_general3A_8 {offsets = [640, 1536], sizes = [128, 128], strides = [1, 1]} : vector<2048x2048xf32> to vector<128x128xf32>
    %sub3A_1083 = vector.broadcast %slice3A_952 : vector<128x1xf32> to vector<128x128xf32>
    %sub3A_1084 = arith.subf %sub3A_1083, %slice3A_1082 : vector<128x128xf32>
    %slice3A_1085 = vector.extract_strided_slice %reshape3A {offsets = [0, 1536], sizes = [1, 128], strides = [1, 1]} : vector<1x2048xf32> to vector<1x128xf32>
    %add3A_1086 = vector.broadcast %slice3A_1085 : vector<1x128xf32> to vector<128x128xf32>
    %add3A_1087 = arith.addf %sub3A_1084, %add3A_1086 : vector<128x128xf32>
    %lt3A_1088 = arith.cmpf olt, %add3A_1087, %select_n3A_1078 : vector<128x128xf32>
    %select_n3A_1089 = arith.select %lt3A_1088, %add3A_1087, %select_n3A_1078 : vector<128x128xi1>, vector<128x128xf32>
    %jit3A_1090 = arith.constant 12 : i32
    %broadcast_in_dim3A_1091 = vector.broadcast %jit3A_1090 : i32 to vector<128x128xi32>
    %select_n3A_1092 = arith.select %lt3A_1088, %broadcast_in_dim3A_1091, %select_n3A_1081 : vector<128x128xi1>, vector<128x128xi32>
    %slice3A_1093 = vector.extract_strided_slice %dot_general3A_8 {offsets = [640, 1664], sizes = [128, 128], strides = [1, 1]} : vector<2048x2048xf32> to vector<128x128xf32>
    %sub3A_1094 = vector.broadcast %slice3A_952 : vector<128x1xf32> to vector<128x128xf32>
    %sub3A_1095 = arith.subf %sub3A_1094, %slice3A_1093 : vector<128x128xf32>
    %slice3A_1096 = vector.extract_strided_slice %reshape3A {offsets = [0, 1664], sizes = [1, 128], strides = [1, 1]} : vector<1x2048xf32> to vector<1x128xf32>
    %add3A_1097 = vector.broadcast %slice3A_1096 : vector<1x128xf32> to vector<128x128xf32>
    %add3A_1098 = arith.addf %sub3A_1095, %add3A_1097 : vector<128x128xf32>
    %lt3A_1099 = arith.cmpf olt, %add3A_1098, %select_n3A_1089 : vector<128x128xf32>
    %select_n3A_1100 = arith.select %lt3A_1099, %add3A_1098, %select_n3A_1089 : vector<128x128xi1>, vector<128x128xf32>
    %jit3A_1101 = arith.constant 13 : i32
    %broadcast_in_dim3A_1102 = vector.broadcast %jit3A_1101 : i32 to vector<128x128xi32>
    %select_n3A_1103 = arith.select %lt3A_1099, %broadcast_in_dim3A_1102, %select_n3A_1092 : vector<128x128xi1>, vector<128x128xi32>
    %slice3A_1104 = vector.extract_strided_slice %dot_general3A_8 {offsets = [640, 1792], sizes = [128, 128], strides = [1, 1]} : vector<2048x2048xf32> to vector<128x128xf32>
    %sub3A_1105 = vector.broadcast %slice3A_952 : vector<128x1xf32> to vector<128x128xf32>
    %sub3A_1106 = arith.subf %sub3A_1105, %slice3A_1104 : vector<128x128xf32>
    %slice3A_1107 = vector.extract_strided_slice %reshape3A {offsets = [0, 1792], sizes = [1, 128], strides = [1, 1]} : vector<1x2048xf32> to vector<1x128xf32>
    %add3A_1108 = vector.broadcast %slice3A_1107 : vector<1x128xf32> to vector<128x128xf32>
    %add3A_1109 = arith.addf %sub3A_1106, %add3A_1108 : vector<128x128xf32>
    %lt3A_1110 = arith.cmpf olt, %add3A_1109, %select_n3A_1100 : vector<128x128xf32>
    %select_n3A_1111 = arith.select %lt3A_1110, %add3A_1109, %select_n3A_1100 : vector<128x128xi1>, vector<128x128xf32>
    %jit3A_1112 = arith.constant 14 : i32
    %broadcast_in_dim3A_1113 = vector.broadcast %jit3A_1112 : i32 to vector<128x128xi32>
    %select_n3A_1114 = arith.select %lt3A_1110, %broadcast_in_dim3A_1113, %select_n3A_1103 : vector<128x128xi1>, vector<128x128xi32>
    %slice3A_1115 = vector.extract_strided_slice %dot_general3A_8 {offsets = [640, 1920], sizes = [128, 128], strides = [1, 1]} : vector<2048x2048xf32> to vector<128x128xf32>
    %sub3A_1116 = vector.broadcast %slice3A_952 : vector<128x1xf32> to vector<128x128xf32>
    %sub3A_1117 = arith.subf %sub3A_1116, %slice3A_1115 : vector<128x128xf32>
    %slice3A_1118 = vector.extract_strided_slice %reshape3A {offsets = [0, 1920], sizes = [1, 128], strides = [1, 1]} : vector<1x2048xf32> to vector<1x128xf32>
    %add3A_1119 = vector.broadcast %slice3A_1118 : vector<1x128xf32> to vector<128x128xf32>
    %add3A_1120 = arith.addf %sub3A_1117, %add3A_1119 : vector<128x128xf32>
    %lt3A_1121 = arith.cmpf olt, %add3A_1120, %select_n3A_1111 : vector<128x128xf32>
    %select_n3A_1122 = arith.select %lt3A_1121, %add3A_1120, %select_n3A_1111 : vector<128x128xi1>, vector<128x128xf32>
    %jit3A_1123 = arith.constant 15 : i32
    %broadcast_in_dim3A_1124 = vector.broadcast %jit3A_1123 : i32 to vector<128x128xi32>
    %select_n3A_1125 = arith.select %lt3A_1121, %broadcast_in_dim3A_1124, %select_n3A_1114 : vector<128x128xi1>, vector<128x128xi32>
    %mul3A_1126 = arith.constant 128 : i32
    %mul3A_1127 = vector.broadcast %mul3A_1126 : i32 to vector<128x128xi32>
    %mul3A_1128 = arith.muli %select_n3A_1125, %mul3A_1127 : vector<128x128xi32>
    %add3A_1129 = arith.addi %mul3A_1128, %iota3A : vector<128x128xi32>
    %reduce_min3A_1130 = arith.constant dense<0x7F800000> : vector<128xf32>
    %reduce_min3A_1131 = vector.multi_reduction <minimumf>, %select_n3A_1122, %reduce_min3A_1130 [1] : vector<128x128xf32> to vector<128xf32>
    %broadcast_in_dim3A_1132 = vector.shape_cast %reduce_min3A_1131 : vector<128xf32> to vector<128x1xf32>
    %eq3A_1133 = vector.broadcast %broadcast_in_dim3A_1132 : vector<128x1xf32> to vector<128x128xf32>
    %eq3A_1134 = arith.cmpf oeq, %select_n3A_1122, %eq3A_1133 : vector<128x128xf32>
    %jit3A_1135 = arith.constant 2048 : i32
    %broadcast_in_dim3A_1136 = vector.broadcast %jit3A_1135 : i32 to vector<128x128xi32>
    %select_n3A_1137 = arith.select %eq3A_1134, %add3A_1129, %broadcast_in_dim3A_1136 : vector<128x128xi1>, vector<128x128xi32>
    %reduce_min3A_1138 = arith.constant dense<2147483647> : vector<128xi32>
    %reduce_min3A_1139 = vector.multi_reduction <minsi>, %select_n3A_1137, %reduce_min3A_1138 [1] : vector<128x128xi32> to vector<128xi32>
    %broadcast_in_dim3A_1140 = vector.shape_cast %reduce_min3A_1139 : vector<128xi32> to vector<128x1xi32>
    %slice3A_1141 = vector.extract_strided_slice %get3A_11 {offsets = [768, 0], sizes = [128, 1], strides = [1, 1]} : vector<2048x1xf32> to vector<128x1xf32>
    %slice3A_1142 = vector.extract_strided_slice %dot_general3A_8 {offsets = [768, 0], sizes = [128, 128], strides = [1, 1]} : vector<2048x2048xf32> to vector<128x128xf32>
    %sub3A_1143 = vector.broadcast %slice3A_1141 : vector<128x1xf32> to vector<128x128xf32>
    %sub3A_1144 = arith.subf %sub3A_1143, %slice3A_1142 : vector<128x128xf32>
    %slice3A_1145 = vector.extract_strided_slice %reshape3A {offsets = [0, 0], sizes = [1, 128], strides = [1, 1]} : vector<1x2048xf32> to vector<1x128xf32>
    %add3A_1146 = vector.broadcast %slice3A_1145 : vector<1x128xf32> to vector<128x128xf32>
    %add3A_1147 = arith.addf %sub3A_1144, %add3A_1146 : vector<128x128xf32>
    %broadcast_in_dim3A_1148 = arith.constant 0 : i32
    %broadcast_in_dim3A_1149 = vector.broadcast %broadcast_in_dim3A_1148 : i32 to vector<128x128xi32>
    %slice3A_1150 = vector.extract_strided_slice %dot_general3A_8 {offsets = [768, 128], sizes = [128, 128], strides = [1, 1]} : vector<2048x2048xf32> to vector<128x128xf32>
    %sub3A_1151 = vector.broadcast %slice3A_1141 : vector<128x1xf32> to vector<128x128xf32>
    %sub3A_1152 = arith.subf %sub3A_1151, %slice3A_1150 : vector<128x128xf32>
    %slice3A_1153 = vector.extract_strided_slice %reshape3A {offsets = [0, 128], sizes = [1, 128], strides = [1, 1]} : vector<1x2048xf32> to vector<1x128xf32>
    %add3A_1154 = vector.broadcast %slice3A_1153 : vector<1x128xf32> to vector<128x128xf32>
    %add3A_1155 = arith.addf %sub3A_1152, %add3A_1154 : vector<128x128xf32>
    %lt3A_1156 = arith.cmpf olt, %add3A_1155, %add3A_1147 : vector<128x128xf32>
    %select_n3A_1157 = arith.select %lt3A_1156, %add3A_1155, %add3A_1147 : vector<128x128xi1>, vector<128x128xf32>
    %jit3A_1158 = arith.constant 1 : i32
    %broadcast_in_dim3A_1159 = vector.broadcast %jit3A_1158 : i32 to vector<128x128xi32>
    %select_n3A_1160 = arith.select %lt3A_1156, %broadcast_in_dim3A_1159, %broadcast_in_dim3A_1149 : vector<128x128xi1>, vector<128x128xi32>
    %slice3A_1161 = vector.extract_strided_slice %dot_general3A_8 {offsets = [768, 256], sizes = [128, 128], strides = [1, 1]} : vector<2048x2048xf32> to vector<128x128xf32>
    %sub3A_1162 = vector.broadcast %slice3A_1141 : vector<128x1xf32> to vector<128x128xf32>
    %sub3A_1163 = arith.subf %sub3A_1162, %slice3A_1161 : vector<128x128xf32>
    %slice3A_1164 = vector.extract_strided_slice %reshape3A {offsets = [0, 256], sizes = [1, 128], strides = [1, 1]} : vector<1x2048xf32> to vector<1x128xf32>
    %add3A_1165 = vector.broadcast %slice3A_1164 : vector<1x128xf32> to vector<128x128xf32>
    %add3A_1166 = arith.addf %sub3A_1163, %add3A_1165 : vector<128x128xf32>
    %lt3A_1167 = arith.cmpf olt, %add3A_1166, %select_n3A_1157 : vector<128x128xf32>
    %select_n3A_1168 = arith.select %lt3A_1167, %add3A_1166, %select_n3A_1157 : vector<128x128xi1>, vector<128x128xf32>
    %jit3A_1169 = arith.constant 2 : i32
    %broadcast_in_dim3A_1170 = vector.broadcast %jit3A_1169 : i32 to vector<128x128xi32>
    %select_n3A_1171 = arith.select %lt3A_1167, %broadcast_in_dim3A_1170, %select_n3A_1160 : vector<128x128xi1>, vector<128x128xi32>
    %slice3A_1172 = vector.extract_strided_slice %dot_general3A_8 {offsets = [768, 384], sizes = [128, 128], strides = [1, 1]} : vector<2048x2048xf32> to vector<128x128xf32>
    %sub3A_1173 = vector.broadcast %slice3A_1141 : vector<128x1xf32> to vector<128x128xf32>
    %sub3A_1174 = arith.subf %sub3A_1173, %slice3A_1172 : vector<128x128xf32>
    %slice3A_1175 = vector.extract_strided_slice %reshape3A {offsets = [0, 384], sizes = [1, 128], strides = [1, 1]} : vector<1x2048xf32> to vector<1x128xf32>
    %add3A_1176 = vector.broadcast %slice3A_1175 : vector<1x128xf32> to vector<128x128xf32>
    %add3A_1177 = arith.addf %sub3A_1174, %add3A_1176 : vector<128x128xf32>
    %lt3A_1178 = arith.cmpf olt, %add3A_1177, %select_n3A_1168 : vector<128x128xf32>
    %select_n3A_1179 = arith.select %lt3A_1178, %add3A_1177, %select_n3A_1168 : vector<128x128xi1>, vector<128x128xf32>
    %jit3A_1180 = arith.constant 3 : i32
    %broadcast_in_dim3A_1181 = vector.broadcast %jit3A_1180 : i32 to vector<128x128xi32>
    %select_n3A_1182 = arith.select %lt3A_1178, %broadcast_in_dim3A_1181, %select_n3A_1171 : vector<128x128xi1>, vector<128x128xi32>
    %slice3A_1183 = vector.extract_strided_slice %dot_general3A_8 {offsets = [768, 512], sizes = [128, 128], strides = [1, 1]} : vector<2048x2048xf32> to vector<128x128xf32>
    %sub3A_1184 = vector.broadcast %slice3A_1141 : vector<128x1xf32> to vector<128x128xf32>
    %sub3A_1185 = arith.subf %sub3A_1184, %slice3A_1183 : vector<128x128xf32>
    %slice3A_1186 = vector.extract_strided_slice %reshape3A {offsets = [0, 512], sizes = [1, 128], strides = [1, 1]} : vector<1x2048xf32> to vector<1x128xf32>
    %add3A_1187 = vector.broadcast %slice3A_1186 : vector<1x128xf32> to vector<128x128xf32>
    %add3A_1188 = arith.addf %sub3A_1185, %add3A_1187 : vector<128x128xf32>
    %lt3A_1189 = arith.cmpf olt, %add3A_1188, %select_n3A_1179 : vector<128x128xf32>
    %select_n3A_1190 = arith.select %lt3A_1189, %add3A_1188, %select_n3A_1179 : vector<128x128xi1>, vector<128x128xf32>
    %jit3A_1191 = arith.constant 4 : i32
    %broadcast_in_dim3A_1192 = vector.broadcast %jit3A_1191 : i32 to vector<128x128xi32>
    %select_n3A_1193 = arith.select %lt3A_1189, %broadcast_in_dim3A_1192, %select_n3A_1182 : vector<128x128xi1>, vector<128x128xi32>
    %slice3A_1194 = vector.extract_strided_slice %dot_general3A_8 {offsets = [768, 640], sizes = [128, 128], strides = [1, 1]} : vector<2048x2048xf32> to vector<128x128xf32>
    %sub3A_1195 = vector.broadcast %slice3A_1141 : vector<128x1xf32> to vector<128x128xf32>
    %sub3A_1196 = arith.subf %sub3A_1195, %slice3A_1194 : vector<128x128xf32>
    %slice3A_1197 = vector.extract_strided_slice %reshape3A {offsets = [0, 640], sizes = [1, 128], strides = [1, 1]} : vector<1x2048xf32> to vector<1x128xf32>
    %add3A_1198 = vector.broadcast %slice3A_1197 : vector<1x128xf32> to vector<128x128xf32>
    %add3A_1199 = arith.addf %sub3A_1196, %add3A_1198 : vector<128x128xf32>
    %lt3A_1200 = arith.cmpf olt, %add3A_1199, %select_n3A_1190 : vector<128x128xf32>
    %select_n3A_1201 = arith.select %lt3A_1200, %add3A_1199, %select_n3A_1190 : vector<128x128xi1>, vector<128x128xf32>
    %jit3A_1202 = arith.constant 5 : i32
    %broadcast_in_dim3A_1203 = vector.broadcast %jit3A_1202 : i32 to vector<128x128xi32>
    %select_n3A_1204 = arith.select %lt3A_1200, %broadcast_in_dim3A_1203, %select_n3A_1193 : vector<128x128xi1>, vector<128x128xi32>
    %slice3A_1205 = vector.extract_strided_slice %dot_general3A_8 {offsets = [768, 768], sizes = [128, 128], strides = [1, 1]} : vector<2048x2048xf32> to vector<128x128xf32>
    %sub3A_1206 = vector.broadcast %slice3A_1141 : vector<128x1xf32> to vector<128x128xf32>
    %sub3A_1207 = arith.subf %sub3A_1206, %slice3A_1205 : vector<128x128xf32>
    %slice3A_1208 = vector.extract_strided_slice %reshape3A {offsets = [0, 768], sizes = [1, 128], strides = [1, 1]} : vector<1x2048xf32> to vector<1x128xf32>
    %add3A_1209 = vector.broadcast %slice3A_1208 : vector<1x128xf32> to vector<128x128xf32>
    %add3A_1210 = arith.addf %sub3A_1207, %add3A_1209 : vector<128x128xf32>
    %lt3A_1211 = arith.cmpf olt, %add3A_1210, %select_n3A_1201 : vector<128x128xf32>
    %select_n3A_1212 = arith.select %lt3A_1211, %add3A_1210, %select_n3A_1201 : vector<128x128xi1>, vector<128x128xf32>
    %jit3A_1213 = arith.constant 6 : i32
    %broadcast_in_dim3A_1214 = vector.broadcast %jit3A_1213 : i32 to vector<128x128xi32>
    %select_n3A_1215 = arith.select %lt3A_1211, %broadcast_in_dim3A_1214, %select_n3A_1204 : vector<128x128xi1>, vector<128x128xi32>
    %slice3A_1216 = vector.extract_strided_slice %dot_general3A_8 {offsets = [768, 896], sizes = [128, 128], strides = [1, 1]} : vector<2048x2048xf32> to vector<128x128xf32>
    %sub3A_1217 = vector.broadcast %slice3A_1141 : vector<128x1xf32> to vector<128x128xf32>
    %sub3A_1218 = arith.subf %sub3A_1217, %slice3A_1216 : vector<128x128xf32>
    %slice3A_1219 = vector.extract_strided_slice %reshape3A {offsets = [0, 896], sizes = [1, 128], strides = [1, 1]} : vector<1x2048xf32> to vector<1x128xf32>
    %add3A_1220 = vector.broadcast %slice3A_1219 : vector<1x128xf32> to vector<128x128xf32>
    %add3A_1221 = arith.addf %sub3A_1218, %add3A_1220 : vector<128x128xf32>
    %lt3A_1222 = arith.cmpf olt, %add3A_1221, %select_n3A_1212 : vector<128x128xf32>
    %select_n3A_1223 = arith.select %lt3A_1222, %add3A_1221, %select_n3A_1212 : vector<128x128xi1>, vector<128x128xf32>
    %jit3A_1224 = arith.constant 7 : i32
    %broadcast_in_dim3A_1225 = vector.broadcast %jit3A_1224 : i32 to vector<128x128xi32>
    %select_n3A_1226 = arith.select %lt3A_1222, %broadcast_in_dim3A_1225, %select_n3A_1215 : vector<128x128xi1>, vector<128x128xi32>
    %slice3A_1227 = vector.extract_strided_slice %dot_general3A_8 {offsets = [768, 1024], sizes = [128, 128], strides = [1, 1]} : vector<2048x2048xf32> to vector<128x128xf32>
    %sub3A_1228 = vector.broadcast %slice3A_1141 : vector<128x1xf32> to vector<128x128xf32>
    %sub3A_1229 = arith.subf %sub3A_1228, %slice3A_1227 : vector<128x128xf32>
    %slice3A_1230 = vector.extract_strided_slice %reshape3A {offsets = [0, 1024], sizes = [1, 128], strides = [1, 1]} : vector<1x2048xf32> to vector<1x128xf32>
    %add3A_1231 = vector.broadcast %slice3A_1230 : vector<1x128xf32> to vector<128x128xf32>
    %add3A_1232 = arith.addf %sub3A_1229, %add3A_1231 : vector<128x128xf32>
    %lt3A_1233 = arith.cmpf olt, %add3A_1232, %select_n3A_1223 : vector<128x128xf32>
    %select_n3A_1234 = arith.select %lt3A_1233, %add3A_1232, %select_n3A_1223 : vector<128x128xi1>, vector<128x128xf32>
    %jit3A_1235 = arith.constant 8 : i32
    %broadcast_in_dim3A_1236 = vector.broadcast %jit3A_1235 : i32 to vector<128x128xi32>
    %select_n3A_1237 = arith.select %lt3A_1233, %broadcast_in_dim3A_1236, %select_n3A_1226 : vector<128x128xi1>, vector<128x128xi32>
    %slice3A_1238 = vector.extract_strided_slice %dot_general3A_8 {offsets = [768, 1152], sizes = [128, 128], strides = [1, 1]} : vector<2048x2048xf32> to vector<128x128xf32>
    %sub3A_1239 = vector.broadcast %slice3A_1141 : vector<128x1xf32> to vector<128x128xf32>
    %sub3A_1240 = arith.subf %sub3A_1239, %slice3A_1238 : vector<128x128xf32>
    %slice3A_1241 = vector.extract_strided_slice %reshape3A {offsets = [0, 1152], sizes = [1, 128], strides = [1, 1]} : vector<1x2048xf32> to vector<1x128xf32>
    %add3A_1242 = vector.broadcast %slice3A_1241 : vector<1x128xf32> to vector<128x128xf32>
    %add3A_1243 = arith.addf %sub3A_1240, %add3A_1242 : vector<128x128xf32>
    %lt3A_1244 = arith.cmpf olt, %add3A_1243, %select_n3A_1234 : vector<128x128xf32>
    %select_n3A_1245 = arith.select %lt3A_1244, %add3A_1243, %select_n3A_1234 : vector<128x128xi1>, vector<128x128xf32>
    %jit3A_1246 = arith.constant 9 : i32
    %broadcast_in_dim3A_1247 = vector.broadcast %jit3A_1246 : i32 to vector<128x128xi32>
    %select_n3A_1248 = arith.select %lt3A_1244, %broadcast_in_dim3A_1247, %select_n3A_1237 : vector<128x128xi1>, vector<128x128xi32>
    %slice3A_1249 = vector.extract_strided_slice %dot_general3A_8 {offsets = [768, 1280], sizes = [128, 128], strides = [1, 1]} : vector<2048x2048xf32> to vector<128x128xf32>
    %sub3A_1250 = vector.broadcast %slice3A_1141 : vector<128x1xf32> to vector<128x128xf32>
    %sub3A_1251 = arith.subf %sub3A_1250, %slice3A_1249 : vector<128x128xf32>
    %slice3A_1252 = vector.extract_strided_slice %reshape3A {offsets = [0, 1280], sizes = [1, 128], strides = [1, 1]} : vector<1x2048xf32> to vector<1x128xf32>
    %add3A_1253 = vector.broadcast %slice3A_1252 : vector<1x128xf32> to vector<128x128xf32>
    %add3A_1254 = arith.addf %sub3A_1251, %add3A_1253 : vector<128x128xf32>
    %lt3A_1255 = arith.cmpf olt, %add3A_1254, %select_n3A_1245 : vector<128x128xf32>
    %select_n3A_1256 = arith.select %lt3A_1255, %add3A_1254, %select_n3A_1245 : vector<128x128xi1>, vector<128x128xf32>
    %jit3A_1257 = arith.constant 10 : i32
    %broadcast_in_dim3A_1258 = vector.broadcast %jit3A_1257 : i32 to vector<128x128xi32>
    %select_n3A_1259 = arith.select %lt3A_1255, %broadcast_in_dim3A_1258, %select_n3A_1248 : vector<128x128xi1>, vector<128x128xi32>
    %slice3A_1260 = vector.extract_strided_slice %dot_general3A_8 {offsets = [768, 1408], sizes = [128, 128], strides = [1, 1]} : vector<2048x2048xf32> to vector<128x128xf32>
    %sub3A_1261 = vector.broadcast %slice3A_1141 : vector<128x1xf32> to vector<128x128xf32>
    %sub3A_1262 = arith.subf %sub3A_1261, %slice3A_1260 : vector<128x128xf32>
    %slice3A_1263 = vector.extract_strided_slice %reshape3A {offsets = [0, 1408], sizes = [1, 128], strides = [1, 1]} : vector<1x2048xf32> to vector<1x128xf32>
    %add3A_1264 = vector.broadcast %slice3A_1263 : vector<1x128xf32> to vector<128x128xf32>
    %add3A_1265 = arith.addf %sub3A_1262, %add3A_1264 : vector<128x128xf32>
    %lt3A_1266 = arith.cmpf olt, %add3A_1265, %select_n3A_1256 : vector<128x128xf32>
    %select_n3A_1267 = arith.select %lt3A_1266, %add3A_1265, %select_n3A_1256 : vector<128x128xi1>, vector<128x128xf32>
    %jit3A_1268 = arith.constant 11 : i32
    %broadcast_in_dim3A_1269 = vector.broadcast %jit3A_1268 : i32 to vector<128x128xi32>
    %select_n3A_1270 = arith.select %lt3A_1266, %broadcast_in_dim3A_1269, %select_n3A_1259 : vector<128x128xi1>, vector<128x128xi32>
    %slice3A_1271 = vector.extract_strided_slice %dot_general3A_8 {offsets = [768, 1536], sizes = [128, 128], strides = [1, 1]} : vector<2048x2048xf32> to vector<128x128xf32>
    %sub3A_1272 = vector.broadcast %slice3A_1141 : vector<128x1xf32> to vector<128x128xf32>
    %sub3A_1273 = arith.subf %sub3A_1272, %slice3A_1271 : vector<128x128xf32>
    %slice3A_1274 = vector.extract_strided_slice %reshape3A {offsets = [0, 1536], sizes = [1, 128], strides = [1, 1]} : vector<1x2048xf32> to vector<1x128xf32>
    %add3A_1275 = vector.broadcast %slice3A_1274 : vector<1x128xf32> to vector<128x128xf32>
    %add3A_1276 = arith.addf %sub3A_1273, %add3A_1275 : vector<128x128xf32>
    %lt3A_1277 = arith.cmpf olt, %add3A_1276, %select_n3A_1267 : vector<128x128xf32>
    %select_n3A_1278 = arith.select %lt3A_1277, %add3A_1276, %select_n3A_1267 : vector<128x128xi1>, vector<128x128xf32>
    %jit3A_1279 = arith.constant 12 : i32
    %broadcast_in_dim3A_1280 = vector.broadcast %jit3A_1279 : i32 to vector<128x128xi32>
    %select_n3A_1281 = arith.select %lt3A_1277, %broadcast_in_dim3A_1280, %select_n3A_1270 : vector<128x128xi1>, vector<128x128xi32>
    %slice3A_1282 = vector.extract_strided_slice %dot_general3A_8 {offsets = [768, 1664], sizes = [128, 128], strides = [1, 1]} : vector<2048x2048xf32> to vector<128x128xf32>
    %sub3A_1283 = vector.broadcast %slice3A_1141 : vector<128x1xf32> to vector<128x128xf32>
    %sub3A_1284 = arith.subf %sub3A_1283, %slice3A_1282 : vector<128x128xf32>
    %slice3A_1285 = vector.extract_strided_slice %reshape3A {offsets = [0, 1664], sizes = [1, 128], strides = [1, 1]} : vector<1x2048xf32> to vector<1x128xf32>
    %add3A_1286 = vector.broadcast %slice3A_1285 : vector<1x128xf32> to vector<128x128xf32>
    %add3A_1287 = arith.addf %sub3A_1284, %add3A_1286 : vector<128x128xf32>
    %lt3A_1288 = arith.cmpf olt, %add3A_1287, %select_n3A_1278 : vector<128x128xf32>
    %select_n3A_1289 = arith.select %lt3A_1288, %add3A_1287, %select_n3A_1278 : vector<128x128xi1>, vector<128x128xf32>
    %jit3A_1290 = arith.constant 13 : i32
    %broadcast_in_dim3A_1291 = vector.broadcast %jit3A_1290 : i32 to vector<128x128xi32>
    %select_n3A_1292 = arith.select %lt3A_1288, %broadcast_in_dim3A_1291, %select_n3A_1281 : vector<128x128xi1>, vector<128x128xi32>
    %slice3A_1293 = vector.extract_strided_slice %dot_general3A_8 {offsets = [768, 1792], sizes = [128, 128], strides = [1, 1]} : vector<2048x2048xf32> to vector<128x128xf32>
    %sub3A_1294 = vector.broadcast %slice3A_1141 : vector<128x1xf32> to vector<128x128xf32>
    %sub3A_1295 = arith.subf %sub3A_1294, %slice3A_1293 : vector<128x128xf32>
    %slice3A_1296 = vector.extract_strided_slice %reshape3A {offsets = [0, 1792], sizes = [1, 128], strides = [1, 1]} : vector<1x2048xf32> to vector<1x128xf32>
    %add3A_1297 = vector.broadcast %slice3A_1296 : vector<1x128xf32> to vector<128x128xf32>
    %add3A_1298 = arith.addf %sub3A_1295, %add3A_1297 : vector<128x128xf32>
    %lt3A_1299 = arith.cmpf olt, %add3A_1298, %select_n3A_1289 : vector<128x128xf32>
    %select_n3A_1300 = arith.select %lt3A_1299, %add3A_1298, %select_n3A_1289 : vector<128x128xi1>, vector<128x128xf32>
    %jit3A_1301 = arith.constant 14 : i32
    %broadcast_in_dim3A_1302 = vector.broadcast %jit3A_1301 : i32 to vector<128x128xi32>
    %select_n3A_1303 = arith.select %lt3A_1299, %broadcast_in_dim3A_1302, %select_n3A_1292 : vector<128x128xi1>, vector<128x128xi32>
    %slice3A_1304 = vector.extract_strided_slice %dot_general3A_8 {offsets = [768, 1920], sizes = [128, 128], strides = [1, 1]} : vector<2048x2048xf32> to vector<128x128xf32>
    %sub3A_1305 = vector.broadcast %slice3A_1141 : vector<128x1xf32> to vector<128x128xf32>
    %sub3A_1306 = arith.subf %sub3A_1305, %slice3A_1304 : vector<128x128xf32>
    %slice3A_1307 = vector.extract_strided_slice %reshape3A {offsets = [0, 1920], sizes = [1, 128], strides = [1, 1]} : vector<1x2048xf32> to vector<1x128xf32>
    %add3A_1308 = vector.broadcast %slice3A_1307 : vector<1x128xf32> to vector<128x128xf32>
    %add3A_1309 = arith.addf %sub3A_1306, %add3A_1308 : vector<128x128xf32>
    %lt3A_1310 = arith.cmpf olt, %add3A_1309, %select_n3A_1300 : vector<128x128xf32>
    %select_n3A_1311 = arith.select %lt3A_1310, %add3A_1309, %select_n3A_1300 : vector<128x128xi1>, vector<128x128xf32>
    %jit3A_1312 = arith.constant 15 : i32
    %broadcast_in_dim3A_1313 = vector.broadcast %jit3A_1312 : i32 to vector<128x128xi32>
    %select_n3A_1314 = arith.select %lt3A_1310, %broadcast_in_dim3A_1313, %select_n3A_1303 : vector<128x128xi1>, vector<128x128xi32>
    %mul3A_1315 = arith.constant 128 : i32
    %mul3A_1316 = vector.broadcast %mul3A_1315 : i32 to vector<128x128xi32>
    %mul3A_1317 = arith.muli %select_n3A_1314, %mul3A_1316 : vector<128x128xi32>
    %add3A_1318 = arith.addi %mul3A_1317, %iota3A : vector<128x128xi32>
    %reduce_min3A_1319 = arith.constant dense<0x7F800000> : vector<128xf32>
    %reduce_min3A_1320 = vector.multi_reduction <minimumf>, %select_n3A_1311, %reduce_min3A_1319 [1] : vector<128x128xf32> to vector<128xf32>
    %broadcast_in_dim3A_1321 = vector.shape_cast %reduce_min3A_1320 : vector<128xf32> to vector<128x1xf32>
    %eq3A_1322 = vector.broadcast %broadcast_in_dim3A_1321 : vector<128x1xf32> to vector<128x128xf32>
    %eq3A_1323 = arith.cmpf oeq, %select_n3A_1311, %eq3A_1322 : vector<128x128xf32>
    %jit3A_1324 = arith.constant 2048 : i32
    %broadcast_in_dim3A_1325 = vector.broadcast %jit3A_1324 : i32 to vector<128x128xi32>
    %select_n3A_1326 = arith.select %eq3A_1323, %add3A_1318, %broadcast_in_dim3A_1325 : vector<128x128xi1>, vector<128x128xi32>
    %reduce_min3A_1327 = arith.constant dense<2147483647> : vector<128xi32>
    %reduce_min3A_1328 = vector.multi_reduction <minsi>, %select_n3A_1326, %reduce_min3A_1327 [1] : vector<128x128xi32> to vector<128xi32>
    %broadcast_in_dim3A_1329 = vector.shape_cast %reduce_min3A_1328 : vector<128xi32> to vector<128x1xi32>
    %slice3A_1330 = vector.extract_strided_slice %get3A_11 {offsets = [896, 0], sizes = [128, 1], strides = [1, 1]} : vector<2048x1xf32> to vector<128x1xf32>
    %slice3A_1331 = vector.extract_strided_slice %dot_general3A_8 {offsets = [896, 0], sizes = [128, 128], strides = [1, 1]} : vector<2048x2048xf32> to vector<128x128xf32>
    %sub3A_1332 = vector.broadcast %slice3A_1330 : vector<128x1xf32> to vector<128x128xf32>
    %sub3A_1333 = arith.subf %sub3A_1332, %slice3A_1331 : vector<128x128xf32>
    %slice3A_1334 = vector.extract_strided_slice %reshape3A {offsets = [0, 0], sizes = [1, 128], strides = [1, 1]} : vector<1x2048xf32> to vector<1x128xf32>
    %add3A_1335 = vector.broadcast %slice3A_1334 : vector<1x128xf32> to vector<128x128xf32>
    %add3A_1336 = arith.addf %sub3A_1333, %add3A_1335 : vector<128x128xf32>
    %broadcast_in_dim3A_1337 = arith.constant 0 : i32
    %broadcast_in_dim3A_1338 = vector.broadcast %broadcast_in_dim3A_1337 : i32 to vector<128x128xi32>
    %slice3A_1339 = vector.extract_strided_slice %dot_general3A_8 {offsets = [896, 128], sizes = [128, 128], strides = [1, 1]} : vector<2048x2048xf32> to vector<128x128xf32>
    %sub3A_1340 = vector.broadcast %slice3A_1330 : vector<128x1xf32> to vector<128x128xf32>
    %sub3A_1341 = arith.subf %sub3A_1340, %slice3A_1339 : vector<128x128xf32>
    %slice3A_1342 = vector.extract_strided_slice %reshape3A {offsets = [0, 128], sizes = [1, 128], strides = [1, 1]} : vector<1x2048xf32> to vector<1x128xf32>
    %add3A_1343 = vector.broadcast %slice3A_1342 : vector<1x128xf32> to vector<128x128xf32>
    %add3A_1344 = arith.addf %sub3A_1341, %add3A_1343 : vector<128x128xf32>
    %lt3A_1345 = arith.cmpf olt, %add3A_1344, %add3A_1336 : vector<128x128xf32>
    %select_n3A_1346 = arith.select %lt3A_1345, %add3A_1344, %add3A_1336 : vector<128x128xi1>, vector<128x128xf32>
    %jit3A_1347 = arith.constant 1 : i32
    %broadcast_in_dim3A_1348 = vector.broadcast %jit3A_1347 : i32 to vector<128x128xi32>
    %select_n3A_1349 = arith.select %lt3A_1345, %broadcast_in_dim3A_1348, %broadcast_in_dim3A_1338 : vector<128x128xi1>, vector<128x128xi32>
    %slice3A_1350 = vector.extract_strided_slice %dot_general3A_8 {offsets = [896, 256], sizes = [128, 128], strides = [1, 1]} : vector<2048x2048xf32> to vector<128x128xf32>
    %sub3A_1351 = vector.broadcast %slice3A_1330 : vector<128x1xf32> to vector<128x128xf32>
    %sub3A_1352 = arith.subf %sub3A_1351, %slice3A_1350 : vector<128x128xf32>
    %slice3A_1353 = vector.extract_strided_slice %reshape3A {offsets = [0, 256], sizes = [1, 128], strides = [1, 1]} : vector<1x2048xf32> to vector<1x128xf32>
    %add3A_1354 = vector.broadcast %slice3A_1353 : vector<1x128xf32> to vector<128x128xf32>
    %add3A_1355 = arith.addf %sub3A_1352, %add3A_1354 : vector<128x128xf32>
    %lt3A_1356 = arith.cmpf olt, %add3A_1355, %select_n3A_1346 : vector<128x128xf32>
    %select_n3A_1357 = arith.select %lt3A_1356, %add3A_1355, %select_n3A_1346 : vector<128x128xi1>, vector<128x128xf32>
    %jit3A_1358 = arith.constant 2 : i32
    %broadcast_in_dim3A_1359 = vector.broadcast %jit3A_1358 : i32 to vector<128x128xi32>
    %select_n3A_1360 = arith.select %lt3A_1356, %broadcast_in_dim3A_1359, %select_n3A_1349 : vector<128x128xi1>, vector<128x128xi32>
    %slice3A_1361 = vector.extract_strided_slice %dot_general3A_8 {offsets = [896, 384], sizes = [128, 128], strides = [1, 1]} : vector<2048x2048xf32> to vector<128x128xf32>
    %sub3A_1362 = vector.broadcast %slice3A_1330 : vector<128x1xf32> to vector<128x128xf32>
    %sub3A_1363 = arith.subf %sub3A_1362, %slice3A_1361 : vector<128x128xf32>
    %slice3A_1364 = vector.extract_strided_slice %reshape3A {offsets = [0, 384], sizes = [1, 128], strides = [1, 1]} : vector<1x2048xf32> to vector<1x128xf32>
    %add3A_1365 = vector.broadcast %slice3A_1364 : vector<1x128xf32> to vector<128x128xf32>
    %add3A_1366 = arith.addf %sub3A_1363, %add3A_1365 : vector<128x128xf32>
    %lt3A_1367 = arith.cmpf olt, %add3A_1366, %select_n3A_1357 : vector<128x128xf32>
    %select_n3A_1368 = arith.select %lt3A_1367, %add3A_1366, %select_n3A_1357 : vector<128x128xi1>, vector<128x128xf32>
    %jit3A_1369 = arith.constant 3 : i32
    %broadcast_in_dim3A_1370 = vector.broadcast %jit3A_1369 : i32 to vector<128x128xi32>
    %select_n3A_1371 = arith.select %lt3A_1367, %broadcast_in_dim3A_1370, %select_n3A_1360 : vector<128x128xi1>, vector<128x128xi32>
    %slice3A_1372 = vector.extract_strided_slice %dot_general3A_8 {offsets = [896, 512], sizes = [128, 128], strides = [1, 1]} : vector<2048x2048xf32> to vector<128x128xf32>
    %sub3A_1373 = vector.broadcast %slice3A_1330 : vector<128x1xf32> to vector<128x128xf32>
    %sub3A_1374 = arith.subf %sub3A_1373, %slice3A_1372 : vector<128x128xf32>
    %slice3A_1375 = vector.extract_strided_slice %reshape3A {offsets = [0, 512], sizes = [1, 128], strides = [1, 1]} : vector<1x2048xf32> to vector<1x128xf32>
    %add3A_1376 = vector.broadcast %slice3A_1375 : vector<1x128xf32> to vector<128x128xf32>
    %add3A_1377 = arith.addf %sub3A_1374, %add3A_1376 : vector<128x128xf32>
    %lt3A_1378 = arith.cmpf olt, %add3A_1377, %select_n3A_1368 : vector<128x128xf32>
    %select_n3A_1379 = arith.select %lt3A_1378, %add3A_1377, %select_n3A_1368 : vector<128x128xi1>, vector<128x128xf32>
    %jit3A_1380 = arith.constant 4 : i32
    %broadcast_in_dim3A_1381 = vector.broadcast %jit3A_1380 : i32 to vector<128x128xi32>
    %select_n3A_1382 = arith.select %lt3A_1378, %broadcast_in_dim3A_1381, %select_n3A_1371 : vector<128x128xi1>, vector<128x128xi32>
    %slice3A_1383 = vector.extract_strided_slice %dot_general3A_8 {offsets = [896, 640], sizes = [128, 128], strides = [1, 1]} : vector<2048x2048xf32> to vector<128x128xf32>
    %sub3A_1384 = vector.broadcast %slice3A_1330 : vector<128x1xf32> to vector<128x128xf32>
    %sub3A_1385 = arith.subf %sub3A_1384, %slice3A_1383 : vector<128x128xf32>
    %slice3A_1386 = vector.extract_strided_slice %reshape3A {offsets = [0, 640], sizes = [1, 128], strides = [1, 1]} : vector<1x2048xf32> to vector<1x128xf32>
    %add3A_1387 = vector.broadcast %slice3A_1386 : vector<1x128xf32> to vector<128x128xf32>
    %add3A_1388 = arith.addf %sub3A_1385, %add3A_1387 : vector<128x128xf32>
    %lt3A_1389 = arith.cmpf olt, %add3A_1388, %select_n3A_1379 : vector<128x128xf32>
    %select_n3A_1390 = arith.select %lt3A_1389, %add3A_1388, %select_n3A_1379 : vector<128x128xi1>, vector<128x128xf32>
    %jit3A_1391 = arith.constant 5 : i32
    %broadcast_in_dim3A_1392 = vector.broadcast %jit3A_1391 : i32 to vector<128x128xi32>
    %select_n3A_1393 = arith.select %lt3A_1389, %broadcast_in_dim3A_1392, %select_n3A_1382 : vector<128x128xi1>, vector<128x128xi32>
    %slice3A_1394 = vector.extract_strided_slice %dot_general3A_8 {offsets = [896, 768], sizes = [128, 128], strides = [1, 1]} : vector<2048x2048xf32> to vector<128x128xf32>
    %sub3A_1395 = vector.broadcast %slice3A_1330 : vector<128x1xf32> to vector<128x128xf32>
    %sub3A_1396 = arith.subf %sub3A_1395, %slice3A_1394 : vector<128x128xf32>
    %slice3A_1397 = vector.extract_strided_slice %reshape3A {offsets = [0, 768], sizes = [1, 128], strides = [1, 1]} : vector<1x2048xf32> to vector<1x128xf32>
    %add3A_1398 = vector.broadcast %slice3A_1397 : vector<1x128xf32> to vector<128x128xf32>
    %add3A_1399 = arith.addf %sub3A_1396, %add3A_1398 : vector<128x128xf32>
    %lt3A_1400 = arith.cmpf olt, %add3A_1399, %select_n3A_1390 : vector<128x128xf32>
    %select_n3A_1401 = arith.select %lt3A_1400, %add3A_1399, %select_n3A_1390 : vector<128x128xi1>, vector<128x128xf32>
    %jit3A_1402 = arith.constant 6 : i32
    %broadcast_in_dim3A_1403 = vector.broadcast %jit3A_1402 : i32 to vector<128x128xi32>
    %select_n3A_1404 = arith.select %lt3A_1400, %broadcast_in_dim3A_1403, %select_n3A_1393 : vector<128x128xi1>, vector<128x128xi32>
    %slice3A_1405 = vector.extract_strided_slice %dot_general3A_8 {offsets = [896, 896], sizes = [128, 128], strides = [1, 1]} : vector<2048x2048xf32> to vector<128x128xf32>
    %sub3A_1406 = vector.broadcast %slice3A_1330 : vector<128x1xf32> to vector<128x128xf32>
    %sub3A_1407 = arith.subf %sub3A_1406, %slice3A_1405 : vector<128x128xf32>
    %slice3A_1408 = vector.extract_strided_slice %reshape3A {offsets = [0, 896], sizes = [1, 128], strides = [1, 1]} : vector<1x2048xf32> to vector<1x128xf32>
    %add3A_1409 = vector.broadcast %slice3A_1408 : vector<1x128xf32> to vector<128x128xf32>
    %add3A_1410 = arith.addf %sub3A_1407, %add3A_1409 : vector<128x128xf32>
    %lt3A_1411 = arith.cmpf olt, %add3A_1410, %select_n3A_1401 : vector<128x128xf32>
    %select_n3A_1412 = arith.select %lt3A_1411, %add3A_1410, %select_n3A_1401 : vector<128x128xi1>, vector<128x128xf32>
    %jit3A_1413 = arith.constant 7 : i32
    %broadcast_in_dim3A_1414 = vector.broadcast %jit3A_1413 : i32 to vector<128x128xi32>
    %select_n3A_1415 = arith.select %lt3A_1411, %broadcast_in_dim3A_1414, %select_n3A_1404 : vector<128x128xi1>, vector<128x128xi32>
    %slice3A_1416 = vector.extract_strided_slice %dot_general3A_8 {offsets = [896, 1024], sizes = [128, 128], strides = [1, 1]} : vector<2048x2048xf32> to vector<128x128xf32>
    %sub3A_1417 = vector.broadcast %slice3A_1330 : vector<128x1xf32> to vector<128x128xf32>
    %sub3A_1418 = arith.subf %sub3A_1417, %slice3A_1416 : vector<128x128xf32>
    %slice3A_1419 = vector.extract_strided_slice %reshape3A {offsets = [0, 1024], sizes = [1, 128], strides = [1, 1]} : vector<1x2048xf32> to vector<1x128xf32>
    %add3A_1420 = vector.broadcast %slice3A_1419 : vector<1x128xf32> to vector<128x128xf32>
    %add3A_1421 = arith.addf %sub3A_1418, %add3A_1420 : vector<128x128xf32>
    %lt3A_1422 = arith.cmpf olt, %add3A_1421, %select_n3A_1412 : vector<128x128xf32>
    %select_n3A_1423 = arith.select %lt3A_1422, %add3A_1421, %select_n3A_1412 : vector<128x128xi1>, vector<128x128xf32>
    %jit3A_1424 = arith.constant 8 : i32
    %broadcast_in_dim3A_1425 = vector.broadcast %jit3A_1424 : i32 to vector<128x128xi32>
    %select_n3A_1426 = arith.select %lt3A_1422, %broadcast_in_dim3A_1425, %select_n3A_1415 : vector<128x128xi1>, vector<128x128xi32>
    %slice3A_1427 = vector.extract_strided_slice %dot_general3A_8 {offsets = [896, 1152], sizes = [128, 128], strides = [1, 1]} : vector<2048x2048xf32> to vector<128x128xf32>
    %sub3A_1428 = vector.broadcast %slice3A_1330 : vector<128x1xf32> to vector<128x128xf32>
    %sub3A_1429 = arith.subf %sub3A_1428, %slice3A_1427 : vector<128x128xf32>
    %slice3A_1430 = vector.extract_strided_slice %reshape3A {offsets = [0, 1152], sizes = [1, 128], strides = [1, 1]} : vector<1x2048xf32> to vector<1x128xf32>
    %add3A_1431 = vector.broadcast %slice3A_1430 : vector<1x128xf32> to vector<128x128xf32>
    %add3A_1432 = arith.addf %sub3A_1429, %add3A_1431 : vector<128x128xf32>
    %lt3A_1433 = arith.cmpf olt, %add3A_1432, %select_n3A_1423 : vector<128x128xf32>
    %select_n3A_1434 = arith.select %lt3A_1433, %add3A_1432, %select_n3A_1423 : vector<128x128xi1>, vector<128x128xf32>
    %jit3A_1435 = arith.constant 9 : i32
    %broadcast_in_dim3A_1436 = vector.broadcast %jit3A_1435 : i32 to vector<128x128xi32>
    %select_n3A_1437 = arith.select %lt3A_1433, %broadcast_in_dim3A_1436, %select_n3A_1426 : vector<128x128xi1>, vector<128x128xi32>
    %slice3A_1438 = vector.extract_strided_slice %dot_general3A_8 {offsets = [896, 1280], sizes = [128, 128], strides = [1, 1]} : vector<2048x2048xf32> to vector<128x128xf32>
    %sub3A_1439 = vector.broadcast %slice3A_1330 : vector<128x1xf32> to vector<128x128xf32>
    %sub3A_1440 = arith.subf %sub3A_1439, %slice3A_1438 : vector<128x128xf32>
    %slice3A_1441 = vector.extract_strided_slice %reshape3A {offsets = [0, 1280], sizes = [1, 128], strides = [1, 1]} : vector<1x2048xf32> to vector<1x128xf32>
    %add3A_1442 = vector.broadcast %slice3A_1441 : vector<1x128xf32> to vector<128x128xf32>
    %add3A_1443 = arith.addf %sub3A_1440, %add3A_1442 : vector<128x128xf32>
    %lt3A_1444 = arith.cmpf olt, %add3A_1443, %select_n3A_1434 : vector<128x128xf32>
    %select_n3A_1445 = arith.select %lt3A_1444, %add3A_1443, %select_n3A_1434 : vector<128x128xi1>, vector<128x128xf32>
    %jit3A_1446 = arith.constant 10 : i32
    %broadcast_in_dim3A_1447 = vector.broadcast %jit3A_1446 : i32 to vector<128x128xi32>
    %select_n3A_1448 = arith.select %lt3A_1444, %broadcast_in_dim3A_1447, %select_n3A_1437 : vector<128x128xi1>, vector<128x128xi32>
    %slice3A_1449 = vector.extract_strided_slice %dot_general3A_8 {offsets = [896, 1408], sizes = [128, 128], strides = [1, 1]} : vector<2048x2048xf32> to vector<128x128xf32>
    %sub3A_1450 = vector.broadcast %slice3A_1330 : vector<128x1xf32> to vector<128x128xf32>
    %sub3A_1451 = arith.subf %sub3A_1450, %slice3A_1449 : vector<128x128xf32>
    %slice3A_1452 = vector.extract_strided_slice %reshape3A {offsets = [0, 1408], sizes = [1, 128], strides = [1, 1]} : vector<1x2048xf32> to vector<1x128xf32>
    %add3A_1453 = vector.broadcast %slice3A_1452 : vector<1x128xf32> to vector<128x128xf32>
    %add3A_1454 = arith.addf %sub3A_1451, %add3A_1453 : vector<128x128xf32>
    %lt3A_1455 = arith.cmpf olt, %add3A_1454, %select_n3A_1445 : vector<128x128xf32>
    %select_n3A_1456 = arith.select %lt3A_1455, %add3A_1454, %select_n3A_1445 : vector<128x128xi1>, vector<128x128xf32>
    %jit3A_1457 = arith.constant 11 : i32
    %broadcast_in_dim3A_1458 = vector.broadcast %jit3A_1457 : i32 to vector<128x128xi32>
    %select_n3A_1459 = arith.select %lt3A_1455, %broadcast_in_dim3A_1458, %select_n3A_1448 : vector<128x128xi1>, vector<128x128xi32>
    %slice3A_1460 = vector.extract_strided_slice %dot_general3A_8 {offsets = [896, 1536], sizes = [128, 128], strides = [1, 1]} : vector<2048x2048xf32> to vector<128x128xf32>
    %sub3A_1461 = vector.broadcast %slice3A_1330 : vector<128x1xf32> to vector<128x128xf32>
    %sub3A_1462 = arith.subf %sub3A_1461, %slice3A_1460 : vector<128x128xf32>
    %slice3A_1463 = vector.extract_strided_slice %reshape3A {offsets = [0, 1536], sizes = [1, 128], strides = [1, 1]} : vector<1x2048xf32> to vector<1x128xf32>
    %add3A_1464 = vector.broadcast %slice3A_1463 : vector<1x128xf32> to vector<128x128xf32>
    %add3A_1465 = arith.addf %sub3A_1462, %add3A_1464 : vector<128x128xf32>
    %lt3A_1466 = arith.cmpf olt, %add3A_1465, %select_n3A_1456 : vector<128x128xf32>
    %select_n3A_1467 = arith.select %lt3A_1466, %add3A_1465, %select_n3A_1456 : vector<128x128xi1>, vector<128x128xf32>
    %jit3A_1468 = arith.constant 12 : i32
    %broadcast_in_dim3A_1469 = vector.broadcast %jit3A_1468 : i32 to vector<128x128xi32>
    %select_n3A_1470 = arith.select %lt3A_1466, %broadcast_in_dim3A_1469, %select_n3A_1459 : vector<128x128xi1>, vector<128x128xi32>
    %slice3A_1471 = vector.extract_strided_slice %dot_general3A_8 {offsets = [896, 1664], sizes = [128, 128], strides = [1, 1]} : vector<2048x2048xf32> to vector<128x128xf32>
    %sub3A_1472 = vector.broadcast %slice3A_1330 : vector<128x1xf32> to vector<128x128xf32>
    %sub3A_1473 = arith.subf %sub3A_1472, %slice3A_1471 : vector<128x128xf32>
    %slice3A_1474 = vector.extract_strided_slice %reshape3A {offsets = [0, 1664], sizes = [1, 128], strides = [1, 1]} : vector<1x2048xf32> to vector<1x128xf32>
    %add3A_1475 = vector.broadcast %slice3A_1474 : vector<1x128xf32> to vector<128x128xf32>
    %add3A_1476 = arith.addf %sub3A_1473, %add3A_1475 : vector<128x128xf32>
    %lt3A_1477 = arith.cmpf olt, %add3A_1476, %select_n3A_1467 : vector<128x128xf32>
    %select_n3A_1478 = arith.select %lt3A_1477, %add3A_1476, %select_n3A_1467 : vector<128x128xi1>, vector<128x128xf32>
    %jit3A_1479 = arith.constant 13 : i32
    %broadcast_in_dim3A_1480 = vector.broadcast %jit3A_1479 : i32 to vector<128x128xi32>
    %select_n3A_1481 = arith.select %lt3A_1477, %broadcast_in_dim3A_1480, %select_n3A_1470 : vector<128x128xi1>, vector<128x128xi32>
    %slice3A_1482 = vector.extract_strided_slice %dot_general3A_8 {offsets = [896, 1792], sizes = [128, 128], strides = [1, 1]} : vector<2048x2048xf32> to vector<128x128xf32>
    %sub3A_1483 = vector.broadcast %slice3A_1330 : vector<128x1xf32> to vector<128x128xf32>
    %sub3A_1484 = arith.subf %sub3A_1483, %slice3A_1482 : vector<128x128xf32>
    %slice3A_1485 = vector.extract_strided_slice %reshape3A {offsets = [0, 1792], sizes = [1, 128], strides = [1, 1]} : vector<1x2048xf32> to vector<1x128xf32>
    %add3A_1486 = vector.broadcast %slice3A_1485 : vector<1x128xf32> to vector<128x128xf32>
    %add3A_1487 = arith.addf %sub3A_1484, %add3A_1486 : vector<128x128xf32>
    %lt3A_1488 = arith.cmpf olt, %add3A_1487, %select_n3A_1478 : vector<128x128xf32>
    %select_n3A_1489 = arith.select %lt3A_1488, %add3A_1487, %select_n3A_1478 : vector<128x128xi1>, vector<128x128xf32>
    %jit3A_1490 = arith.constant 14 : i32
    %broadcast_in_dim3A_1491 = vector.broadcast %jit3A_1490 : i32 to vector<128x128xi32>
    %select_n3A_1492 = arith.select %lt3A_1488, %broadcast_in_dim3A_1491, %select_n3A_1481 : vector<128x128xi1>, vector<128x128xi32>
    %slice3A_1493 = vector.extract_strided_slice %dot_general3A_8 {offsets = [896, 1920], sizes = [128, 128], strides = [1, 1]} : vector<2048x2048xf32> to vector<128x128xf32>
    %sub3A_1494 = vector.broadcast %slice3A_1330 : vector<128x1xf32> to vector<128x128xf32>
    %sub3A_1495 = arith.subf %sub3A_1494, %slice3A_1493 : vector<128x128xf32>
    %slice3A_1496 = vector.extract_strided_slice %reshape3A {offsets = [0, 1920], sizes = [1, 128], strides = [1, 1]} : vector<1x2048xf32> to vector<1x128xf32>
    %add3A_1497 = vector.broadcast %slice3A_1496 : vector<1x128xf32> to vector<128x128xf32>
    %add3A_1498 = arith.addf %sub3A_1495, %add3A_1497 : vector<128x128xf32>
    %lt3A_1499 = arith.cmpf olt, %add3A_1498, %select_n3A_1489 : vector<128x128xf32>
    %select_n3A_1500 = arith.select %lt3A_1499, %add3A_1498, %select_n3A_1489 : vector<128x128xi1>, vector<128x128xf32>
    %jit3A_1501 = arith.constant 15 : i32
    %broadcast_in_dim3A_1502 = vector.broadcast %jit3A_1501 : i32 to vector<128x128xi32>
    %select_n3A_1503 = arith.select %lt3A_1499, %broadcast_in_dim3A_1502, %select_n3A_1492 : vector<128x128xi1>, vector<128x128xi32>
    %mul3A_1504 = arith.constant 128 : i32
    %mul3A_1505 = vector.broadcast %mul3A_1504 : i32 to vector<128x128xi32>
    %mul3A_1506 = arith.muli %select_n3A_1503, %mul3A_1505 : vector<128x128xi32>
    %add3A_1507 = arith.addi %mul3A_1506, %iota3A : vector<128x128xi32>
    %reduce_min3A_1508 = arith.constant dense<0x7F800000> : vector<128xf32>
    %reduce_min3A_1509 = vector.multi_reduction <minimumf>, %select_n3A_1500, %reduce_min3A_1508 [1] : vector<128x128xf32> to vector<128xf32>
    %broadcast_in_dim3A_1510 = vector.shape_cast %reduce_min3A_1509 : vector<128xf32> to vector<128x1xf32>
    %eq3A_1511 = vector.broadcast %broadcast_in_dim3A_1510 : vector<128x1xf32> to vector<128x128xf32>
    %eq3A_1512 = arith.cmpf oeq, %select_n3A_1500, %eq3A_1511 : vector<128x128xf32>
    %jit3A_1513 = arith.constant 2048 : i32
    %broadcast_in_dim3A_1514 = vector.broadcast %jit3A_1513 : i32 to vector<128x128xi32>
    %select_n3A_1515 = arith.select %eq3A_1512, %add3A_1507, %broadcast_in_dim3A_1514 : vector<128x128xi1>, vector<128x128xi32>
    %reduce_min3A_1516 = arith.constant dense<2147483647> : vector<128xi32>
    %reduce_min3A_1517 = vector.multi_reduction <minsi>, %select_n3A_1515, %reduce_min3A_1516 [1] : vector<128x128xi32> to vector<128xi32>
    %broadcast_in_dim3A_1518 = vector.shape_cast %reduce_min3A_1517 : vector<128xi32> to vector<128x1xi32>
    %slice3A_1519 = vector.extract_strided_slice %get3A_11 {offsets = [1024, 0], sizes = [128, 1], strides = [1, 1]} : vector<2048x1xf32> to vector<128x1xf32>
    %slice3A_1520 = vector.extract_strided_slice %dot_general3A_8 {offsets = [1024, 0], sizes = [128, 128], strides = [1, 1]} : vector<2048x2048xf32> to vector<128x128xf32>
    %sub3A_1521 = vector.broadcast %slice3A_1519 : vector<128x1xf32> to vector<128x128xf32>
    %sub3A_1522 = arith.subf %sub3A_1521, %slice3A_1520 : vector<128x128xf32>
    %slice3A_1523 = vector.extract_strided_slice %reshape3A {offsets = [0, 0], sizes = [1, 128], strides = [1, 1]} : vector<1x2048xf32> to vector<1x128xf32>
    %add3A_1524 = vector.broadcast %slice3A_1523 : vector<1x128xf32> to vector<128x128xf32>
    %add3A_1525 = arith.addf %sub3A_1522, %add3A_1524 : vector<128x128xf32>
    %broadcast_in_dim3A_1526 = arith.constant 0 : i32
    %broadcast_in_dim3A_1527 = vector.broadcast %broadcast_in_dim3A_1526 : i32 to vector<128x128xi32>
    %slice3A_1528 = vector.extract_strided_slice %dot_general3A_8 {offsets = [1024, 128], sizes = [128, 128], strides = [1, 1]} : vector<2048x2048xf32> to vector<128x128xf32>
    %sub3A_1529 = vector.broadcast %slice3A_1519 : vector<128x1xf32> to vector<128x128xf32>
    %sub3A_1530 = arith.subf %sub3A_1529, %slice3A_1528 : vector<128x128xf32>
    %slice3A_1531 = vector.extract_strided_slice %reshape3A {offsets = [0, 128], sizes = [1, 128], strides = [1, 1]} : vector<1x2048xf32> to vector<1x128xf32>
    %add3A_1532 = vector.broadcast %slice3A_1531 : vector<1x128xf32> to vector<128x128xf32>
    %add3A_1533 = arith.addf %sub3A_1530, %add3A_1532 : vector<128x128xf32>
    %lt3A_1534 = arith.cmpf olt, %add3A_1533, %add3A_1525 : vector<128x128xf32>
    %select_n3A_1535 = arith.select %lt3A_1534, %add3A_1533, %add3A_1525 : vector<128x128xi1>, vector<128x128xf32>
    %jit3A_1536 = arith.constant 1 : i32
    %broadcast_in_dim3A_1537 = vector.broadcast %jit3A_1536 : i32 to vector<128x128xi32>
    %select_n3A_1538 = arith.select %lt3A_1534, %broadcast_in_dim3A_1537, %broadcast_in_dim3A_1527 : vector<128x128xi1>, vector<128x128xi32>
    %slice3A_1539 = vector.extract_strided_slice %dot_general3A_8 {offsets = [1024, 256], sizes = [128, 128], strides = [1, 1]} : vector<2048x2048xf32> to vector<128x128xf32>
    %sub3A_1540 = vector.broadcast %slice3A_1519 : vector<128x1xf32> to vector<128x128xf32>
    %sub3A_1541 = arith.subf %sub3A_1540, %slice3A_1539 : vector<128x128xf32>
    %slice3A_1542 = vector.extract_strided_slice %reshape3A {offsets = [0, 256], sizes = [1, 128], strides = [1, 1]} : vector<1x2048xf32> to vector<1x128xf32>
    %add3A_1543 = vector.broadcast %slice3A_1542 : vector<1x128xf32> to vector<128x128xf32>
    %add3A_1544 = arith.addf %sub3A_1541, %add3A_1543 : vector<128x128xf32>
    %lt3A_1545 = arith.cmpf olt, %add3A_1544, %select_n3A_1535 : vector<128x128xf32>
    %select_n3A_1546 = arith.select %lt3A_1545, %add3A_1544, %select_n3A_1535 : vector<128x128xi1>, vector<128x128xf32>
    %jit3A_1547 = arith.constant 2 : i32
    %broadcast_in_dim3A_1548 = vector.broadcast %jit3A_1547 : i32 to vector<128x128xi32>
    %select_n3A_1549 = arith.select %lt3A_1545, %broadcast_in_dim3A_1548, %select_n3A_1538 : vector<128x128xi1>, vector<128x128xi32>
    %slice3A_1550 = vector.extract_strided_slice %dot_general3A_8 {offsets = [1024, 384], sizes = [128, 128], strides = [1, 1]} : vector<2048x2048xf32> to vector<128x128xf32>
    %sub3A_1551 = vector.broadcast %slice3A_1519 : vector<128x1xf32> to vector<128x128xf32>
    %sub3A_1552 = arith.subf %sub3A_1551, %slice3A_1550 : vector<128x128xf32>
    %slice3A_1553 = vector.extract_strided_slice %reshape3A {offsets = [0, 384], sizes = [1, 128], strides = [1, 1]} : vector<1x2048xf32> to vector<1x128xf32>
    %add3A_1554 = vector.broadcast %slice3A_1553 : vector<1x128xf32> to vector<128x128xf32>
    %add3A_1555 = arith.addf %sub3A_1552, %add3A_1554 : vector<128x128xf32>
    %lt3A_1556 = arith.cmpf olt, %add3A_1555, %select_n3A_1546 : vector<128x128xf32>
    %select_n3A_1557 = arith.select %lt3A_1556, %add3A_1555, %select_n3A_1546 : vector<128x128xi1>, vector<128x128xf32>
    %jit3A_1558 = arith.constant 3 : i32
    %broadcast_in_dim3A_1559 = vector.broadcast %jit3A_1558 : i32 to vector<128x128xi32>
    %select_n3A_1560 = arith.select %lt3A_1556, %broadcast_in_dim3A_1559, %select_n3A_1549 : vector<128x128xi1>, vector<128x128xi32>
    %slice3A_1561 = vector.extract_strided_slice %dot_general3A_8 {offsets = [1024, 512], sizes = [128, 128], strides = [1, 1]} : vector<2048x2048xf32> to vector<128x128xf32>
    %sub3A_1562 = vector.broadcast %slice3A_1519 : vector<128x1xf32> to vector<128x128xf32>
    %sub3A_1563 = arith.subf %sub3A_1562, %slice3A_1561 : vector<128x128xf32>
    %slice3A_1564 = vector.extract_strided_slice %reshape3A {offsets = [0, 512], sizes = [1, 128], strides = [1, 1]} : vector<1x2048xf32> to vector<1x128xf32>
    %add3A_1565 = vector.broadcast %slice3A_1564 : vector<1x128xf32> to vector<128x128xf32>
    %add3A_1566 = arith.addf %sub3A_1563, %add3A_1565 : vector<128x128xf32>
    %lt3A_1567 = arith.cmpf olt, %add3A_1566, %select_n3A_1557 : vector<128x128xf32>
    %select_n3A_1568 = arith.select %lt3A_1567, %add3A_1566, %select_n3A_1557 : vector<128x128xi1>, vector<128x128xf32>
    %jit3A_1569 = arith.constant 4 : i32
    %broadcast_in_dim3A_1570 = vector.broadcast %jit3A_1569 : i32 to vector<128x128xi32>
    %select_n3A_1571 = arith.select %lt3A_1567, %broadcast_in_dim3A_1570, %select_n3A_1560 : vector<128x128xi1>, vector<128x128xi32>
    %slice3A_1572 = vector.extract_strided_slice %dot_general3A_8 {offsets = [1024, 640], sizes = [128, 128], strides = [1, 1]} : vector<2048x2048xf32> to vector<128x128xf32>
    %sub3A_1573 = vector.broadcast %slice3A_1519 : vector<128x1xf32> to vector<128x128xf32>
    %sub3A_1574 = arith.subf %sub3A_1573, %slice3A_1572 : vector<128x128xf32>
    %slice3A_1575 = vector.extract_strided_slice %reshape3A {offsets = [0, 640], sizes = [1, 128], strides = [1, 1]} : vector<1x2048xf32> to vector<1x128xf32>
    %add3A_1576 = vector.broadcast %slice3A_1575 : vector<1x128xf32> to vector<128x128xf32>
    %add3A_1577 = arith.addf %sub3A_1574, %add3A_1576 : vector<128x128xf32>
    %lt3A_1578 = arith.cmpf olt, %add3A_1577, %select_n3A_1568 : vector<128x128xf32>
    %select_n3A_1579 = arith.select %lt3A_1578, %add3A_1577, %select_n3A_1568 : vector<128x128xi1>, vector<128x128xf32>
    %jit3A_1580 = arith.constant 5 : i32
    %broadcast_in_dim3A_1581 = vector.broadcast %jit3A_1580 : i32 to vector<128x128xi32>
    %select_n3A_1582 = arith.select %lt3A_1578, %broadcast_in_dim3A_1581, %select_n3A_1571 : vector<128x128xi1>, vector<128x128xi32>
    %slice3A_1583 = vector.extract_strided_slice %dot_general3A_8 {offsets = [1024, 768], sizes = [128, 128], strides = [1, 1]} : vector<2048x2048xf32> to vector<128x128xf32>
    %sub3A_1584 = vector.broadcast %slice3A_1519 : vector<128x1xf32> to vector<128x128xf32>
    %sub3A_1585 = arith.subf %sub3A_1584, %slice3A_1583 : vector<128x128xf32>
    %slice3A_1586 = vector.extract_strided_slice %reshape3A {offsets = [0, 768], sizes = [1, 128], strides = [1, 1]} : vector<1x2048xf32> to vector<1x128xf32>
    %add3A_1587 = vector.broadcast %slice3A_1586 : vector<1x128xf32> to vector<128x128xf32>
    %add3A_1588 = arith.addf %sub3A_1585, %add3A_1587 : vector<128x128xf32>
    %lt3A_1589 = arith.cmpf olt, %add3A_1588, %select_n3A_1579 : vector<128x128xf32>
    %select_n3A_1590 = arith.select %lt3A_1589, %add3A_1588, %select_n3A_1579 : vector<128x128xi1>, vector<128x128xf32>
    %jit3A_1591 = arith.constant 6 : i32
    %broadcast_in_dim3A_1592 = vector.broadcast %jit3A_1591 : i32 to vector<128x128xi32>
    %select_n3A_1593 = arith.select %lt3A_1589, %broadcast_in_dim3A_1592, %select_n3A_1582 : vector<128x128xi1>, vector<128x128xi32>
    %slice3A_1594 = vector.extract_strided_slice %dot_general3A_8 {offsets = [1024, 896], sizes = [128, 128], strides = [1, 1]} : vector<2048x2048xf32> to vector<128x128xf32>
    %sub3A_1595 = vector.broadcast %slice3A_1519 : vector<128x1xf32> to vector<128x128xf32>
    %sub3A_1596 = arith.subf %sub3A_1595, %slice3A_1594 : vector<128x128xf32>
    %slice3A_1597 = vector.extract_strided_slice %reshape3A {offsets = [0, 896], sizes = [1, 128], strides = [1, 1]} : vector<1x2048xf32> to vector<1x128xf32>
    %add3A_1598 = vector.broadcast %slice3A_1597 : vector<1x128xf32> to vector<128x128xf32>
    %add3A_1599 = arith.addf %sub3A_1596, %add3A_1598 : vector<128x128xf32>
    %lt3A_1600 = arith.cmpf olt, %add3A_1599, %select_n3A_1590 : vector<128x128xf32>
    %select_n3A_1601 = arith.select %lt3A_1600, %add3A_1599, %select_n3A_1590 : vector<128x128xi1>, vector<128x128xf32>
    %jit3A_1602 = arith.constant 7 : i32
    %broadcast_in_dim3A_1603 = vector.broadcast %jit3A_1602 : i32 to vector<128x128xi32>
    %select_n3A_1604 = arith.select %lt3A_1600, %broadcast_in_dim3A_1603, %select_n3A_1593 : vector<128x128xi1>, vector<128x128xi32>
    %slice3A_1605 = vector.extract_strided_slice %dot_general3A_8 {offsets = [1024, 1024], sizes = [128, 128], strides = [1, 1]} : vector<2048x2048xf32> to vector<128x128xf32>
    %sub3A_1606 = vector.broadcast %slice3A_1519 : vector<128x1xf32> to vector<128x128xf32>
    %sub3A_1607 = arith.subf %sub3A_1606, %slice3A_1605 : vector<128x128xf32>
    %slice3A_1608 = vector.extract_strided_slice %reshape3A {offsets = [0, 1024], sizes = [1, 128], strides = [1, 1]} : vector<1x2048xf32> to vector<1x128xf32>
    %add3A_1609 = vector.broadcast %slice3A_1608 : vector<1x128xf32> to vector<128x128xf32>
    %add3A_1610 = arith.addf %sub3A_1607, %add3A_1609 : vector<128x128xf32>
    %lt3A_1611 = arith.cmpf olt, %add3A_1610, %select_n3A_1601 : vector<128x128xf32>
    %select_n3A_1612 = arith.select %lt3A_1611, %add3A_1610, %select_n3A_1601 : vector<128x128xi1>, vector<128x128xf32>
    %jit3A_1613 = arith.constant 8 : i32
    %broadcast_in_dim3A_1614 = vector.broadcast %jit3A_1613 : i32 to vector<128x128xi32>
    %select_n3A_1615 = arith.select %lt3A_1611, %broadcast_in_dim3A_1614, %select_n3A_1604 : vector<128x128xi1>, vector<128x128xi32>
    %slice3A_1616 = vector.extract_strided_slice %dot_general3A_8 {offsets = [1024, 1152], sizes = [128, 128], strides = [1, 1]} : vector<2048x2048xf32> to vector<128x128xf32>
    %sub3A_1617 = vector.broadcast %slice3A_1519 : vector<128x1xf32> to vector<128x128xf32>
    %sub3A_1618 = arith.subf %sub3A_1617, %slice3A_1616 : vector<128x128xf32>
    %slice3A_1619 = vector.extract_strided_slice %reshape3A {offsets = [0, 1152], sizes = [1, 128], strides = [1, 1]} : vector<1x2048xf32> to vector<1x128xf32>
    %add3A_1620 = vector.broadcast %slice3A_1619 : vector<1x128xf32> to vector<128x128xf32>
    %add3A_1621 = arith.addf %sub3A_1618, %add3A_1620 : vector<128x128xf32>
    %lt3A_1622 = arith.cmpf olt, %add3A_1621, %select_n3A_1612 : vector<128x128xf32>
    %select_n3A_1623 = arith.select %lt3A_1622, %add3A_1621, %select_n3A_1612 : vector<128x128xi1>, vector<128x128xf32>
    %jit3A_1624 = arith.constant 9 : i32
    %broadcast_in_dim3A_1625 = vector.broadcast %jit3A_1624 : i32 to vector<128x128xi32>
    %select_n3A_1626 = arith.select %lt3A_1622, %broadcast_in_dim3A_1625, %select_n3A_1615 : vector<128x128xi1>, vector<128x128xi32>
    %slice3A_1627 = vector.extract_strided_slice %dot_general3A_8 {offsets = [1024, 1280], sizes = [128, 128], strides = [1, 1]} : vector<2048x2048xf32> to vector<128x128xf32>
    %sub3A_1628 = vector.broadcast %slice3A_1519 : vector<128x1xf32> to vector<128x128xf32>
    %sub3A_1629 = arith.subf %sub3A_1628, %slice3A_1627 : vector<128x128xf32>
    %slice3A_1630 = vector.extract_strided_slice %reshape3A {offsets = [0, 1280], sizes = [1, 128], strides = [1, 1]} : vector<1x2048xf32> to vector<1x128xf32>
    %add3A_1631 = vector.broadcast %slice3A_1630 : vector<1x128xf32> to vector<128x128xf32>
    %add3A_1632 = arith.addf %sub3A_1629, %add3A_1631 : vector<128x128xf32>
    %lt3A_1633 = arith.cmpf olt, %add3A_1632, %select_n3A_1623 : vector<128x128xf32>
    %select_n3A_1634 = arith.select %lt3A_1633, %add3A_1632, %select_n3A_1623 : vector<128x128xi1>, vector<128x128xf32>
    %jit3A_1635 = arith.constant 10 : i32
    %broadcast_in_dim3A_1636 = vector.broadcast %jit3A_1635 : i32 to vector<128x128xi32>
    %select_n3A_1637 = arith.select %lt3A_1633, %broadcast_in_dim3A_1636, %select_n3A_1626 : vector<128x128xi1>, vector<128x128xi32>
    %slice3A_1638 = vector.extract_strided_slice %dot_general3A_8 {offsets = [1024, 1408], sizes = [128, 128], strides = [1, 1]} : vector<2048x2048xf32> to vector<128x128xf32>
    %sub3A_1639 = vector.broadcast %slice3A_1519 : vector<128x1xf32> to vector<128x128xf32>
    %sub3A_1640 = arith.subf %sub3A_1639, %slice3A_1638 : vector<128x128xf32>
    %slice3A_1641 = vector.extract_strided_slice %reshape3A {offsets = [0, 1408], sizes = [1, 128], strides = [1, 1]} : vector<1x2048xf32> to vector<1x128xf32>
    %add3A_1642 = vector.broadcast %slice3A_1641 : vector<1x128xf32> to vector<128x128xf32>
    %add3A_1643 = arith.addf %sub3A_1640, %add3A_1642 : vector<128x128xf32>
    %lt3A_1644 = arith.cmpf olt, %add3A_1643, %select_n3A_1634 : vector<128x128xf32>
    %select_n3A_1645 = arith.select %lt3A_1644, %add3A_1643, %select_n3A_1634 : vector<128x128xi1>, vector<128x128xf32>
    %jit3A_1646 = arith.constant 11 : i32
    %broadcast_in_dim3A_1647 = vector.broadcast %jit3A_1646 : i32 to vector<128x128xi32>
    %select_n3A_1648 = arith.select %lt3A_1644, %broadcast_in_dim3A_1647, %select_n3A_1637 : vector<128x128xi1>, vector<128x128xi32>
    %slice3A_1649 = vector.extract_strided_slice %dot_general3A_8 {offsets = [1024, 1536], sizes = [128, 128], strides = [1, 1]} : vector<2048x2048xf32> to vector<128x128xf32>
    %sub3A_1650 = vector.broadcast %slice3A_1519 : vector<128x1xf32> to vector<128x128xf32>
    %sub3A_1651 = arith.subf %sub3A_1650, %slice3A_1649 : vector<128x128xf32>
    %slice3A_1652 = vector.extract_strided_slice %reshape3A {offsets = [0, 1536], sizes = [1, 128], strides = [1, 1]} : vector<1x2048xf32> to vector<1x128xf32>
    %add3A_1653 = vector.broadcast %slice3A_1652 : vector<1x128xf32> to vector<128x128xf32>
    %add3A_1654 = arith.addf %sub3A_1651, %add3A_1653 : vector<128x128xf32>
    %lt3A_1655 = arith.cmpf olt, %add3A_1654, %select_n3A_1645 : vector<128x128xf32>
    %select_n3A_1656 = arith.select %lt3A_1655, %add3A_1654, %select_n3A_1645 : vector<128x128xi1>, vector<128x128xf32>
    %jit3A_1657 = arith.constant 12 : i32
    %broadcast_in_dim3A_1658 = vector.broadcast %jit3A_1657 : i32 to vector<128x128xi32>
    %select_n3A_1659 = arith.select %lt3A_1655, %broadcast_in_dim3A_1658, %select_n3A_1648 : vector<128x128xi1>, vector<128x128xi32>
    %slice3A_1660 = vector.extract_strided_slice %dot_general3A_8 {offsets = [1024, 1664], sizes = [128, 128], strides = [1, 1]} : vector<2048x2048xf32> to vector<128x128xf32>
    %sub3A_1661 = vector.broadcast %slice3A_1519 : vector<128x1xf32> to vector<128x128xf32>
    %sub3A_1662 = arith.subf %sub3A_1661, %slice3A_1660 : vector<128x128xf32>
    %slice3A_1663 = vector.extract_strided_slice %reshape3A {offsets = [0, 1664], sizes = [1, 128], strides = [1, 1]} : vector<1x2048xf32> to vector<1x128xf32>
    %add3A_1664 = vector.broadcast %slice3A_1663 : vector<1x128xf32> to vector<128x128xf32>
    %add3A_1665 = arith.addf %sub3A_1662, %add3A_1664 : vector<128x128xf32>
    %lt3A_1666 = arith.cmpf olt, %add3A_1665, %select_n3A_1656 : vector<128x128xf32>
    %select_n3A_1667 = arith.select %lt3A_1666, %add3A_1665, %select_n3A_1656 : vector<128x128xi1>, vector<128x128xf32>
    %jit3A_1668 = arith.constant 13 : i32
    %broadcast_in_dim3A_1669 = vector.broadcast %jit3A_1668 : i32 to vector<128x128xi32>
    %select_n3A_1670 = arith.select %lt3A_1666, %broadcast_in_dim3A_1669, %select_n3A_1659 : vector<128x128xi1>, vector<128x128xi32>
    %slice3A_1671 = vector.extract_strided_slice %dot_general3A_8 {offsets = [1024, 1792], sizes = [128, 128], strides = [1, 1]} : vector<2048x2048xf32> to vector<128x128xf32>
    %sub3A_1672 = vector.broadcast %slice3A_1519 : vector<128x1xf32> to vector<128x128xf32>
    %sub3A_1673 = arith.subf %sub3A_1672, %slice3A_1671 : vector<128x128xf32>
    %slice3A_1674 = vector.extract_strided_slice %reshape3A {offsets = [0, 1792], sizes = [1, 128], strides = [1, 1]} : vector<1x2048xf32> to vector<1x128xf32>
    %add3A_1675 = vector.broadcast %slice3A_1674 : vector<1x128xf32> to vector<128x128xf32>
    %add3A_1676 = arith.addf %sub3A_1673, %add3A_1675 : vector<128x128xf32>
    %lt3A_1677 = arith.cmpf olt, %add3A_1676, %select_n3A_1667 : vector<128x128xf32>
    %select_n3A_1678 = arith.select %lt3A_1677, %add3A_1676, %select_n3A_1667 : vector<128x128xi1>, vector<128x128xf32>
    %jit3A_1679 = arith.constant 14 : i32
    %broadcast_in_dim3A_1680 = vector.broadcast %jit3A_1679 : i32 to vector<128x128xi32>
    %select_n3A_1681 = arith.select %lt3A_1677, %broadcast_in_dim3A_1680, %select_n3A_1670 : vector<128x128xi1>, vector<128x128xi32>
    %slice3A_1682 = vector.extract_strided_slice %dot_general3A_8 {offsets = [1024, 1920], sizes = [128, 128], strides = [1, 1]} : vector<2048x2048xf32> to vector<128x128xf32>
    %sub3A_1683 = vector.broadcast %slice3A_1519 : vector<128x1xf32> to vector<128x128xf32>
    %sub3A_1684 = arith.subf %sub3A_1683, %slice3A_1682 : vector<128x128xf32>
    %slice3A_1685 = vector.extract_strided_slice %reshape3A {offsets = [0, 1920], sizes = [1, 128], strides = [1, 1]} : vector<1x2048xf32> to vector<1x128xf32>
    %add3A_1686 = vector.broadcast %slice3A_1685 : vector<1x128xf32> to vector<128x128xf32>
    %add3A_1687 = arith.addf %sub3A_1684, %add3A_1686 : vector<128x128xf32>
    %lt3A_1688 = arith.cmpf olt, %add3A_1687, %select_n3A_1678 : vector<128x128xf32>
    %select_n3A_1689 = arith.select %lt3A_1688, %add3A_1687, %select_n3A_1678 : vector<128x128xi1>, vector<128x128xf32>
    %jit3A_1690 = arith.constant 15 : i32
    %broadcast_in_dim3A_1691 = vector.broadcast %jit3A_1690 : i32 to vector<128x128xi32>
    %select_n3A_1692 = arith.select %lt3A_1688, %broadcast_in_dim3A_1691, %select_n3A_1681 : vector<128x128xi1>, vector<128x128xi32>
    %mul3A_1693 = arith.constant 128 : i32
    %mul3A_1694 = vector.broadcast %mul3A_1693 : i32 to vector<128x128xi32>
    %mul3A_1695 = arith.muli %select_n3A_1692, %mul3A_1694 : vector<128x128xi32>
    %add3A_1696 = arith.addi %mul3A_1695, %iota3A : vector<128x128xi32>
    %reduce_min3A_1697 = arith.constant dense<0x7F800000> : vector<128xf32>
    %reduce_min3A_1698 = vector.multi_reduction <minimumf>, %select_n3A_1689, %reduce_min3A_1697 [1] : vector<128x128xf32> to vector<128xf32>
    %broadcast_in_dim3A_1699 = vector.shape_cast %reduce_min3A_1698 : vector<128xf32> to vector<128x1xf32>
    %eq3A_1700 = vector.broadcast %broadcast_in_dim3A_1699 : vector<128x1xf32> to vector<128x128xf32>
    %eq3A_1701 = arith.cmpf oeq, %select_n3A_1689, %eq3A_1700 : vector<128x128xf32>
    %jit3A_1702 = arith.constant 2048 : i32
    %broadcast_in_dim3A_1703 = vector.broadcast %jit3A_1702 : i32 to vector<128x128xi32>
    %select_n3A_1704 = arith.select %eq3A_1701, %add3A_1696, %broadcast_in_dim3A_1703 : vector<128x128xi1>, vector<128x128xi32>
    %reduce_min3A_1705 = arith.constant dense<2147483647> : vector<128xi32>
    %reduce_min3A_1706 = vector.multi_reduction <minsi>, %select_n3A_1704, %reduce_min3A_1705 [1] : vector<128x128xi32> to vector<128xi32>
    %broadcast_in_dim3A_1707 = vector.shape_cast %reduce_min3A_1706 : vector<128xi32> to vector<128x1xi32>
    %slice3A_1708 = vector.extract_strided_slice %get3A_11 {offsets = [1152, 0], sizes = [128, 1], strides = [1, 1]} : vector<2048x1xf32> to vector<128x1xf32>
    %slice3A_1709 = vector.extract_strided_slice %dot_general3A_8 {offsets = [1152, 0], sizes = [128, 128], strides = [1, 1]} : vector<2048x2048xf32> to vector<128x128xf32>
    %sub3A_1710 = vector.broadcast %slice3A_1708 : vector<128x1xf32> to vector<128x128xf32>
    %sub3A_1711 = arith.subf %sub3A_1710, %slice3A_1709 : vector<128x128xf32>
    %slice3A_1712 = vector.extract_strided_slice %reshape3A {offsets = [0, 0], sizes = [1, 128], strides = [1, 1]} : vector<1x2048xf32> to vector<1x128xf32>
    %add3A_1713 = vector.broadcast %slice3A_1712 : vector<1x128xf32> to vector<128x128xf32>
    %add3A_1714 = arith.addf %sub3A_1711, %add3A_1713 : vector<128x128xf32>
    %broadcast_in_dim3A_1715 = arith.constant 0 : i32
    %broadcast_in_dim3A_1716 = vector.broadcast %broadcast_in_dim3A_1715 : i32 to vector<128x128xi32>
    %slice3A_1717 = vector.extract_strided_slice %dot_general3A_8 {offsets = [1152, 128], sizes = [128, 128], strides = [1, 1]} : vector<2048x2048xf32> to vector<128x128xf32>
    %sub3A_1718 = vector.broadcast %slice3A_1708 : vector<128x1xf32> to vector<128x128xf32>
    %sub3A_1719 = arith.subf %sub3A_1718, %slice3A_1717 : vector<128x128xf32>
    %slice3A_1720 = vector.extract_strided_slice %reshape3A {offsets = [0, 128], sizes = [1, 128], strides = [1, 1]} : vector<1x2048xf32> to vector<1x128xf32>
    %add3A_1721 = vector.broadcast %slice3A_1720 : vector<1x128xf32> to vector<128x128xf32>
    %add3A_1722 = arith.addf %sub3A_1719, %add3A_1721 : vector<128x128xf32>
    %lt3A_1723 = arith.cmpf olt, %add3A_1722, %add3A_1714 : vector<128x128xf32>
    %select_n3A_1724 = arith.select %lt3A_1723, %add3A_1722, %add3A_1714 : vector<128x128xi1>, vector<128x128xf32>
    %jit3A_1725 = arith.constant 1 : i32
    %broadcast_in_dim3A_1726 = vector.broadcast %jit3A_1725 : i32 to vector<128x128xi32>
    %select_n3A_1727 = arith.select %lt3A_1723, %broadcast_in_dim3A_1726, %broadcast_in_dim3A_1716 : vector<128x128xi1>, vector<128x128xi32>
    %slice3A_1728 = vector.extract_strided_slice %dot_general3A_8 {offsets = [1152, 256], sizes = [128, 128], strides = [1, 1]} : vector<2048x2048xf32> to vector<128x128xf32>
    %sub3A_1729 = vector.broadcast %slice3A_1708 : vector<128x1xf32> to vector<128x128xf32>
    %sub3A_1730 = arith.subf %sub3A_1729, %slice3A_1728 : vector<128x128xf32>
    %slice3A_1731 = vector.extract_strided_slice %reshape3A {offsets = [0, 256], sizes = [1, 128], strides = [1, 1]} : vector<1x2048xf32> to vector<1x128xf32>
    %add3A_1732 = vector.broadcast %slice3A_1731 : vector<1x128xf32> to vector<128x128xf32>
    %add3A_1733 = arith.addf %sub3A_1730, %add3A_1732 : vector<128x128xf32>
    %lt3A_1734 = arith.cmpf olt, %add3A_1733, %select_n3A_1724 : vector<128x128xf32>
    %select_n3A_1735 = arith.select %lt3A_1734, %add3A_1733, %select_n3A_1724 : vector<128x128xi1>, vector<128x128xf32>
    %jit3A_1736 = arith.constant 2 : i32
    %broadcast_in_dim3A_1737 = vector.broadcast %jit3A_1736 : i32 to vector<128x128xi32>
    %select_n3A_1738 = arith.select %lt3A_1734, %broadcast_in_dim3A_1737, %select_n3A_1727 : vector<128x128xi1>, vector<128x128xi32>
    %slice3A_1739 = vector.extract_strided_slice %dot_general3A_8 {offsets = [1152, 384], sizes = [128, 128], strides = [1, 1]} : vector<2048x2048xf32> to vector<128x128xf32>
    %sub3A_1740 = vector.broadcast %slice3A_1708 : vector<128x1xf32> to vector<128x128xf32>
    %sub3A_1741 = arith.subf %sub3A_1740, %slice3A_1739 : vector<128x128xf32>
    %slice3A_1742 = vector.extract_strided_slice %reshape3A {offsets = [0, 384], sizes = [1, 128], strides = [1, 1]} : vector<1x2048xf32> to vector<1x128xf32>
    %add3A_1743 = vector.broadcast %slice3A_1742 : vector<1x128xf32> to vector<128x128xf32>
    %add3A_1744 = arith.addf %sub3A_1741, %add3A_1743 : vector<128x128xf32>
    %lt3A_1745 = arith.cmpf olt, %add3A_1744, %select_n3A_1735 : vector<128x128xf32>
    %select_n3A_1746 = arith.select %lt3A_1745, %add3A_1744, %select_n3A_1735 : vector<128x128xi1>, vector<128x128xf32>
    %jit3A_1747 = arith.constant 3 : i32
    %broadcast_in_dim3A_1748 = vector.broadcast %jit3A_1747 : i32 to vector<128x128xi32>
    %select_n3A_1749 = arith.select %lt3A_1745, %broadcast_in_dim3A_1748, %select_n3A_1738 : vector<128x128xi1>, vector<128x128xi32>
    %slice3A_1750 = vector.extract_strided_slice %dot_general3A_8 {offsets = [1152, 512], sizes = [128, 128], strides = [1, 1]} : vector<2048x2048xf32> to vector<128x128xf32>
    %sub3A_1751 = vector.broadcast %slice3A_1708 : vector<128x1xf32> to vector<128x128xf32>
    %sub3A_1752 = arith.subf %sub3A_1751, %slice3A_1750 : vector<128x128xf32>
    %slice3A_1753 = vector.extract_strided_slice %reshape3A {offsets = [0, 512], sizes = [1, 128], strides = [1, 1]} : vector<1x2048xf32> to vector<1x128xf32>
    %add3A_1754 = vector.broadcast %slice3A_1753 : vector<1x128xf32> to vector<128x128xf32>
    %add3A_1755 = arith.addf %sub3A_1752, %add3A_1754 : vector<128x128xf32>
    %lt3A_1756 = arith.cmpf olt, %add3A_1755, %select_n3A_1746 : vector<128x128xf32>
    %select_n3A_1757 = arith.select %lt3A_1756, %add3A_1755, %select_n3A_1746 : vector<128x128xi1>, vector<128x128xf32>
    %jit3A_1758 = arith.constant 4 : i32
    %broadcast_in_dim3A_1759 = vector.broadcast %jit3A_1758 : i32 to vector<128x128xi32>
    %select_n3A_1760 = arith.select %lt3A_1756, %broadcast_in_dim3A_1759, %select_n3A_1749 : vector<128x128xi1>, vector<128x128xi32>
    %slice3A_1761 = vector.extract_strided_slice %dot_general3A_8 {offsets = [1152, 640], sizes = [128, 128], strides = [1, 1]} : vector<2048x2048xf32> to vector<128x128xf32>
    %sub3A_1762 = vector.broadcast %slice3A_1708 : vector<128x1xf32> to vector<128x128xf32>
    %sub3A_1763 = arith.subf %sub3A_1762, %slice3A_1761 : vector<128x128xf32>
    %slice3A_1764 = vector.extract_strided_slice %reshape3A {offsets = [0, 640], sizes = [1, 128], strides = [1, 1]} : vector<1x2048xf32> to vector<1x128xf32>
    %add3A_1765 = vector.broadcast %slice3A_1764 : vector<1x128xf32> to vector<128x128xf32>
    %add3A_1766 = arith.addf %sub3A_1763, %add3A_1765 : vector<128x128xf32>
    %lt3A_1767 = arith.cmpf olt, %add3A_1766, %select_n3A_1757 : vector<128x128xf32>
    %select_n3A_1768 = arith.select %lt3A_1767, %add3A_1766, %select_n3A_1757 : vector<128x128xi1>, vector<128x128xf32>
    %jit3A_1769 = arith.constant 5 : i32
    %broadcast_in_dim3A_1770 = vector.broadcast %jit3A_1769 : i32 to vector<128x128xi32>
    %select_n3A_1771 = arith.select %lt3A_1767, %broadcast_in_dim3A_1770, %select_n3A_1760 : vector<128x128xi1>, vector<128x128xi32>
    %slice3A_1772 = vector.extract_strided_slice %dot_general3A_8 {offsets = [1152, 768], sizes = [128, 128], strides = [1, 1]} : vector<2048x2048xf32> to vector<128x128xf32>
    %sub3A_1773 = vector.broadcast %slice3A_1708 : vector<128x1xf32> to vector<128x128xf32>
    %sub3A_1774 = arith.subf %sub3A_1773, %slice3A_1772 : vector<128x128xf32>
    %slice3A_1775 = vector.extract_strided_slice %reshape3A {offsets = [0, 768], sizes = [1, 128], strides = [1, 1]} : vector<1x2048xf32> to vector<1x128xf32>
    %add3A_1776 = vector.broadcast %slice3A_1775 : vector<1x128xf32> to vector<128x128xf32>
    %add3A_1777 = arith.addf %sub3A_1774, %add3A_1776 : vector<128x128xf32>
    %lt3A_1778 = arith.cmpf olt, %add3A_1777, %select_n3A_1768 : vector<128x128xf32>
    %select_n3A_1779 = arith.select %lt3A_1778, %add3A_1777, %select_n3A_1768 : vector<128x128xi1>, vector<128x128xf32>
    %jit3A_1780 = arith.constant 6 : i32
    %broadcast_in_dim3A_1781 = vector.broadcast %jit3A_1780 : i32 to vector<128x128xi32>
    %select_n3A_1782 = arith.select %lt3A_1778, %broadcast_in_dim3A_1781, %select_n3A_1771 : vector<128x128xi1>, vector<128x128xi32>
    %slice3A_1783 = vector.extract_strided_slice %dot_general3A_8 {offsets = [1152, 896], sizes = [128, 128], strides = [1, 1]} : vector<2048x2048xf32> to vector<128x128xf32>
    %sub3A_1784 = vector.broadcast %slice3A_1708 : vector<128x1xf32> to vector<128x128xf32>
    %sub3A_1785 = arith.subf %sub3A_1784, %slice3A_1783 : vector<128x128xf32>
    %slice3A_1786 = vector.extract_strided_slice %reshape3A {offsets = [0, 896], sizes = [1, 128], strides = [1, 1]} : vector<1x2048xf32> to vector<1x128xf32>
    %add3A_1787 = vector.broadcast %slice3A_1786 : vector<1x128xf32> to vector<128x128xf32>
    %add3A_1788 = arith.addf %sub3A_1785, %add3A_1787 : vector<128x128xf32>
    %lt3A_1789 = arith.cmpf olt, %add3A_1788, %select_n3A_1779 : vector<128x128xf32>
    %select_n3A_1790 = arith.select %lt3A_1789, %add3A_1788, %select_n3A_1779 : vector<128x128xi1>, vector<128x128xf32>
    %jit3A_1791 = arith.constant 7 : i32
    %broadcast_in_dim3A_1792 = vector.broadcast %jit3A_1791 : i32 to vector<128x128xi32>
    %select_n3A_1793 = arith.select %lt3A_1789, %broadcast_in_dim3A_1792, %select_n3A_1782 : vector<128x128xi1>, vector<128x128xi32>
    %slice3A_1794 = vector.extract_strided_slice %dot_general3A_8 {offsets = [1152, 1024], sizes = [128, 128], strides = [1, 1]} : vector<2048x2048xf32> to vector<128x128xf32>
    %sub3A_1795 = vector.broadcast %slice3A_1708 : vector<128x1xf32> to vector<128x128xf32>
    %sub3A_1796 = arith.subf %sub3A_1795, %slice3A_1794 : vector<128x128xf32>
    %slice3A_1797 = vector.extract_strided_slice %reshape3A {offsets = [0, 1024], sizes = [1, 128], strides = [1, 1]} : vector<1x2048xf32> to vector<1x128xf32>
    %add3A_1798 = vector.broadcast %slice3A_1797 : vector<1x128xf32> to vector<128x128xf32>
    %add3A_1799 = arith.addf %sub3A_1796, %add3A_1798 : vector<128x128xf32>
    %lt3A_1800 = arith.cmpf olt, %add3A_1799, %select_n3A_1790 : vector<128x128xf32>
    %select_n3A_1801 = arith.select %lt3A_1800, %add3A_1799, %select_n3A_1790 : vector<128x128xi1>, vector<128x128xf32>
    %jit3A_1802 = arith.constant 8 : i32
    %broadcast_in_dim3A_1803 = vector.broadcast %jit3A_1802 : i32 to vector<128x128xi32>
    %select_n3A_1804 = arith.select %lt3A_1800, %broadcast_in_dim3A_1803, %select_n3A_1793 : vector<128x128xi1>, vector<128x128xi32>
    %slice3A_1805 = vector.extract_strided_slice %dot_general3A_8 {offsets = [1152, 1152], sizes = [128, 128], strides = [1, 1]} : vector<2048x2048xf32> to vector<128x128xf32>
    %sub3A_1806 = vector.broadcast %slice3A_1708 : vector<128x1xf32> to vector<128x128xf32>
    %sub3A_1807 = arith.subf %sub3A_1806, %slice3A_1805 : vector<128x128xf32>
    %slice3A_1808 = vector.extract_strided_slice %reshape3A {offsets = [0, 1152], sizes = [1, 128], strides = [1, 1]} : vector<1x2048xf32> to vector<1x128xf32>
    %add3A_1809 = vector.broadcast %slice3A_1808 : vector<1x128xf32> to vector<128x128xf32>
    %add3A_1810 = arith.addf %sub3A_1807, %add3A_1809 : vector<128x128xf32>
    %lt3A_1811 = arith.cmpf olt, %add3A_1810, %select_n3A_1801 : vector<128x128xf32>
    %select_n3A_1812 = arith.select %lt3A_1811, %add3A_1810, %select_n3A_1801 : vector<128x128xi1>, vector<128x128xf32>
    %jit3A_1813 = arith.constant 9 : i32
    %broadcast_in_dim3A_1814 = vector.broadcast %jit3A_1813 : i32 to vector<128x128xi32>
    %select_n3A_1815 = arith.select %lt3A_1811, %broadcast_in_dim3A_1814, %select_n3A_1804 : vector<128x128xi1>, vector<128x128xi32>
    %slice3A_1816 = vector.extract_strided_slice %dot_general3A_8 {offsets = [1152, 1280], sizes = [128, 128], strides = [1, 1]} : vector<2048x2048xf32> to vector<128x128xf32>
    %sub3A_1817 = vector.broadcast %slice3A_1708 : vector<128x1xf32> to vector<128x128xf32>
    %sub3A_1818 = arith.subf %sub3A_1817, %slice3A_1816 : vector<128x128xf32>
    %slice3A_1819 = vector.extract_strided_slice %reshape3A {offsets = [0, 1280], sizes = [1, 128], strides = [1, 1]} : vector<1x2048xf32> to vector<1x128xf32>
    %add3A_1820 = vector.broadcast %slice3A_1819 : vector<1x128xf32> to vector<128x128xf32>
    %add3A_1821 = arith.addf %sub3A_1818, %add3A_1820 : vector<128x128xf32>
    %lt3A_1822 = arith.cmpf olt, %add3A_1821, %select_n3A_1812 : vector<128x128xf32>
    %select_n3A_1823 = arith.select %lt3A_1822, %add3A_1821, %select_n3A_1812 : vector<128x128xi1>, vector<128x128xf32>
    %jit3A_1824 = arith.constant 10 : i32
    %broadcast_in_dim3A_1825 = vector.broadcast %jit3A_1824 : i32 to vector<128x128xi32>
    %select_n3A_1826 = arith.select %lt3A_1822, %broadcast_in_dim3A_1825, %select_n3A_1815 : vector<128x128xi1>, vector<128x128xi32>
    %slice3A_1827 = vector.extract_strided_slice %dot_general3A_8 {offsets = [1152, 1408], sizes = [128, 128], strides = [1, 1]} : vector<2048x2048xf32> to vector<128x128xf32>
    %sub3A_1828 = vector.broadcast %slice3A_1708 : vector<128x1xf32> to vector<128x128xf32>
    %sub3A_1829 = arith.subf %sub3A_1828, %slice3A_1827 : vector<128x128xf32>
    %slice3A_1830 = vector.extract_strided_slice %reshape3A {offsets = [0, 1408], sizes = [1, 128], strides = [1, 1]} : vector<1x2048xf32> to vector<1x128xf32>
    %add3A_1831 = vector.broadcast %slice3A_1830 : vector<1x128xf32> to vector<128x128xf32>
    %add3A_1832 = arith.addf %sub3A_1829, %add3A_1831 : vector<128x128xf32>
    %lt3A_1833 = arith.cmpf olt, %add3A_1832, %select_n3A_1823 : vector<128x128xf32>
    %select_n3A_1834 = arith.select %lt3A_1833, %add3A_1832, %select_n3A_1823 : vector<128x128xi1>, vector<128x128xf32>
    %jit3A_1835 = arith.constant 11 : i32
    %broadcast_in_dim3A_1836 = vector.broadcast %jit3A_1835 : i32 to vector<128x128xi32>
    %select_n3A_1837 = arith.select %lt3A_1833, %broadcast_in_dim3A_1836, %select_n3A_1826 : vector<128x128xi1>, vector<128x128xi32>
    %slice3A_1838 = vector.extract_strided_slice %dot_general3A_8 {offsets = [1152, 1536], sizes = [128, 128], strides = [1, 1]} : vector<2048x2048xf32> to vector<128x128xf32>
    %sub3A_1839 = vector.broadcast %slice3A_1708 : vector<128x1xf32> to vector<128x128xf32>
    %sub3A_1840 = arith.subf %sub3A_1839, %slice3A_1838 : vector<128x128xf32>
    %slice3A_1841 = vector.extract_strided_slice %reshape3A {offsets = [0, 1536], sizes = [1, 128], strides = [1, 1]} : vector<1x2048xf32> to vector<1x128xf32>
    %add3A_1842 = vector.broadcast %slice3A_1841 : vector<1x128xf32> to vector<128x128xf32>
    %add3A_1843 = arith.addf %sub3A_1840, %add3A_1842 : vector<128x128xf32>
    %lt3A_1844 = arith.cmpf olt, %add3A_1843, %select_n3A_1834 : vector<128x128xf32>
    %select_n3A_1845 = arith.select %lt3A_1844, %add3A_1843, %select_n3A_1834 : vector<128x128xi1>, vector<128x128xf32>
    %jit3A_1846 = arith.constant 12 : i32
    %broadcast_in_dim3A_1847 = vector.broadcast %jit3A_1846 : i32 to vector<128x128xi32>
    %select_n3A_1848 = arith.select %lt3A_1844, %broadcast_in_dim3A_1847, %select_n3A_1837 : vector<128x128xi1>, vector<128x128xi32>
    %slice3A_1849 = vector.extract_strided_slice %dot_general3A_8 {offsets = [1152, 1664], sizes = [128, 128], strides = [1, 1]} : vector<2048x2048xf32> to vector<128x128xf32>
    %sub3A_1850 = vector.broadcast %slice3A_1708 : vector<128x1xf32> to vector<128x128xf32>
    %sub3A_1851 = arith.subf %sub3A_1850, %slice3A_1849 : vector<128x128xf32>
    %slice3A_1852 = vector.extract_strided_slice %reshape3A {offsets = [0, 1664], sizes = [1, 128], strides = [1, 1]} : vector<1x2048xf32> to vector<1x128xf32>
    %add3A_1853 = vector.broadcast %slice3A_1852 : vector<1x128xf32> to vector<128x128xf32>
    %add3A_1854 = arith.addf %sub3A_1851, %add3A_1853 : vector<128x128xf32>
    %lt3A_1855 = arith.cmpf olt, %add3A_1854, %select_n3A_1845 : vector<128x128xf32>
    %select_n3A_1856 = arith.select %lt3A_1855, %add3A_1854, %select_n3A_1845 : vector<128x128xi1>, vector<128x128xf32>
    %jit3A_1857 = arith.constant 13 : i32
    %broadcast_in_dim3A_1858 = vector.broadcast %jit3A_1857 : i32 to vector<128x128xi32>
    %select_n3A_1859 = arith.select %lt3A_1855, %broadcast_in_dim3A_1858, %select_n3A_1848 : vector<128x128xi1>, vector<128x128xi32>
    %slice3A_1860 = vector.extract_strided_slice %dot_general3A_8 {offsets = [1152, 1792], sizes = [128, 128], strides = [1, 1]} : vector<2048x2048xf32> to vector<128x128xf32>
    %sub3A_1861 = vector.broadcast %slice3A_1708 : vector<128x1xf32> to vector<128x128xf32>
    %sub3A_1862 = arith.subf %sub3A_1861, %slice3A_1860 : vector<128x128xf32>
    %slice3A_1863 = vector.extract_strided_slice %reshape3A {offsets = [0, 1792], sizes = [1, 128], strides = [1, 1]} : vector<1x2048xf32> to vector<1x128xf32>
    %add3A_1864 = vector.broadcast %slice3A_1863 : vector<1x128xf32> to vector<128x128xf32>
    %add3A_1865 = arith.addf %sub3A_1862, %add3A_1864 : vector<128x128xf32>
    %lt3A_1866 = arith.cmpf olt, %add3A_1865, %select_n3A_1856 : vector<128x128xf32>
    %select_n3A_1867 = arith.select %lt3A_1866, %add3A_1865, %select_n3A_1856 : vector<128x128xi1>, vector<128x128xf32>
    %jit3A_1868 = arith.constant 14 : i32
    %broadcast_in_dim3A_1869 = vector.broadcast %jit3A_1868 : i32 to vector<128x128xi32>
    %select_n3A_1870 = arith.select %lt3A_1866, %broadcast_in_dim3A_1869, %select_n3A_1859 : vector<128x128xi1>, vector<128x128xi32>
    %slice3A_1871 = vector.extract_strided_slice %dot_general3A_8 {offsets = [1152, 1920], sizes = [128, 128], strides = [1, 1]} : vector<2048x2048xf32> to vector<128x128xf32>
    %sub3A_1872 = vector.broadcast %slice3A_1708 : vector<128x1xf32> to vector<128x128xf32>
    %sub3A_1873 = arith.subf %sub3A_1872, %slice3A_1871 : vector<128x128xf32>
    %slice3A_1874 = vector.extract_strided_slice %reshape3A {offsets = [0, 1920], sizes = [1, 128], strides = [1, 1]} : vector<1x2048xf32> to vector<1x128xf32>
    %add3A_1875 = vector.broadcast %slice3A_1874 : vector<1x128xf32> to vector<128x128xf32>
    %add3A_1876 = arith.addf %sub3A_1873, %add3A_1875 : vector<128x128xf32>
    %lt3A_1877 = arith.cmpf olt, %add3A_1876, %select_n3A_1867 : vector<128x128xf32>
    %select_n3A_1878 = arith.select %lt3A_1877, %add3A_1876, %select_n3A_1867 : vector<128x128xi1>, vector<128x128xf32>
    %jit3A_1879 = arith.constant 15 : i32
    %broadcast_in_dim3A_1880 = vector.broadcast %jit3A_1879 : i32 to vector<128x128xi32>
    %select_n3A_1881 = arith.select %lt3A_1877, %broadcast_in_dim3A_1880, %select_n3A_1870 : vector<128x128xi1>, vector<128x128xi32>
    %mul3A_1882 = arith.constant 128 : i32
    %mul3A_1883 = vector.broadcast %mul3A_1882 : i32 to vector<128x128xi32>
    %mul3A_1884 = arith.muli %select_n3A_1881, %mul3A_1883 : vector<128x128xi32>
    %add3A_1885 = arith.addi %mul3A_1884, %iota3A : vector<128x128xi32>
    %reduce_min3A_1886 = arith.constant dense<0x7F800000> : vector<128xf32>
    %reduce_min3A_1887 = vector.multi_reduction <minimumf>, %select_n3A_1878, %reduce_min3A_1886 [1] : vector<128x128xf32> to vector<128xf32>
    %broadcast_in_dim3A_1888 = vector.shape_cast %reduce_min3A_1887 : vector<128xf32> to vector<128x1xf32>
    %eq3A_1889 = vector.broadcast %broadcast_in_dim3A_1888 : vector<128x1xf32> to vector<128x128xf32>
    %eq3A_1890 = arith.cmpf oeq, %select_n3A_1878, %eq3A_1889 : vector<128x128xf32>
    %jit3A_1891 = arith.constant 2048 : i32
    %broadcast_in_dim3A_1892 = vector.broadcast %jit3A_1891 : i32 to vector<128x128xi32>
    %select_n3A_1893 = arith.select %eq3A_1890, %add3A_1885, %broadcast_in_dim3A_1892 : vector<128x128xi1>, vector<128x128xi32>
    %reduce_min3A_1894 = arith.constant dense<2147483647> : vector<128xi32>
    %reduce_min3A_1895 = vector.multi_reduction <minsi>, %select_n3A_1893, %reduce_min3A_1894 [1] : vector<128x128xi32> to vector<128xi32>
    %broadcast_in_dim3A_1896 = vector.shape_cast %reduce_min3A_1895 : vector<128xi32> to vector<128x1xi32>
    %slice3A_1897 = vector.extract_strided_slice %get3A_11 {offsets = [1280, 0], sizes = [128, 1], strides = [1, 1]} : vector<2048x1xf32> to vector<128x1xf32>
    %slice3A_1898 = vector.extract_strided_slice %dot_general3A_8 {offsets = [1280, 0], sizes = [128, 128], strides = [1, 1]} : vector<2048x2048xf32> to vector<128x128xf32>
    %sub3A_1899 = vector.broadcast %slice3A_1897 : vector<128x1xf32> to vector<128x128xf32>
    %sub3A_1900 = arith.subf %sub3A_1899, %slice3A_1898 : vector<128x128xf32>
    %slice3A_1901 = vector.extract_strided_slice %reshape3A {offsets = [0, 0], sizes = [1, 128], strides = [1, 1]} : vector<1x2048xf32> to vector<1x128xf32>
    %add3A_1902 = vector.broadcast %slice3A_1901 : vector<1x128xf32> to vector<128x128xf32>
    %add3A_1903 = arith.addf %sub3A_1900, %add3A_1902 : vector<128x128xf32>
    %broadcast_in_dim3A_1904 = arith.constant 0 : i32
    %broadcast_in_dim3A_1905 = vector.broadcast %broadcast_in_dim3A_1904 : i32 to vector<128x128xi32>
    %slice3A_1906 = vector.extract_strided_slice %dot_general3A_8 {offsets = [1280, 128], sizes = [128, 128], strides = [1, 1]} : vector<2048x2048xf32> to vector<128x128xf32>
    %sub3A_1907 = vector.broadcast %slice3A_1897 : vector<128x1xf32> to vector<128x128xf32>
    %sub3A_1908 = arith.subf %sub3A_1907, %slice3A_1906 : vector<128x128xf32>
    %slice3A_1909 = vector.extract_strided_slice %reshape3A {offsets = [0, 128], sizes = [1, 128], strides = [1, 1]} : vector<1x2048xf32> to vector<1x128xf32>
    %add3A_1910 = vector.broadcast %slice3A_1909 : vector<1x128xf32> to vector<128x128xf32>
    %add3A_1911 = arith.addf %sub3A_1908, %add3A_1910 : vector<128x128xf32>
    %lt3A_1912 = arith.cmpf olt, %add3A_1911, %add3A_1903 : vector<128x128xf32>
    %select_n3A_1913 = arith.select %lt3A_1912, %add3A_1911, %add3A_1903 : vector<128x128xi1>, vector<128x128xf32>
    %jit3A_1914 = arith.constant 1 : i32
    %broadcast_in_dim3A_1915 = vector.broadcast %jit3A_1914 : i32 to vector<128x128xi32>
    %select_n3A_1916 = arith.select %lt3A_1912, %broadcast_in_dim3A_1915, %broadcast_in_dim3A_1905 : vector<128x128xi1>, vector<128x128xi32>
    %slice3A_1917 = vector.extract_strided_slice %dot_general3A_8 {offsets = [1280, 256], sizes = [128, 128], strides = [1, 1]} : vector<2048x2048xf32> to vector<128x128xf32>
    %sub3A_1918 = vector.broadcast %slice3A_1897 : vector<128x1xf32> to vector<128x128xf32>
    %sub3A_1919 = arith.subf %sub3A_1918, %slice3A_1917 : vector<128x128xf32>
    %slice3A_1920 = vector.extract_strided_slice %reshape3A {offsets = [0, 256], sizes = [1, 128], strides = [1, 1]} : vector<1x2048xf32> to vector<1x128xf32>
    %add3A_1921 = vector.broadcast %slice3A_1920 : vector<1x128xf32> to vector<128x128xf32>
    %add3A_1922 = arith.addf %sub3A_1919, %add3A_1921 : vector<128x128xf32>
    %lt3A_1923 = arith.cmpf olt, %add3A_1922, %select_n3A_1913 : vector<128x128xf32>
    %select_n3A_1924 = arith.select %lt3A_1923, %add3A_1922, %select_n3A_1913 : vector<128x128xi1>, vector<128x128xf32>
    %jit3A_1925 = arith.constant 2 : i32
    %broadcast_in_dim3A_1926 = vector.broadcast %jit3A_1925 : i32 to vector<128x128xi32>
    %select_n3A_1927 = arith.select %lt3A_1923, %broadcast_in_dim3A_1926, %select_n3A_1916 : vector<128x128xi1>, vector<128x128xi32>
    %slice3A_1928 = vector.extract_strided_slice %dot_general3A_8 {offsets = [1280, 384], sizes = [128, 128], strides = [1, 1]} : vector<2048x2048xf32> to vector<128x128xf32>
    %sub3A_1929 = vector.broadcast %slice3A_1897 : vector<128x1xf32> to vector<128x128xf32>
    %sub3A_1930 = arith.subf %sub3A_1929, %slice3A_1928 : vector<128x128xf32>
    %slice3A_1931 = vector.extract_strided_slice %reshape3A {offsets = [0, 384], sizes = [1, 128], strides = [1, 1]} : vector<1x2048xf32> to vector<1x128xf32>
    %add3A_1932 = vector.broadcast %slice3A_1931 : vector<1x128xf32> to vector<128x128xf32>
    %add3A_1933 = arith.addf %sub3A_1930, %add3A_1932 : vector<128x128xf32>
    %lt3A_1934 = arith.cmpf olt, %add3A_1933, %select_n3A_1924 : vector<128x128xf32>
    %select_n3A_1935 = arith.select %lt3A_1934, %add3A_1933, %select_n3A_1924 : vector<128x128xi1>, vector<128x128xf32>
    %jit3A_1936 = arith.constant 3 : i32
    %broadcast_in_dim3A_1937 = vector.broadcast %jit3A_1936 : i32 to vector<128x128xi32>
    %select_n3A_1938 = arith.select %lt3A_1934, %broadcast_in_dim3A_1937, %select_n3A_1927 : vector<128x128xi1>, vector<128x128xi32>
    %slice3A_1939 = vector.extract_strided_slice %dot_general3A_8 {offsets = [1280, 512], sizes = [128, 128], strides = [1, 1]} : vector<2048x2048xf32> to vector<128x128xf32>
    %sub3A_1940 = vector.broadcast %slice3A_1897 : vector<128x1xf32> to vector<128x128xf32>
    %sub3A_1941 = arith.subf %sub3A_1940, %slice3A_1939 : vector<128x128xf32>
    %slice3A_1942 = vector.extract_strided_slice %reshape3A {offsets = [0, 512], sizes = [1, 128], strides = [1, 1]} : vector<1x2048xf32> to vector<1x128xf32>
    %add3A_1943 = vector.broadcast %slice3A_1942 : vector<1x128xf32> to vector<128x128xf32>
    %add3A_1944 = arith.addf %sub3A_1941, %add3A_1943 : vector<128x128xf32>
    %lt3A_1945 = arith.cmpf olt, %add3A_1944, %select_n3A_1935 : vector<128x128xf32>
    %select_n3A_1946 = arith.select %lt3A_1945, %add3A_1944, %select_n3A_1935 : vector<128x128xi1>, vector<128x128xf32>
    %jit3A_1947 = arith.constant 4 : i32
    %broadcast_in_dim3A_1948 = vector.broadcast %jit3A_1947 : i32 to vector<128x128xi32>
    %select_n3A_1949 = arith.select %lt3A_1945, %broadcast_in_dim3A_1948, %select_n3A_1938 : vector<128x128xi1>, vector<128x128xi32>
    %slice3A_1950 = vector.extract_strided_slice %dot_general3A_8 {offsets = [1280, 640], sizes = [128, 128], strides = [1, 1]} : vector<2048x2048xf32> to vector<128x128xf32>
    %sub3A_1951 = vector.broadcast %slice3A_1897 : vector<128x1xf32> to vector<128x128xf32>
    %sub3A_1952 = arith.subf %sub3A_1951, %slice3A_1950 : vector<128x128xf32>
    %slice3A_1953 = vector.extract_strided_slice %reshape3A {offsets = [0, 640], sizes = [1, 128], strides = [1, 1]} : vector<1x2048xf32> to vector<1x128xf32>
    %add3A_1954 = vector.broadcast %slice3A_1953 : vector<1x128xf32> to vector<128x128xf32>
    %add3A_1955 = arith.addf %sub3A_1952, %add3A_1954 : vector<128x128xf32>
    %lt3A_1956 = arith.cmpf olt, %add3A_1955, %select_n3A_1946 : vector<128x128xf32>
    %select_n3A_1957 = arith.select %lt3A_1956, %add3A_1955, %select_n3A_1946 : vector<128x128xi1>, vector<128x128xf32>
    %jit3A_1958 = arith.constant 5 : i32
    %broadcast_in_dim3A_1959 = vector.broadcast %jit3A_1958 : i32 to vector<128x128xi32>
    %select_n3A_1960 = arith.select %lt3A_1956, %broadcast_in_dim3A_1959, %select_n3A_1949 : vector<128x128xi1>, vector<128x128xi32>
    %slice3A_1961 = vector.extract_strided_slice %dot_general3A_8 {offsets = [1280, 768], sizes = [128, 128], strides = [1, 1]} : vector<2048x2048xf32> to vector<128x128xf32>
    %sub3A_1962 = vector.broadcast %slice3A_1897 : vector<128x1xf32> to vector<128x128xf32>
    %sub3A_1963 = arith.subf %sub3A_1962, %slice3A_1961 : vector<128x128xf32>
    %slice3A_1964 = vector.extract_strided_slice %reshape3A {offsets = [0, 768], sizes = [1, 128], strides = [1, 1]} : vector<1x2048xf32> to vector<1x128xf32>
    %add3A_1965 = vector.broadcast %slice3A_1964 : vector<1x128xf32> to vector<128x128xf32>
    %add3A_1966 = arith.addf %sub3A_1963, %add3A_1965 : vector<128x128xf32>
    %lt3A_1967 = arith.cmpf olt, %add3A_1966, %select_n3A_1957 : vector<128x128xf32>
    %select_n3A_1968 = arith.select %lt3A_1967, %add3A_1966, %select_n3A_1957 : vector<128x128xi1>, vector<128x128xf32>
    %jit3A_1969 = arith.constant 6 : i32
    %broadcast_in_dim3A_1970 = vector.broadcast %jit3A_1969 : i32 to vector<128x128xi32>
    %select_n3A_1971 = arith.select %lt3A_1967, %broadcast_in_dim3A_1970, %select_n3A_1960 : vector<128x128xi1>, vector<128x128xi32>
    %slice3A_1972 = vector.extract_strided_slice %dot_general3A_8 {offsets = [1280, 896], sizes = [128, 128], strides = [1, 1]} : vector<2048x2048xf32> to vector<128x128xf32>
    %sub3A_1973 = vector.broadcast %slice3A_1897 : vector<128x1xf32> to vector<128x128xf32>
    %sub3A_1974 = arith.subf %sub3A_1973, %slice3A_1972 : vector<128x128xf32>
    %slice3A_1975 = vector.extract_strided_slice %reshape3A {offsets = [0, 896], sizes = [1, 128], strides = [1, 1]} : vector<1x2048xf32> to vector<1x128xf32>
    %add3A_1976 = vector.broadcast %slice3A_1975 : vector<1x128xf32> to vector<128x128xf32>
    %add3A_1977 = arith.addf %sub3A_1974, %add3A_1976 : vector<128x128xf32>
    %lt3A_1978 = arith.cmpf olt, %add3A_1977, %select_n3A_1968 : vector<128x128xf32>
    %select_n3A_1979 = arith.select %lt3A_1978, %add3A_1977, %select_n3A_1968 : vector<128x128xi1>, vector<128x128xf32>
    %jit3A_1980 = arith.constant 7 : i32
    %broadcast_in_dim3A_1981 = vector.broadcast %jit3A_1980 : i32 to vector<128x128xi32>
    %select_n3A_1982 = arith.select %lt3A_1978, %broadcast_in_dim3A_1981, %select_n3A_1971 : vector<128x128xi1>, vector<128x128xi32>
    %slice3A_1983 = vector.extract_strided_slice %dot_general3A_8 {offsets = [1280, 1024], sizes = [128, 128], strides = [1, 1]} : vector<2048x2048xf32> to vector<128x128xf32>
    %sub3A_1984 = vector.broadcast %slice3A_1897 : vector<128x1xf32> to vector<128x128xf32>
    %sub3A_1985 = arith.subf %sub3A_1984, %slice3A_1983 : vector<128x128xf32>
    %slice3A_1986 = vector.extract_strided_slice %reshape3A {offsets = [0, 1024], sizes = [1, 128], strides = [1, 1]} : vector<1x2048xf32> to vector<1x128xf32>
    %add3A_1987 = vector.broadcast %slice3A_1986 : vector<1x128xf32> to vector<128x128xf32>
    %add3A_1988 = arith.addf %sub3A_1985, %add3A_1987 : vector<128x128xf32>
    %lt3A_1989 = arith.cmpf olt, %add3A_1988, %select_n3A_1979 : vector<128x128xf32>
    %select_n3A_1990 = arith.select %lt3A_1989, %add3A_1988, %select_n3A_1979 : vector<128x128xi1>, vector<128x128xf32>
    %jit3A_1991 = arith.constant 8 : i32
    %broadcast_in_dim3A_1992 = vector.broadcast %jit3A_1991 : i32 to vector<128x128xi32>
    %select_n3A_1993 = arith.select %lt3A_1989, %broadcast_in_dim3A_1992, %select_n3A_1982 : vector<128x128xi1>, vector<128x128xi32>
    %slice3A_1994 = vector.extract_strided_slice %dot_general3A_8 {offsets = [1280, 1152], sizes = [128, 128], strides = [1, 1]} : vector<2048x2048xf32> to vector<128x128xf32>
    %sub3A_1995 = vector.broadcast %slice3A_1897 : vector<128x1xf32> to vector<128x128xf32>
    %sub3A_1996 = arith.subf %sub3A_1995, %slice3A_1994 : vector<128x128xf32>
    %slice3A_1997 = vector.extract_strided_slice %reshape3A {offsets = [0, 1152], sizes = [1, 128], strides = [1, 1]} : vector<1x2048xf32> to vector<1x128xf32>
    %add3A_1998 = vector.broadcast %slice3A_1997 : vector<1x128xf32> to vector<128x128xf32>
    %add3A_1999 = arith.addf %sub3A_1996, %add3A_1998 : vector<128x128xf32>
    %lt3A_2000 = arith.cmpf olt, %add3A_1999, %select_n3A_1990 : vector<128x128xf32>
    %select_n3A_2001 = arith.select %lt3A_2000, %add3A_1999, %select_n3A_1990 : vector<128x128xi1>, vector<128x128xf32>
    %jit3A_2002 = arith.constant 9 : i32
    %broadcast_in_dim3A_2003 = vector.broadcast %jit3A_2002 : i32 to vector<128x128xi32>
    %select_n3A_2004 = arith.select %lt3A_2000, %broadcast_in_dim3A_2003, %select_n3A_1993 : vector<128x128xi1>, vector<128x128xi32>
    %slice3A_2005 = vector.extract_strided_slice %dot_general3A_8 {offsets = [1280, 1280], sizes = [128, 128], strides = [1, 1]} : vector<2048x2048xf32> to vector<128x128xf32>
    %sub3A_2006 = vector.broadcast %slice3A_1897 : vector<128x1xf32> to vector<128x128xf32>
    %sub3A_2007 = arith.subf %sub3A_2006, %slice3A_2005 : vector<128x128xf32>
    %slice3A_2008 = vector.extract_strided_slice %reshape3A {offsets = [0, 1280], sizes = [1, 128], strides = [1, 1]} : vector<1x2048xf32> to vector<1x128xf32>
    %add3A_2009 = vector.broadcast %slice3A_2008 : vector<1x128xf32> to vector<128x128xf32>
    %add3A_2010 = arith.addf %sub3A_2007, %add3A_2009 : vector<128x128xf32>
    %lt3A_2011 = arith.cmpf olt, %add3A_2010, %select_n3A_2001 : vector<128x128xf32>
    %select_n3A_2012 = arith.select %lt3A_2011, %add3A_2010, %select_n3A_2001 : vector<128x128xi1>, vector<128x128xf32>
    %jit3A_2013 = arith.constant 10 : i32
    %broadcast_in_dim3A_2014 = vector.broadcast %jit3A_2013 : i32 to vector<128x128xi32>
    %select_n3A_2015 = arith.select %lt3A_2011, %broadcast_in_dim3A_2014, %select_n3A_2004 : vector<128x128xi1>, vector<128x128xi32>
    %slice3A_2016 = vector.extract_strided_slice %dot_general3A_8 {offsets = [1280, 1408], sizes = [128, 128], strides = [1, 1]} : vector<2048x2048xf32> to vector<128x128xf32>
    %sub3A_2017 = vector.broadcast %slice3A_1897 : vector<128x1xf32> to vector<128x128xf32>
    %sub3A_2018 = arith.subf %sub3A_2017, %slice3A_2016 : vector<128x128xf32>
    %slice3A_2019 = vector.extract_strided_slice %reshape3A {offsets = [0, 1408], sizes = [1, 128], strides = [1, 1]} : vector<1x2048xf32> to vector<1x128xf32>
    %add3A_2020 = vector.broadcast %slice3A_2019 : vector<1x128xf32> to vector<128x128xf32>
    %add3A_2021 = arith.addf %sub3A_2018, %add3A_2020 : vector<128x128xf32>
    %lt3A_2022 = arith.cmpf olt, %add3A_2021, %select_n3A_2012 : vector<128x128xf32>
    %select_n3A_2023 = arith.select %lt3A_2022, %add3A_2021, %select_n3A_2012 : vector<128x128xi1>, vector<128x128xf32>
    %jit3A_2024 = arith.constant 11 : i32
    %broadcast_in_dim3A_2025 = vector.broadcast %jit3A_2024 : i32 to vector<128x128xi32>
    %select_n3A_2026 = arith.select %lt3A_2022, %broadcast_in_dim3A_2025, %select_n3A_2015 : vector<128x128xi1>, vector<128x128xi32>
    %slice3A_2027 = vector.extract_strided_slice %dot_general3A_8 {offsets = [1280, 1536], sizes = [128, 128], strides = [1, 1]} : vector<2048x2048xf32> to vector<128x128xf32>
    %sub3A_2028 = vector.broadcast %slice3A_1897 : vector<128x1xf32> to vector<128x128xf32>
    %sub3A_2029 = arith.subf %sub3A_2028, %slice3A_2027 : vector<128x128xf32>
    %slice3A_2030 = vector.extract_strided_slice %reshape3A {offsets = [0, 1536], sizes = [1, 128], strides = [1, 1]} : vector<1x2048xf32> to vector<1x128xf32>
    %add3A_2031 = vector.broadcast %slice3A_2030 : vector<1x128xf32> to vector<128x128xf32>
    %add3A_2032 = arith.addf %sub3A_2029, %add3A_2031 : vector<128x128xf32>
    %lt3A_2033 = arith.cmpf olt, %add3A_2032, %select_n3A_2023 : vector<128x128xf32>
    %select_n3A_2034 = arith.select %lt3A_2033, %add3A_2032, %select_n3A_2023 : vector<128x128xi1>, vector<128x128xf32>
    %jit3A_2035 = arith.constant 12 : i32
    %broadcast_in_dim3A_2036 = vector.broadcast %jit3A_2035 : i32 to vector<128x128xi32>
    %select_n3A_2037 = arith.select %lt3A_2033, %broadcast_in_dim3A_2036, %select_n3A_2026 : vector<128x128xi1>, vector<128x128xi32>
    %slice3A_2038 = vector.extract_strided_slice %dot_general3A_8 {offsets = [1280, 1664], sizes = [128, 128], strides = [1, 1]} : vector<2048x2048xf32> to vector<128x128xf32>
    %sub3A_2039 = vector.broadcast %slice3A_1897 : vector<128x1xf32> to vector<128x128xf32>
    %sub3A_2040 = arith.subf %sub3A_2039, %slice3A_2038 : vector<128x128xf32>
    %slice3A_2041 = vector.extract_strided_slice %reshape3A {offsets = [0, 1664], sizes = [1, 128], strides = [1, 1]} : vector<1x2048xf32> to vector<1x128xf32>
    %add3A_2042 = vector.broadcast %slice3A_2041 : vector<1x128xf32> to vector<128x128xf32>
    %add3A_2043 = arith.addf %sub3A_2040, %add3A_2042 : vector<128x128xf32>
    %lt3A_2044 = arith.cmpf olt, %add3A_2043, %select_n3A_2034 : vector<128x128xf32>
    %select_n3A_2045 = arith.select %lt3A_2044, %add3A_2043, %select_n3A_2034 : vector<128x128xi1>, vector<128x128xf32>
    %jit3A_2046 = arith.constant 13 : i32
    %broadcast_in_dim3A_2047 = vector.broadcast %jit3A_2046 : i32 to vector<128x128xi32>
    %select_n3A_2048 = arith.select %lt3A_2044, %broadcast_in_dim3A_2047, %select_n3A_2037 : vector<128x128xi1>, vector<128x128xi32>
    %slice3A_2049 = vector.extract_strided_slice %dot_general3A_8 {offsets = [1280, 1792], sizes = [128, 128], strides = [1, 1]} : vector<2048x2048xf32> to vector<128x128xf32>
    %sub3A_2050 = vector.broadcast %slice3A_1897 : vector<128x1xf32> to vector<128x128xf32>
    %sub3A_2051 = arith.subf %sub3A_2050, %slice3A_2049 : vector<128x128xf32>
    %slice3A_2052 = vector.extract_strided_slice %reshape3A {offsets = [0, 1792], sizes = [1, 128], strides = [1, 1]} : vector<1x2048xf32> to vector<1x128xf32>
    %add3A_2053 = vector.broadcast %slice3A_2052 : vector<1x128xf32> to vector<128x128xf32>
    %add3A_2054 = arith.addf %sub3A_2051, %add3A_2053 : vector<128x128xf32>
    %lt3A_2055 = arith.cmpf olt, %add3A_2054, %select_n3A_2045 : vector<128x128xf32>
    %select_n3A_2056 = arith.select %lt3A_2055, %add3A_2054, %select_n3A_2045 : vector<128x128xi1>, vector<128x128xf32>
    %jit3A_2057 = arith.constant 14 : i32
    %broadcast_in_dim3A_2058 = vector.broadcast %jit3A_2057 : i32 to vector<128x128xi32>
    %select_n3A_2059 = arith.select %lt3A_2055, %broadcast_in_dim3A_2058, %select_n3A_2048 : vector<128x128xi1>, vector<128x128xi32>
    %slice3A_2060 = vector.extract_strided_slice %dot_general3A_8 {offsets = [1280, 1920], sizes = [128, 128], strides = [1, 1]} : vector<2048x2048xf32> to vector<128x128xf32>
    %sub3A_2061 = vector.broadcast %slice3A_1897 : vector<128x1xf32> to vector<128x128xf32>
    %sub3A_2062 = arith.subf %sub3A_2061, %slice3A_2060 : vector<128x128xf32>
    %slice3A_2063 = vector.extract_strided_slice %reshape3A {offsets = [0, 1920], sizes = [1, 128], strides = [1, 1]} : vector<1x2048xf32> to vector<1x128xf32>
    %add3A_2064 = vector.broadcast %slice3A_2063 : vector<1x128xf32> to vector<128x128xf32>
    %add3A_2065 = arith.addf %sub3A_2062, %add3A_2064 : vector<128x128xf32>
    %lt3A_2066 = arith.cmpf olt, %add3A_2065, %select_n3A_2056 : vector<128x128xf32>
    %select_n3A_2067 = arith.select %lt3A_2066, %add3A_2065, %select_n3A_2056 : vector<128x128xi1>, vector<128x128xf32>
    %jit3A_2068 = arith.constant 15 : i32
    %broadcast_in_dim3A_2069 = vector.broadcast %jit3A_2068 : i32 to vector<128x128xi32>
    %select_n3A_2070 = arith.select %lt3A_2066, %broadcast_in_dim3A_2069, %select_n3A_2059 : vector<128x128xi1>, vector<128x128xi32>
    %mul3A_2071 = arith.constant 128 : i32
    %mul3A_2072 = vector.broadcast %mul3A_2071 : i32 to vector<128x128xi32>
    %mul3A_2073 = arith.muli %select_n3A_2070, %mul3A_2072 : vector<128x128xi32>
    %add3A_2074 = arith.addi %mul3A_2073, %iota3A : vector<128x128xi32>
    %reduce_min3A_2075 = arith.constant dense<0x7F800000> : vector<128xf32>
    %reduce_min3A_2076 = vector.multi_reduction <minimumf>, %select_n3A_2067, %reduce_min3A_2075 [1] : vector<128x128xf32> to vector<128xf32>
    %broadcast_in_dim3A_2077 = vector.shape_cast %reduce_min3A_2076 : vector<128xf32> to vector<128x1xf32>
    %eq3A_2078 = vector.broadcast %broadcast_in_dim3A_2077 : vector<128x1xf32> to vector<128x128xf32>
    %eq3A_2079 = arith.cmpf oeq, %select_n3A_2067, %eq3A_2078 : vector<128x128xf32>
    %jit3A_2080 = arith.constant 2048 : i32
    %broadcast_in_dim3A_2081 = vector.broadcast %jit3A_2080 : i32 to vector<128x128xi32>
    %select_n3A_2082 = arith.select %eq3A_2079, %add3A_2074, %broadcast_in_dim3A_2081 : vector<128x128xi1>, vector<128x128xi32>
    %reduce_min3A_2083 = arith.constant dense<2147483647> : vector<128xi32>
    %reduce_min3A_2084 = vector.multi_reduction <minsi>, %select_n3A_2082, %reduce_min3A_2083 [1] : vector<128x128xi32> to vector<128xi32>
    %broadcast_in_dim3A_2085 = vector.shape_cast %reduce_min3A_2084 : vector<128xi32> to vector<128x1xi32>
    %slice3A_2086 = vector.extract_strided_slice %get3A_11 {offsets = [1408, 0], sizes = [128, 1], strides = [1, 1]} : vector<2048x1xf32> to vector<128x1xf32>
    %slice3A_2087 = vector.extract_strided_slice %dot_general3A_8 {offsets = [1408, 0], sizes = [128, 128], strides = [1, 1]} : vector<2048x2048xf32> to vector<128x128xf32>
    %sub3A_2088 = vector.broadcast %slice3A_2086 : vector<128x1xf32> to vector<128x128xf32>
    %sub3A_2089 = arith.subf %sub3A_2088, %slice3A_2087 : vector<128x128xf32>
    %slice3A_2090 = vector.extract_strided_slice %reshape3A {offsets = [0, 0], sizes = [1, 128], strides = [1, 1]} : vector<1x2048xf32> to vector<1x128xf32>
    %add3A_2091 = vector.broadcast %slice3A_2090 : vector<1x128xf32> to vector<128x128xf32>
    %add3A_2092 = arith.addf %sub3A_2089, %add3A_2091 : vector<128x128xf32>
    %broadcast_in_dim3A_2093 = arith.constant 0 : i32
    %broadcast_in_dim3A_2094 = vector.broadcast %broadcast_in_dim3A_2093 : i32 to vector<128x128xi32>
    %slice3A_2095 = vector.extract_strided_slice %dot_general3A_8 {offsets = [1408, 128], sizes = [128, 128], strides = [1, 1]} : vector<2048x2048xf32> to vector<128x128xf32>
    %sub3A_2096 = vector.broadcast %slice3A_2086 : vector<128x1xf32> to vector<128x128xf32>
    %sub3A_2097 = arith.subf %sub3A_2096, %slice3A_2095 : vector<128x128xf32>
    %slice3A_2098 = vector.extract_strided_slice %reshape3A {offsets = [0, 128], sizes = [1, 128], strides = [1, 1]} : vector<1x2048xf32> to vector<1x128xf32>
    %add3A_2099 = vector.broadcast %slice3A_2098 : vector<1x128xf32> to vector<128x128xf32>
    %add3A_2100 = arith.addf %sub3A_2097, %add3A_2099 : vector<128x128xf32>
    %lt3A_2101 = arith.cmpf olt, %add3A_2100, %add3A_2092 : vector<128x128xf32>
    %select_n3A_2102 = arith.select %lt3A_2101, %add3A_2100, %add3A_2092 : vector<128x128xi1>, vector<128x128xf32>
    %jit3A_2103 = arith.constant 1 : i32
    %broadcast_in_dim3A_2104 = vector.broadcast %jit3A_2103 : i32 to vector<128x128xi32>
    %select_n3A_2105 = arith.select %lt3A_2101, %broadcast_in_dim3A_2104, %broadcast_in_dim3A_2094 : vector<128x128xi1>, vector<128x128xi32>
    %slice3A_2106 = vector.extract_strided_slice %dot_general3A_8 {offsets = [1408, 256], sizes = [128, 128], strides = [1, 1]} : vector<2048x2048xf32> to vector<128x128xf32>
    %sub3A_2107 = vector.broadcast %slice3A_2086 : vector<128x1xf32> to vector<128x128xf32>
    %sub3A_2108 = arith.subf %sub3A_2107, %slice3A_2106 : vector<128x128xf32>
    %slice3A_2109 = vector.extract_strided_slice %reshape3A {offsets = [0, 256], sizes = [1, 128], strides = [1, 1]} : vector<1x2048xf32> to vector<1x128xf32>
    %add3A_2110 = vector.broadcast %slice3A_2109 : vector<1x128xf32> to vector<128x128xf32>
    %add3A_2111 = arith.addf %sub3A_2108, %add3A_2110 : vector<128x128xf32>
    %lt3A_2112 = arith.cmpf olt, %add3A_2111, %select_n3A_2102 : vector<128x128xf32>
    %select_n3A_2113 = arith.select %lt3A_2112, %add3A_2111, %select_n3A_2102 : vector<128x128xi1>, vector<128x128xf32>
    %jit3A_2114 = arith.constant 2 : i32
    %broadcast_in_dim3A_2115 = vector.broadcast %jit3A_2114 : i32 to vector<128x128xi32>
    %select_n3A_2116 = arith.select %lt3A_2112, %broadcast_in_dim3A_2115, %select_n3A_2105 : vector<128x128xi1>, vector<128x128xi32>
    %slice3A_2117 = vector.extract_strided_slice %dot_general3A_8 {offsets = [1408, 384], sizes = [128, 128], strides = [1, 1]} : vector<2048x2048xf32> to vector<128x128xf32>
    %sub3A_2118 = vector.broadcast %slice3A_2086 : vector<128x1xf32> to vector<128x128xf32>
    %sub3A_2119 = arith.subf %sub3A_2118, %slice3A_2117 : vector<128x128xf32>
    %slice3A_2120 = vector.extract_strided_slice %reshape3A {offsets = [0, 384], sizes = [1, 128], strides = [1, 1]} : vector<1x2048xf32> to vector<1x128xf32>
    %add3A_2121 = vector.broadcast %slice3A_2120 : vector<1x128xf32> to vector<128x128xf32>
    %add3A_2122 = arith.addf %sub3A_2119, %add3A_2121 : vector<128x128xf32>
    %lt3A_2123 = arith.cmpf olt, %add3A_2122, %select_n3A_2113 : vector<128x128xf32>
    %select_n3A_2124 = arith.select %lt3A_2123, %add3A_2122, %select_n3A_2113 : vector<128x128xi1>, vector<128x128xf32>
    %jit3A_2125 = arith.constant 3 : i32
    %broadcast_in_dim3A_2126 = vector.broadcast %jit3A_2125 : i32 to vector<128x128xi32>
    %select_n3A_2127 = arith.select %lt3A_2123, %broadcast_in_dim3A_2126, %select_n3A_2116 : vector<128x128xi1>, vector<128x128xi32>
    %slice3A_2128 = vector.extract_strided_slice %dot_general3A_8 {offsets = [1408, 512], sizes = [128, 128], strides = [1, 1]} : vector<2048x2048xf32> to vector<128x128xf32>
    %sub3A_2129 = vector.broadcast %slice3A_2086 : vector<128x1xf32> to vector<128x128xf32>
    %sub3A_2130 = arith.subf %sub3A_2129, %slice3A_2128 : vector<128x128xf32>
    %slice3A_2131 = vector.extract_strided_slice %reshape3A {offsets = [0, 512], sizes = [1, 128], strides = [1, 1]} : vector<1x2048xf32> to vector<1x128xf32>
    %add3A_2132 = vector.broadcast %slice3A_2131 : vector<1x128xf32> to vector<128x128xf32>
    %add3A_2133 = arith.addf %sub3A_2130, %add3A_2132 : vector<128x128xf32>
    %lt3A_2134 = arith.cmpf olt, %add3A_2133, %select_n3A_2124 : vector<128x128xf32>
    %select_n3A_2135 = arith.select %lt3A_2134, %add3A_2133, %select_n3A_2124 : vector<128x128xi1>, vector<128x128xf32>
    %jit3A_2136 = arith.constant 4 : i32
    %broadcast_in_dim3A_2137 = vector.broadcast %jit3A_2136 : i32 to vector<128x128xi32>
    %select_n3A_2138 = arith.select %lt3A_2134, %broadcast_in_dim3A_2137, %select_n3A_2127 : vector<128x128xi1>, vector<128x128xi32>
    %slice3A_2139 = vector.extract_strided_slice %dot_general3A_8 {offsets = [1408, 640], sizes = [128, 128], strides = [1, 1]} : vector<2048x2048xf32> to vector<128x128xf32>
    %sub3A_2140 = vector.broadcast %slice3A_2086 : vector<128x1xf32> to vector<128x128xf32>
    %sub3A_2141 = arith.subf %sub3A_2140, %slice3A_2139 : vector<128x128xf32>
    %slice3A_2142 = vector.extract_strided_slice %reshape3A {offsets = [0, 640], sizes = [1, 128], strides = [1, 1]} : vector<1x2048xf32> to vector<1x128xf32>
    %add3A_2143 = vector.broadcast %slice3A_2142 : vector<1x128xf32> to vector<128x128xf32>
    %add3A_2144 = arith.addf %sub3A_2141, %add3A_2143 : vector<128x128xf32>
    %lt3A_2145 = arith.cmpf olt, %add3A_2144, %select_n3A_2135 : vector<128x128xf32>
    %select_n3A_2146 = arith.select %lt3A_2145, %add3A_2144, %select_n3A_2135 : vector<128x128xi1>, vector<128x128xf32>
    %jit3A_2147 = arith.constant 5 : i32
    %broadcast_in_dim3A_2148 = vector.broadcast %jit3A_2147 : i32 to vector<128x128xi32>
    %select_n3A_2149 = arith.select %lt3A_2145, %broadcast_in_dim3A_2148, %select_n3A_2138 : vector<128x128xi1>, vector<128x128xi32>
    %slice3A_2150 = vector.extract_strided_slice %dot_general3A_8 {offsets = [1408, 768], sizes = [128, 128], strides = [1, 1]} : vector<2048x2048xf32> to vector<128x128xf32>
    %sub3A_2151 = vector.broadcast %slice3A_2086 : vector<128x1xf32> to vector<128x128xf32>
    %sub3A_2152 = arith.subf %sub3A_2151, %slice3A_2150 : vector<128x128xf32>
    %slice3A_2153 = vector.extract_strided_slice %reshape3A {offsets = [0, 768], sizes = [1, 128], strides = [1, 1]} : vector<1x2048xf32> to vector<1x128xf32>
    %add3A_2154 = vector.broadcast %slice3A_2153 : vector<1x128xf32> to vector<128x128xf32>
    %add3A_2155 = arith.addf %sub3A_2152, %add3A_2154 : vector<128x128xf32>
    %lt3A_2156 = arith.cmpf olt, %add3A_2155, %select_n3A_2146 : vector<128x128xf32>
    %select_n3A_2157 = arith.select %lt3A_2156, %add3A_2155, %select_n3A_2146 : vector<128x128xi1>, vector<128x128xf32>
    %jit3A_2158 = arith.constant 6 : i32
    %broadcast_in_dim3A_2159 = vector.broadcast %jit3A_2158 : i32 to vector<128x128xi32>
    %select_n3A_2160 = arith.select %lt3A_2156, %broadcast_in_dim3A_2159, %select_n3A_2149 : vector<128x128xi1>, vector<128x128xi32>
    %slice3A_2161 = vector.extract_strided_slice %dot_general3A_8 {offsets = [1408, 896], sizes = [128, 128], strides = [1, 1]} : vector<2048x2048xf32> to vector<128x128xf32>
    %sub3A_2162 = vector.broadcast %slice3A_2086 : vector<128x1xf32> to vector<128x128xf32>
    %sub3A_2163 = arith.subf %sub3A_2162, %slice3A_2161 : vector<128x128xf32>
    %slice3A_2164 = vector.extract_strided_slice %reshape3A {offsets = [0, 896], sizes = [1, 128], strides = [1, 1]} : vector<1x2048xf32> to vector<1x128xf32>
    %add3A_2165 = vector.broadcast %slice3A_2164 : vector<1x128xf32> to vector<128x128xf32>
    %add3A_2166 = arith.addf %sub3A_2163, %add3A_2165 : vector<128x128xf32>
    %lt3A_2167 = arith.cmpf olt, %add3A_2166, %select_n3A_2157 : vector<128x128xf32>
    %select_n3A_2168 = arith.select %lt3A_2167, %add3A_2166, %select_n3A_2157 : vector<128x128xi1>, vector<128x128xf32>
    %jit3A_2169 = arith.constant 7 : i32
    %broadcast_in_dim3A_2170 = vector.broadcast %jit3A_2169 : i32 to vector<128x128xi32>
    %select_n3A_2171 = arith.select %lt3A_2167, %broadcast_in_dim3A_2170, %select_n3A_2160 : vector<128x128xi1>, vector<128x128xi32>
    %slice3A_2172 = vector.extract_strided_slice %dot_general3A_8 {offsets = [1408, 1024], sizes = [128, 128], strides = [1, 1]} : vector<2048x2048xf32> to vector<128x128xf32>
    %sub3A_2173 = vector.broadcast %slice3A_2086 : vector<128x1xf32> to vector<128x128xf32>
    %sub3A_2174 = arith.subf %sub3A_2173, %slice3A_2172 : vector<128x128xf32>
    %slice3A_2175 = vector.extract_strided_slice %reshape3A {offsets = [0, 1024], sizes = [1, 128], strides = [1, 1]} : vector<1x2048xf32> to vector<1x128xf32>
    %add3A_2176 = vector.broadcast %slice3A_2175 : vector<1x128xf32> to vector<128x128xf32>
    %add3A_2177 = arith.addf %sub3A_2174, %add3A_2176 : vector<128x128xf32>
    %lt3A_2178 = arith.cmpf olt, %add3A_2177, %select_n3A_2168 : vector<128x128xf32>
    %select_n3A_2179 = arith.select %lt3A_2178, %add3A_2177, %select_n3A_2168 : vector<128x128xi1>, vector<128x128xf32>
    %jit3A_2180 = arith.constant 8 : i32
    %broadcast_in_dim3A_2181 = vector.broadcast %jit3A_2180 : i32 to vector<128x128xi32>
    %select_n3A_2182 = arith.select %lt3A_2178, %broadcast_in_dim3A_2181, %select_n3A_2171 : vector<128x128xi1>, vector<128x128xi32>
    %slice3A_2183 = vector.extract_strided_slice %dot_general3A_8 {offsets = [1408, 1152], sizes = [128, 128], strides = [1, 1]} : vector<2048x2048xf32> to vector<128x128xf32>
    %sub3A_2184 = vector.broadcast %slice3A_2086 : vector<128x1xf32> to vector<128x128xf32>
    %sub3A_2185 = arith.subf %sub3A_2184, %slice3A_2183 : vector<128x128xf32>
    %slice3A_2186 = vector.extract_strided_slice %reshape3A {offsets = [0, 1152], sizes = [1, 128], strides = [1, 1]} : vector<1x2048xf32> to vector<1x128xf32>
    %add3A_2187 = vector.broadcast %slice3A_2186 : vector<1x128xf32> to vector<128x128xf32>
    %add3A_2188 = arith.addf %sub3A_2185, %add3A_2187 : vector<128x128xf32>
    %lt3A_2189 = arith.cmpf olt, %add3A_2188, %select_n3A_2179 : vector<128x128xf32>
    %select_n3A_2190 = arith.select %lt3A_2189, %add3A_2188, %select_n3A_2179 : vector<128x128xi1>, vector<128x128xf32>
    %jit3A_2191 = arith.constant 9 : i32
    %broadcast_in_dim3A_2192 = vector.broadcast %jit3A_2191 : i32 to vector<128x128xi32>
    %select_n3A_2193 = arith.select %lt3A_2189, %broadcast_in_dim3A_2192, %select_n3A_2182 : vector<128x128xi1>, vector<128x128xi32>
    %slice3A_2194 = vector.extract_strided_slice %dot_general3A_8 {offsets = [1408, 1280], sizes = [128, 128], strides = [1, 1]} : vector<2048x2048xf32> to vector<128x128xf32>
    %sub3A_2195 = vector.broadcast %slice3A_2086 : vector<128x1xf32> to vector<128x128xf32>
    %sub3A_2196 = arith.subf %sub3A_2195, %slice3A_2194 : vector<128x128xf32>
    %slice3A_2197 = vector.extract_strided_slice %reshape3A {offsets = [0, 1280], sizes = [1, 128], strides = [1, 1]} : vector<1x2048xf32> to vector<1x128xf32>
    %add3A_2198 = vector.broadcast %slice3A_2197 : vector<1x128xf32> to vector<128x128xf32>
    %add3A_2199 = arith.addf %sub3A_2196, %add3A_2198 : vector<128x128xf32>
    %lt3A_2200 = arith.cmpf olt, %add3A_2199, %select_n3A_2190 : vector<128x128xf32>
    %select_n3A_2201 = arith.select %lt3A_2200, %add3A_2199, %select_n3A_2190 : vector<128x128xi1>, vector<128x128xf32>
    %jit3A_2202 = arith.constant 10 : i32
    %broadcast_in_dim3A_2203 = vector.broadcast %jit3A_2202 : i32 to vector<128x128xi32>
    %select_n3A_2204 = arith.select %lt3A_2200, %broadcast_in_dim3A_2203, %select_n3A_2193 : vector<128x128xi1>, vector<128x128xi32>
    %slice3A_2205 = vector.extract_strided_slice %dot_general3A_8 {offsets = [1408, 1408], sizes = [128, 128], strides = [1, 1]} : vector<2048x2048xf32> to vector<128x128xf32>
    %sub3A_2206 = vector.broadcast %slice3A_2086 : vector<128x1xf32> to vector<128x128xf32>
    %sub3A_2207 = arith.subf %sub3A_2206, %slice3A_2205 : vector<128x128xf32>
    %slice3A_2208 = vector.extract_strided_slice %reshape3A {offsets = [0, 1408], sizes = [1, 128], strides = [1, 1]} : vector<1x2048xf32> to vector<1x128xf32>
    %add3A_2209 = vector.broadcast %slice3A_2208 : vector<1x128xf32> to vector<128x128xf32>
    %add3A_2210 = arith.addf %sub3A_2207, %add3A_2209 : vector<128x128xf32>
    %lt3A_2211 = arith.cmpf olt, %add3A_2210, %select_n3A_2201 : vector<128x128xf32>
    %select_n3A_2212 = arith.select %lt3A_2211, %add3A_2210, %select_n3A_2201 : vector<128x128xi1>, vector<128x128xf32>
    %jit3A_2213 = arith.constant 11 : i32
    %broadcast_in_dim3A_2214 = vector.broadcast %jit3A_2213 : i32 to vector<128x128xi32>
    %select_n3A_2215 = arith.select %lt3A_2211, %broadcast_in_dim3A_2214, %select_n3A_2204 : vector<128x128xi1>, vector<128x128xi32>
    %slice3A_2216 = vector.extract_strided_slice %dot_general3A_8 {offsets = [1408, 1536], sizes = [128, 128], strides = [1, 1]} : vector<2048x2048xf32> to vector<128x128xf32>
    %sub3A_2217 = vector.broadcast %slice3A_2086 : vector<128x1xf32> to vector<128x128xf32>
    %sub3A_2218 = arith.subf %sub3A_2217, %slice3A_2216 : vector<128x128xf32>
    %slice3A_2219 = vector.extract_strided_slice %reshape3A {offsets = [0, 1536], sizes = [1, 128], strides = [1, 1]} : vector<1x2048xf32> to vector<1x128xf32>
    %add3A_2220 = vector.broadcast %slice3A_2219 : vector<1x128xf32> to vector<128x128xf32>
    %add3A_2221 = arith.addf %sub3A_2218, %add3A_2220 : vector<128x128xf32>
    %lt3A_2222 = arith.cmpf olt, %add3A_2221, %select_n3A_2212 : vector<128x128xf32>
    %select_n3A_2223 = arith.select %lt3A_2222, %add3A_2221, %select_n3A_2212 : vector<128x128xi1>, vector<128x128xf32>
    %jit3A_2224 = arith.constant 12 : i32
    %broadcast_in_dim3A_2225 = vector.broadcast %jit3A_2224 : i32 to vector<128x128xi32>
    %select_n3A_2226 = arith.select %lt3A_2222, %broadcast_in_dim3A_2225, %select_n3A_2215 : vector<128x128xi1>, vector<128x128xi32>
    %slice3A_2227 = vector.extract_strided_slice %dot_general3A_8 {offsets = [1408, 1664], sizes = [128, 128], strides = [1, 1]} : vector<2048x2048xf32> to vector<128x128xf32>
    %sub3A_2228 = vector.broadcast %slice3A_2086 : vector<128x1xf32> to vector<128x128xf32>
    %sub3A_2229 = arith.subf %sub3A_2228, %slice3A_2227 : vector<128x128xf32>
    %slice3A_2230 = vector.extract_strided_slice %reshape3A {offsets = [0, 1664], sizes = [1, 128], strides = [1, 1]} : vector<1x2048xf32> to vector<1x128xf32>
    %add3A_2231 = vector.broadcast %slice3A_2230 : vector<1x128xf32> to vector<128x128xf32>
    %add3A_2232 = arith.addf %sub3A_2229, %add3A_2231 : vector<128x128xf32>
    %lt3A_2233 = arith.cmpf olt, %add3A_2232, %select_n3A_2223 : vector<128x128xf32>
    %select_n3A_2234 = arith.select %lt3A_2233, %add3A_2232, %select_n3A_2223 : vector<128x128xi1>, vector<128x128xf32>
    %jit3A_2235 = arith.constant 13 : i32
    %broadcast_in_dim3A_2236 = vector.broadcast %jit3A_2235 : i32 to vector<128x128xi32>
    %select_n3A_2237 = arith.select %lt3A_2233, %broadcast_in_dim3A_2236, %select_n3A_2226 : vector<128x128xi1>, vector<128x128xi32>
    %slice3A_2238 = vector.extract_strided_slice %dot_general3A_8 {offsets = [1408, 1792], sizes = [128, 128], strides = [1, 1]} : vector<2048x2048xf32> to vector<128x128xf32>
    %sub3A_2239 = vector.broadcast %slice3A_2086 : vector<128x1xf32> to vector<128x128xf32>
    %sub3A_2240 = arith.subf %sub3A_2239, %slice3A_2238 : vector<128x128xf32>
    %slice3A_2241 = vector.extract_strided_slice %reshape3A {offsets = [0, 1792], sizes = [1, 128], strides = [1, 1]} : vector<1x2048xf32> to vector<1x128xf32>
    %add3A_2242 = vector.broadcast %slice3A_2241 : vector<1x128xf32> to vector<128x128xf32>
    %add3A_2243 = arith.addf %sub3A_2240, %add3A_2242 : vector<128x128xf32>
    %lt3A_2244 = arith.cmpf olt, %add3A_2243, %select_n3A_2234 : vector<128x128xf32>
    %select_n3A_2245 = arith.select %lt3A_2244, %add3A_2243, %select_n3A_2234 : vector<128x128xi1>, vector<128x128xf32>
    %jit3A_2246 = arith.constant 14 : i32
    %broadcast_in_dim3A_2247 = vector.broadcast %jit3A_2246 : i32 to vector<128x128xi32>
    %select_n3A_2248 = arith.select %lt3A_2244, %broadcast_in_dim3A_2247, %select_n3A_2237 : vector<128x128xi1>, vector<128x128xi32>
    %slice3A_2249 = vector.extract_strided_slice %dot_general3A_8 {offsets = [1408, 1920], sizes = [128, 128], strides = [1, 1]} : vector<2048x2048xf32> to vector<128x128xf32>
    %sub3A_2250 = vector.broadcast %slice3A_2086 : vector<128x1xf32> to vector<128x128xf32>
    %sub3A_2251 = arith.subf %sub3A_2250, %slice3A_2249 : vector<128x128xf32>
    %slice3A_2252 = vector.extract_strided_slice %reshape3A {offsets = [0, 1920], sizes = [1, 128], strides = [1, 1]} : vector<1x2048xf32> to vector<1x128xf32>
    %add3A_2253 = vector.broadcast %slice3A_2252 : vector<1x128xf32> to vector<128x128xf32>
    %add3A_2254 = arith.addf %sub3A_2251, %add3A_2253 : vector<128x128xf32>
    %lt3A_2255 = arith.cmpf olt, %add3A_2254, %select_n3A_2245 : vector<128x128xf32>
    %select_n3A_2256 = arith.select %lt3A_2255, %add3A_2254, %select_n3A_2245 : vector<128x128xi1>, vector<128x128xf32>
    %jit3A_2257 = arith.constant 15 : i32
    %broadcast_in_dim3A_2258 = vector.broadcast %jit3A_2257 : i32 to vector<128x128xi32>
    %select_n3A_2259 = arith.select %lt3A_2255, %broadcast_in_dim3A_2258, %select_n3A_2248 : vector<128x128xi1>, vector<128x128xi32>
    %mul3A_2260 = arith.constant 128 : i32
    %mul3A_2261 = vector.broadcast %mul3A_2260 : i32 to vector<128x128xi32>
    %mul3A_2262 = arith.muli %select_n3A_2259, %mul3A_2261 : vector<128x128xi32>
    %add3A_2263 = arith.addi %mul3A_2262, %iota3A : vector<128x128xi32>
    %reduce_min3A_2264 = arith.constant dense<0x7F800000> : vector<128xf32>
    %reduce_min3A_2265 = vector.multi_reduction <minimumf>, %select_n3A_2256, %reduce_min3A_2264 [1] : vector<128x128xf32> to vector<128xf32>
    %broadcast_in_dim3A_2266 = vector.shape_cast %reduce_min3A_2265 : vector<128xf32> to vector<128x1xf32>
    %eq3A_2267 = vector.broadcast %broadcast_in_dim3A_2266 : vector<128x1xf32> to vector<128x128xf32>
    %eq3A_2268 = arith.cmpf oeq, %select_n3A_2256, %eq3A_2267 : vector<128x128xf32>
    %jit3A_2269 = arith.constant 2048 : i32
    %broadcast_in_dim3A_2270 = vector.broadcast %jit3A_2269 : i32 to vector<128x128xi32>
    %select_n3A_2271 = arith.select %eq3A_2268, %add3A_2263, %broadcast_in_dim3A_2270 : vector<128x128xi1>, vector<128x128xi32>
    %reduce_min3A_2272 = arith.constant dense<2147483647> : vector<128xi32>
    %reduce_min3A_2273 = vector.multi_reduction <minsi>, %select_n3A_2271, %reduce_min3A_2272 [1] : vector<128x128xi32> to vector<128xi32>
    %broadcast_in_dim3A_2274 = vector.shape_cast %reduce_min3A_2273 : vector<128xi32> to vector<128x1xi32>
    %slice3A_2275 = vector.extract_strided_slice %get3A_11 {offsets = [1536, 0], sizes = [128, 1], strides = [1, 1]} : vector<2048x1xf32> to vector<128x1xf32>
    %slice3A_2276 = vector.extract_strided_slice %dot_general3A_8 {offsets = [1536, 0], sizes = [128, 128], strides = [1, 1]} : vector<2048x2048xf32> to vector<128x128xf32>
    %sub3A_2277 = vector.broadcast %slice3A_2275 : vector<128x1xf32> to vector<128x128xf32>
    %sub3A_2278 = arith.subf %sub3A_2277, %slice3A_2276 : vector<128x128xf32>
    %slice3A_2279 = vector.extract_strided_slice %reshape3A {offsets = [0, 0], sizes = [1, 128], strides = [1, 1]} : vector<1x2048xf32> to vector<1x128xf32>
    %add3A_2280 = vector.broadcast %slice3A_2279 : vector<1x128xf32> to vector<128x128xf32>
    %add3A_2281 = arith.addf %sub3A_2278, %add3A_2280 : vector<128x128xf32>
    %broadcast_in_dim3A_2282 = arith.constant 0 : i32
    %broadcast_in_dim3A_2283 = vector.broadcast %broadcast_in_dim3A_2282 : i32 to vector<128x128xi32>
    %slice3A_2284 = vector.extract_strided_slice %dot_general3A_8 {offsets = [1536, 128], sizes = [128, 128], strides = [1, 1]} : vector<2048x2048xf32> to vector<128x128xf32>
    %sub3A_2285 = vector.broadcast %slice3A_2275 : vector<128x1xf32> to vector<128x128xf32>
    %sub3A_2286 = arith.subf %sub3A_2285, %slice3A_2284 : vector<128x128xf32>
    %slice3A_2287 = vector.extract_strided_slice %reshape3A {offsets = [0, 128], sizes = [1, 128], strides = [1, 1]} : vector<1x2048xf32> to vector<1x128xf32>
    %add3A_2288 = vector.broadcast %slice3A_2287 : vector<1x128xf32> to vector<128x128xf32>
    %add3A_2289 = arith.addf %sub3A_2286, %add3A_2288 : vector<128x128xf32>
    %lt3A_2290 = arith.cmpf olt, %add3A_2289, %add3A_2281 : vector<128x128xf32>
    %select_n3A_2291 = arith.select %lt3A_2290, %add3A_2289, %add3A_2281 : vector<128x128xi1>, vector<128x128xf32>
    %jit3A_2292 = arith.constant 1 : i32
    %broadcast_in_dim3A_2293 = vector.broadcast %jit3A_2292 : i32 to vector<128x128xi32>
    %select_n3A_2294 = arith.select %lt3A_2290, %broadcast_in_dim3A_2293, %broadcast_in_dim3A_2283 : vector<128x128xi1>, vector<128x128xi32>
    %slice3A_2295 = vector.extract_strided_slice %dot_general3A_8 {offsets = [1536, 256], sizes = [128, 128], strides = [1, 1]} : vector<2048x2048xf32> to vector<128x128xf32>
    %sub3A_2296 = vector.broadcast %slice3A_2275 : vector<128x1xf32> to vector<128x128xf32>
    %sub3A_2297 = arith.subf %sub3A_2296, %slice3A_2295 : vector<128x128xf32>
    %slice3A_2298 = vector.extract_strided_slice %reshape3A {offsets = [0, 256], sizes = [1, 128], strides = [1, 1]} : vector<1x2048xf32> to vector<1x128xf32>
    %add3A_2299 = vector.broadcast %slice3A_2298 : vector<1x128xf32> to vector<128x128xf32>
    %add3A_2300 = arith.addf %sub3A_2297, %add3A_2299 : vector<128x128xf32>
    %lt3A_2301 = arith.cmpf olt, %add3A_2300, %select_n3A_2291 : vector<128x128xf32>
    %select_n3A_2302 = arith.select %lt3A_2301, %add3A_2300, %select_n3A_2291 : vector<128x128xi1>, vector<128x128xf32>
    %jit3A_2303 = arith.constant 2 : i32
    %broadcast_in_dim3A_2304 = vector.broadcast %jit3A_2303 : i32 to vector<128x128xi32>
    %select_n3A_2305 = arith.select %lt3A_2301, %broadcast_in_dim3A_2304, %select_n3A_2294 : vector<128x128xi1>, vector<128x128xi32>
    %slice3A_2306 = vector.extract_strided_slice %dot_general3A_8 {offsets = [1536, 384], sizes = [128, 128], strides = [1, 1]} : vector<2048x2048xf32> to vector<128x128xf32>
    %sub3A_2307 = vector.broadcast %slice3A_2275 : vector<128x1xf32> to vector<128x128xf32>
    %sub3A_2308 = arith.subf %sub3A_2307, %slice3A_2306 : vector<128x128xf32>
    %slice3A_2309 = vector.extract_strided_slice %reshape3A {offsets = [0, 384], sizes = [1, 128], strides = [1, 1]} : vector<1x2048xf32> to vector<1x128xf32>
    %add3A_2310 = vector.broadcast %slice3A_2309 : vector<1x128xf32> to vector<128x128xf32>
    %add3A_2311 = arith.addf %sub3A_2308, %add3A_2310 : vector<128x128xf32>
    %lt3A_2312 = arith.cmpf olt, %add3A_2311, %select_n3A_2302 : vector<128x128xf32>
    %select_n3A_2313 = arith.select %lt3A_2312, %add3A_2311, %select_n3A_2302 : vector<128x128xi1>, vector<128x128xf32>
    %jit3A_2314 = arith.constant 3 : i32
    %broadcast_in_dim3A_2315 = vector.broadcast %jit3A_2314 : i32 to vector<128x128xi32>
    %select_n3A_2316 = arith.select %lt3A_2312, %broadcast_in_dim3A_2315, %select_n3A_2305 : vector<128x128xi1>, vector<128x128xi32>
    %slice3A_2317 = vector.extract_strided_slice %dot_general3A_8 {offsets = [1536, 512], sizes = [128, 128], strides = [1, 1]} : vector<2048x2048xf32> to vector<128x128xf32>
    %sub3A_2318 = vector.broadcast %slice3A_2275 : vector<128x1xf32> to vector<128x128xf32>
    %sub3A_2319 = arith.subf %sub3A_2318, %slice3A_2317 : vector<128x128xf32>
    %slice3A_2320 = vector.extract_strided_slice %reshape3A {offsets = [0, 512], sizes = [1, 128], strides = [1, 1]} : vector<1x2048xf32> to vector<1x128xf32>
    %add3A_2321 = vector.broadcast %slice3A_2320 : vector<1x128xf32> to vector<128x128xf32>
    %add3A_2322 = arith.addf %sub3A_2319, %add3A_2321 : vector<128x128xf32>
    %lt3A_2323 = arith.cmpf olt, %add3A_2322, %select_n3A_2313 : vector<128x128xf32>
    %select_n3A_2324 = arith.select %lt3A_2323, %add3A_2322, %select_n3A_2313 : vector<128x128xi1>, vector<128x128xf32>
    %jit3A_2325 = arith.constant 4 : i32
    %broadcast_in_dim3A_2326 = vector.broadcast %jit3A_2325 : i32 to vector<128x128xi32>
    %select_n3A_2327 = arith.select %lt3A_2323, %broadcast_in_dim3A_2326, %select_n3A_2316 : vector<128x128xi1>, vector<128x128xi32>
    %slice3A_2328 = vector.extract_strided_slice %dot_general3A_8 {offsets = [1536, 640], sizes = [128, 128], strides = [1, 1]} : vector<2048x2048xf32> to vector<128x128xf32>
    %sub3A_2329 = vector.broadcast %slice3A_2275 : vector<128x1xf32> to vector<128x128xf32>
    %sub3A_2330 = arith.subf %sub3A_2329, %slice3A_2328 : vector<128x128xf32>
    %slice3A_2331 = vector.extract_strided_slice %reshape3A {offsets = [0, 640], sizes = [1, 128], strides = [1, 1]} : vector<1x2048xf32> to vector<1x128xf32>
    %add3A_2332 = vector.broadcast %slice3A_2331 : vector<1x128xf32> to vector<128x128xf32>
    %add3A_2333 = arith.addf %sub3A_2330, %add3A_2332 : vector<128x128xf32>
    %lt3A_2334 = arith.cmpf olt, %add3A_2333, %select_n3A_2324 : vector<128x128xf32>
    %select_n3A_2335 = arith.select %lt3A_2334, %add3A_2333, %select_n3A_2324 : vector<128x128xi1>, vector<128x128xf32>
    %jit3A_2336 = arith.constant 5 : i32
    %broadcast_in_dim3A_2337 = vector.broadcast %jit3A_2336 : i32 to vector<128x128xi32>
    %select_n3A_2338 = arith.select %lt3A_2334, %broadcast_in_dim3A_2337, %select_n3A_2327 : vector<128x128xi1>, vector<128x128xi32>
    %slice3A_2339 = vector.extract_strided_slice %dot_general3A_8 {offsets = [1536, 768], sizes = [128, 128], strides = [1, 1]} : vector<2048x2048xf32> to vector<128x128xf32>
    %sub3A_2340 = vector.broadcast %slice3A_2275 : vector<128x1xf32> to vector<128x128xf32>
    %sub3A_2341 = arith.subf %sub3A_2340, %slice3A_2339 : vector<128x128xf32>
    %slice3A_2342 = vector.extract_strided_slice %reshape3A {offsets = [0, 768], sizes = [1, 128], strides = [1, 1]} : vector<1x2048xf32> to vector<1x128xf32>
    %add3A_2343 = vector.broadcast %slice3A_2342 : vector<1x128xf32> to vector<128x128xf32>
    %add3A_2344 = arith.addf %sub3A_2341, %add3A_2343 : vector<128x128xf32>
    %lt3A_2345 = arith.cmpf olt, %add3A_2344, %select_n3A_2335 : vector<128x128xf32>
    %select_n3A_2346 = arith.select %lt3A_2345, %add3A_2344, %select_n3A_2335 : vector<128x128xi1>, vector<128x128xf32>
    %jit3A_2347 = arith.constant 6 : i32
    %broadcast_in_dim3A_2348 = vector.broadcast %jit3A_2347 : i32 to vector<128x128xi32>
    %select_n3A_2349 = arith.select %lt3A_2345, %broadcast_in_dim3A_2348, %select_n3A_2338 : vector<128x128xi1>, vector<128x128xi32>
    %slice3A_2350 = vector.extract_strided_slice %dot_general3A_8 {offsets = [1536, 896], sizes = [128, 128], strides = [1, 1]} : vector<2048x2048xf32> to vector<128x128xf32>
    %sub3A_2351 = vector.broadcast %slice3A_2275 : vector<128x1xf32> to vector<128x128xf32>
    %sub3A_2352 = arith.subf %sub3A_2351, %slice3A_2350 : vector<128x128xf32>
    %slice3A_2353 = vector.extract_strided_slice %reshape3A {offsets = [0, 896], sizes = [1, 128], strides = [1, 1]} : vector<1x2048xf32> to vector<1x128xf32>
    %add3A_2354 = vector.broadcast %slice3A_2353 : vector<1x128xf32> to vector<128x128xf32>
    %add3A_2355 = arith.addf %sub3A_2352, %add3A_2354 : vector<128x128xf32>
    %lt3A_2356 = arith.cmpf olt, %add3A_2355, %select_n3A_2346 : vector<128x128xf32>
    %select_n3A_2357 = arith.select %lt3A_2356, %add3A_2355, %select_n3A_2346 : vector<128x128xi1>, vector<128x128xf32>
    %jit3A_2358 = arith.constant 7 : i32
    %broadcast_in_dim3A_2359 = vector.broadcast %jit3A_2358 : i32 to vector<128x128xi32>
    %select_n3A_2360 = arith.select %lt3A_2356, %broadcast_in_dim3A_2359, %select_n3A_2349 : vector<128x128xi1>, vector<128x128xi32>
    %slice3A_2361 = vector.extract_strided_slice %dot_general3A_8 {offsets = [1536, 1024], sizes = [128, 128], strides = [1, 1]} : vector<2048x2048xf32> to vector<128x128xf32>
    %sub3A_2362 = vector.broadcast %slice3A_2275 : vector<128x1xf32> to vector<128x128xf32>
    %sub3A_2363 = arith.subf %sub3A_2362, %slice3A_2361 : vector<128x128xf32>
    %slice3A_2364 = vector.extract_strided_slice %reshape3A {offsets = [0, 1024], sizes = [1, 128], strides = [1, 1]} : vector<1x2048xf32> to vector<1x128xf32>
    %add3A_2365 = vector.broadcast %slice3A_2364 : vector<1x128xf32> to vector<128x128xf32>
    %add3A_2366 = arith.addf %sub3A_2363, %add3A_2365 : vector<128x128xf32>
    %lt3A_2367 = arith.cmpf olt, %add3A_2366, %select_n3A_2357 : vector<128x128xf32>
    %select_n3A_2368 = arith.select %lt3A_2367, %add3A_2366, %select_n3A_2357 : vector<128x128xi1>, vector<128x128xf32>
    %jit3A_2369 = arith.constant 8 : i32
    %broadcast_in_dim3A_2370 = vector.broadcast %jit3A_2369 : i32 to vector<128x128xi32>
    %select_n3A_2371 = arith.select %lt3A_2367, %broadcast_in_dim3A_2370, %select_n3A_2360 : vector<128x128xi1>, vector<128x128xi32>
    %slice3A_2372 = vector.extract_strided_slice %dot_general3A_8 {offsets = [1536, 1152], sizes = [128, 128], strides = [1, 1]} : vector<2048x2048xf32> to vector<128x128xf32>
    %sub3A_2373 = vector.broadcast %slice3A_2275 : vector<128x1xf32> to vector<128x128xf32>
    %sub3A_2374 = arith.subf %sub3A_2373, %slice3A_2372 : vector<128x128xf32>
    %slice3A_2375 = vector.extract_strided_slice %reshape3A {offsets = [0, 1152], sizes = [1, 128], strides = [1, 1]} : vector<1x2048xf32> to vector<1x128xf32>
    %add3A_2376 = vector.broadcast %slice3A_2375 : vector<1x128xf32> to vector<128x128xf32>
    %add3A_2377 = arith.addf %sub3A_2374, %add3A_2376 : vector<128x128xf32>
    %lt3A_2378 = arith.cmpf olt, %add3A_2377, %select_n3A_2368 : vector<128x128xf32>
    %select_n3A_2379 = arith.select %lt3A_2378, %add3A_2377, %select_n3A_2368 : vector<128x128xi1>, vector<128x128xf32>
    %jit3A_2380 = arith.constant 9 : i32
    %broadcast_in_dim3A_2381 = vector.broadcast %jit3A_2380 : i32 to vector<128x128xi32>
    %select_n3A_2382 = arith.select %lt3A_2378, %broadcast_in_dim3A_2381, %select_n3A_2371 : vector<128x128xi1>, vector<128x128xi32>
    %slice3A_2383 = vector.extract_strided_slice %dot_general3A_8 {offsets = [1536, 1280], sizes = [128, 128], strides = [1, 1]} : vector<2048x2048xf32> to vector<128x128xf32>
    %sub3A_2384 = vector.broadcast %slice3A_2275 : vector<128x1xf32> to vector<128x128xf32>
    %sub3A_2385 = arith.subf %sub3A_2384, %slice3A_2383 : vector<128x128xf32>
    %slice3A_2386 = vector.extract_strided_slice %reshape3A {offsets = [0, 1280], sizes = [1, 128], strides = [1, 1]} : vector<1x2048xf32> to vector<1x128xf32>
    %add3A_2387 = vector.broadcast %slice3A_2386 : vector<1x128xf32> to vector<128x128xf32>
    %add3A_2388 = arith.addf %sub3A_2385, %add3A_2387 : vector<128x128xf32>
    %lt3A_2389 = arith.cmpf olt, %add3A_2388, %select_n3A_2379 : vector<128x128xf32>
    %select_n3A_2390 = arith.select %lt3A_2389, %add3A_2388, %select_n3A_2379 : vector<128x128xi1>, vector<128x128xf32>
    %jit3A_2391 = arith.constant 10 : i32
    %broadcast_in_dim3A_2392 = vector.broadcast %jit3A_2391 : i32 to vector<128x128xi32>
    %select_n3A_2393 = arith.select %lt3A_2389, %broadcast_in_dim3A_2392, %select_n3A_2382 : vector<128x128xi1>, vector<128x128xi32>
    %slice3A_2394 = vector.extract_strided_slice %dot_general3A_8 {offsets = [1536, 1408], sizes = [128, 128], strides = [1, 1]} : vector<2048x2048xf32> to vector<128x128xf32>
    %sub3A_2395 = vector.broadcast %slice3A_2275 : vector<128x1xf32> to vector<128x128xf32>
    %sub3A_2396 = arith.subf %sub3A_2395, %slice3A_2394 : vector<128x128xf32>
    %slice3A_2397 = vector.extract_strided_slice %reshape3A {offsets = [0, 1408], sizes = [1, 128], strides = [1, 1]} : vector<1x2048xf32> to vector<1x128xf32>
    %add3A_2398 = vector.broadcast %slice3A_2397 : vector<1x128xf32> to vector<128x128xf32>
    %add3A_2399 = arith.addf %sub3A_2396, %add3A_2398 : vector<128x128xf32>
    %lt3A_2400 = arith.cmpf olt, %add3A_2399, %select_n3A_2390 : vector<128x128xf32>
    %select_n3A_2401 = arith.select %lt3A_2400, %add3A_2399, %select_n3A_2390 : vector<128x128xi1>, vector<128x128xf32>
    %jit3A_2402 = arith.constant 11 : i32
    %broadcast_in_dim3A_2403 = vector.broadcast %jit3A_2402 : i32 to vector<128x128xi32>
    %select_n3A_2404 = arith.select %lt3A_2400, %broadcast_in_dim3A_2403, %select_n3A_2393 : vector<128x128xi1>, vector<128x128xi32>
    %slice3A_2405 = vector.extract_strided_slice %dot_general3A_8 {offsets = [1536, 1536], sizes = [128, 128], strides = [1, 1]} : vector<2048x2048xf32> to vector<128x128xf32>
    %sub3A_2406 = vector.broadcast %slice3A_2275 : vector<128x1xf32> to vector<128x128xf32>
    %sub3A_2407 = arith.subf %sub3A_2406, %slice3A_2405 : vector<128x128xf32>
    %slice3A_2408 = vector.extract_strided_slice %reshape3A {offsets = [0, 1536], sizes = [1, 128], strides = [1, 1]} : vector<1x2048xf32> to vector<1x128xf32>
    %add3A_2409 = vector.broadcast %slice3A_2408 : vector<1x128xf32> to vector<128x128xf32>
    %add3A_2410 = arith.addf %sub3A_2407, %add3A_2409 : vector<128x128xf32>
    %lt3A_2411 = arith.cmpf olt, %add3A_2410, %select_n3A_2401 : vector<128x128xf32>
    %select_n3A_2412 = arith.select %lt3A_2411, %add3A_2410, %select_n3A_2401 : vector<128x128xi1>, vector<128x128xf32>
    %jit3A_2413 = arith.constant 12 : i32
    %broadcast_in_dim3A_2414 = vector.broadcast %jit3A_2413 : i32 to vector<128x128xi32>
    %select_n3A_2415 = arith.select %lt3A_2411, %broadcast_in_dim3A_2414, %select_n3A_2404 : vector<128x128xi1>, vector<128x128xi32>
    %slice3A_2416 = vector.extract_strided_slice %dot_general3A_8 {offsets = [1536, 1664], sizes = [128, 128], strides = [1, 1]} : vector<2048x2048xf32> to vector<128x128xf32>
    %sub3A_2417 = vector.broadcast %slice3A_2275 : vector<128x1xf32> to vector<128x128xf32>
    %sub3A_2418 = arith.subf %sub3A_2417, %slice3A_2416 : vector<128x128xf32>
    %slice3A_2419 = vector.extract_strided_slice %reshape3A {offsets = [0, 1664], sizes = [1, 128], strides = [1, 1]} : vector<1x2048xf32> to vector<1x128xf32>
    %add3A_2420 = vector.broadcast %slice3A_2419 : vector<1x128xf32> to vector<128x128xf32>
    %add3A_2421 = arith.addf %sub3A_2418, %add3A_2420 : vector<128x128xf32>
    %lt3A_2422 = arith.cmpf olt, %add3A_2421, %select_n3A_2412 : vector<128x128xf32>
    %select_n3A_2423 = arith.select %lt3A_2422, %add3A_2421, %select_n3A_2412 : vector<128x128xi1>, vector<128x128xf32>
    %jit3A_2424 = arith.constant 13 : i32
    %broadcast_in_dim3A_2425 = vector.broadcast %jit3A_2424 : i32 to vector<128x128xi32>
    %select_n3A_2426 = arith.select %lt3A_2422, %broadcast_in_dim3A_2425, %select_n3A_2415 : vector<128x128xi1>, vector<128x128xi32>
    %slice3A_2427 = vector.extract_strided_slice %dot_general3A_8 {offsets = [1536, 1792], sizes = [128, 128], strides = [1, 1]} : vector<2048x2048xf32> to vector<128x128xf32>
    %sub3A_2428 = vector.broadcast %slice3A_2275 : vector<128x1xf32> to vector<128x128xf32>
    %sub3A_2429 = arith.subf %sub3A_2428, %slice3A_2427 : vector<128x128xf32>
    %slice3A_2430 = vector.extract_strided_slice %reshape3A {offsets = [0, 1792], sizes = [1, 128], strides = [1, 1]} : vector<1x2048xf32> to vector<1x128xf32>
    %add3A_2431 = vector.broadcast %slice3A_2430 : vector<1x128xf32> to vector<128x128xf32>
    %add3A_2432 = arith.addf %sub3A_2429, %add3A_2431 : vector<128x128xf32>
    %lt3A_2433 = arith.cmpf olt, %add3A_2432, %select_n3A_2423 : vector<128x128xf32>
    %select_n3A_2434 = arith.select %lt3A_2433, %add3A_2432, %select_n3A_2423 : vector<128x128xi1>, vector<128x128xf32>
    %jit3A_2435 = arith.constant 14 : i32
    %broadcast_in_dim3A_2436 = vector.broadcast %jit3A_2435 : i32 to vector<128x128xi32>
    %select_n3A_2437 = arith.select %lt3A_2433, %broadcast_in_dim3A_2436, %select_n3A_2426 : vector<128x128xi1>, vector<128x128xi32>
    %slice3A_2438 = vector.extract_strided_slice %dot_general3A_8 {offsets = [1536, 1920], sizes = [128, 128], strides = [1, 1]} : vector<2048x2048xf32> to vector<128x128xf32>
    %sub3A_2439 = vector.broadcast %slice3A_2275 : vector<128x1xf32> to vector<128x128xf32>
    %sub3A_2440 = arith.subf %sub3A_2439, %slice3A_2438 : vector<128x128xf32>
    %slice3A_2441 = vector.extract_strided_slice %reshape3A {offsets = [0, 1920], sizes = [1, 128], strides = [1, 1]} : vector<1x2048xf32> to vector<1x128xf32>
    %add3A_2442 = vector.broadcast %slice3A_2441 : vector<1x128xf32> to vector<128x128xf32>
    %add3A_2443 = arith.addf %sub3A_2440, %add3A_2442 : vector<128x128xf32>
    %lt3A_2444 = arith.cmpf olt, %add3A_2443, %select_n3A_2434 : vector<128x128xf32>
    %select_n3A_2445 = arith.select %lt3A_2444, %add3A_2443, %select_n3A_2434 : vector<128x128xi1>, vector<128x128xf32>
    %jit3A_2446 = arith.constant 15 : i32
    %broadcast_in_dim3A_2447 = vector.broadcast %jit3A_2446 : i32 to vector<128x128xi32>
    %select_n3A_2448 = arith.select %lt3A_2444, %broadcast_in_dim3A_2447, %select_n3A_2437 : vector<128x128xi1>, vector<128x128xi32>
    %mul3A_2449 = arith.constant 128 : i32
    %mul3A_2450 = vector.broadcast %mul3A_2449 : i32 to vector<128x128xi32>
    %mul3A_2451 = arith.muli %select_n3A_2448, %mul3A_2450 : vector<128x128xi32>
    %add3A_2452 = arith.addi %mul3A_2451, %iota3A : vector<128x128xi32>
    %reduce_min3A_2453 = arith.constant dense<0x7F800000> : vector<128xf32>
    %reduce_min3A_2454 = vector.multi_reduction <minimumf>, %select_n3A_2445, %reduce_min3A_2453 [1] : vector<128x128xf32> to vector<128xf32>
    %broadcast_in_dim3A_2455 = vector.shape_cast %reduce_min3A_2454 : vector<128xf32> to vector<128x1xf32>
    %eq3A_2456 = vector.broadcast %broadcast_in_dim3A_2455 : vector<128x1xf32> to vector<128x128xf32>
    %eq3A_2457 = arith.cmpf oeq, %select_n3A_2445, %eq3A_2456 : vector<128x128xf32>
    %jit3A_2458 = arith.constant 2048 : i32
    %broadcast_in_dim3A_2459 = vector.broadcast %jit3A_2458 : i32 to vector<128x128xi32>
    %select_n3A_2460 = arith.select %eq3A_2457, %add3A_2452, %broadcast_in_dim3A_2459 : vector<128x128xi1>, vector<128x128xi32>
    %reduce_min3A_2461 = arith.constant dense<2147483647> : vector<128xi32>
    %reduce_min3A_2462 = vector.multi_reduction <minsi>, %select_n3A_2460, %reduce_min3A_2461 [1] : vector<128x128xi32> to vector<128xi32>
    %broadcast_in_dim3A_2463 = vector.shape_cast %reduce_min3A_2462 : vector<128xi32> to vector<128x1xi32>
    %slice3A_2464 = vector.extract_strided_slice %get3A_11 {offsets = [1664, 0], sizes = [128, 1], strides = [1, 1]} : vector<2048x1xf32> to vector<128x1xf32>
    %slice3A_2465 = vector.extract_strided_slice %dot_general3A_8 {offsets = [1664, 0], sizes = [128, 128], strides = [1, 1]} : vector<2048x2048xf32> to vector<128x128xf32>
    %sub3A_2466 = vector.broadcast %slice3A_2464 : vector<128x1xf32> to vector<128x128xf32>
    %sub3A_2467 = arith.subf %sub3A_2466, %slice3A_2465 : vector<128x128xf32>
    %slice3A_2468 = vector.extract_strided_slice %reshape3A {offsets = [0, 0], sizes = [1, 128], strides = [1, 1]} : vector<1x2048xf32> to vector<1x128xf32>
    %add3A_2469 = vector.broadcast %slice3A_2468 : vector<1x128xf32> to vector<128x128xf32>
    %add3A_2470 = arith.addf %sub3A_2467, %add3A_2469 : vector<128x128xf32>
    %broadcast_in_dim3A_2471 = arith.constant 0 : i32
    %broadcast_in_dim3A_2472 = vector.broadcast %broadcast_in_dim3A_2471 : i32 to vector<128x128xi32>
    %slice3A_2473 = vector.extract_strided_slice %dot_general3A_8 {offsets = [1664, 128], sizes = [128, 128], strides = [1, 1]} : vector<2048x2048xf32> to vector<128x128xf32>
    %sub3A_2474 = vector.broadcast %slice3A_2464 : vector<128x1xf32> to vector<128x128xf32>
    %sub3A_2475 = arith.subf %sub3A_2474, %slice3A_2473 : vector<128x128xf32>
    %slice3A_2476 = vector.extract_strided_slice %reshape3A {offsets = [0, 128], sizes = [1, 128], strides = [1, 1]} : vector<1x2048xf32> to vector<1x128xf32>
    %add3A_2477 = vector.broadcast %slice3A_2476 : vector<1x128xf32> to vector<128x128xf32>
    %add3A_2478 = arith.addf %sub3A_2475, %add3A_2477 : vector<128x128xf32>
    %lt3A_2479 = arith.cmpf olt, %add3A_2478, %add3A_2470 : vector<128x128xf32>
    %select_n3A_2480 = arith.select %lt3A_2479, %add3A_2478, %add3A_2470 : vector<128x128xi1>, vector<128x128xf32>
    %jit3A_2481 = arith.constant 1 : i32
    %broadcast_in_dim3A_2482 = vector.broadcast %jit3A_2481 : i32 to vector<128x128xi32>
    %select_n3A_2483 = arith.select %lt3A_2479, %broadcast_in_dim3A_2482, %broadcast_in_dim3A_2472 : vector<128x128xi1>, vector<128x128xi32>
    %slice3A_2484 = vector.extract_strided_slice %dot_general3A_8 {offsets = [1664, 256], sizes = [128, 128], strides = [1, 1]} : vector<2048x2048xf32> to vector<128x128xf32>
    %sub3A_2485 = vector.broadcast %slice3A_2464 : vector<128x1xf32> to vector<128x128xf32>
    %sub3A_2486 = arith.subf %sub3A_2485, %slice3A_2484 : vector<128x128xf32>
    %slice3A_2487 = vector.extract_strided_slice %reshape3A {offsets = [0, 256], sizes = [1, 128], strides = [1, 1]} : vector<1x2048xf32> to vector<1x128xf32>
    %add3A_2488 = vector.broadcast %slice3A_2487 : vector<1x128xf32> to vector<128x128xf32>
    %add3A_2489 = arith.addf %sub3A_2486, %add3A_2488 : vector<128x128xf32>
    %lt3A_2490 = arith.cmpf olt, %add3A_2489, %select_n3A_2480 : vector<128x128xf32>
    %select_n3A_2491 = arith.select %lt3A_2490, %add3A_2489, %select_n3A_2480 : vector<128x128xi1>, vector<128x128xf32>
    %jit3A_2492 = arith.constant 2 : i32
    %broadcast_in_dim3A_2493 = vector.broadcast %jit3A_2492 : i32 to vector<128x128xi32>
    %select_n3A_2494 = arith.select %lt3A_2490, %broadcast_in_dim3A_2493, %select_n3A_2483 : vector<128x128xi1>, vector<128x128xi32>
    %slice3A_2495 = vector.extract_strided_slice %dot_general3A_8 {offsets = [1664, 384], sizes = [128, 128], strides = [1, 1]} : vector<2048x2048xf32> to vector<128x128xf32>
    %sub3A_2496 = vector.broadcast %slice3A_2464 : vector<128x1xf32> to vector<128x128xf32>
    %sub3A_2497 = arith.subf %sub3A_2496, %slice3A_2495 : vector<128x128xf32>
    %slice3A_2498 = vector.extract_strided_slice %reshape3A {offsets = [0, 384], sizes = [1, 128], strides = [1, 1]} : vector<1x2048xf32> to vector<1x128xf32>
    %add3A_2499 = vector.broadcast %slice3A_2498 : vector<1x128xf32> to vector<128x128xf32>
    %add3A_2500 = arith.addf %sub3A_2497, %add3A_2499 : vector<128x128xf32>
    %lt3A_2501 = arith.cmpf olt, %add3A_2500, %select_n3A_2491 : vector<128x128xf32>
    %select_n3A_2502 = arith.select %lt3A_2501, %add3A_2500, %select_n3A_2491 : vector<128x128xi1>, vector<128x128xf32>
    %jit3A_2503 = arith.constant 3 : i32
    %broadcast_in_dim3A_2504 = vector.broadcast %jit3A_2503 : i32 to vector<128x128xi32>
    %select_n3A_2505 = arith.select %lt3A_2501, %broadcast_in_dim3A_2504, %select_n3A_2494 : vector<128x128xi1>, vector<128x128xi32>
    %slice3A_2506 = vector.extract_strided_slice %dot_general3A_8 {offsets = [1664, 512], sizes = [128, 128], strides = [1, 1]} : vector<2048x2048xf32> to vector<128x128xf32>
    %sub3A_2507 = vector.broadcast %slice3A_2464 : vector<128x1xf32> to vector<128x128xf32>
    %sub3A_2508 = arith.subf %sub3A_2507, %slice3A_2506 : vector<128x128xf32>
    %slice3A_2509 = vector.extract_strided_slice %reshape3A {offsets = [0, 512], sizes = [1, 128], strides = [1, 1]} : vector<1x2048xf32> to vector<1x128xf32>
    %add3A_2510 = vector.broadcast %slice3A_2509 : vector<1x128xf32> to vector<128x128xf32>
    %add3A_2511 = arith.addf %sub3A_2508, %add3A_2510 : vector<128x128xf32>
    %lt3A_2512 = arith.cmpf olt, %add3A_2511, %select_n3A_2502 : vector<128x128xf32>
    %select_n3A_2513 = arith.select %lt3A_2512, %add3A_2511, %select_n3A_2502 : vector<128x128xi1>, vector<128x128xf32>
    %jit3A_2514 = arith.constant 4 : i32
    %broadcast_in_dim3A_2515 = vector.broadcast %jit3A_2514 : i32 to vector<128x128xi32>
    %select_n3A_2516 = arith.select %lt3A_2512, %broadcast_in_dim3A_2515, %select_n3A_2505 : vector<128x128xi1>, vector<128x128xi32>
    %slice3A_2517 = vector.extract_strided_slice %dot_general3A_8 {offsets = [1664, 640], sizes = [128, 128], strides = [1, 1]} : vector<2048x2048xf32> to vector<128x128xf32>
    %sub3A_2518 = vector.broadcast %slice3A_2464 : vector<128x1xf32> to vector<128x128xf32>
    %sub3A_2519 = arith.subf %sub3A_2518, %slice3A_2517 : vector<128x128xf32>
    %slice3A_2520 = vector.extract_strided_slice %reshape3A {offsets = [0, 640], sizes = [1, 128], strides = [1, 1]} : vector<1x2048xf32> to vector<1x128xf32>
    %add3A_2521 = vector.broadcast %slice3A_2520 : vector<1x128xf32> to vector<128x128xf32>
    %add3A_2522 = arith.addf %sub3A_2519, %add3A_2521 : vector<128x128xf32>
    %lt3A_2523 = arith.cmpf olt, %add3A_2522, %select_n3A_2513 : vector<128x128xf32>
    %select_n3A_2524 = arith.select %lt3A_2523, %add3A_2522, %select_n3A_2513 : vector<128x128xi1>, vector<128x128xf32>
    %jit3A_2525 = arith.constant 5 : i32
    %broadcast_in_dim3A_2526 = vector.broadcast %jit3A_2525 : i32 to vector<128x128xi32>
    %select_n3A_2527 = arith.select %lt3A_2523, %broadcast_in_dim3A_2526, %select_n3A_2516 : vector<128x128xi1>, vector<128x128xi32>
    %slice3A_2528 = vector.extract_strided_slice %dot_general3A_8 {offsets = [1664, 768], sizes = [128, 128], strides = [1, 1]} : vector<2048x2048xf32> to vector<128x128xf32>
    %sub3A_2529 = vector.broadcast %slice3A_2464 : vector<128x1xf32> to vector<128x128xf32>
    %sub3A_2530 = arith.subf %sub3A_2529, %slice3A_2528 : vector<128x128xf32>
    %slice3A_2531 = vector.extract_strided_slice %reshape3A {offsets = [0, 768], sizes = [1, 128], strides = [1, 1]} : vector<1x2048xf32> to vector<1x128xf32>
    %add3A_2532 = vector.broadcast %slice3A_2531 : vector<1x128xf32> to vector<128x128xf32>
    %add3A_2533 = arith.addf %sub3A_2530, %add3A_2532 : vector<128x128xf32>
    %lt3A_2534 = arith.cmpf olt, %add3A_2533, %select_n3A_2524 : vector<128x128xf32>
    %select_n3A_2535 = arith.select %lt3A_2534, %add3A_2533, %select_n3A_2524 : vector<128x128xi1>, vector<128x128xf32>
    %jit3A_2536 = arith.constant 6 : i32
    %broadcast_in_dim3A_2537 = vector.broadcast %jit3A_2536 : i32 to vector<128x128xi32>
    %select_n3A_2538 = arith.select %lt3A_2534, %broadcast_in_dim3A_2537, %select_n3A_2527 : vector<128x128xi1>, vector<128x128xi32>
    %slice3A_2539 = vector.extract_strided_slice %dot_general3A_8 {offsets = [1664, 896], sizes = [128, 128], strides = [1, 1]} : vector<2048x2048xf32> to vector<128x128xf32>
    %sub3A_2540 = vector.broadcast %slice3A_2464 : vector<128x1xf32> to vector<128x128xf32>
    %sub3A_2541 = arith.subf %sub3A_2540, %slice3A_2539 : vector<128x128xf32>
    %slice3A_2542 = vector.extract_strided_slice %reshape3A {offsets = [0, 896], sizes = [1, 128], strides = [1, 1]} : vector<1x2048xf32> to vector<1x128xf32>
    %add3A_2543 = vector.broadcast %slice3A_2542 : vector<1x128xf32> to vector<128x128xf32>
    %add3A_2544 = arith.addf %sub3A_2541, %add3A_2543 : vector<128x128xf32>
    %lt3A_2545 = arith.cmpf olt, %add3A_2544, %select_n3A_2535 : vector<128x128xf32>
    %select_n3A_2546 = arith.select %lt3A_2545, %add3A_2544, %select_n3A_2535 : vector<128x128xi1>, vector<128x128xf32>
    %jit3A_2547 = arith.constant 7 : i32
    %broadcast_in_dim3A_2548 = vector.broadcast %jit3A_2547 : i32 to vector<128x128xi32>
    %select_n3A_2549 = arith.select %lt3A_2545, %broadcast_in_dim3A_2548, %select_n3A_2538 : vector<128x128xi1>, vector<128x128xi32>
    %slice3A_2550 = vector.extract_strided_slice %dot_general3A_8 {offsets = [1664, 1024], sizes = [128, 128], strides = [1, 1]} : vector<2048x2048xf32> to vector<128x128xf32>
    %sub3A_2551 = vector.broadcast %slice3A_2464 : vector<128x1xf32> to vector<128x128xf32>
    %sub3A_2552 = arith.subf %sub3A_2551, %slice3A_2550 : vector<128x128xf32>
    %slice3A_2553 = vector.extract_strided_slice %reshape3A {offsets = [0, 1024], sizes = [1, 128], strides = [1, 1]} : vector<1x2048xf32> to vector<1x128xf32>
    %add3A_2554 = vector.broadcast %slice3A_2553 : vector<1x128xf32> to vector<128x128xf32>
    %add3A_2555 = arith.addf %sub3A_2552, %add3A_2554 : vector<128x128xf32>
    %lt3A_2556 = arith.cmpf olt, %add3A_2555, %select_n3A_2546 : vector<128x128xf32>
    %select_n3A_2557 = arith.select %lt3A_2556, %add3A_2555, %select_n3A_2546 : vector<128x128xi1>, vector<128x128xf32>
    %jit3A_2558 = arith.constant 8 : i32
    %broadcast_in_dim3A_2559 = vector.broadcast %jit3A_2558 : i32 to vector<128x128xi32>
    %select_n3A_2560 = arith.select %lt3A_2556, %broadcast_in_dim3A_2559, %select_n3A_2549 : vector<128x128xi1>, vector<128x128xi32>
    %slice3A_2561 = vector.extract_strided_slice %dot_general3A_8 {offsets = [1664, 1152], sizes = [128, 128], strides = [1, 1]} : vector<2048x2048xf32> to vector<128x128xf32>
    %sub3A_2562 = vector.broadcast %slice3A_2464 : vector<128x1xf32> to vector<128x128xf32>
    %sub3A_2563 = arith.subf %sub3A_2562, %slice3A_2561 : vector<128x128xf32>
    %slice3A_2564 = vector.extract_strided_slice %reshape3A {offsets = [0, 1152], sizes = [1, 128], strides = [1, 1]} : vector<1x2048xf32> to vector<1x128xf32>
    %add3A_2565 = vector.broadcast %slice3A_2564 : vector<1x128xf32> to vector<128x128xf32>
    %add3A_2566 = arith.addf %sub3A_2563, %add3A_2565 : vector<128x128xf32>
    %lt3A_2567 = arith.cmpf olt, %add3A_2566, %select_n3A_2557 : vector<128x128xf32>
    %select_n3A_2568 = arith.select %lt3A_2567, %add3A_2566, %select_n3A_2557 : vector<128x128xi1>, vector<128x128xf32>
    %jit3A_2569 = arith.constant 9 : i32
    %broadcast_in_dim3A_2570 = vector.broadcast %jit3A_2569 : i32 to vector<128x128xi32>
    %select_n3A_2571 = arith.select %lt3A_2567, %broadcast_in_dim3A_2570, %select_n3A_2560 : vector<128x128xi1>, vector<128x128xi32>
    %slice3A_2572 = vector.extract_strided_slice %dot_general3A_8 {offsets = [1664, 1280], sizes = [128, 128], strides = [1, 1]} : vector<2048x2048xf32> to vector<128x128xf32>
    %sub3A_2573 = vector.broadcast %slice3A_2464 : vector<128x1xf32> to vector<128x128xf32>
    %sub3A_2574 = arith.subf %sub3A_2573, %slice3A_2572 : vector<128x128xf32>
    %slice3A_2575 = vector.extract_strided_slice %reshape3A {offsets = [0, 1280], sizes = [1, 128], strides = [1, 1]} : vector<1x2048xf32> to vector<1x128xf32>
    %add3A_2576 = vector.broadcast %slice3A_2575 : vector<1x128xf32> to vector<128x128xf32>
    %add3A_2577 = arith.addf %sub3A_2574, %add3A_2576 : vector<128x128xf32>
    %lt3A_2578 = arith.cmpf olt, %add3A_2577, %select_n3A_2568 : vector<128x128xf32>
    %select_n3A_2579 = arith.select %lt3A_2578, %add3A_2577, %select_n3A_2568 : vector<128x128xi1>, vector<128x128xf32>
    %jit3A_2580 = arith.constant 10 : i32
    %broadcast_in_dim3A_2581 = vector.broadcast %jit3A_2580 : i32 to vector<128x128xi32>
    %select_n3A_2582 = arith.select %lt3A_2578, %broadcast_in_dim3A_2581, %select_n3A_2571 : vector<128x128xi1>, vector<128x128xi32>
    %slice3A_2583 = vector.extract_strided_slice %dot_general3A_8 {offsets = [1664, 1408], sizes = [128, 128], strides = [1, 1]} : vector<2048x2048xf32> to vector<128x128xf32>
    %sub3A_2584 = vector.broadcast %slice3A_2464 : vector<128x1xf32> to vector<128x128xf32>
    %sub3A_2585 = arith.subf %sub3A_2584, %slice3A_2583 : vector<128x128xf32>
    %slice3A_2586 = vector.extract_strided_slice %reshape3A {offsets = [0, 1408], sizes = [1, 128], strides = [1, 1]} : vector<1x2048xf32> to vector<1x128xf32>
    %add3A_2587 = vector.broadcast %slice3A_2586 : vector<1x128xf32> to vector<128x128xf32>
    %add3A_2588 = arith.addf %sub3A_2585, %add3A_2587 : vector<128x128xf32>
    %lt3A_2589 = arith.cmpf olt, %add3A_2588, %select_n3A_2579 : vector<128x128xf32>
    %select_n3A_2590 = arith.select %lt3A_2589, %add3A_2588, %select_n3A_2579 : vector<128x128xi1>, vector<128x128xf32>
    %jit3A_2591 = arith.constant 11 : i32
    %broadcast_in_dim3A_2592 = vector.broadcast %jit3A_2591 : i32 to vector<128x128xi32>
    %select_n3A_2593 = arith.select %lt3A_2589, %broadcast_in_dim3A_2592, %select_n3A_2582 : vector<128x128xi1>, vector<128x128xi32>
    %slice3A_2594 = vector.extract_strided_slice %dot_general3A_8 {offsets = [1664, 1536], sizes = [128, 128], strides = [1, 1]} : vector<2048x2048xf32> to vector<128x128xf32>
    %sub3A_2595 = vector.broadcast %slice3A_2464 : vector<128x1xf32> to vector<128x128xf32>
    %sub3A_2596 = arith.subf %sub3A_2595, %slice3A_2594 : vector<128x128xf32>
    %slice3A_2597 = vector.extract_strided_slice %reshape3A {offsets = [0, 1536], sizes = [1, 128], strides = [1, 1]} : vector<1x2048xf32> to vector<1x128xf32>
    %add3A_2598 = vector.broadcast %slice3A_2597 : vector<1x128xf32> to vector<128x128xf32>
    %add3A_2599 = arith.addf %sub3A_2596, %add3A_2598 : vector<128x128xf32>
    %lt3A_2600 = arith.cmpf olt, %add3A_2599, %select_n3A_2590 : vector<128x128xf32>
    %select_n3A_2601 = arith.select %lt3A_2600, %add3A_2599, %select_n3A_2590 : vector<128x128xi1>, vector<128x128xf32>
    %jit3A_2602 = arith.constant 12 : i32
    %broadcast_in_dim3A_2603 = vector.broadcast %jit3A_2602 : i32 to vector<128x128xi32>
    %select_n3A_2604 = arith.select %lt3A_2600, %broadcast_in_dim3A_2603, %select_n3A_2593 : vector<128x128xi1>, vector<128x128xi32>
    %slice3A_2605 = vector.extract_strided_slice %dot_general3A_8 {offsets = [1664, 1664], sizes = [128, 128], strides = [1, 1]} : vector<2048x2048xf32> to vector<128x128xf32>
    %sub3A_2606 = vector.broadcast %slice3A_2464 : vector<128x1xf32> to vector<128x128xf32>
    %sub3A_2607 = arith.subf %sub3A_2606, %slice3A_2605 : vector<128x128xf32>
    %slice3A_2608 = vector.extract_strided_slice %reshape3A {offsets = [0, 1664], sizes = [1, 128], strides = [1, 1]} : vector<1x2048xf32> to vector<1x128xf32>
    %add3A_2609 = vector.broadcast %slice3A_2608 : vector<1x128xf32> to vector<128x128xf32>
    %add3A_2610 = arith.addf %sub3A_2607, %add3A_2609 : vector<128x128xf32>
    %lt3A_2611 = arith.cmpf olt, %add3A_2610, %select_n3A_2601 : vector<128x128xf32>
    %select_n3A_2612 = arith.select %lt3A_2611, %add3A_2610, %select_n3A_2601 : vector<128x128xi1>, vector<128x128xf32>
    %jit3A_2613 = arith.constant 13 : i32
    %broadcast_in_dim3A_2614 = vector.broadcast %jit3A_2613 : i32 to vector<128x128xi32>
    %select_n3A_2615 = arith.select %lt3A_2611, %broadcast_in_dim3A_2614, %select_n3A_2604 : vector<128x128xi1>, vector<128x128xi32>
    %slice3A_2616 = vector.extract_strided_slice %dot_general3A_8 {offsets = [1664, 1792], sizes = [128, 128], strides = [1, 1]} : vector<2048x2048xf32> to vector<128x128xf32>
    %sub3A_2617 = vector.broadcast %slice3A_2464 : vector<128x1xf32> to vector<128x128xf32>
    %sub3A_2618 = arith.subf %sub3A_2617, %slice3A_2616 : vector<128x128xf32>
    %slice3A_2619 = vector.extract_strided_slice %reshape3A {offsets = [0, 1792], sizes = [1, 128], strides = [1, 1]} : vector<1x2048xf32> to vector<1x128xf32>
    %add3A_2620 = vector.broadcast %slice3A_2619 : vector<1x128xf32> to vector<128x128xf32>
    %add3A_2621 = arith.addf %sub3A_2618, %add3A_2620 : vector<128x128xf32>
    %lt3A_2622 = arith.cmpf olt, %add3A_2621, %select_n3A_2612 : vector<128x128xf32>
    %select_n3A_2623 = arith.select %lt3A_2622, %add3A_2621, %select_n3A_2612 : vector<128x128xi1>, vector<128x128xf32>
    %jit3A_2624 = arith.constant 14 : i32
    %broadcast_in_dim3A_2625 = vector.broadcast %jit3A_2624 : i32 to vector<128x128xi32>
    %select_n3A_2626 = arith.select %lt3A_2622, %broadcast_in_dim3A_2625, %select_n3A_2615 : vector<128x128xi1>, vector<128x128xi32>
    %slice3A_2627 = vector.extract_strided_slice %dot_general3A_8 {offsets = [1664, 1920], sizes = [128, 128], strides = [1, 1]} : vector<2048x2048xf32> to vector<128x128xf32>
    %sub3A_2628 = vector.broadcast %slice3A_2464 : vector<128x1xf32> to vector<128x128xf32>
    %sub3A_2629 = arith.subf %sub3A_2628, %slice3A_2627 : vector<128x128xf32>
    %slice3A_2630 = vector.extract_strided_slice %reshape3A {offsets = [0, 1920], sizes = [1, 128], strides = [1, 1]} : vector<1x2048xf32> to vector<1x128xf32>
    %add3A_2631 = vector.broadcast %slice3A_2630 : vector<1x128xf32> to vector<128x128xf32>
    %add3A_2632 = arith.addf %sub3A_2629, %add3A_2631 : vector<128x128xf32>
    %lt3A_2633 = arith.cmpf olt, %add3A_2632, %select_n3A_2623 : vector<128x128xf32>
    %select_n3A_2634 = arith.select %lt3A_2633, %add3A_2632, %select_n3A_2623 : vector<128x128xi1>, vector<128x128xf32>
    %jit3A_2635 = arith.constant 15 : i32
    %broadcast_in_dim3A_2636 = vector.broadcast %jit3A_2635 : i32 to vector<128x128xi32>
    %select_n3A_2637 = arith.select %lt3A_2633, %broadcast_in_dim3A_2636, %select_n3A_2626 : vector<128x128xi1>, vector<128x128xi32>
    %mul3A_2638 = arith.constant 128 : i32
    %mul3A_2639 = vector.broadcast %mul3A_2638 : i32 to vector<128x128xi32>
    %mul3A_2640 = arith.muli %select_n3A_2637, %mul3A_2639 : vector<128x128xi32>
    %add3A_2641 = arith.addi %mul3A_2640, %iota3A : vector<128x128xi32>
    %reduce_min3A_2642 = arith.constant dense<0x7F800000> : vector<128xf32>
    %reduce_min3A_2643 = vector.multi_reduction <minimumf>, %select_n3A_2634, %reduce_min3A_2642 [1] : vector<128x128xf32> to vector<128xf32>
    %broadcast_in_dim3A_2644 = vector.shape_cast %reduce_min3A_2643 : vector<128xf32> to vector<128x1xf32>
    %eq3A_2645 = vector.broadcast %broadcast_in_dim3A_2644 : vector<128x1xf32> to vector<128x128xf32>
    %eq3A_2646 = arith.cmpf oeq, %select_n3A_2634, %eq3A_2645 : vector<128x128xf32>
    %jit3A_2647 = arith.constant 2048 : i32
    %broadcast_in_dim3A_2648 = vector.broadcast %jit3A_2647 : i32 to vector<128x128xi32>
    %select_n3A_2649 = arith.select %eq3A_2646, %add3A_2641, %broadcast_in_dim3A_2648 : vector<128x128xi1>, vector<128x128xi32>
    %reduce_min3A_2650 = arith.constant dense<2147483647> : vector<128xi32>
    %reduce_min3A_2651 = vector.multi_reduction <minsi>, %select_n3A_2649, %reduce_min3A_2650 [1] : vector<128x128xi32> to vector<128xi32>
    %broadcast_in_dim3A_2652 = vector.shape_cast %reduce_min3A_2651 : vector<128xi32> to vector<128x1xi32>
    %slice3A_2653 = vector.extract_strided_slice %get3A_11 {offsets = [1792, 0], sizes = [128, 1], strides = [1, 1]} : vector<2048x1xf32> to vector<128x1xf32>
    %slice3A_2654 = vector.extract_strided_slice %dot_general3A_8 {offsets = [1792, 0], sizes = [128, 128], strides = [1, 1]} : vector<2048x2048xf32> to vector<128x128xf32>
    %sub3A_2655 = vector.broadcast %slice3A_2653 : vector<128x1xf32> to vector<128x128xf32>
    %sub3A_2656 = arith.subf %sub3A_2655, %slice3A_2654 : vector<128x128xf32>
    %slice3A_2657 = vector.extract_strided_slice %reshape3A {offsets = [0, 0], sizes = [1, 128], strides = [1, 1]} : vector<1x2048xf32> to vector<1x128xf32>
    %add3A_2658 = vector.broadcast %slice3A_2657 : vector<1x128xf32> to vector<128x128xf32>
    %add3A_2659 = arith.addf %sub3A_2656, %add3A_2658 : vector<128x128xf32>
    %broadcast_in_dim3A_2660 = arith.constant 0 : i32
    %broadcast_in_dim3A_2661 = vector.broadcast %broadcast_in_dim3A_2660 : i32 to vector<128x128xi32>
    %slice3A_2662 = vector.extract_strided_slice %dot_general3A_8 {offsets = [1792, 128], sizes = [128, 128], strides = [1, 1]} : vector<2048x2048xf32> to vector<128x128xf32>
    %sub3A_2663 = vector.broadcast %slice3A_2653 : vector<128x1xf32> to vector<128x128xf32>
    %sub3A_2664 = arith.subf %sub3A_2663, %slice3A_2662 : vector<128x128xf32>
    %slice3A_2665 = vector.extract_strided_slice %reshape3A {offsets = [0, 128], sizes = [1, 128], strides = [1, 1]} : vector<1x2048xf32> to vector<1x128xf32>
    %add3A_2666 = vector.broadcast %slice3A_2665 : vector<1x128xf32> to vector<128x128xf32>
    %add3A_2667 = arith.addf %sub3A_2664, %add3A_2666 : vector<128x128xf32>
    %lt3A_2668 = arith.cmpf olt, %add3A_2667, %add3A_2659 : vector<128x128xf32>
    %select_n3A_2669 = arith.select %lt3A_2668, %add3A_2667, %add3A_2659 : vector<128x128xi1>, vector<128x128xf32>
    %jit3A_2670 = arith.constant 1 : i32
    %broadcast_in_dim3A_2671 = vector.broadcast %jit3A_2670 : i32 to vector<128x128xi32>
    %select_n3A_2672 = arith.select %lt3A_2668, %broadcast_in_dim3A_2671, %broadcast_in_dim3A_2661 : vector<128x128xi1>, vector<128x128xi32>
    %slice3A_2673 = vector.extract_strided_slice %dot_general3A_8 {offsets = [1792, 256], sizes = [128, 128], strides = [1, 1]} : vector<2048x2048xf32> to vector<128x128xf32>
    %sub3A_2674 = vector.broadcast %slice3A_2653 : vector<128x1xf32> to vector<128x128xf32>
    %sub3A_2675 = arith.subf %sub3A_2674, %slice3A_2673 : vector<128x128xf32>
    %slice3A_2676 = vector.extract_strided_slice %reshape3A {offsets = [0, 256], sizes = [1, 128], strides = [1, 1]} : vector<1x2048xf32> to vector<1x128xf32>
    %add3A_2677 = vector.broadcast %slice3A_2676 : vector<1x128xf32> to vector<128x128xf32>
    %add3A_2678 = arith.addf %sub3A_2675, %add3A_2677 : vector<128x128xf32>
    %lt3A_2679 = arith.cmpf olt, %add3A_2678, %select_n3A_2669 : vector<128x128xf32>
    %select_n3A_2680 = arith.select %lt3A_2679, %add3A_2678, %select_n3A_2669 : vector<128x128xi1>, vector<128x128xf32>
    %jit3A_2681 = arith.constant 2 : i32
    %broadcast_in_dim3A_2682 = vector.broadcast %jit3A_2681 : i32 to vector<128x128xi32>
    %select_n3A_2683 = arith.select %lt3A_2679, %broadcast_in_dim3A_2682, %select_n3A_2672 : vector<128x128xi1>, vector<128x128xi32>
    %slice3A_2684 = vector.extract_strided_slice %dot_general3A_8 {offsets = [1792, 384], sizes = [128, 128], strides = [1, 1]} : vector<2048x2048xf32> to vector<128x128xf32>
    %sub3A_2685 = vector.broadcast %slice3A_2653 : vector<128x1xf32> to vector<128x128xf32>
    %sub3A_2686 = arith.subf %sub3A_2685, %slice3A_2684 : vector<128x128xf32>
    %slice3A_2687 = vector.extract_strided_slice %reshape3A {offsets = [0, 384], sizes = [1, 128], strides = [1, 1]} : vector<1x2048xf32> to vector<1x128xf32>
    %add3A_2688 = vector.broadcast %slice3A_2687 : vector<1x128xf32> to vector<128x128xf32>
    %add3A_2689 = arith.addf %sub3A_2686, %add3A_2688 : vector<128x128xf32>
    %lt3A_2690 = arith.cmpf olt, %add3A_2689, %select_n3A_2680 : vector<128x128xf32>
    %select_n3A_2691 = arith.select %lt3A_2690, %add3A_2689, %select_n3A_2680 : vector<128x128xi1>, vector<128x128xf32>
    %jit3A_2692 = arith.constant 3 : i32
    %broadcast_in_dim3A_2693 = vector.broadcast %jit3A_2692 : i32 to vector<128x128xi32>
    %select_n3A_2694 = arith.select %lt3A_2690, %broadcast_in_dim3A_2693, %select_n3A_2683 : vector<128x128xi1>, vector<128x128xi32>
    %slice3A_2695 = vector.extract_strided_slice %dot_general3A_8 {offsets = [1792, 512], sizes = [128, 128], strides = [1, 1]} : vector<2048x2048xf32> to vector<128x128xf32>
    %sub3A_2696 = vector.broadcast %slice3A_2653 : vector<128x1xf32> to vector<128x128xf32>
    %sub3A_2697 = arith.subf %sub3A_2696, %slice3A_2695 : vector<128x128xf32>
    %slice3A_2698 = vector.extract_strided_slice %reshape3A {offsets = [0, 512], sizes = [1, 128], strides = [1, 1]} : vector<1x2048xf32> to vector<1x128xf32>
    %add3A_2699 = vector.broadcast %slice3A_2698 : vector<1x128xf32> to vector<128x128xf32>
    %add3A_2700 = arith.addf %sub3A_2697, %add3A_2699 : vector<128x128xf32>
    %lt3A_2701 = arith.cmpf olt, %add3A_2700, %select_n3A_2691 : vector<128x128xf32>
    %select_n3A_2702 = arith.select %lt3A_2701, %add3A_2700, %select_n3A_2691 : vector<128x128xi1>, vector<128x128xf32>
    %jit3A_2703 = arith.constant 4 : i32
    %broadcast_in_dim3A_2704 = vector.broadcast %jit3A_2703 : i32 to vector<128x128xi32>
    %select_n3A_2705 = arith.select %lt3A_2701, %broadcast_in_dim3A_2704, %select_n3A_2694 : vector<128x128xi1>, vector<128x128xi32>
    %slice3A_2706 = vector.extract_strided_slice %dot_general3A_8 {offsets = [1792, 640], sizes = [128, 128], strides = [1, 1]} : vector<2048x2048xf32> to vector<128x128xf32>
    %sub3A_2707 = vector.broadcast %slice3A_2653 : vector<128x1xf32> to vector<128x128xf32>
    %sub3A_2708 = arith.subf %sub3A_2707, %slice3A_2706 : vector<128x128xf32>
    %slice3A_2709 = vector.extract_strided_slice %reshape3A {offsets = [0, 640], sizes = [1, 128], strides = [1, 1]} : vector<1x2048xf32> to vector<1x128xf32>
    %add3A_2710 = vector.broadcast %slice3A_2709 : vector<1x128xf32> to vector<128x128xf32>
    %add3A_2711 = arith.addf %sub3A_2708, %add3A_2710 : vector<128x128xf32>
    %lt3A_2712 = arith.cmpf olt, %add3A_2711, %select_n3A_2702 : vector<128x128xf32>
    %select_n3A_2713 = arith.select %lt3A_2712, %add3A_2711, %select_n3A_2702 : vector<128x128xi1>, vector<128x128xf32>
    %jit3A_2714 = arith.constant 5 : i32
    %broadcast_in_dim3A_2715 = vector.broadcast %jit3A_2714 : i32 to vector<128x128xi32>
    %select_n3A_2716 = arith.select %lt3A_2712, %broadcast_in_dim3A_2715, %select_n3A_2705 : vector<128x128xi1>, vector<128x128xi32>
    %slice3A_2717 = vector.extract_strided_slice %dot_general3A_8 {offsets = [1792, 768], sizes = [128, 128], strides = [1, 1]} : vector<2048x2048xf32> to vector<128x128xf32>
    %sub3A_2718 = vector.broadcast %slice3A_2653 : vector<128x1xf32> to vector<128x128xf32>
    %sub3A_2719 = arith.subf %sub3A_2718, %slice3A_2717 : vector<128x128xf32>
    %slice3A_2720 = vector.extract_strided_slice %reshape3A {offsets = [0, 768], sizes = [1, 128], strides = [1, 1]} : vector<1x2048xf32> to vector<1x128xf32>
    %add3A_2721 = vector.broadcast %slice3A_2720 : vector<1x128xf32> to vector<128x128xf32>
    %add3A_2722 = arith.addf %sub3A_2719, %add3A_2721 : vector<128x128xf32>
    %lt3A_2723 = arith.cmpf olt, %add3A_2722, %select_n3A_2713 : vector<128x128xf32>
    %select_n3A_2724 = arith.select %lt3A_2723, %add3A_2722, %select_n3A_2713 : vector<128x128xi1>, vector<128x128xf32>
    %jit3A_2725 = arith.constant 6 : i32
    %broadcast_in_dim3A_2726 = vector.broadcast %jit3A_2725 : i32 to vector<128x128xi32>
    %select_n3A_2727 = arith.select %lt3A_2723, %broadcast_in_dim3A_2726, %select_n3A_2716 : vector<128x128xi1>, vector<128x128xi32>
    %slice3A_2728 = vector.extract_strided_slice %dot_general3A_8 {offsets = [1792, 896], sizes = [128, 128], strides = [1, 1]} : vector<2048x2048xf32> to vector<128x128xf32>
    %sub3A_2729 = vector.broadcast %slice3A_2653 : vector<128x1xf32> to vector<128x128xf32>
    %sub3A_2730 = arith.subf %sub3A_2729, %slice3A_2728 : vector<128x128xf32>
    %slice3A_2731 = vector.extract_strided_slice %reshape3A {offsets = [0, 896], sizes = [1, 128], strides = [1, 1]} : vector<1x2048xf32> to vector<1x128xf32>
    %add3A_2732 = vector.broadcast %slice3A_2731 : vector<1x128xf32> to vector<128x128xf32>
    %add3A_2733 = arith.addf %sub3A_2730, %add3A_2732 : vector<128x128xf32>
    %lt3A_2734 = arith.cmpf olt, %add3A_2733, %select_n3A_2724 : vector<128x128xf32>
    %select_n3A_2735 = arith.select %lt3A_2734, %add3A_2733, %select_n3A_2724 : vector<128x128xi1>, vector<128x128xf32>
    %jit3A_2736 = arith.constant 7 : i32
    %broadcast_in_dim3A_2737 = vector.broadcast %jit3A_2736 : i32 to vector<128x128xi32>
    %select_n3A_2738 = arith.select %lt3A_2734, %broadcast_in_dim3A_2737, %select_n3A_2727 : vector<128x128xi1>, vector<128x128xi32>
    %slice3A_2739 = vector.extract_strided_slice %dot_general3A_8 {offsets = [1792, 1024], sizes = [128, 128], strides = [1, 1]} : vector<2048x2048xf32> to vector<128x128xf32>
    %sub3A_2740 = vector.broadcast %slice3A_2653 : vector<128x1xf32> to vector<128x128xf32>
    %sub3A_2741 = arith.subf %sub3A_2740, %slice3A_2739 : vector<128x128xf32>
    %slice3A_2742 = vector.extract_strided_slice %reshape3A {offsets = [0, 1024], sizes = [1, 128], strides = [1, 1]} : vector<1x2048xf32> to vector<1x128xf32>
    %add3A_2743 = vector.broadcast %slice3A_2742 : vector<1x128xf32> to vector<128x128xf32>
    %add3A_2744 = arith.addf %sub3A_2741, %add3A_2743 : vector<128x128xf32>
    %lt3A_2745 = arith.cmpf olt, %add3A_2744, %select_n3A_2735 : vector<128x128xf32>
    %select_n3A_2746 = arith.select %lt3A_2745, %add3A_2744, %select_n3A_2735 : vector<128x128xi1>, vector<128x128xf32>
    %jit3A_2747 = arith.constant 8 : i32
    %broadcast_in_dim3A_2748 = vector.broadcast %jit3A_2747 : i32 to vector<128x128xi32>
    %select_n3A_2749 = arith.select %lt3A_2745, %broadcast_in_dim3A_2748, %select_n3A_2738 : vector<128x128xi1>, vector<128x128xi32>
    %slice3A_2750 = vector.extract_strided_slice %dot_general3A_8 {offsets = [1792, 1152], sizes = [128, 128], strides = [1, 1]} : vector<2048x2048xf32> to vector<128x128xf32>
    %sub3A_2751 = vector.broadcast %slice3A_2653 : vector<128x1xf32> to vector<128x128xf32>
    %sub3A_2752 = arith.subf %sub3A_2751, %slice3A_2750 : vector<128x128xf32>
    %slice3A_2753 = vector.extract_strided_slice %reshape3A {offsets = [0, 1152], sizes = [1, 128], strides = [1, 1]} : vector<1x2048xf32> to vector<1x128xf32>
    %add3A_2754 = vector.broadcast %slice3A_2753 : vector<1x128xf32> to vector<128x128xf32>
    %add3A_2755 = arith.addf %sub3A_2752, %add3A_2754 : vector<128x128xf32>
    %lt3A_2756 = arith.cmpf olt, %add3A_2755, %select_n3A_2746 : vector<128x128xf32>
    %select_n3A_2757 = arith.select %lt3A_2756, %add3A_2755, %select_n3A_2746 : vector<128x128xi1>, vector<128x128xf32>
    %jit3A_2758 = arith.constant 9 : i32
    %broadcast_in_dim3A_2759 = vector.broadcast %jit3A_2758 : i32 to vector<128x128xi32>
    %select_n3A_2760 = arith.select %lt3A_2756, %broadcast_in_dim3A_2759, %select_n3A_2749 : vector<128x128xi1>, vector<128x128xi32>
    %slice3A_2761 = vector.extract_strided_slice %dot_general3A_8 {offsets = [1792, 1280], sizes = [128, 128], strides = [1, 1]} : vector<2048x2048xf32> to vector<128x128xf32>
    %sub3A_2762 = vector.broadcast %slice3A_2653 : vector<128x1xf32> to vector<128x128xf32>
    %sub3A_2763 = arith.subf %sub3A_2762, %slice3A_2761 : vector<128x128xf32>
    %slice3A_2764 = vector.extract_strided_slice %reshape3A {offsets = [0, 1280], sizes = [1, 128], strides = [1, 1]} : vector<1x2048xf32> to vector<1x128xf32>
    %add3A_2765 = vector.broadcast %slice3A_2764 : vector<1x128xf32> to vector<128x128xf32>
    %add3A_2766 = arith.addf %sub3A_2763, %add3A_2765 : vector<128x128xf32>
    %lt3A_2767 = arith.cmpf olt, %add3A_2766, %select_n3A_2757 : vector<128x128xf32>
    %select_n3A_2768 = arith.select %lt3A_2767, %add3A_2766, %select_n3A_2757 : vector<128x128xi1>, vector<128x128xf32>
    %jit3A_2769 = arith.constant 10 : i32
    %broadcast_in_dim3A_2770 = vector.broadcast %jit3A_2769 : i32 to vector<128x128xi32>
    %select_n3A_2771 = arith.select %lt3A_2767, %broadcast_in_dim3A_2770, %select_n3A_2760 : vector<128x128xi1>, vector<128x128xi32>
    %slice3A_2772 = vector.extract_strided_slice %dot_general3A_8 {offsets = [1792, 1408], sizes = [128, 128], strides = [1, 1]} : vector<2048x2048xf32> to vector<128x128xf32>
    %sub3A_2773 = vector.broadcast %slice3A_2653 : vector<128x1xf32> to vector<128x128xf32>
    %sub3A_2774 = arith.subf %sub3A_2773, %slice3A_2772 : vector<128x128xf32>
    %slice3A_2775 = vector.extract_strided_slice %reshape3A {offsets = [0, 1408], sizes = [1, 128], strides = [1, 1]} : vector<1x2048xf32> to vector<1x128xf32>
    %add3A_2776 = vector.broadcast %slice3A_2775 : vector<1x128xf32> to vector<128x128xf32>
    %add3A_2777 = arith.addf %sub3A_2774, %add3A_2776 : vector<128x128xf32>
    %lt3A_2778 = arith.cmpf olt, %add3A_2777, %select_n3A_2768 : vector<128x128xf32>
    %select_n3A_2779 = arith.select %lt3A_2778, %add3A_2777, %select_n3A_2768 : vector<128x128xi1>, vector<128x128xf32>
    %jit3A_2780 = arith.constant 11 : i32
    %broadcast_in_dim3A_2781 = vector.broadcast %jit3A_2780 : i32 to vector<128x128xi32>
    %select_n3A_2782 = arith.select %lt3A_2778, %broadcast_in_dim3A_2781, %select_n3A_2771 : vector<128x128xi1>, vector<128x128xi32>
    %slice3A_2783 = vector.extract_strided_slice %dot_general3A_8 {offsets = [1792, 1536], sizes = [128, 128], strides = [1, 1]} : vector<2048x2048xf32> to vector<128x128xf32>
    %sub3A_2784 = vector.broadcast %slice3A_2653 : vector<128x1xf32> to vector<128x128xf32>
    %sub3A_2785 = arith.subf %sub3A_2784, %slice3A_2783 : vector<128x128xf32>
    %slice3A_2786 = vector.extract_strided_slice %reshape3A {offsets = [0, 1536], sizes = [1, 128], strides = [1, 1]} : vector<1x2048xf32> to vector<1x128xf32>
    %add3A_2787 = vector.broadcast %slice3A_2786 : vector<1x128xf32> to vector<128x128xf32>
    %add3A_2788 = arith.addf %sub3A_2785, %add3A_2787 : vector<128x128xf32>
    %lt3A_2789 = arith.cmpf olt, %add3A_2788, %select_n3A_2779 : vector<128x128xf32>
    %select_n3A_2790 = arith.select %lt3A_2789, %add3A_2788, %select_n3A_2779 : vector<128x128xi1>, vector<128x128xf32>
    %jit3A_2791 = arith.constant 12 : i32
    %broadcast_in_dim3A_2792 = vector.broadcast %jit3A_2791 : i32 to vector<128x128xi32>
    %select_n3A_2793 = arith.select %lt3A_2789, %broadcast_in_dim3A_2792, %select_n3A_2782 : vector<128x128xi1>, vector<128x128xi32>
    %slice3A_2794 = vector.extract_strided_slice %dot_general3A_8 {offsets = [1792, 1664], sizes = [128, 128], strides = [1, 1]} : vector<2048x2048xf32> to vector<128x128xf32>
    %sub3A_2795 = vector.broadcast %slice3A_2653 : vector<128x1xf32> to vector<128x128xf32>
    %sub3A_2796 = arith.subf %sub3A_2795, %slice3A_2794 : vector<128x128xf32>
    %slice3A_2797 = vector.extract_strided_slice %reshape3A {offsets = [0, 1664], sizes = [1, 128], strides = [1, 1]} : vector<1x2048xf32> to vector<1x128xf32>
    %add3A_2798 = vector.broadcast %slice3A_2797 : vector<1x128xf32> to vector<128x128xf32>
    %add3A_2799 = arith.addf %sub3A_2796, %add3A_2798 : vector<128x128xf32>
    %lt3A_2800 = arith.cmpf olt, %add3A_2799, %select_n3A_2790 : vector<128x128xf32>
    %select_n3A_2801 = arith.select %lt3A_2800, %add3A_2799, %select_n3A_2790 : vector<128x128xi1>, vector<128x128xf32>
    %jit3A_2802 = arith.constant 13 : i32
    %broadcast_in_dim3A_2803 = vector.broadcast %jit3A_2802 : i32 to vector<128x128xi32>
    %select_n3A_2804 = arith.select %lt3A_2800, %broadcast_in_dim3A_2803, %select_n3A_2793 : vector<128x128xi1>, vector<128x128xi32>
    %slice3A_2805 = vector.extract_strided_slice %dot_general3A_8 {offsets = [1792, 1792], sizes = [128, 128], strides = [1, 1]} : vector<2048x2048xf32> to vector<128x128xf32>
    %sub3A_2806 = vector.broadcast %slice3A_2653 : vector<128x1xf32> to vector<128x128xf32>
    %sub3A_2807 = arith.subf %sub3A_2806, %slice3A_2805 : vector<128x128xf32>
    %slice3A_2808 = vector.extract_strided_slice %reshape3A {offsets = [0, 1792], sizes = [1, 128], strides = [1, 1]} : vector<1x2048xf32> to vector<1x128xf32>
    %add3A_2809 = vector.broadcast %slice3A_2808 : vector<1x128xf32> to vector<128x128xf32>
    %add3A_2810 = arith.addf %sub3A_2807, %add3A_2809 : vector<128x128xf32>
    %lt3A_2811 = arith.cmpf olt, %add3A_2810, %select_n3A_2801 : vector<128x128xf32>
    %select_n3A_2812 = arith.select %lt3A_2811, %add3A_2810, %select_n3A_2801 : vector<128x128xi1>, vector<128x128xf32>
    %jit3A_2813 = arith.constant 14 : i32
    %broadcast_in_dim3A_2814 = vector.broadcast %jit3A_2813 : i32 to vector<128x128xi32>
    %select_n3A_2815 = arith.select %lt3A_2811, %broadcast_in_dim3A_2814, %select_n3A_2804 : vector<128x128xi1>, vector<128x128xi32>
    %slice3A_2816 = vector.extract_strided_slice %dot_general3A_8 {offsets = [1792, 1920], sizes = [128, 128], strides = [1, 1]} : vector<2048x2048xf32> to vector<128x128xf32>
    %sub3A_2817 = vector.broadcast %slice3A_2653 : vector<128x1xf32> to vector<128x128xf32>
    %sub3A_2818 = arith.subf %sub3A_2817, %slice3A_2816 : vector<128x128xf32>
    %slice3A_2819 = vector.extract_strided_slice %reshape3A {offsets = [0, 1920], sizes = [1, 128], strides = [1, 1]} : vector<1x2048xf32> to vector<1x128xf32>
    %add3A_2820 = vector.broadcast %slice3A_2819 : vector<1x128xf32> to vector<128x128xf32>
    %add3A_2821 = arith.addf %sub3A_2818, %add3A_2820 : vector<128x128xf32>
    %lt3A_2822 = arith.cmpf olt, %add3A_2821, %select_n3A_2812 : vector<128x128xf32>
    %select_n3A_2823 = arith.select %lt3A_2822, %add3A_2821, %select_n3A_2812 : vector<128x128xi1>, vector<128x128xf32>
    %jit3A_2824 = arith.constant 15 : i32
    %broadcast_in_dim3A_2825 = vector.broadcast %jit3A_2824 : i32 to vector<128x128xi32>
    %select_n3A_2826 = arith.select %lt3A_2822, %broadcast_in_dim3A_2825, %select_n3A_2815 : vector<128x128xi1>, vector<128x128xi32>
    %mul3A_2827 = arith.constant 128 : i32
    %mul3A_2828 = vector.broadcast %mul3A_2827 : i32 to vector<128x128xi32>
    %mul3A_2829 = arith.muli %select_n3A_2826, %mul3A_2828 : vector<128x128xi32>
    %add3A_2830 = arith.addi %mul3A_2829, %iota3A : vector<128x128xi32>
    %reduce_min3A_2831 = arith.constant dense<0x7F800000> : vector<128xf32>
    %reduce_min3A_2832 = vector.multi_reduction <minimumf>, %select_n3A_2823, %reduce_min3A_2831 [1] : vector<128x128xf32> to vector<128xf32>
    %broadcast_in_dim3A_2833 = vector.shape_cast %reduce_min3A_2832 : vector<128xf32> to vector<128x1xf32>
    %eq3A_2834 = vector.broadcast %broadcast_in_dim3A_2833 : vector<128x1xf32> to vector<128x128xf32>
    %eq3A_2835 = arith.cmpf oeq, %select_n3A_2823, %eq3A_2834 : vector<128x128xf32>
    %jit3A_2836 = arith.constant 2048 : i32
    %broadcast_in_dim3A_2837 = vector.broadcast %jit3A_2836 : i32 to vector<128x128xi32>
    %select_n3A_2838 = arith.select %eq3A_2835, %add3A_2830, %broadcast_in_dim3A_2837 : vector<128x128xi1>, vector<128x128xi32>
    %reduce_min3A_2839 = arith.constant dense<2147483647> : vector<128xi32>
    %reduce_min3A_2840 = vector.multi_reduction <minsi>, %select_n3A_2838, %reduce_min3A_2839 [1] : vector<128x128xi32> to vector<128xi32>
    %broadcast_in_dim3A_2841 = vector.shape_cast %reduce_min3A_2840 : vector<128xi32> to vector<128x1xi32>
    %slice3A_2842 = vector.extract_strided_slice %get3A_11 {offsets = [1920, 0], sizes = [128, 1], strides = [1, 1]} : vector<2048x1xf32> to vector<128x1xf32>
    %slice3A_2843 = vector.extract_strided_slice %dot_general3A_8 {offsets = [1920, 0], sizes = [128, 128], strides = [1, 1]} : vector<2048x2048xf32> to vector<128x128xf32>
    %sub3A_2844 = vector.broadcast %slice3A_2842 : vector<128x1xf32> to vector<128x128xf32>
    %sub3A_2845 = arith.subf %sub3A_2844, %slice3A_2843 : vector<128x128xf32>
    %slice3A_2846 = vector.extract_strided_slice %reshape3A {offsets = [0, 0], sizes = [1, 128], strides = [1, 1]} : vector<1x2048xf32> to vector<1x128xf32>
    %add3A_2847 = vector.broadcast %slice3A_2846 : vector<1x128xf32> to vector<128x128xf32>
    %add3A_2848 = arith.addf %sub3A_2845, %add3A_2847 : vector<128x128xf32>
    %broadcast_in_dim3A_2849 = arith.constant 0 : i32
    %broadcast_in_dim3A_2850 = vector.broadcast %broadcast_in_dim3A_2849 : i32 to vector<128x128xi32>
    %slice3A_2851 = vector.extract_strided_slice %dot_general3A_8 {offsets = [1920, 128], sizes = [128, 128], strides = [1, 1]} : vector<2048x2048xf32> to vector<128x128xf32>
    %sub3A_2852 = vector.broadcast %slice3A_2842 : vector<128x1xf32> to vector<128x128xf32>
    %sub3A_2853 = arith.subf %sub3A_2852, %slice3A_2851 : vector<128x128xf32>
    %slice3A_2854 = vector.extract_strided_slice %reshape3A {offsets = [0, 128], sizes = [1, 128], strides = [1, 1]} : vector<1x2048xf32> to vector<1x128xf32>
    %add3A_2855 = vector.broadcast %slice3A_2854 : vector<1x128xf32> to vector<128x128xf32>
    %add3A_2856 = arith.addf %sub3A_2853, %add3A_2855 : vector<128x128xf32>
    %lt3A_2857 = arith.cmpf olt, %add3A_2856, %add3A_2848 : vector<128x128xf32>
    %select_n3A_2858 = arith.select %lt3A_2857, %add3A_2856, %add3A_2848 : vector<128x128xi1>, vector<128x128xf32>
    %jit3A_2859 = arith.constant 1 : i32
    %broadcast_in_dim3A_2860 = vector.broadcast %jit3A_2859 : i32 to vector<128x128xi32>
    %select_n3A_2861 = arith.select %lt3A_2857, %broadcast_in_dim3A_2860, %broadcast_in_dim3A_2850 : vector<128x128xi1>, vector<128x128xi32>
    %slice3A_2862 = vector.extract_strided_slice %dot_general3A_8 {offsets = [1920, 256], sizes = [128, 128], strides = [1, 1]} : vector<2048x2048xf32> to vector<128x128xf32>
    %sub3A_2863 = vector.broadcast %slice3A_2842 : vector<128x1xf32> to vector<128x128xf32>
    %sub3A_2864 = arith.subf %sub3A_2863, %slice3A_2862 : vector<128x128xf32>
    %slice3A_2865 = vector.extract_strided_slice %reshape3A {offsets = [0, 256], sizes = [1, 128], strides = [1, 1]} : vector<1x2048xf32> to vector<1x128xf32>
    %add3A_2866 = vector.broadcast %slice3A_2865 : vector<1x128xf32> to vector<128x128xf32>
    %add3A_2867 = arith.addf %sub3A_2864, %add3A_2866 : vector<128x128xf32>
    %lt3A_2868 = arith.cmpf olt, %add3A_2867, %select_n3A_2858 : vector<128x128xf32>
    %select_n3A_2869 = arith.select %lt3A_2868, %add3A_2867, %select_n3A_2858 : vector<128x128xi1>, vector<128x128xf32>
    %jit3A_2870 = arith.constant 2 : i32
    %broadcast_in_dim3A_2871 = vector.broadcast %jit3A_2870 : i32 to vector<128x128xi32>
    %select_n3A_2872 = arith.select %lt3A_2868, %broadcast_in_dim3A_2871, %select_n3A_2861 : vector<128x128xi1>, vector<128x128xi32>
    %slice3A_2873 = vector.extract_strided_slice %dot_general3A_8 {offsets = [1920, 384], sizes = [128, 128], strides = [1, 1]} : vector<2048x2048xf32> to vector<128x128xf32>
    %sub3A_2874 = vector.broadcast %slice3A_2842 : vector<128x1xf32> to vector<128x128xf32>
    %sub3A_2875 = arith.subf %sub3A_2874, %slice3A_2873 : vector<128x128xf32>
    %slice3A_2876 = vector.extract_strided_slice %reshape3A {offsets = [0, 384], sizes = [1, 128], strides = [1, 1]} : vector<1x2048xf32> to vector<1x128xf32>
    %add3A_2877 = vector.broadcast %slice3A_2876 : vector<1x128xf32> to vector<128x128xf32>
    %add3A_2878 = arith.addf %sub3A_2875, %add3A_2877 : vector<128x128xf32>
    %lt3A_2879 = arith.cmpf olt, %add3A_2878, %select_n3A_2869 : vector<128x128xf32>
    %select_n3A_2880 = arith.select %lt3A_2879, %add3A_2878, %select_n3A_2869 : vector<128x128xi1>, vector<128x128xf32>
    %jit3A_2881 = arith.constant 3 : i32
    %broadcast_in_dim3A_2882 = vector.broadcast %jit3A_2881 : i32 to vector<128x128xi32>
    %select_n3A_2883 = arith.select %lt3A_2879, %broadcast_in_dim3A_2882, %select_n3A_2872 : vector<128x128xi1>, vector<128x128xi32>
    %slice3A_2884 = vector.extract_strided_slice %dot_general3A_8 {offsets = [1920, 512], sizes = [128, 128], strides = [1, 1]} : vector<2048x2048xf32> to vector<128x128xf32>
    %sub3A_2885 = vector.broadcast %slice3A_2842 : vector<128x1xf32> to vector<128x128xf32>
    %sub3A_2886 = arith.subf %sub3A_2885, %slice3A_2884 : vector<128x128xf32>
    %slice3A_2887 = vector.extract_strided_slice %reshape3A {offsets = [0, 512], sizes = [1, 128], strides = [1, 1]} : vector<1x2048xf32> to vector<1x128xf32>
    %add3A_2888 = vector.broadcast %slice3A_2887 : vector<1x128xf32> to vector<128x128xf32>
    %add3A_2889 = arith.addf %sub3A_2886, %add3A_2888 : vector<128x128xf32>
    %lt3A_2890 = arith.cmpf olt, %add3A_2889, %select_n3A_2880 : vector<128x128xf32>
    %select_n3A_2891 = arith.select %lt3A_2890, %add3A_2889, %select_n3A_2880 : vector<128x128xi1>, vector<128x128xf32>
    %jit3A_2892 = arith.constant 4 : i32
    %broadcast_in_dim3A_2893 = vector.broadcast %jit3A_2892 : i32 to vector<128x128xi32>
    %select_n3A_2894 = arith.select %lt3A_2890, %broadcast_in_dim3A_2893, %select_n3A_2883 : vector<128x128xi1>, vector<128x128xi32>
    %slice3A_2895 = vector.extract_strided_slice %dot_general3A_8 {offsets = [1920, 640], sizes = [128, 128], strides = [1, 1]} : vector<2048x2048xf32> to vector<128x128xf32>
    %sub3A_2896 = vector.broadcast %slice3A_2842 : vector<128x1xf32> to vector<128x128xf32>
    %sub3A_2897 = arith.subf %sub3A_2896, %slice3A_2895 : vector<128x128xf32>
    %slice3A_2898 = vector.extract_strided_slice %reshape3A {offsets = [0, 640], sizes = [1, 128], strides = [1, 1]} : vector<1x2048xf32> to vector<1x128xf32>
    %add3A_2899 = vector.broadcast %slice3A_2898 : vector<1x128xf32> to vector<128x128xf32>
    %add3A_2900 = arith.addf %sub3A_2897, %add3A_2899 : vector<128x128xf32>
    %lt3A_2901 = arith.cmpf olt, %add3A_2900, %select_n3A_2891 : vector<128x128xf32>
    %select_n3A_2902 = arith.select %lt3A_2901, %add3A_2900, %select_n3A_2891 : vector<128x128xi1>, vector<128x128xf32>
    %jit3A_2903 = arith.constant 5 : i32
    %broadcast_in_dim3A_2904 = vector.broadcast %jit3A_2903 : i32 to vector<128x128xi32>
    %select_n3A_2905 = arith.select %lt3A_2901, %broadcast_in_dim3A_2904, %select_n3A_2894 : vector<128x128xi1>, vector<128x128xi32>
    %slice3A_2906 = vector.extract_strided_slice %dot_general3A_8 {offsets = [1920, 768], sizes = [128, 128], strides = [1, 1]} : vector<2048x2048xf32> to vector<128x128xf32>
    %sub3A_2907 = vector.broadcast %slice3A_2842 : vector<128x1xf32> to vector<128x128xf32>
    %sub3A_2908 = arith.subf %sub3A_2907, %slice3A_2906 : vector<128x128xf32>
    %slice3A_2909 = vector.extract_strided_slice %reshape3A {offsets = [0, 768], sizes = [1, 128], strides = [1, 1]} : vector<1x2048xf32> to vector<1x128xf32>
    %add3A_2910 = vector.broadcast %slice3A_2909 : vector<1x128xf32> to vector<128x128xf32>
    %add3A_2911 = arith.addf %sub3A_2908, %add3A_2910 : vector<128x128xf32>
    %lt3A_2912 = arith.cmpf olt, %add3A_2911, %select_n3A_2902 : vector<128x128xf32>
    %select_n3A_2913 = arith.select %lt3A_2912, %add3A_2911, %select_n3A_2902 : vector<128x128xi1>, vector<128x128xf32>
    %jit3A_2914 = arith.constant 6 : i32
    %broadcast_in_dim3A_2915 = vector.broadcast %jit3A_2914 : i32 to vector<128x128xi32>
    %select_n3A_2916 = arith.select %lt3A_2912, %broadcast_in_dim3A_2915, %select_n3A_2905 : vector<128x128xi1>, vector<128x128xi32>
    %slice3A_2917 = vector.extract_strided_slice %dot_general3A_8 {offsets = [1920, 896], sizes = [128, 128], strides = [1, 1]} : vector<2048x2048xf32> to vector<128x128xf32>
    %sub3A_2918 = vector.broadcast %slice3A_2842 : vector<128x1xf32> to vector<128x128xf32>
    %sub3A_2919 = arith.subf %sub3A_2918, %slice3A_2917 : vector<128x128xf32>
    %slice3A_2920 = vector.extract_strided_slice %reshape3A {offsets = [0, 896], sizes = [1, 128], strides = [1, 1]} : vector<1x2048xf32> to vector<1x128xf32>
    %add3A_2921 = vector.broadcast %slice3A_2920 : vector<1x128xf32> to vector<128x128xf32>
    %add3A_2922 = arith.addf %sub3A_2919, %add3A_2921 : vector<128x128xf32>
    %lt3A_2923 = arith.cmpf olt, %add3A_2922, %select_n3A_2913 : vector<128x128xf32>
    %select_n3A_2924 = arith.select %lt3A_2923, %add3A_2922, %select_n3A_2913 : vector<128x128xi1>, vector<128x128xf32>
    %jit3A_2925 = arith.constant 7 : i32
    %broadcast_in_dim3A_2926 = vector.broadcast %jit3A_2925 : i32 to vector<128x128xi32>
    %select_n3A_2927 = arith.select %lt3A_2923, %broadcast_in_dim3A_2926, %select_n3A_2916 : vector<128x128xi1>, vector<128x128xi32>
    %slice3A_2928 = vector.extract_strided_slice %dot_general3A_8 {offsets = [1920, 1024], sizes = [128, 128], strides = [1, 1]} : vector<2048x2048xf32> to vector<128x128xf32>
    %sub3A_2929 = vector.broadcast %slice3A_2842 : vector<128x1xf32> to vector<128x128xf32>
    %sub3A_2930 = arith.subf %sub3A_2929, %slice3A_2928 : vector<128x128xf32>
    %slice3A_2931 = vector.extract_strided_slice %reshape3A {offsets = [0, 1024], sizes = [1, 128], strides = [1, 1]} : vector<1x2048xf32> to vector<1x128xf32>
    %add3A_2932 = vector.broadcast %slice3A_2931 : vector<1x128xf32> to vector<128x128xf32>
    %add3A_2933 = arith.addf %sub3A_2930, %add3A_2932 : vector<128x128xf32>
    %lt3A_2934 = arith.cmpf olt, %add3A_2933, %select_n3A_2924 : vector<128x128xf32>
    %select_n3A_2935 = arith.select %lt3A_2934, %add3A_2933, %select_n3A_2924 : vector<128x128xi1>, vector<128x128xf32>
    %jit3A_2936 = arith.constant 8 : i32
    %broadcast_in_dim3A_2937 = vector.broadcast %jit3A_2936 : i32 to vector<128x128xi32>
    %select_n3A_2938 = arith.select %lt3A_2934, %broadcast_in_dim3A_2937, %select_n3A_2927 : vector<128x128xi1>, vector<128x128xi32>
    %slice3A_2939 = vector.extract_strided_slice %dot_general3A_8 {offsets = [1920, 1152], sizes = [128, 128], strides = [1, 1]} : vector<2048x2048xf32> to vector<128x128xf32>
    %sub3A_2940 = vector.broadcast %slice3A_2842 : vector<128x1xf32> to vector<128x128xf32>
    %sub3A_2941 = arith.subf %sub3A_2940, %slice3A_2939 : vector<128x128xf32>
    %slice3A_2942 = vector.extract_strided_slice %reshape3A {offsets = [0, 1152], sizes = [1, 128], strides = [1, 1]} : vector<1x2048xf32> to vector<1x128xf32>
    %add3A_2943 = vector.broadcast %slice3A_2942 : vector<1x128xf32> to vector<128x128xf32>
    %add3A_2944 = arith.addf %sub3A_2941, %add3A_2943 : vector<128x128xf32>
    %lt3A_2945 = arith.cmpf olt, %add3A_2944, %select_n3A_2935 : vector<128x128xf32>
    %select_n3A_2946 = arith.select %lt3A_2945, %add3A_2944, %select_n3A_2935 : vector<128x128xi1>, vector<128x128xf32>
    %jit3A_2947 = arith.constant 9 : i32
    %broadcast_in_dim3A_2948 = vector.broadcast %jit3A_2947 : i32 to vector<128x128xi32>
    %select_n3A_2949 = arith.select %lt3A_2945, %broadcast_in_dim3A_2948, %select_n3A_2938 : vector<128x128xi1>, vector<128x128xi32>
    %slice3A_2950 = vector.extract_strided_slice %dot_general3A_8 {offsets = [1920, 1280], sizes = [128, 128], strides = [1, 1]} : vector<2048x2048xf32> to vector<128x128xf32>
    %sub3A_2951 = vector.broadcast %slice3A_2842 : vector<128x1xf32> to vector<128x128xf32>
    %sub3A_2952 = arith.subf %sub3A_2951, %slice3A_2950 : vector<128x128xf32>
    %slice3A_2953 = vector.extract_strided_slice %reshape3A {offsets = [0, 1280], sizes = [1, 128], strides = [1, 1]} : vector<1x2048xf32> to vector<1x128xf32>
    %add3A_2954 = vector.broadcast %slice3A_2953 : vector<1x128xf32> to vector<128x128xf32>
    %add3A_2955 = arith.addf %sub3A_2952, %add3A_2954 : vector<128x128xf32>
    %lt3A_2956 = arith.cmpf olt, %add3A_2955, %select_n3A_2946 : vector<128x128xf32>
    %select_n3A_2957 = arith.select %lt3A_2956, %add3A_2955, %select_n3A_2946 : vector<128x128xi1>, vector<128x128xf32>
    %jit3A_2958 = arith.constant 10 : i32
    %broadcast_in_dim3A_2959 = vector.broadcast %jit3A_2958 : i32 to vector<128x128xi32>
    %select_n3A_2960 = arith.select %lt3A_2956, %broadcast_in_dim3A_2959, %select_n3A_2949 : vector<128x128xi1>, vector<128x128xi32>
    %slice3A_2961 = vector.extract_strided_slice %dot_general3A_8 {offsets = [1920, 1408], sizes = [128, 128], strides = [1, 1]} : vector<2048x2048xf32> to vector<128x128xf32>
    %sub3A_2962 = vector.broadcast %slice3A_2842 : vector<128x1xf32> to vector<128x128xf32>
    %sub3A_2963 = arith.subf %sub3A_2962, %slice3A_2961 : vector<128x128xf32>
    %slice3A_2964 = vector.extract_strided_slice %reshape3A {offsets = [0, 1408], sizes = [1, 128], strides = [1, 1]} : vector<1x2048xf32> to vector<1x128xf32>
    %add3A_2965 = vector.broadcast %slice3A_2964 : vector<1x128xf32> to vector<128x128xf32>
    %add3A_2966 = arith.addf %sub3A_2963, %add3A_2965 : vector<128x128xf32>
    %lt3A_2967 = arith.cmpf olt, %add3A_2966, %select_n3A_2957 : vector<128x128xf32>
    %select_n3A_2968 = arith.select %lt3A_2967, %add3A_2966, %select_n3A_2957 : vector<128x128xi1>, vector<128x128xf32>
    %jit3A_2969 = arith.constant 11 : i32
    %broadcast_in_dim3A_2970 = vector.broadcast %jit3A_2969 : i32 to vector<128x128xi32>
    %select_n3A_2971 = arith.select %lt3A_2967, %broadcast_in_dim3A_2970, %select_n3A_2960 : vector<128x128xi1>, vector<128x128xi32>
    %slice3A_2972 = vector.extract_strided_slice %dot_general3A_8 {offsets = [1920, 1536], sizes = [128, 128], strides = [1, 1]} : vector<2048x2048xf32> to vector<128x128xf32>
    %sub3A_2973 = vector.broadcast %slice3A_2842 : vector<128x1xf32> to vector<128x128xf32>
    %sub3A_2974 = arith.subf %sub3A_2973, %slice3A_2972 : vector<128x128xf32>
    %slice3A_2975 = vector.extract_strided_slice %reshape3A {offsets = [0, 1536], sizes = [1, 128], strides = [1, 1]} : vector<1x2048xf32> to vector<1x128xf32>
    %add3A_2976 = vector.broadcast %slice3A_2975 : vector<1x128xf32> to vector<128x128xf32>
    %add3A_2977 = arith.addf %sub3A_2974, %add3A_2976 : vector<128x128xf32>
    %lt3A_2978 = arith.cmpf olt, %add3A_2977, %select_n3A_2968 : vector<128x128xf32>
    %select_n3A_2979 = arith.select %lt3A_2978, %add3A_2977, %select_n3A_2968 : vector<128x128xi1>, vector<128x128xf32>
    %jit3A_2980 = arith.constant 12 : i32
    %broadcast_in_dim3A_2981 = vector.broadcast %jit3A_2980 : i32 to vector<128x128xi32>
    %select_n3A_2982 = arith.select %lt3A_2978, %broadcast_in_dim3A_2981, %select_n3A_2971 : vector<128x128xi1>, vector<128x128xi32>
    %slice3A_2983 = vector.extract_strided_slice %dot_general3A_8 {offsets = [1920, 1664], sizes = [128, 128], strides = [1, 1]} : vector<2048x2048xf32> to vector<128x128xf32>
    %sub3A_2984 = vector.broadcast %slice3A_2842 : vector<128x1xf32> to vector<128x128xf32>
    %sub3A_2985 = arith.subf %sub3A_2984, %slice3A_2983 : vector<128x128xf32>
    %slice3A_2986 = vector.extract_strided_slice %reshape3A {offsets = [0, 1664], sizes = [1, 128], strides = [1, 1]} : vector<1x2048xf32> to vector<1x128xf32>
    %add3A_2987 = vector.broadcast %slice3A_2986 : vector<1x128xf32> to vector<128x128xf32>
    %add3A_2988 = arith.addf %sub3A_2985, %add3A_2987 : vector<128x128xf32>
    %lt3A_2989 = arith.cmpf olt, %add3A_2988, %select_n3A_2979 : vector<128x128xf32>
    %select_n3A_2990 = arith.select %lt3A_2989, %add3A_2988, %select_n3A_2979 : vector<128x128xi1>, vector<128x128xf32>
    %jit3A_2991 = arith.constant 13 : i32
    %broadcast_in_dim3A_2992 = vector.broadcast %jit3A_2991 : i32 to vector<128x128xi32>
    %select_n3A_2993 = arith.select %lt3A_2989, %broadcast_in_dim3A_2992, %select_n3A_2982 : vector<128x128xi1>, vector<128x128xi32>
    %slice3A_2994 = vector.extract_strided_slice %dot_general3A_8 {offsets = [1920, 1792], sizes = [128, 128], strides = [1, 1]} : vector<2048x2048xf32> to vector<128x128xf32>
    %sub3A_2995 = vector.broadcast %slice3A_2842 : vector<128x1xf32> to vector<128x128xf32>
    %sub3A_2996 = arith.subf %sub3A_2995, %slice3A_2994 : vector<128x128xf32>
    %slice3A_2997 = vector.extract_strided_slice %reshape3A {offsets = [0, 1792], sizes = [1, 128], strides = [1, 1]} : vector<1x2048xf32> to vector<1x128xf32>
    %add3A_2998 = vector.broadcast %slice3A_2997 : vector<1x128xf32> to vector<128x128xf32>
    %add3A_2999 = arith.addf %sub3A_2996, %add3A_2998 : vector<128x128xf32>
    %lt3A_3000 = arith.cmpf olt, %add3A_2999, %select_n3A_2990 : vector<128x128xf32>
    %select_n3A_3001 = arith.select %lt3A_3000, %add3A_2999, %select_n3A_2990 : vector<128x128xi1>, vector<128x128xf32>
    %jit3A_3002 = arith.constant 14 : i32
    %broadcast_in_dim3A_3003 = vector.broadcast %jit3A_3002 : i32 to vector<128x128xi32>
    %select_n3A_3004 = arith.select %lt3A_3000, %broadcast_in_dim3A_3003, %select_n3A_2993 : vector<128x128xi1>, vector<128x128xi32>
    %slice3A_3005 = vector.extract_strided_slice %dot_general3A_8 {offsets = [1920, 1920], sizes = [128, 128], strides = [1, 1]} : vector<2048x2048xf32> to vector<128x128xf32>
    %sub3A_3006 = vector.broadcast %slice3A_2842 : vector<128x1xf32> to vector<128x128xf32>
    %sub3A_3007 = arith.subf %sub3A_3006, %slice3A_3005 : vector<128x128xf32>
    %slice3A_3008 = vector.extract_strided_slice %reshape3A {offsets = [0, 1920], sizes = [1, 128], strides = [1, 1]} : vector<1x2048xf32> to vector<1x128xf32>
    %add3A_3009 = vector.broadcast %slice3A_3008 : vector<1x128xf32> to vector<128x128xf32>
    %add3A_3010 = arith.addf %sub3A_3007, %add3A_3009 : vector<128x128xf32>
    %lt3A_3011 = arith.cmpf olt, %add3A_3010, %select_n3A_3001 : vector<128x128xf32>
    %select_n3A_3012 = arith.select %lt3A_3011, %add3A_3010, %select_n3A_3001 : vector<128x128xi1>, vector<128x128xf32>
    %jit3A_3013 = arith.constant 15 : i32
    %broadcast_in_dim3A_3014 = vector.broadcast %jit3A_3013 : i32 to vector<128x128xi32>
    %select_n3A_3015 = arith.select %lt3A_3011, %broadcast_in_dim3A_3014, %select_n3A_3004 : vector<128x128xi1>, vector<128x128xi32>
    %mul3A_3016 = arith.constant 128 : i32
    %mul3A_3017 = vector.broadcast %mul3A_3016 : i32 to vector<128x128xi32>
    %mul3A_3018 = arith.muli %select_n3A_3015, %mul3A_3017 : vector<128x128xi32>
    %add3A_3019 = arith.addi %mul3A_3018, %iota3A : vector<128x128xi32>
    %reduce_min3A_3020 = arith.constant dense<0x7F800000> : vector<128xf32>
    %reduce_min3A_3021 = vector.multi_reduction <minimumf>, %select_n3A_3012, %reduce_min3A_3020 [1] : vector<128x128xf32> to vector<128xf32>
    %broadcast_in_dim3A_3022 = vector.shape_cast %reduce_min3A_3021 : vector<128xf32> to vector<128x1xf32>
    %eq3A_3023 = vector.broadcast %broadcast_in_dim3A_3022 : vector<128x1xf32> to vector<128x128xf32>
    %eq3A_3024 = arith.cmpf oeq, %select_n3A_3012, %eq3A_3023 : vector<128x128xf32>
    %jit3A_3025 = arith.constant 2048 : i32
    %broadcast_in_dim3A_3026 = vector.broadcast %jit3A_3025 : i32 to vector<128x128xi32>
    %select_n3A_3027 = arith.select %eq3A_3024, %add3A_3019, %broadcast_in_dim3A_3026 : vector<128x128xi1>, vector<128x128xi32>
    %reduce_min3A_3028 = arith.constant dense<2147483647> : vector<128xi32>
    %reduce_min3A_3029 = vector.multi_reduction <minsi>, %select_n3A_3027, %reduce_min3A_3028 [1] : vector<128x128xi32> to vector<128xi32>
    %broadcast_in_dim3A_3030 = vector.shape_cast %reduce_min3A_3029 : vector<128xi32> to vector<128x1xi32>
    %concatenate3A = tpu.concatenate %broadcast_in_dim3A_188, %broadcast_in_dim3A_376, %broadcast_in_dim3A_565, %broadcast_in_dim3A_754, %broadcast_in_dim3A_943, %broadcast_in_dim3A_1132, %broadcast_in_dim3A_1321, %broadcast_in_dim3A_1510, %broadcast_in_dim3A_1699, %broadcast_in_dim3A_1888, %broadcast_in_dim3A_2077, %broadcast_in_dim3A_2266, %broadcast_in_dim3A_2455, %broadcast_in_dim3A_2644, %broadcast_in_dim3A_2833, %broadcast_in_dim3A_3022 in 0 : vector<128x1xf32>, vector<128x1xf32>, vector<128x1xf32>, vector<128x1xf32>, vector<128x1xf32>, vector<128x1xf32>, vector<128x1xf32>, vector<128x1xf32>, vector<128x1xf32>, vector<128x1xf32>, vector<128x1xf32>, vector<128x1xf32>, vector<128x1xf32>, vector<128x1xf32>, vector<128x1xf32>, vector<128x1xf32> -> vector<2048x1xf32>
    %concatenate3A_3031 = tpu.concatenate %broadcast_in_dim3A_195, %broadcast_in_dim3A_384, %broadcast_in_dim3A_573, %broadcast_in_dim3A_762, %broadcast_in_dim3A_951, %broadcast_in_dim3A_1140, %broadcast_in_dim3A_1329, %broadcast_in_dim3A_1518, %broadcast_in_dim3A_1707, %broadcast_in_dim3A_1896, %broadcast_in_dim3A_2085, %broadcast_in_dim3A_2274, %broadcast_in_dim3A_2463, %broadcast_in_dim3A_2652, %broadcast_in_dim3A_2841, %broadcast_in_dim3A_3030 in 0 : vector<128x1xi32>, vector<128x1xi32>, vector<128x1xi32>, vector<128x1xi32>, vector<128x1xi32>, vector<128x1xi32>, vector<128x1xi32>, vector<128x1xi32>, vector<128x1xi32>, vector<128x1xi32>, vector<128x1xi32>, vector<128x1xi32>, vector<128x1xi32>, vector<128x1xi32>, vector<128x1xi32>, vector<128x1xi32> -> vector<2048x1xi32>
    %mul3A_3032 = arith.constant 2048 : i32
    %mul3A_3033 = arith.muli %arg1, %mul3A_3032 : i32
    %add3A_3034 = vector.broadcast %mul3A_3033 : i32 to vector<2048x1xi32>
    %add3A_3035 = arith.addi %concatenate3A_3031, %add3A_3034 : vector<2048x1xi32>
    %convert_element_type3A_3036 = arith.truncf %concatenate3A : vector<2048x1xf32> to vector<2048x1xbf16>
    %convert_element_type3A_3037 = arith.extf %convert_element_type3A_3036 : vector<2048x1xbf16> to vector<2048x1xf32>
    %eq3A_3038 = arith.constant 0 : i32
    %eq3A_3039 = arith.cmpi eq, %arg1, %eq3A_3038 : i32
    %convert_element_type3A_3040 = arith.extui %eq3A_3039 : i1 to i32
    %cond3A = arith.constant 0 : i32
    %cond3A_3041 = arith.cmpi ne, %convert_element_type3A_3040, %cond3A : i32
    scf.if %cond3A_3041 {
      %swap3A = arith.constant 0 : index
      %swap3A_3051 = arith.constant 0 : index
      %swap3A_3052 = vector.load %arg8[%swap3A, %swap3A_3051] : memref<2048x1xf32, #tpu.memory_space<vmem>>, vector<2048x1xf32>
      tpu.vector_store %arg8[%swap3A, %swap3A_3051], %convert_element_type3A_3037 {strides = array<i32>} : memref<2048x1xf32, #tpu.memory_space<vmem>>, vector<2048x1xf32>,
      %swap3A_3053 = arith.constant 0 : index
      %swap3A_3054 = arith.constant 0 : index
      %swap3A_3055 = vector.load %arg9[%swap3A_3053, %swap3A_3054] : memref<2048x1xi32, #tpu.memory_space<vmem>>, vector<2048x1xi32>
      tpu.vector_store %arg9[%swap3A_3053, %swap3A_3054], %add3A_3035 {strides = array<i32>} : memref<2048x1xi32, #tpu.memory_space<vmem>>, vector<2048x1xi32>,
      %swap3A_3056 = arith.constant 0 : index
      %swap3A_3057 = arith.constant 0 : index
      %swap3A_3058 = vector.load %arg10[%swap3A_3056, %swap3A_3057] : memref<2048x1xf32, #tpu.memory_space<vmem>>, vector<2048x1xf32>
      tpu.vector_store %arg10[%swap3A_3056, %swap3A_3057], %concatenate3A {strides = array<i32>} : memref<2048x1xf32, #tpu.memory_space<vmem>>, vector<2048x1xf32>,
    } else {
    }
    %gt3A = arith.constant 0 : i32
    %gt3A_3042 = arith.cmpi sgt, %arg1, %gt3A : i32
    %convert_element_type3A_3043 = arith.extui %gt3A_3042 : i1 to i32
    %cond3A_3044 = arith.constant 0 : i32
    %cond3A_3045 = arith.cmpi ne, %convert_element_type3A_3043, %cond3A_3044 : i32
    scf.if %cond3A_3045 {
      %get3A_3051 = arith.constant 0 : index
      %get3A_3052 = arith.constant 0 : index
      %get3A_3053 = vector.load %arg8[%get3A_3051, %get3A_3052] : memref<2048x1xf32, #tpu.memory_space<vmem>>, vector<2048x1xf32>
      %lt3A_3054 = arith.cmpf olt, %concatenate3A, %get3A_3053 : vector<2048x1xf32>
      %get3A_3055 = arith.constant 0 : index
      %get3A_3056 = arith.constant 0 : index
      %get3A_3057 = vector.load %arg8[%get3A_3055, %get3A_3056] : memref<2048x1xf32, #tpu.memory_space<vmem>>, vector<2048x1xf32>
      %select_n3A_3058 = arith.select %lt3A_3054, %convert_element_type3A_3037, %get3A_3057 : vector<2048x1xi1>, vector<2048x1xf32>
      %swap3A = arith.constant 0 : index
      %swap3A_3059 = arith.constant 0 : index
      %swap3A_3060 = vector.load %arg8[%swap3A, %swap3A_3059] : memref<2048x1xf32, #tpu.memory_space<vmem>>, vector<2048x1xf32>
      tpu.vector_store %arg8[%swap3A, %swap3A_3059], %select_n3A_3058 {strides = array<i32>} : memref<2048x1xf32, #tpu.memory_space<vmem>>, vector<2048x1xf32>,
      %get3A_3061 = arith.constant 0 : index
      %get3A_3062 = arith.constant 0 : index
      %get3A_3063 = vector.load %arg9[%get3A_3061, %get3A_3062] : memref<2048x1xi32, #tpu.memory_space<vmem>>, vector<2048x1xi32>
      %select_n3A_3064 = arith.select %lt3A_3054, %add3A_3035, %get3A_3063 : vector<2048x1xi1>, vector<2048x1xi32>
      %swap3A_3065 = arith.constant 0 : index
      %swap3A_3066 = arith.constant 0 : index
      %swap3A_3067 = vector.load %arg9[%swap3A_3065, %swap3A_3066] : memref<2048x1xi32, #tpu.memory_space<vmem>>, vector<2048x1xi32>
      tpu.vector_store %arg9[%swap3A_3065, %swap3A_3066], %select_n3A_3064 {strides = array<i32>} : memref<2048x1xi32, #tpu.memory_space<vmem>>, vector<2048x1xi32>,
      %get3A_3068 = arith.constant 0 : index
      %get3A_3069 = arith.constant 0 : index
      %get3A_3070 = vector.load %arg10[%get3A_3068, %get3A_3069] : memref<2048x1xf32, #tpu.memory_space<vmem>>, vector<2048x1xf32>
      %select_n3A_3071 = arith.select %lt3A_3054, %concatenate3A, %get3A_3070 : vector<2048x1xi1>, vector<2048x1xf32>
      %swap3A_3072 = arith.constant 0 : index
      %swap3A_3073 = arith.constant 0 : index
      %swap3A_3074 = vector.load %arg10[%swap3A_3072, %swap3A_3073] : memref<2048x1xf32, #tpu.memory_space<vmem>>, vector<2048x1xf32>
      tpu.vector_store %arg10[%swap3A_3072, %swap3A_3073], %select_n3A_3071 {strides = array<i32>} : memref<2048x1xf32, #tpu.memory_space<vmem>>, vector<2048x1xf32>,
    } else {
    }
    %eq3A_3046 = arith.constant 3 : i32
    %eq3A_3047 = arith.cmpi eq, %arg1, %eq3A_3046 : i32
    %convert_element_type3A_3048 = arith.extui %eq3A_3047 : i1 to i32
    %cond3A_3049 = arith.constant 0 : i32
    %cond3A_3050 = arith.cmpi ne, %convert_element_type3A_3048, %cond3A_3049 : i32
    scf.if %cond3A_3050 {
      %get3A_3051 = arith.constant 0 : index
      %get3A_3052 = arith.constant 0 : index
      %get3A_3053 = vector.load %arg9[%get3A_3051, %get3A_3052] : memref<2048x1xi32, #tpu.memory_space<vmem>>, vector<2048x1xi32>
      %swap3A = arith.constant 0 : index
      %swap3A_3054 = arith.constant 0 : index
      %swap3A_3055 = vector.load %arg6[%swap3A, %swap3A_3054] : memref<2048x1xi32, #tpu.memory_space<vmem>>, vector<2048x1xi32>
      tpu.vector_store %arg6[%swap3A, %swap3A_3054], %get3A_3053 {strides = array<i32>} : memref<2048x1xi32, #tpu.memory_space<vmem>>, vector<2048x1xi32>,
      %get3A_3056 = arith.constant 0 : index
      %get3A_3057 = arith.constant 0 : index
      %get3A_3058 = vector.load %arg10[%get3A_3056, %get3A_3057] : memref<2048x1xf32, #tpu.memory_space<vmem>>, vector<2048x1xf32>
      %reduce_sum3A = vector.shape_cast %get3A_3058 : vector<2048x1xf32> to vector<1x2048x1xf32>
      %reduce_sum3A_3059 = arith.constant dense<0.000000e+00> : vector<1xf32>
      %reduce_sum3A_3060 = vector.multi_reduction <add>, %reduce_sum3A, %reduce_sum3A_3059 [1, 2] : vector<1x2048x1xf32> to vector<1xf32>
      %reduce_sum3A_3061 = vector.shape_cast %reduce_sum3A_3060 : vector<1xf32> to vector<1x1x1xf32>
      %reduce_sum3A_3062 = vector.extract %reduce_sum3A_3061[0, 0, 0] : f32 from vector<1x1x1xf32>
      %swap3A_3063 = arith.constant 0 : index
      %swap3A_3064 = arith.constant 0 : index
      %swap3A_3065 = arith.constant 0 : index
      %swap3A_3066 = memref.load %arg7[%swap3A_3063, %swap3A_3064, %swap3A_3065] : memref<1x1x1xf32, #tpu.memory_space<smem>>
      memref.store %reduce_sum3A_3062, %arg7[%swap3A_3063, %swap3A_3064, %swap3A_3065] : memref<1x1x1xf32, #tpu.memory_space<smem>>
    } else {
    }
    return
  }
  func.func @transform_0(%arg0: i32, %arg1: i32) -> (i32, i32) {
    %c0_i32 = arith.constant 0 : i32
    %c0_i32_0 = arith.constant 0 : i32
    return %arg0, %c0_i32 : i32, i32
  }
  func.func @transform_1(%arg0: i32, %arg1: i32) -> (i32, i32) {
    %c0_i32 = arith.constant 0 : i32
    %c0_i32_0 = arith.constant 0 : i32
    return %arg0, %c0_i32 : i32, i32
  }
  func.func @transform_2(%arg0: i32, %arg1: i32) -> (i32, i32) {
    %c0_i32 = arith.constant 0 : i32
    %c0_i32_0 = arith.constant 0 : i32
    return %arg1, %c0_i32 : i32, i32
  }
  func.func @transform_3(%arg0: i32, %arg1: i32) -> (i32, i32, i32) {
    %c0_i32 = arith.constant 0 : i32
    %c0_i32_0 = arith.constant 0 : i32
    %c0_i32_1 = arith.constant 0 : i32
    return %arg1, %c0_i32, %c0_i32_0 : i32, i32, i32
  }
  func.func @transform_4(%arg0: i32, %arg1: i32) -> (i32, i32) {
    %c0_i32 = arith.constant 0 : i32
    %c0_i32_0 = arith.constant 0 : i32
    return %arg0, %c0_i32 : i32, i32
  }
  func.func @transform_5(%arg0: i32, %arg1: i32) -> (i32, i32, i32) {
    %c0_i32 = arith.constant 0 : i32
    %c0_i32_0 = arith.constant 0 : i32
    %c0_i32_1 = arith.constant 0 : i32
    return %arg0, %c0_i32, %c0_i32_0 : i32, i32, i32
  }
}

</mosaic_0001>

<sc_bundles>
// kernel: kernel.6.cloned.1.call-start
scs
__scs_entry_jumppad:
0x0: {  	(pc) =	sbr.rel $0x88, $3  }
0x1: {  	(tag) =	ssettag $0x0;
	lr =	simm.s32 $0x1  }
0x2: {  	[smem:$0x3F9F] =	sst lr;
	_ =	strace $0xD0000000  }
0x3: {  	_ = 	snop  }
0x4: {  	_ = 	snop  }
0x5: {  	_ = 	snop  }
0x6: {  	_ = 	snop  }
0x7: {  	_ = 	snop  }
__scs_overlays_trampoline_lowered:
0x8: {  	[smem:$0x3FAE] =	sst s0  }
0x9: {  	[smem:$0x3FAF] =	sst s1  }
0xa: {  	[smem:$0x3FB0] =	sst s2  }
0xb: {  	[smem:$0x3FB1] =	sst s3  }
0xc: {  	[smem:$0x3FB2] =	sst s4  }
0xd: {  	[smem:$0x3FB3] =	sst s5  }
0xe: {  	[smem:$0x3FB4] =	sst s6  }
0xf: {  	[smem:$0x3FB5] =	sst s7  }
0x10: {  	[smem:$0x3FB6] =	sst s8  }
0x11: {  	[smem:$0x3FB7] =	sst s9;
	s0 =	simm.s32 @!p0 $0x0  }
0x12: {  	s1 =	sld [smem:$0x3F9D];
	s0 =	simm.s32 @p0 $0x1  }
0x13: {  	[smem:$0x3FB8] =	sst s0;
	s0 =	simm.s32 @!p1 $0x0  }
0x14: {  	s2 =	sld [smem:$0x3F9C];
	s0 =	simm.s32 @p1 $0x1  }
0x15: {  	[smem:$0x3FB9] =	sst s0;
	s0 =	simm.s32 @!p2 $0x0  }
0x16: {  	s3 =	sld [smem:$0x3FDB];
	s0 =	simm.s32 @p2 $0x1  }
0x17: {  	s4 =	simm.s32 $0x1BF5;
	[smem:$0x3FBB] =	sst s0  }
0x18: {  	s0 =	sld [smem:$0x3F9E];
	_ =	swait.ge [sflag:s4], $0x0  }
0x19: {  	s7 =	sld [smem:$0x3F9F]  }
0x1a: {  	s8 =	sadd.s32 $0xFFFFE003, lr  }
0x1b: {  	s9 =	sadd.s32 $0xFFFFFEF7, lr;
	s5 =	simm.s32 $0xFFFFFFFF;
	p2 =	slt.u32 s8, $0xFFFFF086  }
0x1c: {  	p1 =	slt.u32 s9, $0xF7A;
	s5 =	simm.s32 @!p2 $0x0  }
0x1d: {  	s5 =	simm.s32 @p1 $0x1;
	p0 =	seq.s32 s7, s2  }
0x1e: {  	s7 =	smul.u32 @!p0 $0xF7A, s2;
	p2 =	seq.s32 @!p0 s5, $0x0  }
0x1f: {  	s9 =	smul.u32 $0xF7A, s1;
	s8 =	simm.s32 @!p0 $0x1BF5;
	p2 =	por !p2, p0  }
0x20: {  	[sflag:s8] =	ssyncset.s32 @!p0 $0xFFFFF086;
	s6 =	sadd.s32 @!p0 s3, s7;
	s7 =	simm.s32 @!p0 $0x108  }
0x21: {  	s3 =	sadd.s32 s3, s9;
	s6 =	sadd.s32 @!p0 $0x88, s6;
	s7 =	simm.s32 @p2 $0x1082  }
0x22: {  	[simem:s7], [sflag:s8] =	dma.local @!p0 [hbm:s6], $0xF7A  }
0x23: {  	s9 =	sor.u32 $0xD0000000, s2;
	s6 =	simm.s32 $0x108;
	_ =	swait.ge @!p0 [sflag:s8], $0x0  }
0x24: {  	s3 =	sadd.s32 $0x88, s3;
	s6 =	simm.s32 @!p1 $0x1082;
	[sflag:s4] =	ssyncset.s32 $0xFFFFF086  }
0x25: {  	[simem:s6], [sflag:s4] =	dma.local [hbm:s3], $0xF7A  }
0x26: {  	[smem:$0x3F9F] =	sst s1;
	(tag) =	ssettag s2;
	_ =	strace s9  }
0x27: {  	s1 =	sld [smem:$0x3FAF]  }
0x28: {  	s2 =	sld [smem:$0x3FB0]  }
0x29: {  	s4 =	sld [smem:$0x3FB2]  }
0x2a: {  	p0 =	seq.s32 s5, $0x0;
	s5 =	sld [smem:$0x3FB3]  }
0x2b: {  	s6 =	sld [smem:$0x3FB4]  }
0x2c: {  	s7 =	sld [smem:$0x3FB5]  }
0x2d: {  	s3 =	simm.s32 $0x108;
	s8 =	sld [smem:$0x3FB6]  }
0x2e: {  	s3 =	simm.s32 @!p0 $0x1082;
	s9 =	sld [smem:$0x3FB7]  }
0x2f: {  	lr =	sadd.s32 s0, s3;
	s0 =	sld [smem:$0x3FAE]  }
0x30: {  	s3 =	sld [smem:$0x3FB1]  }
0x31: {  	[smem:$0x3FBA] =	sst s10  }
0x32: {  	s10 =	sld [smem:$0x3FB8];
	_ =	sdelay $0x3  }
0x33: {  	p0 =	seq.s32 s10, $0x1;
	s10 =	sld [smem:$0x3FBA];
	_ =	sdelay $0x3  }
0x34: {  	[smem:$0x3FBA] =	sst s10  }
0x35: {  	s10 =	sld [smem:$0x3FB9];
	_ =	sdelay $0x3  }
0x36: {  	p1 =	seq.s32 s10, $0x1;
	s10 =	sld [smem:$0x3FBA];
	_ =	sdelay $0x3  }
0x37: {  	[smem:$0x3FBA] =	sst s10  }
0x38: {  	s10 =	sld [smem:$0x3FBB]  }
0x39: {  	_ = 	snop;
	(pc) =	sbr.ind lr, $3  }
0x3a: {  	_ = 	snop  }
0x3b: {  	_ = 	snop  }
0x3c: {  	p2 =	seq.s32 s10, $0x1;
	s10 =	sld [smem:$0x3FBA]  }
0x3d: {  	_ =	shalt  }
0x3e: {  	_ =	shalt  }
0x3f: {  	_ =	shalt  }
0x40: {  	_ =	shalt  }
0x41: {  	_ =	shalt  }
0x42: {  	_ =	shalt  }
0x43: {  	_ =	shalt  }
0x44: {  	_ =	shalt  }
0x45: {  	_ =	shalt  }
0x46: {  	_ =	shalt  }
0x47: {  	_ =	shalt  }
0x48: {  	_ =	shalt  }
0x49: {  	_ =	shalt  }
0x4a: {  	_ =	shalt  }
0x4b: {  	_ =	shalt  }
0x4c: {  	_ =	shalt  }
0x4d: {  	_ =	shalt  }
0x4e: {  	_ =	shalt  }
0x4f: {  	_ =	shalt  }
0x50: {  	_ =	shalt  }
0x51: {  	_ =	shalt  }
0x52: {  	_ =	shalt  }
0x53: {  	_ =	shalt  }
0x54: {  	_ =	shalt  }
0x55: {  	_ =	shalt  }
0x56: {  	_ =	shalt  }
0x57: {  	_ =	shalt  }
0x58: {  	_ =	shalt  }
0x59: {  	_ =	shalt  }
0x5a: {  	_ =	shalt  }
0x5b: {  	_ =	shalt  }
0x5c: {  	_ =	shalt  }
0x5d: {  	_ =	shalt  }
0x5e: {  	_ =	shalt  }
0x5f: {  	_ =	shalt  }
0x60: {  	_ =	shalt  }
0x61: {  	_ =	shalt  }
0x62: {  	_ =	shalt  }
0x63: {  	_ =	shalt  }
0x64: {  	_ =	shalt  }
0x65: {  	_ =	shalt  }
0x66: {  	_ =	shalt  }
0x67: {  	_ =	shalt  }
0x68: {  	_ =	shalt  }
0x69: {  	_ =	shalt  }
0x6a: {  	_ =	shalt  }
0x6b: {  	_ =	shalt  }
0x6c: {  	_ =	shalt  }
0x6d: {  	_ =	shalt  }
0x6e: {  	_ =	shalt  }
0x6f: {  	_ =	shalt  }
0x70: {  	_ =	shalt  }
0x71: {  	_ =	shalt  }
0x72: {  	_ =	shalt  }
0x73: {  	_ =	shalt  }
0x74: {  	_ =	shalt  }
0x75: {  	_ =	shalt  }
0x76: {  	_ =	shalt  }
0x77: {  	_ =	shalt  }
0x78: {  	_ =	shalt  }
0x79: {  	_ =	shalt  }
0x7a: {  	_ =	shalt  }
0x7b: {  	_ =	shalt  }
0x7c: {  	_ =	shalt  }
0x7d: {  	_ =	shalt  }
0x7e: {  	_ =	shalt  }
0x7f: {  	_ =	shalt  }
0x80: {  	_ =	shalt  }
0x81: {  	_ =	shalt  }
0x82: {  	_ =	shalt  }
0x83: {  	_ =	shalt  }
0x84: {  	_ =	shalt  }
0x85: {  	_ =	shalt  }
0x86: {  	_ =	shalt  }
0x87: {  	_ =	shalt  }
.Lfunc_end0:
.L_simem_size_0:
called_computation_lowered:
.L_overlay_start_0:
0x88: {  	s2 =	sld [smem:$0x3FD9]  }
0x89: {  	s3 =	sld [smem:$0x3FFE];
	_ =	sdelay $0x1  }
0x8a: {  	s1 =	srdreg.scid  }
0x8b: {  	s0 =	sand.u32 $0x1, s1  }
0x8c: {  	s17 =	sshll.u32 s0, $0xA;
	s2 =	sadd.s32 s3, s2  }
0x8d: {  	s2 =	sadd.s32 s2, s17  }
0x8e: {  	[smem:$0x3FC6] =	sst s2  }
0x8f: {  	_ = 	snop  }
0x90: {  	(tm) =	ssettm $0x1  }
0x91: {  	s18 =	sld [smem:$0x3FFB];
	_ =	sdelay $0x3  }
0x92: {  	_ =	strace s18  }
0x93: {  	s2 =	sld [smem:$0x3FFC];
	_ =	sdelay $0x3  }
0x94: {  	_ =	strace s2  }
0x95: {  	s2 =	sld [smem:$0x3FFD];
	_ =	sdelay $0x3  }
0x96: {  	_ =	strace s2  }
0x97: {  	_ =	strace $0x8FFFFFFF  }
0x98: {  	s19 =	sld [smem:$0x3FDB];
	_ =	sdelay $0x1  }
0x99: {  	s20 =	simm.s32 $_scs_section_size  }
0x9a: {  	s4 =	simm.s32 $_size__tile_overlayer_lowered;
	s5 =	simm.s32 $_tile_overlayer_lowered  }
0x9b: {  	s6 =	simm.s32 $0x1BFF;
	s21 =	sshll.u32 s5, $0x1;
	s3 =	sadd.s32 s20, s19  }
0x9c: {  	s22 =	simm.s32 $0x0;
	s4 =	sshll.u32 s4, $0x1;
	s5 =	sadd.s32 s21, s3  }
0x9d: {  	[timem:s22], [sflag:s6] =	dma.local [hbm:s5], s4  }
0x9e: {  	_ =	swait.ge [sflag:s6], s4  }
0x9f: {  	s4 =	ssub.s32 $0x0, s4;
	[sflag:s6] =	ssyncset.done $0x0  }
0xa0: {  	[sflag:s6] =	ssyncadd.s32 s4;
	_ =	sdelay $0x1  }
0xa1: {  	s23 =	simm.s32 $0x1B8B  }
0xa2: {  	_ =	swait.ge [sflag:s23], $0x1  }
0xa3: {  	[sflag:s23] =	ssyncset.done $0x0  }
0xa4: {  	[sflag:s23] =	ssyncadd.s32 $0xFFFFFFFF  }
0xa5: {  	s4 =	sld [smem:$0x0]  }
0xa6: {  	s5 =	sand.u32 $0xFFFFFFFE, s1  }
0xa7: {  	p0 =	sne.s32 s1, s5  }
0xa8: {  	s5 =	sshll.u32 @p0 s5, $0xE  }
0xa9: {  	s5 =	sadd.s32 @p0 $0x11B8D, s5;
	s6 =	sshll.u32 @p0 s4, $0x11  }
0xaa: {  	s5 =	sor.u32 @p0 s6, s5  }
0xab: {  	[sflag:s5] =	ssyncadd.remote.s32 @p0 $0x1;
	_ =	sdelay $0x1  }
0xac: {  	s5 =	simm.s32 @p0 $0x1B8D  }
0xad: {  	_ =	swait.eq @p0 [sflag:s5], $0x1  }
0xae: {  	[sflag:s5] =	ssyncadd.s32 @p0 $0xFFFFFFFF  }
0xaf: {  	s6 =	sshll.u32 @!p0 s1, $0xE  }
0xb0: {  	s6 =	sor.u32 @!p0 $0x4000, s6;
	s5 =	simm.s32 @!p0 $0x1B8D  }
0xb1: {  	s4 =	sshll.u32 @!p0 s4, $0x11;
	s6 =	sadd.s32 @!p0 $0x11B8D, s6;
	_ =	swait.eq @!p0 [sflag:s5], $0x1  }
0xb2: {  	s4 =	sor.u32 @!p0 s4, s6;
	[sflag:s5] =	ssyncadd.s32 @!p0 $0xFFFFFFFF  }
0xb3: {  	s25 =	simm.s32 $0x1B8E;
	s24 =	sld [smem:$0x3FFE];
	[sflag:s4] =	ssyncadd.remote.s32 @!p0 $0x1  }
0xb4: {  	s26 =	simm.s32 $execute0_lowered;
	[smem:$0x3FD2] =	sst s25  }
0xb5: {  	s5 =	sshll.u32 s26, $0x1;
	_ =	strace $0x80000049;
	[dreg:$0x1] =	wrdreg $0xFFFFFFFF  }
0xb6: {  	s28 =	simm.s32 $_size_execute0_lowered;
	s3 =	sadd.s32 s3, s5;
	[dreg:$0x0] =	wrdreg $0x0  }
0xb7: {  	s5 =	sshll.u32 s28, $0x1;
	[dreg:$0x2] =	wrdreg s3  }
0xb8: {  	[dreg:$0x3] =	wrdreg s5  }
0xb9: {  	[dreg:$0x4] =	wrdreg $0xC0  }
0xba: {  	_ =	task [dreg:s22], $0x5FFFF  }
0xbb: {  	[dreg:$0x1] =	wrdreg $0xFFFFFFFF  }
0xbc: {  	[dreg:$0x0] =	wrdreg $0x60  }
0xbd: {  	[dreg:$0x2] =	wrdreg s24  }
0xbe: {  	[dreg:$0x3] =	wrdreg $0x9  }
0xbf: {  	_ =	task.clear_ibuf [dreg:s22], $0x4FFFF;
	_ =	strace $0x90000049  }
0xc0: {  	s29 =	simm.s32 $0x9;
	_ =	strace $0x8000004B  }
0xc1: {  	_ =	swait.ge [sflag:s29], $0x1  }
0xc2: {  	[sflag:s29] =	ssyncadd.s32 $0xFFFFFFFF  }
0xc3: {  	_ =	strace $0x9000004B  }
0xc4: {  	_ =	sfence  }
0xc5: {  	s30 =	sld [smem:$0x0];
	_ =	sdelay $0x2  }
0xc6: {  	s31 =	sshll.u32 s1, $0xD;
	s1 =	sshrl.u32 s1, $0x2  }
0xc7: {  	s4 =	sand.u32 $0x4000, s31;
	s1 =	sadd.s32 s1, s30  }
0xc8: {  	s0 =	sor.u32 s4, s0;
	s1 =	sshll.u32 s1, $0x11  }
0xc9: {  	s0 =	sor.u32 s1, s0  }
0xca: {  	s0 =	sadd.s32 $0x8F2B, s0  }
0xcb: {  	[sflag:s0] =	ssyncadd.remote.s32 $0x1  }
0xcc: {  	_ =	sfence.sel $0xFFFF  }
0xcd: {  	[dreg:$0x0] =	wrdreg $0xFFFFFFFF;
	(pc) =	sbr.abs _section_cstart, $3  }
0xce: {  	[dreg:$0x1] =	wrdreg $0xFFFFFFFF  }
0xcf: {  	_ =	task.clear_ibuf [dreg:s22], $0x2FFFF;
	_ =	strace $0x9FFFFFFF  }
0xd0: {  	(tm) =	ssettm $0x7FFFFFFF  }
0xd1: {  	_ =	shalt  }
tec
execute0_lowered:
.L_overlay_start_1:
0x0: {  	(tag) =	ssettag $0x1  }
0x1: {  	s1 =	srdreg.scid  }
0x2: {  	s0 =	stileid.u32;
	s6 =	sand.u32 $0x1, s1  }
0x3: {  	s31 =	sshll.u32 s0, $0x8;
	s3 =	sshll.u32 s6, $0x7  }
0x4: {  	s2 =	rddreg [dreg:$0x0];
	s8 =	sor.u32 s3, s31  }
0x5: {  	s1 =	rddreg [dreg:$0x1];
	s3 =	simm.s32 $0x0;
	s4 =	sshrl.u32 s8, $0x3  }
0x6: {  	s9 =	ssub.s32 $0x2, s6;
	[smem:$0x7FF] =	sst s3;
	s4 =	sadd.s32 s4, s2  }
0x7: {  	_ =	strace $0x8000004A;
	s5 =	sadd.s32 $0x30000, s4;
	s4 =	simm.s32 $0x2  }
0x8: {  	[tilespmem:s3], [sflag:$0x2] =	stream.linear.gather [hbm4b:s5+s3], $0x80, $0x38;
	[tilespmem:$0x4080] =	vst v63  }
0x9: {  	s10 =	sshrl.u32 s9, $0x1;
	_ =	swait.ge [sflag:s4], $0x80  }
0xa: {  	s7 =	simm.s32 $0x1;
	s9 =	ssub.s32 s9, s10;
	[sflag:s4] =	ssyncset.done $0x0  }
0xb: {  	s6 =	simm.s32 $0x80;
	s9 =	smax.u32 s9, $0x1;
	[sflag:s4] =	ssyncadd.s32 $0xFFFFFF80  }
0xc: {  	[tilespmem:s6], [sflag:$0x1] =	stream.indirect.gather [hbm4b:s2+s6], $0x80, s3, s6, $0xb8;
	[tilespmem:$0x4080] =	vst v63  }
0xd: {  	s8 =	sshll.u32 s8, $0x4;
	p0 =	sne.s32 s9, $0x1;
	_ =	swait.ge [sflag:s7], $0x4000  }
.Ltmp0:
0xe: {  	s8 =	sadd.s32 s8, s2;
	[sflag:s7] =	ssyncset.done $0x0;
	(pc) =	sbr.rel @!p0 .LBB2_2-.Ltmp0, $4  }
0xf: {  	s8 =	sadd.s32 $0x30200, s8;
	[sflag:s7] =	ssyncadd.s32 $0xFFFFC000  }
0x10: {  	[hbm4b:s8+s3] =	stream.linear.scatter [tilespmem:s6], [sflag:$0x2], $0x4000, $0x38;
	[tilespmem:$0x4080] =	vst v63  }
0x11: {  	_ =	swait.ge [sflag:s4], $0x4000  }
0x12: {  	s9 =	sadd.s32 $0xFFFFFFFF, s9;
	[sflag:s4] =	ssyncset.done $0x0  }
.LBB2_1:
0x13: {  	p0 =	sne.s32 s9, $0x1;
	s9 =	sadd.s32 $0xFFFFFFFF, s9;
	[sflag:s4] =	ssyncadd.s32 $0xFFFFC000  }
0x14: {  	[tilespmem:s3], [sflag:$0x2] =	stream.linear.gather [hbm4b:s5+s3], $0x80, $0x38;
	[tilespmem:$0x4080] =	vst v63  }
0x15: {  	_ =	swait.ge [sflag:s4], $0x80  }
0x16: {  	[sflag:s4] =	ssyncset.done $0x0  }
0x17: {  	[sflag:s4] =	ssyncadd.s32 $0xFFFFFF80  }
0x18: {  	[tilespmem:s6], [sflag:$0x1] =	stream.indirect.gather [hbm4b:s2+s6], $0x80, s3, s6, $0xb8;
	[tilespmem:$0x4080] =	vst v63  }
0x19: {  	_ =	swait.ge [sflag:s7], $0x4000  }
.Ltmp1:
0x1a: {  	[sflag:s7] =	ssyncset.done $0x0;
	(pc) =	sbr.rel @p0 .LBB2_1-.Ltmp1, $4  }
0x1b: {  	[sflag:s7] =	ssyncadd.s32 $0xFFFFC000  }
0x1c: {  	[hbm4b:s8+s3] =	stream.linear.scatter [tilespmem:s6], [sflag:$0x2], $0x4000, $0x38;
	[tilespmem:$0x4080] =	vst v63  }
0x1d: {  	_ =	swait.ge [sflag:s4], $0x4000  }
0x1e: {  	[sflag:s4] =	ssyncset.done $0x0  }
.LBB2_2:
0x1f: {  	[sflag:s4] =	ssyncadd.s32 $0xFFFFC000  }
0x20: {  	_ =	sfence.sel $0x180000  }
0x21: {  	[bflag:$0x0] =	sbarrier.arrive $0xFFFF  }
0x22: {  	p0 =	sne.s32 s0, $0x0;
	_ =	strace $0x9000004A  }
0x23: {  	s0 =	sadd.s32 @!p0 $0x100000, s1;
	[bflag:$0x2] =	sbarrier.arrive $0xFFFF  }
0x24: {  	[sflag:s0] =	ssyncadd.tile.s32 @!p0 $0x1;
	_ =	shalt  }
.Lfunc_end2:
_tile_overlayer_lowered:
.L_overlay_start_2:
0x25: {  	(tag) =	ssettag $0x2  }
0x26: {  	s0 =	rddreg [dreg:$0x0];
	s2 =	stileid.u32  }
0x27: {  	s1 =	rddreg [dreg:$0x1];
	p0 =	sne.s32 s2, $0x0  }
0x28: {  	s3 =	rddreg [dreg:$0x2];
	[bflag:$0x3] =	sbarrier.arrive $0xFFFF;
	s2 =	simm.s32 @!p0 $0x1C02  }
0x29: {  	[timem:s3], [sflag:s2] =	dma.local @!p0 [hbm:s0], s1  }
0x2a: {  	s0 =	simm.s32 @!p0 $0x2  }
0x2b: {  	_ =	swait.ge @!p0 [sflag:s0], s1  }
0x2c: {  	s1 =	ssub.s32 @!p0 $0x0, s1;
	[sflag:s0] =	ssyncset.done @!p0 $0x0  }
0x2d: {  	[sflag:s0] =	ssyncadd.s32 @!p0 s1  }
0x2e: {  	[bflag:$0x3] =	sbarrier.arrive $0xFFFF  }
0x2f: {  	_ =	shalt  }

// kernel: kernel.9.cloned.1.call-start
scs
__scs_entry_jumppad:
0x0: {  	(pc) =	sbr.rel $0x88, $3  }
0x1: {  	(tag) =	ssettag $0x0;
	lr =	simm.s32 $0x1  }
0x2: {  	[smem:$0x3F9F] =	sst lr;
	_ =	strace $0xD0000000  }
0x3: {  	_ = 	snop  }
0x4: {  	_ = 	snop  }
0x5: {  	_ = 	snop  }
0x6: {  	_ = 	snop  }
0x7: {  	_ = 	snop  }
__scs_overlays_trampoline_lowered:
0x8: {  	[smem:$0x3FAE] =	sst s0  }
0x9: {  	[smem:$0x3FAF] =	sst s1  }
0xa: {  	[smem:$0x3FB0] =	sst s2  }
0xb: {  	[smem:$0x3FB1] =	sst s3  }
0xc: {  	[smem:$0x3FB2] =	sst s4  }
0xd: {  	[smem:$0x3FB3] =	sst s5  }
0xe: {  	[smem:$0x3FB4] =	sst s6  }
0xf: {  	[smem:$0x3FB5] =	sst s7  }
0x10: {  	[smem:$0x3FB6] =	sst s8  }
0x11: {  	[smem:$0x3FB7] =	sst s9;
	s0 =	simm.s32 @!p0 $0x0  }
0x12: {  	s1 =	sld [smem:$0x3F9D];
	s0 =	simm.s32 @p0 $0x1  }
0x13: {  	[smem:$0x3FB8] =	sst s0;
	s0 =	simm.s32 @!p1 $0x0  }
0x14: {  	s2 =	sld [smem:$0x3F9C];
	s0 =	simm.s32 @p1 $0x1  }
0x15: {  	[smem:$0x3FB9] =	sst s0;
	s0 =	simm.s32 @!p2 $0x0  }
0x16: {  	s3 =	sld [smem:$0x3FDB];
	s0 =	simm.s32 @p2 $0x1  }
0x17: {  	s4 =	simm.s32 $0x1BF5;
	[smem:$0x3FBB] =	sst s0  }
0x18: {  	s0 =	sld [smem:$0x3F9E];
	_ =	swait.ge [sflag:s4], $0x0  }
0x19: {  	s7 =	sld [smem:$0x3F9F]  }
0x1a: {  	s8 =	sadd.s32 $0xFFFFE003, lr  }
0x1b: {  	s9 =	sadd.s32 $0xFFFFFEF7, lr;
	s5 =	simm.s32 $0xFFFFFFFF;
	p2 =	slt.u32 s8, $0xFFFFF086  }
0x1c: {  	p1 =	slt.u32 s9, $0xF7A;
	s5 =	simm.s32 @!p2 $0x0  }
0x1d: {  	s5 =	simm.s32 @p1 $0x1;
	p0 =	seq.s32 s7, s2  }
0x1e: {  	s7 =	smul.u32 @!p0 $0xF7A, s2;
	p2 =	seq.s32 @!p0 s5, $0x0  }
0x1f: {  	s9 =	smul.u32 $0xF7A, s1;
	s8 =	simm.s32 @!p0 $0x1BF5;
	p2 =	por !p2, p0  }
0x20: {  	[sflag:s8] =	ssyncset.s32 @!p0 $0xFFFFF086;
	s6 =	sadd.s32 @!p0 s3, s7;
	s7 =	simm.s32 @!p0 $0x108  }
0x21: {  	s3 =	sadd.s32 s3, s9;
	s6 =	sadd.s32 @!p0 $0x88, s6;
	s7 =	simm.s32 @p2 $0x1082  }
0x22: {  	[simem:s7], [sflag:s8] =	dma.local @!p0 [hbm:s6], $0xF7A  }
0x23: {  	s9 =	sor.u32 $0xD0000000, s2;
	s6 =	simm.s32 $0x108;
	_ =	swait.ge @!p0 [sflag:s8], $0x0  }
0x24: {  	s3 =	sadd.s32 $0x88, s3;
	s6 =	simm.s32 @!p1 $0x1082;
	[sflag:s4] =	ssyncset.s32 $0xFFFFF086  }
0x25: {  	[simem:s6], [sflag:s4] =	dma.local [hbm:s3], $0xF7A  }
0x26: {  	[smem:$0x3F9F] =	sst s1;
	(tag) =	ssettag s2;
	_ =	strace s9  }
0x27: {  	s1 =	sld [smem:$0x3FAF]  }
0x28: {  	s2 =	sld [smem:$0x3FB0]  }
0x29: {  	s4 =	sld [smem:$0x3FB2]  }
0x2a: {  	p0 =	seq.s32 s5, $0x0;
	s5 =	sld [smem:$0x3FB3]  }
0x2b: {  	s6 =	sld [smem:$0x3FB4]  }
0x2c: {  	s7 =	sld [smem:$0x3FB5]  }
0x2d: {  	s3 =	simm.s32 $0x108;
	s8 =	sld [smem:$0x3FB6]  }
0x2e: {  	s3 =	simm.s32 @!p0 $0x1082;
	s9 =	sld [smem:$0x3FB7]  }
0x2f: {  	lr =	sadd.s32 s0, s3;
	s0 =	sld [smem:$0x3FAE]  }
0x30: {  	s3 =	sld [smem:$0x3FB1]  }
0x31: {  	[smem:$0x3FBA] =	sst s10  }
0x32: {  	s10 =	sld [smem:$0x3FB8];
	_ =	sdelay $0x3  }
0x33: {  	p0 =	seq.s32 s10, $0x1;
	s10 =	sld [smem:$0x3FBA];
	_ =	sdelay $0x3  }
0x34: {  	[smem:$0x3FBA] =	sst s10  }
0x35: {  	s10 =	sld [smem:$0x3FB9];
	_ =	sdelay $0x3  }
0x36: {  	p1 =	seq.s32 s10, $0x1;
	s10 =	sld [smem:$0x3FBA];
	_ =	sdelay $0x3  }
0x37: {  	[smem:$0x3FBA] =	sst s10  }
0x38: {  	s10 =	sld [smem:$0x3FBB]  }
0x39: {  	_ = 	snop;
	(pc) =	sbr.ind lr, $3  }
0x3a: {  	_ = 	snop  }
0x3b: {  	_ = 	snop  }
0x3c: {  	p2 =	seq.s32 s10, $0x1;
	s10 =	sld [smem:$0x3FBA]  }
0x3d: {  	_ =	shalt  }
0x3e: {  	_ =	shalt  }
0x3f: {  	_ =	shalt  }
0x40: {  	_ =	shalt  }
0x41: {  	_ =	shalt  }
0x42: {  	_ =	shalt  }
0x43: {  	_ =	shalt  }
0x44: {  	_ =	shalt  }
0x45: {  	_ =	shalt  }
0x46: {  	_ =	shalt  }
0x47: {  	_ =	shalt  }
0x48: {  	_ =	shalt  }
0x49: {  	_ =	shalt  }
0x4a: {  	_ =	shalt  }
0x4b: {  	_ =	shalt  }
0x4c: {  	_ =	shalt  }
0x4d: {  	_ =	shalt  }
0x4e: {  	_ =	shalt  }
0x4f: {  	_ =	shalt  }
0x50: {  	_ =	shalt  }
0x51: {  	_ =	shalt  }
0x52: {  	_ =	shalt  }
0x53: {  	_ =	shalt  }
0x54: {  	_ =	shalt  }
0x55: {  	_ =	shalt  }
0x56: {  	_ =	shalt  }
0x57: {  	_ =	shalt  }
0x58: {  	_ =	shalt  }
0x59: {  	_ =	shalt  }
0x5a: {  	_ =	shalt  }
0x5b: {  	_ =	shalt  }
0x5c: {  	_ =	shalt  }
0x5d: {  	_ =	shalt  }
0x5e: {  	_ =	shalt  }
0x5f: {  	_ =	shalt  }
0x60: {  	_ =	shalt  }
0x61: {  	_ =	shalt  }
0x62: {  	_ =	shalt  }
0x63: {  	_ =	shalt  }
0x64: {  	_ =	shalt  }
0x65: {  	_ =	shalt  }
0x66: {  	_ =	shalt  }
0x67: {  	_ =	shalt  }
0x68: {  	_ =	shalt  }
0x69: {  	_ =	shalt  }
0x6a: {  	_ =	shalt  }
0x6b: {  	_ =	shalt  }
0x6c: {  	_ =	shalt  }
0x6d: {  	_ =	shalt  }
0x6e: {  	_ =	shalt  }
0x6f: {  	_ =	shalt  }
0x70: {  	_ =	shalt  }
0x71: {  	_ =	shalt  }
0x72: {  	_ =	shalt  }
0x73: {  	_ =	shalt  }
0x74: {  	_ =	shalt  }
0x75: {  	_ =	shalt  }
0x76: {  	_ =	shalt  }
0x77: {  	_ =	shalt  }
0x78: {  	_ =	shalt  }
0x79: {  	_ =	shalt  }
0x7a: {  	_ =	shalt  }
0x7b: {  	_ =	shalt  }
0x7c: {  	_ =	shalt  }
0x7d: {  	_ =	shalt  }
0x7e: {  	_ =	shalt  }
0x7f: {  	_ =	shalt  }
0x80: {  	_ =	shalt  }
0x81: {  	_ =	shalt  }
0x82: {  	_ =	shalt  }
0x83: {  	_ =	shalt  }
0x84: {  	_ =	shalt  }
0x85: {  	_ =	shalt  }
0x86: {  	_ =	shalt  }
0x87: {  	_ =	shalt  }
.Lfunc_end0:
.L_simem_size_0:
called_computation.1_lowered:
.L_overlay_start_0:
0x88: {  	s2 =	sld [smem:$0x3FD9]  }
0x89: {  	s3 =	sld [smem:$0x3FFE];
	_ =	sdelay $0x1  }
0x8a: {  	s1 =	srdreg.scid  }
0x8b: {  	s0 =	sand.u32 $0x1, s1  }
0x8c: {  	s14 =	sshll.u32 s0, $0xA;
	s2 =	sadd.s32 s3, s2  }
0x8d: {  	s2 =	sadd.s32 s2, s14  }
0x8e: {  	[smem:$0x3FC6] =	sst s2  }
0x8f: {  	_ = 	snop  }
0x90: {  	s2 =	sld [smem:$0x3FD0];
	_ =	sdelay $0x2  }
0x91: {  	s15 =	simm.s32 $0xB;
	s4 =	simm.s32 $0x10  }
0x92: {  	[smem:s4], [sflag:s15] =	dma.local [hbm:s2], $0x1  }
0x93: {  	_ =	swait.eq [sflag:s15], $0x1  }
0x94: {  	[sflag:s15] =	ssyncset.done $0x0  }
0x95: {  	[sflag:s15] =	ssyncadd.s32 $0xFFFFFFFF  }
0x96: {  	s16 =	sld [smem:$0x10];
	(tm) =	ssettm $0x1  }
0x97: {  	s17 =	sld [smem:$0x3FFB];
	_ =	sdelay $0x3  }
0x98: {  	_ =	strace s17  }
0x99: {  	s3 =	sld [smem:$0x3FFC];
	_ =	sdelay $0x3  }
0x9a: {  	_ =	strace s3  }
0x9b: {  	s3 =	sld [smem:$0x3FFD];
	_ =	sdelay $0x3  }
0x9c: {  	_ =	strace s3  }
0x9d: {  	_ =	strace $0x8FFFFFFF  }
0x9e: {  	s18 =	sld [smem:$0x3FDB];
	_ =	sdelay $0x1  }
0x9f: {  	s19 =	simm.s32 $_scs_section_size  }
0xa0: {  	s5 =	simm.s32 $_size__tile_overlayer_lowered;
	s6 =	simm.s32 $_tile_overlayer_lowered  }
0xa1: {  	s22 =	simm.s32 $0x1BFF;
	s21 =	sshll.u32 s6, $0x1;
	s3 =	sadd.s32 s19, s18  }
0xa2: {  	s7 =	simm.s32 $0x0;
	s20 =	sshll.u32 s5, $0x1;
	s5 =	sadd.s32 s21, s3  }
0xa3: {  	[timem:s7], [sflag:s22] =	dma.local [hbm:s5], s20  }
0xa4: {  	_ =	swait.ge [sflag:s22], s20  }
0xa5: {  	s4 =	ssub.s32 $0x0, s20;
	[sflag:s22] =	ssyncset.done $0x0  }
0xa6: {  	[sflag:s22] =	ssyncadd.s32 s4;
	_ =	sdelay $0x1  }
0xa7: {  	s23 =	simm.s32 $0x1B8B  }
0xa8: {  	_ =	swait.ge [sflag:s23], $0x1  }
0xa9: {  	[sflag:s23] =	ssyncset.done $0x0  }
0xaa: {  	s25 =	simm.s32 $0x1B8E;
	s24 =	sld [smem:$0x3FFE];
	[sflag:s23] =	ssyncadd.s32 $0xFFFFFFFF  }
0xab: {  	s26 =	simm.s32 $execute0_lowered;
	[smem:$0x3FD2] =	sst s25  }
0xac: {  	s5 =	sshll.u32 s26, $0x1;
	_ =	strace $0x80000046;
	[dreg:$0x1] =	wrdreg $0xFFFFFFFF  }
0xad: {  	s28 =	simm.s32 $_size_execute0_lowered;
	s3 =	sadd.s32 s3, s5;
	[dreg:$0x0] =	wrdreg $0x0  }
0xae: {  	s5 =	sshll.u32 s28, $0x1;
	[dreg:$0x2] =	wrdreg s3  }
0xaf: {  	[dreg:$0x3] =	wrdreg s5  }
0xb0: {  	[dreg:$0x4] =	wrdreg $0xC0  }
0xb1: {  	_ =	task [dreg:s7], $0x5FFFF  }
0xb2: {  	[dreg:$0x1] =	wrdreg $0xFFFFFFFF  }
0xb3: {  	[dreg:$0x0] =	wrdreg $0x60  }
0xb4: {  	[dreg:$0x2] =	wrdreg s24  }
0xb5: {  	[dreg:$0x3] =	wrdreg s16  }
0xb6: {  	[dreg:$0x4] =	wrdreg $0xA  }
0xb7: {  	_ =	task.clear_ibuf [dreg:s7], $0x5FFFF;
	_ =	strace $0x90000046  }
0xb8: {  	s29 =	simm.s32 $0xA;
	_ =	strace $0x80000048  }
0xb9: {  	_ =	swait.ge [sflag:s29], $0x1  }
0xba: {  	[sflag:s29] =	ssyncadd.s32 $0xFFFFFFFF  }
0xbb: {  	_ =	strace $0x90000048  }
0xbc: {  	_ =	sfence  }
0xbd: {  	s30 =	sld [smem:$0x0];
	_ =	sdelay $0x2  }
0xbe: {  	s31 =	sshll.u32 s1, $0xD;
	s1 =	sshrl.u32 s1, $0x2  }
0xbf: {  	s3 =	sand.u32 $0x4000, s31;
	s1 =	sadd.s32 s1, s30  }
0xc0: {  	s0 =	sor.u32 s3, s0;
	s1 =	sshll.u32 s1, $0x11  }
0xc1: {  	s0 =	sor.u32 s1, s0  }
0xc2: {  	s0 =	sadd.s32 $0x8F2B, s0  }
0xc3: {  	[sflag:s0] =	ssyncadd.remote.s32 $0x1  }
0xc4: {  	_ =	sfence.sel $0xFFFF  }
0xc5: {  	[dreg:$0x0] =	wrdreg $0xFFFFFFFF;
	(pc) =	sbr.abs _section_cstart, $3  }
0xc6: {  	[dreg:$0x1] =	wrdreg $0xFFFFFFFF  }
0xc7: {  	_ =	task.clear_ibuf [dreg:s7], $0x2FFFF;
	_ =	strace $0x9FFFFFFF  }
0xc8: {  	(tm) =	ssettm $0x7FFFFFFF  }
0xc9: {  	_ =	shalt  }
tec
execute0_lowered:
.L_overlay_start_1:
0x0: {  	(tag) =	ssettag $0x1  }
0x1: {  	s1 =	srdreg.scid;
	s2 =	rddreg [dreg:$0x0]  }
0x2: {  	s0 =	stileid.u32;
	s4 =	rddreg [dreg:$0x1];
	s6 =	sand.u32 $0x1, s1  }
0x3: {  	s3 =	simm.s32 $0x0;
	s5 =	sshll.u32 s0, $0x8;
	s7 =	sshll.u32 s6, $0x7  }
0x4: {  	[smem:$0x7FF] =	sst s3;
	s8 =	sor.u32 s7, s5  }
0x5: {  	s1 =	rddreg [dreg:$0x2];
	_ =	strace $0x80000047;
	s5 =	sshrl.u32 s8, $0x3  }
0x6: {  	s9 =	ssub.s32 $0x2, s6;
	s5 =	sadd.s32 s4, s5;
	s4 =	simm.s32 $0x2  }
0x7: {  	[tilespmem:s3], [sflag:$0x2] =	stream.linear.gather [hbm4b:s5+s3], $0x80, $0x38;
	[tilespmem:$0x4080] =	vst v63  }
0x8: {  	s10 =	sshrl.u32 s9, $0x1;
	_ =	swait.ge [sflag:s4], $0x80  }
0x9: {  	s6 =	simm.s32 $0x80;
	s9 =	ssub.s32 s9, s10;
	[sflag:s4] =	ssyncset.done $0x0  }
0xa: {  	s7 =	simm.s32 $0x1;
	s9 =	smax.u32 s9, $0x1;
	[sflag:s4] =	ssyncadd.s32 $0xFFFFFF80  }
0xb: {  	[tilespmem:s6], [sflag:$0x1] =	stream.indirect.gather [hbm4b:s2+s6], $0x80, s3, s6, $0xb8;
	[tilespmem:$0x4080] =	vst v63  }
0xc: {  	s8 =	sshll.u32 s8, $0x4;
	p0 =	sne.s32 s9, $0x1;
	_ =	swait.ge [sflag:s7], $0x4000  }
.Ltmp0:
0xd: {  	s8 =	sadd.s32 s8, s2;
	[sflag:s7] =	ssyncset.done $0x0;
	(pc) =	sbr.rel @!p0 .LBB2_2-.Ltmp0, $4  }
0xe: {  	s8 =	sadd.s32 $0x20000, s8;
	[sflag:s7] =	ssyncadd.s32 $0xFFFFC000  }
0xf: {  	[hbm4b:s8+s3] =	stream.linear.scatter [tilespmem:s6], [sflag:$0x2], $0x4000, $0x38;
	[tilespmem:$0x4080] =	vst v63  }
0x10: {  	_ =	swait.ge [sflag:s4], $0x4000  }
0x11: {  	s9 =	sadd.s32 $0xFFFFFFFF, s9;
	[sflag:s4] =	ssyncset.done $0x0  }
.LBB2_1:
0x12: {  	p0 =	sne.s32 s9, $0x1;
	s9 =	sadd.s32 $0xFFFFFFFF, s9;
	[sflag:s4] =	ssyncadd.s32 $0xFFFFC000  }
0x13: {  	[tilespmem:s3], [sflag:$0x2] =	stream.linear.gather [hbm4b:s5+s3], $0x80, $0x38;
	[tilespmem:$0x4080] =	vst v63  }
0x14: {  	_ =	swait.ge [sflag:s4], $0x80  }
0x15: {  	[sflag:s4] =	ssyncset.done $0x0  }
0x16: {  	[sflag:s4] =	ssyncadd.s32 $0xFFFFFF80  }
0x17: {  	[tilespmem:s6], [sflag:$0x1] =	stream.indirect.gather [hbm4b:s2+s6], $0x80, s3, s6, $0xb8;
	[tilespmem:$0x4080] =	vst v63  }
0x18: {  	_ =	swait.ge [sflag:s7], $0x4000  }
.Ltmp1:
0x19: {  	[sflag:s7] =	ssyncset.done $0x0;
	(pc) =	sbr.rel @p0 .LBB2_1-.Ltmp1, $4  }
0x1a: {  	[sflag:s7] =	ssyncadd.s32 $0xFFFFC000  }
0x1b: {  	[hbm4b:s8+s3] =	stream.linear.scatter [tilespmem:s6], [sflag:$0x2], $0x4000, $0x38;
	[tilespmem:$0x4080] =	vst v63  }
0x1c: {  	_ =	swait.ge [sflag:s4], $0x4000  }
0x1d: {  	[sflag:s4] =	ssyncset.done $0x0  }
.LBB2_2:
0x1e: {  	[sflag:s4] =	ssyncadd.s32 $0xFFFFC000  }
0x1f: {  	_ =	sfence.sel $0x180000  }
0x20: {  	[bflag:$0x0] =	sbarrier.arrive $0xFFFF  }
0x21: {  	p0 =	sne.s32 s0, $0x0;
	_ =	strace $0x90000047  }
0x22: {  	s0 =	sadd.s32 @!p0 $0x100000, s1;
	[bflag:$0x2] =	sbarrier.arrive $0xFFFF  }
0x23: {  	[sflag:s0] =	ssyncadd.tile.s32 @!p0 $0x1;
	_ =	shalt  }
.Lfunc_end2:
_tile_overlayer_lowered:
.L_overlay_start_2:
0x24: {  	(tag) =	ssettag $0x2  }
0x25: {  	s0 =	rddreg [dreg:$0x0];
	s2 =	stileid.u32  }
0x26: {  	s1 =	rddreg [dreg:$0x1];
	p0 =	sne.s32 s2, $0x0  }
0x27: {  	s3 =	rddreg [dreg:$0x2];
	[bflag:$0x3] =	sbarrier.arrive $0xFFFF;
	s2 =	simm.s32 @!p0 $0x1C02  }
0x28: {  	[timem:s3], [sflag:s2] =	dma.local @!p0 [hbm:s0], s1  }
0x29: {  	s0 =	simm.s32 @!p0 $0x2  }
0x2a: {  	_ =	swait.ge @!p0 [sflag:s0], s1  }
0x2b: {  	s1 =	ssub.s32 @!p0 $0x0, s1;
	[sflag:s0] =	ssyncset.done @!p0 $0x0  }
0x2c: {  	[sflag:s0] =	ssyncadd.s32 @!p0 s1  }
0x2d: {  	[bflag:$0x3] =	sbarrier.arrive $0xFFFF  }
0x2e: {  	_ =	shalt  }

</sc_bundles>
